<compile_context>
chip_gen: v7x
topology: tpu7x:2x2x1
jax: 0.10.2.dev20260603
libtpu: 0.0.44.dev20260713+nightly
codegen_flags: <defaults>
</compile_context>

<pallas_src>
import jax
import jax.numpy as jnp
from jax import lax
from jax.experimental import pallas as pl
from jax.experimental.pallas import tpu as pltpu
from jax.experimental.pallas import tpu_sc as plsc

N = 10000
D = 128
HD = D // 2
CHUNK = 128
NCORES = 2
NSUB = 16
NPAD = 10240
ZROWS = NPAD // NSUB
IDXB = 8
NCHUNKS = 160
NB = NCHUNKS // IDXB


def _sc_agg(with_counts: bool):
    mesh = plsc.VectorSubcoreMesh(core_axis_name="c", subcore_axis_name="s")
    DEPTH = 4
    SLOTS = 2
    PREFJ = 3
    F = DEPTH // 2
    out_type = [jax.ShapeDtypeStruct((NPAD, D), jnp.float32)]
    if with_counts:
        out_type.append(jax.ShapeDtypeStruct((NPAD,), jnp.float32))
    scratch = [
        pltpu.VMEM((SLOTS, IDXB, CHUNK), jnp.int32),
        pltpu.VMEM((SLOTS, IDXB, CHUNK), jnp.int32),
    ] + [pltpu.VMEM((CHUNK, HD), jnp.float32) for _ in range(DEPTH)] + [
        pltpu.VMEM((128, HD), jnp.float32),
        pltpu.VMEM((NPAD,), jnp.float32),
        pltpu.VMEM((NSUB, ZROWS), jnp.float32),
        pltpu.VMEM((ZROWS,), jnp.float32),
        pltpu.VMEM_SHARED((NPAD, HD), jnp.float32),
        pltpu.VMEM_SHARED((NSUB, NPAD), jnp.float32),
    ] + [pltpu.SemaphoreType.DMA for _ in range(2 * DEPTH + 1)]

    def body(y_hbm, src_hbm, dst_hbm, *rest):
        if with_counts:
            psum_hbm, pcnt_hbm = rest[0], rest[1]
            rest = rest[2:]
        else:
            psum_hbm, pcnt_hbm = rest[0], None
            rest = rest[1:]
        srcb, dstb = rest[0], rest[1]
        rows = rest[2:2 + DEPTH]
        zbuf, cntv, ctile, cmrg, acc, cshr = rest[2 + DEPTH:8 + DEPTH]
        sg = rest[8 + DEPTH:8 + 2 * DEPTH]
        ss = rest[8 + 2 * DEPTH:8 + 3 * DEPTH]
        sb = rest[8 + 3 * DEPTH]

        c = lax.axis_index("c")
        s = lax.axis_index("s")

        def fill_row(i, carry):
            for j in range(HD // 16):
                zbuf[i, pl.ds(j * 16, 16)] = jnp.zeros((16,), jnp.float32)
            return carry
        lax.fori_loop(0, 128, fill_row, 0)
        if with_counts:
            def zc(i, carry):
                cntv[pl.ds(i * 16, 16)] = jnp.zeros((16,), jnp.float32)
                return carry
            lax.fori_loop(0, NPAD // 16, zc, 0)

        zbase = s * ZROWS
        for k in range(ZROWS // 128):
            pltpu.sync_copy(zbuf, acc.at[pl.ds(zbase + k * 128, 128)])
        plsc.subcore_barrier()

        dbase = s * NCHUNKS

        def load_block(k, slot):
            pltpu.async_copy(src_hbm.at[c, pl.ds(dbase + k * IDXB, IDXB)],
                             srcb.at[slot], sb)
            pltpu.async_copy(dst_hbm.at[pl.ds(dbase + k * IDXB, IDXB)],
                             dstb.at[slot], sb)

        def wait_block(slot):
            pltpu.make_async_copy(src_hbm.at[c, pl.ds(0, IDXB)],
                                  srcb.at[slot], sb).wait()
            pltpu.make_async_copy(dst_hbm.at[pl.ds(0, IDXB)],
                                  dstb.at[slot], sb).wait()

        def start_gather(slot, j, q):
            pltpu.async_copy(y_hbm.at[srcb.at[slot, j]], rows[q], sg[q])

        def wait_gather(q):
            pltpu.make_async_copy(y_hbm.at[pl.ds(0, CHUNK)], rows[q],
                                  sg[q]).wait()

        def fire_scatter(slot, j, q):
            pltpu.async_copy(rows[q], acc.at[dstb.at[slot, j]], ss[q],
                             add=True)
            if with_counts:
                @pl.when(c == 0)
                def _():
                    ones16 = jnp.ones((16,), jnp.float32)
                    for l in range(CHUNK // 16):
                        idx16 = dstb[slot, j, pl.ds(l * 16, 16)]
                        plsc.addupdate_scatter(cntv, [idx16], ones16)

        def wait_scatter(q):
            pltpu.make_async_copy(rows[q], acc.at[pl.ds(0, CHUNK)],
                                  ss[q]).wait()

        pltpu.sync_copy(src_hbm.at[c, pl.ds(dbase, IDXB)], srcb.at[0])
        pltpu.sync_copy(dst_hbm.at[pl.ds(dbase, IDXB)], dstb.at[0])
        load_block(1, 1)
        for j in range(IDXB):
            if j >= DEPTH:
                wait_scatter(j % DEPTH)
            start_gather(0, j, j % DEPTH)
            if j >= F:
                wait_gather((j - F) % DEPTH)
                fire_scatter(0, j - F, (j - F) % DEPTH)

        def block_body(k, carry):
            slot = lax.rem(k, SLOTS)
            prev = lax.rem(k + SLOTS - 1, SLOTS)
            nxt = lax.rem(k + 1, SLOTS)
            wait_block(slot)
            for j in range(IDXB):
                wait_scatter(j % DEPTH)
                start_gather(slot, j, j % DEPTH)
                wait_gather((j - F) % DEPTH)
                if j < F:
                    fire_scatter(prev, IDXB - F + j, (j - F) % DEPTH)
                else:
                    fire_scatter(slot, j - F, (j - F) % DEPTH)
                if j == PREFJ:
                    @pl.when(k + 1 < NB)
                    def _():
                        load_block(k + 1, nxt)
            return carry
        lax.fori_loop(1, NB, block_body, 0)

        lastslot = (NB - 1) % SLOTS
        for j in range(IDXB - F, IDXB):
            wait_gather(j % DEPTH)
            fire_scatter(lastslot, j, j % DEPTH)
        for q in range(DEPTH):
            wait_scatter(q)
        plsc.subcore_barrier()

        obase = s * ZROWS
        pltpu.sync_copy(acc.at[pl.ds(obase, ZROWS)],
                        psum_hbm.at[pl.ds(obase, ZROWS), pl.ds(c * HD, HD)])
        if with_counts:
            @pl.when(c == 0)
            def _():
                pltpu.sync_copy(cntv, cshr.at[s])
                plsc.subcore_barrier()
                for r in range(NSUB):
                    pltpu.sync_copy(cshr.at[r, pl.ds(obase, ZROWS)],
                                    ctile.at[r])
                def merge(j, carry):
                    sl = pl.ds(j * 16, 16)
                    v = ctile[0, sl]
                    for r in range(1, NSUB):
                        v = v + ctile[r, sl]
                    cmrg[sl] = v
                    return carry
                lax.fori_loop(0, ZROWS // 16, merge, 0)
                pltpu.sync_copy(cmrg, pcnt_hbm.at[pl.ds(obase, ZROWS)])

    return pl.kernel(body, out_type=out_type, mesh=mesh, scratch_types=scratch,
                     compiler_params=pltpu.CompilerParams(
                         use_tc_tiling_on_sc=False,
                         needs_layout_passes=False))


def _make_tc_prep(E):
    def _tc_prep(e_ref, s2_ref, d2_ref):
        i = pl.program_id(0)
        nr = s2_ref.shape[1]
        v0 = e_ref[0].reshape(nr, CHUNK)
        v1 = e_ref[1].reshape(nr, CHUNK)
        rel = (lax.broadcasted_iota(jnp.int32, (nr, CHUNK), 0) * CHUNK
               + lax.broadcasted_iota(jnp.int32, (nr, CHUNK), 1))
        absid = i * (nr * CHUNK) + rel
        m = absid < E
        sv = jnp.where(m, v0, absid % N)
        dv = jnp.where(m, v1, N + absid % (NPAD - N))
        s2_ref[0] = sv * 2
        s2_ref[1] = sv * 2 + 1
        d2_ref[...] = dv
    return _tc_prep


def _tc_layer1(p_ref, x_ref, c_ref, w_ref, b_ref, o_ref):
    ssum = p_ref[...] + x_ref[...]
    cnt = c_ref[...] + 1.0
    m = ssum / cnt
    h = lax.dot_general(m, w_ref[...], (((1,), (0,)), ((), ())),
                        preferred_element_type=jnp.float32)
    o_ref[...] = jnp.maximum(h + b_ref[...], 0.0)


def _tc_layer2(q_ref, h_ref, c_ref, w2_ref, b2_ref, wc_ref, bc_ref, o_ref,
               acc_ref):
    i = pl.program_id(0)
    ssum = q_ref[...] + h_ref[...]
    cnt = c_ref[...] + 1.0
    h2 = lax.dot_general(ssum / cnt, w2_ref[...], (((1,), (0,)), ((), ())),
                         preferred_element_type=jnp.float32)
    h2 = jnp.maximum(h2 + b2_ref[...], 0.0)
    part = jnp.sum(h2, axis=0, keepdims=True)

    @pl.when(i == 0)
    def _():
        acc_ref[0:1, :] = part

    @pl.when(i > 0)
    def _():
        acc_ref[0:1, :] = acc_ref[0:1, :] + part

    @pl.when(i == pl.num_programs(0) - 1)
    def _():
        g = jnp.maximum(acc_ref[0:1, :] * (1.0 / N), 0.0)
        o_ref[...] = lax.dot_general(g, wc_ref[...], (((1,), (0,)), ((), ())),
                                     preferred_element_type=jnp.float32) + bc_ref[...]


def kernel(x, edge_index, W1, b1, W2, b2, Wc, bc):
    E = edge_index.shape[1]
    C = Wc.shape[1]

    EPAD = NSUB * NCHUNKS * CHUNK
    ROWS = EPAD // CHUNK
    PG = 5
    BR = ROWS // PG
    src2, dst2 = pl.pallas_call(
        _make_tc_prep(E),
        grid=(PG,),
        in_specs=[pl.BlockSpec((2, BR * CHUNK), lambda i: (0, i))],
        out_specs=[pl.BlockSpec((2, BR, CHUNK), lambda i: (0, i, 0)),
                   pl.BlockSpec((BR, CHUNK), lambda i: (i, 0))],
        out_shape=[jax.ShapeDtypeStruct((2, ROWS, CHUNK), jnp.int32),
                   jax.ShapeDtypeStruct((ROWS, CHUNK), jnp.int32)],
    )(edge_index.astype(jnp.int32))

    agg1 = _sc_agg(with_counts=True)
    agg2 = _sc_agg(with_counts=False)

    psum1, pcnt = agg1(x.reshape(2 * N, HD), src2, dst2)
    cnt2 = pcnt.reshape(NPAD, 1)

    BN = 2000
    grid = N // BN
    h1 = pl.pallas_call(
        _tc_layer1,
        grid=(grid,),
        in_specs=[
            pl.BlockSpec((BN, D), lambda i: (i, 0)),
            pl.BlockSpec((BN, D), lambda i: (i, 0)),
            pl.BlockSpec((BN, 1), lambda i: (i, 0)),
            pl.BlockSpec((D, D), lambda i: (0, 0)),
            pl.BlockSpec((1, D), lambda i: (0, 0)),
        ],
        out_specs=pl.BlockSpec((BN, D), lambda i: (i, 0)),
        out_shape=jax.ShapeDtypeStruct((N, D), jnp.float32),
    )(psum1, x, cnt2, W1, b1.reshape(1, D))

    (psum2,) = agg2(h1.reshape(2 * N, HD), src2, dst2)

    out = pl.pallas_call(
        _tc_layer2,
        grid=(grid,),
        in_specs=[
            pl.BlockSpec((BN, D), lambda i: (i, 0)),
            pl.BlockSpec((BN, D), lambda i: (i, 0)),
            pl.BlockSpec((BN, 1), lambda i: (i, 0)),
            pl.BlockSpec((D, D), lambda i: (0, 0)),
            pl.BlockSpec((1, D), lambda i: (0, 0)),
            pl.BlockSpec((D, C), lambda i: (0, 0)),
            pl.BlockSpec((1, C), lambda i: (0, 0)),
        ],
        out_specs=pl.BlockSpec((1, C), lambda i: (0, 0)),
        out_shape=jax.ShapeDtypeStruct((1, C), jnp.float32),
        scratch_shapes=[pltpu.VMEM((8, D), jnp.float32)],
    )(psum2, h1, cnt2, W2, b2.reshape(1, D), Wc, bc.reshape(1, C))

    return out

# --- scband reference (transcript-rebuilt; emitter-appended) ---
"""Pipeline reference for scband-gnn-classifier-20289425506743 (READ-ONLY COPY).

The authoritative reference and input builder live on the scoring server;
editing this copy changes nothing except your own understanding.
"""

import jax, jax.numpy as jnp
import numpy as np

N = 10000
E = 320000
D = 128
H = 128
C = 10


def setup_inputs(seed: int = 0) -> dict:
    key = jax.random.key(seed)
    ks = jax.random.split(key, 8)
    x = jax.random.normal(ks[0], (N, D), dtype=jnp.float32)
    edge_index = jax.random.randint(ks[1], (2, E), 0, N)
    W1 = jax.random.normal(ks[2], (D, H), dtype=jnp.float32) / np.sqrt(D)
    b1 = jnp.zeros((H,), dtype=jnp.float32)
    W2 = jax.random.normal(ks[3], (H, H), dtype=jnp.float32) / np.sqrt(H)
    b2 = jnp.zeros((H,), dtype=jnp.float32)
    Wc = jax.random.normal(ks[4], (H, C), dtype=jnp.float32) / np.sqrt(H)
    bc = jnp.zeros((C,), dtype=jnp.float32)
    return {"x": x, "edge_index": edge_index, "W1": W1, "b1": b1, "W2": W2, "b2": b2, "Wc": Wc, "bc": bc}


def _mp_conv(x, src, dst, W, b):
    # MessagePassing with aggr='mean', self loops added, message = x_j, update = Linear(aggr)
    n = x.shape[0]
    msg = x[src]
    agg = jax.ops.segment_sum(msg, dst, num_segments=n)
    cnt = jax.ops.segment_sum(jnp.ones((src.shape[0],), dtype=x.dtype), dst, num_segments=n)
    mean = agg / jnp.maximum(cnt, 1.0)[:, None]
    return mean @ W + b


def reference(x, edge_index, W1, b1, W2, b2, Wc, bc):
    n = x.shape[0]
    loops = jnp.arange(n, dtype=edge_index.dtype)
    src = jnp.concatenate([edge_index[0], loops])
    dst = jnp.concatenate([edge_index[1], loops])
    h = jax.nn.relu(_mp_conv(x, src, dst, W1, b1))
    h = jax.nn.relu(_mp_conv(h, src, dst, W2, b2))
    # torch_geometric.utils.scatter(x, batch, reduce='mean') with batch = zeros (single graph)
    g = jnp.mean(h, axis=0, keepdims=True)
    g = jax.nn.relu(g)
    out = g @ Wc + bc
    return out

if __name__ == "__main__":
    import jax
    _d = setup_inputs()
    print(jax.jit(kernel)(*tuple(_d.values())))

</pallas_src>

<mosaic_0001>
#map = affine_map<(d0, d1) -> (0, 0)>
#map1 = affine_map<(d0, d1) -> (0, 0, 0)>
module attributes {stable_mosaic.version = 14 : i64} {
  func.func @body(%arg0: i32, %arg1: i32, %arg2: memref<20000x64xf32, #tpu.memory_space<hbm>>, %arg3: memref<2x2560x128xi32, #tpu.memory_space<hbm>>, %arg4: memref<2560x128xi32, #tpu.memory_space<hbm>>, %arg5: memref<10240x128xf32, #tpu.memory_space<hbm>>, %arg6: memref<2x8x128xi32, #tpu.memory_space<vmem>>, %arg7: memref<2x8x128xi32, #tpu.memory_space<vmem>>, %arg8: memref<128x64xf32, #tpu.memory_space<vmem>>, %arg9: memref<128x64xf32, #tpu.memory_space<vmem>>, %arg10: memref<128x64xf32, #tpu.memory_space<vmem>>, %arg11: memref<128x64xf32, #tpu.memory_space<vmem>>, %arg12: memref<128x64xf32, #tpu.memory_space<vmem>>, %arg13: memref<10240xf32, #tpu.memory_space<vmem>>, %arg14: memref<16x640xf32, #tpu.memory_space<vmem>>, %arg15: memref<640xf32, #tpu.memory_space<vmem>>, %arg16: memref<10240x64xf32, #tpu.memory_space<vmem_shared>>, %arg17: memref<16x10240xf32, #tpu.memory_space<vmem_shared>>, %arg18: memref<!tpu.dma_semaphore, #tpu.memory_space<semaphore_mem>>, %arg19: memref<!tpu.dma_semaphore, #tpu.memory_space<semaphore_mem>>, %arg20: memref<!tpu.dma_semaphore, #tpu.memory_space<semaphore_mem>>, %arg21: memref<!tpu.dma_semaphore, #tpu.memory_space<semaphore_mem>>, %arg22: memref<!tpu.dma_semaphore, #tpu.memory_space<semaphore_mem>>, %arg23: memref<!tpu.dma_semaphore, #tpu.memory_space<semaphore_mem>>, %arg24: memref<!tpu.dma_semaphore, #tpu.memory_space<semaphore_mem>>, %arg25: memref<!tpu.dma_semaphore, #tpu.memory_space<semaphore_mem>>, %arg26: memref<!tpu.dma_semaphore, #tpu.memory_space<semaphore_mem>>) attributes {dimension_semantics = [#tpu.dimension_semantics<core_parallel>, #tpu.dimension_semantics<subcore_parallel>], iteration_bounds = array<i64: 2, 16>, scalar_prefetch = 0 : i64, scratch_operands = 21 : i64, tpu.core_type = #tpu.core_type<sc_vector_subcore>, window_params = [{transform_indices = #map}, {transform_indices = #map1}, {transform_indices = #map}, {transform_indices = #map}]} {
    %scan3A = arith.constant 0 : i32
    %scan3A_0 = arith.constant 0 : i32
    %scan3A_1 = arith.constant 128 : i32
    %scan3A_2 = arith.addi %scan3A_0, %scan3A_1 : i32
    %scan3A_3 = arith.constant 1 : i32
    scf.for %scan3A_283 = %scan3A_0 to %scan3A_2 step %scan3A_3  : i32 {
      %broadcast_in_dim3A = arith.constant 0.000000e+00 : f32
      %broadcast_in_dim3A_284 = vector.broadcast %broadcast_in_dim3A : f32 to vector<16xf32>
      %swap3A = arith.index_cast %scan3A_283 : i32 to index
      %swap3A_285 = arith.constant 0 : index
      %swap3A_286 = tpu.vector_load %arg12[%swap3A, %swap3A_285] {strides = array<i32>} : memref<128x64xf32, #tpu.memory_space<vmem>>, vector<16xf32>,
      tpu.vector_store %arg12[%swap3A, %swap3A_285], %broadcast_in_dim3A_284 {strides = array<i32>} : memref<128x64xf32, #tpu.memory_space<vmem>>, vector<16xf32>,
      %broadcast_in_dim3A_287 = arith.constant 0.000000e+00 : f32
      %broadcast_in_dim3A_288 = vector.broadcast %broadcast_in_dim3A_287 : f32 to vector<16xf32>
      %swap3A_289 = arith.index_cast %scan3A_283 : i32 to index
      %swap3A_290 = arith.constant 16 : index
      %swap3A_291 = tpu.vector_load %arg12[%swap3A_289, %swap3A_290] {strides = array<i32>} : memref<128x64xf32, #tpu.memory_space<vmem>>, vector<16xf32>,
      tpu.vector_store %arg12[%swap3A_289, %swap3A_290], %broadcast_in_dim3A_288 {strides = array<i32>} : memref<128x64xf32, #tpu.memory_space<vmem>>, vector<16xf32>,
      %broadcast_in_dim3A_292 = arith.constant 0.000000e+00 : f32
      %broadcast_in_dim3A_293 = vector.broadcast %broadcast_in_dim3A_292 : f32 to vector<16xf32>
      %swap3A_294 = arith.index_cast %scan3A_283 : i32 to index
      %swap3A_295 = arith.constant 32 : index
      %swap3A_296 = tpu.vector_load %arg12[%swap3A_294, %swap3A_295] {strides = array<i32>} : memref<128x64xf32, #tpu.memory_space<vmem>>, vector<16xf32>,
      tpu.vector_store %arg12[%swap3A_294, %swap3A_295], %broadcast_in_dim3A_293 {strides = array<i32>} : memref<128x64xf32, #tpu.memory_space<vmem>>, vector<16xf32>,
      %broadcast_in_dim3A_297 = arith.constant 0.000000e+00 : f32
      %broadcast_in_dim3A_298 = vector.broadcast %broadcast_in_dim3A_297 : f32 to vector<16xf32>
      %swap3A_299 = arith.index_cast %scan3A_283 : i32 to index
      %swap3A_300 = arith.constant 48 : index
      %swap3A_301 = tpu.vector_load %arg12[%swap3A_299, %swap3A_300] {strides = array<i32>} : memref<128x64xf32, #tpu.memory_space<vmem>>, vector<16xf32>,
      tpu.vector_store %arg12[%swap3A_299, %swap3A_300], %broadcast_in_dim3A_298 {strides = array<i32>} : memref<128x64xf32, #tpu.memory_space<vmem>>, vector<16xf32>,
    }
    %scan3A_4 = arith.constant 128 : i32
    %mul3A = arith.constant 640 : i32
    %mul3A_5 = arith.muli %arg1, %mul3A : i32
    %add3A = arith.constant 0 : i32
    %add3A_6 = arith.addi %mul3A_5, %add3A : i32
    "tpu.region"() ({
      %run_scoped3A_283 = tpu.sem_alloc : memref<!tpu.dma_semaphore, #tpu.memory_space<semaphore_mem>>
      %dma_start3A_284 = arith.constant 0 : i32
      %dma_start3A_285 = tpu.memref_slice %arg16[%add3A_6, %dma_start3A_284] : memref<10240x64xf32, #tpu.memory_space<vmem_shared>> -> memref<128x64xf32, #tpu.memory_space<vmem_shared>>
      %dma_start3A_286 = arith.constant 0 : i32
      %dma_start3A_287 = tpu.memref_slice %arg16[%add3A_6, %dma_start3A_286] : memref<10240x64xf32, #tpu.memory_space<vmem_shared>> -> memref<128x64xf32, #tpu.memory_space<vmem_shared>>
      tpu.enqueue_dma source(%arg12 : memref<128x64xf32, #tpu.memory_space<vmem>>) target(%dma_start3A_287 : memref<128x64xf32, #tpu.memory_space<vmem_shared>>) target_semaphore(%run_scoped3A_283 : memref<!tpu.dma_semaphore, #tpu.memory_space<semaphore_mem>>)
      %dma_wait3A_288 = arith.constant 0 : i32
      %dma_wait3A_289 = tpu.memref_slice %arg16[%add3A_6, %dma_wait3A_288] : memref<10240x64xf32, #tpu.memory_space<vmem_shared>> -> memref<128x64xf32, #tpu.memory_space<vmem_shared>>
      %dma_wait3A_290 = arith.constant 0 : i32
      %dma_wait3A_291 = tpu.memref_slice %arg16[%add3A_6, %dma_wait3A_290] : memref<10240x64xf32, #tpu.memory_space<vmem_shared>> -> memref<128x64xf32, #tpu.memory_space<vmem_shared>>
      tpu.wait_dma2 semaphore(%run_scoped3A_283 : memref<!tpu.dma_semaphore, #tpu.memory_space<semaphore_mem>>) src(%arg12 : memref<128x64xf32, #tpu.memory_space<vmem>>) dst(%dma_wait3A_291 : memref<128x64xf32, #tpu.memory_space<vmem_shared>>)
      tpu.yield
    }) : () -> ()
    %add3A_7 = arith.constant 128 : i32
    %add3A_8 = arith.addi %mul3A_5, %add3A_7 : i32
    "tpu.region"() ({
      %run_scoped3A_283 = tpu.sem_alloc : memref<!tpu.dma_semaphore, #tpu.memory_space<semaphore_mem>>
      %dma_start3A_284 = arith.constant 0 : i32
      %dma_start3A_285 = tpu.memref_slice %arg16[%add3A_8, %dma_start3A_284] : memref<10240x64xf32, #tpu.memory_space<vmem_shared>> -> memref<128x64xf32, #tpu.memory_space<vmem_shared>>
      %dma_start3A_286 = arith.constant 0 : i32
      %dma_start3A_287 = tpu.memref_slice %arg16[%add3A_8, %dma_start3A_286] : memref<10240x64xf32, #tpu.memory_space<vmem_shared>> -> memref<128x64xf32, #tpu.memory_space<vmem_shared>>
      tpu.enqueue_dma source(%arg12 : memref<128x64xf32, #tpu.memory_space<vmem>>) target(%dma_start3A_287 : memref<128x64xf32, #tpu.memory_space<vmem_shared>>) target_semaphore(%run_scoped3A_283 : memref<!tpu.dma_semaphore, #tpu.memory_space<semaphore_mem>>)
      %dma_wait3A_288 = arith.constant 0 : i32
      %dma_wait3A_289 = tpu.memref_slice %arg16[%add3A_8, %dma_wait3A_288] : memref<10240x64xf32, #tpu.memory_space<vmem_shared>> -> memref<128x64xf32, #tpu.memory_space<vmem_shared>>
      %dma_wait3A_290 = arith.constant 0 : i32
      %dma_wait3A_291 = tpu.memref_slice %arg16[%add3A_8, %dma_wait3A_290] : memref<10240x64xf32, #tpu.memory_space<vmem_shared>> -> memref<128x64xf32, #tpu.memory_space<vmem_shared>>
      tpu.wait_dma2 semaphore(%run_scoped3A_283 : memref<!tpu.dma_semaphore, #tpu.memory_space<semaphore_mem>>) src(%arg12 : memref<128x64xf32, #tpu.memory_space<vmem>>) dst(%dma_wait3A_291 : memref<128x64xf32, #tpu.memory_space<vmem_shared>>)
      tpu.yield
    }) : () -> ()
    %add3A_9 = arith.constant 256 : i32
    %add3A_10 = arith.addi %mul3A_5, %add3A_9 : i32
    "tpu.region"() ({
      %run_scoped3A_283 = tpu.sem_alloc : memref<!tpu.dma_semaphore, #tpu.memory_space<semaphore_mem>>
      %dma_start3A_284 = arith.constant 0 : i32
      %dma_start3A_285 = tpu.memref_slice %arg16[%add3A_10, %dma_start3A_284] : memref<10240x64xf32, #tpu.memory_space<vmem_shared>> -> memref<128x64xf32, #tpu.memory_space<vmem_shared>>
      %dma_start3A_286 = arith.constant 0 : i32
      %dma_start3A_287 = tpu.memref_slice %arg16[%add3A_10, %dma_start3A_286] : memref<10240x64xf32, #tpu.memory_space<vmem_shared>> -> memref<128x64xf32, #tpu.memory_space<vmem_shared>>
      tpu.enqueue_dma source(%arg12 : memref<128x64xf32, #tpu.memory_space<vmem>>) target(%dma_start3A_287 : memref<128x64xf32, #tpu.memory_space<vmem_shared>>) target_semaphore(%run_scoped3A_283 : memref<!tpu.dma_semaphore, #tpu.memory_space<semaphore_mem>>)
      %dma_wait3A_288 = arith.constant 0 : i32
      %dma_wait3A_289 = tpu.memref_slice %arg16[%add3A_10, %dma_wait3A_288] : memref<10240x64xf32, #tpu.memory_space<vmem_shared>> -> memref<128x64xf32, #tpu.memory_space<vmem_shared>>
      %dma_wait3A_290 = arith.constant 0 : i32
      %dma_wait3A_291 = tpu.memref_slice %arg16[%add3A_10, %dma_wait3A_290] : memref<10240x64xf32, #tpu.memory_space<vmem_shared>> -> memref<128x64xf32, #tpu.memory_space<vmem_shared>>
      tpu.wait_dma2 semaphore(%run_scoped3A_283 : memref<!tpu.dma_semaphore, #tpu.memory_space<semaphore_mem>>) src(%arg12 : memref<128x64xf32, #tpu.memory_space<vmem>>) dst(%dma_wait3A_291 : memref<128x64xf32, #tpu.memory_space<vmem_shared>>)
      tpu.yield
    }) : () -> ()
    %add3A_11 = arith.constant 384 : i32
    %add3A_12 = arith.addi %mul3A_5, %add3A_11 : i32
    "tpu.region"() ({
      %run_scoped3A_283 = tpu.sem_alloc : memref<!tpu.dma_semaphore, #tpu.memory_space<semaphore_mem>>
      %dma_start3A_284 = arith.constant 0 : i32
      %dma_start3A_285 = tpu.memref_slice %arg16[%add3A_12, %dma_start3A_284] : memref<10240x64xf32, #tpu.memory_space<vmem_shared>> -> memref<128x64xf32, #tpu.memory_space<vmem_shared>>
      %dma_start3A_286 = arith.constant 0 : i32
      %dma_start3A_287 = tpu.memref_slice %arg16[%add3A_12, %dma_start3A_286] : memref<10240x64xf32, #tpu.memory_space<vmem_shared>> -> memref<128x64xf32, #tpu.memory_space<vmem_shared>>
      tpu.enqueue_dma source(%arg12 : memref<128x64xf32, #tpu.memory_space<vmem>>) target(%dma_start3A_287 : memref<128x64xf32, #tpu.memory_space<vmem_shared>>) target_semaphore(%run_scoped3A_283 : memref<!tpu.dma_semaphore, #tpu.memory_space<semaphore_mem>>)
      %dma_wait3A_288 = arith.constant 0 : i32
      %dma_wait3A_289 = tpu.memref_slice %arg16[%add3A_12, %dma_wait3A_288] : memref<10240x64xf32, #tpu.memory_space<vmem_shared>> -> memref<128x64xf32, #tpu.memory_space<vmem_shared>>
      %dma_wait3A_290 = arith.constant 0 : i32
      %dma_wait3A_291 = tpu.memref_slice %arg16[%add3A_12, %dma_wait3A_290] : memref<10240x64xf32, #tpu.memory_space<vmem_shared>> -> memref<128x64xf32, #tpu.memory_space<vmem_shared>>
      tpu.wait_dma2 semaphore(%run_scoped3A_283 : memref<!tpu.dma_semaphore, #tpu.memory_space<semaphore_mem>>) src(%arg12 : memref<128x64xf32, #tpu.memory_space<vmem>>) dst(%dma_wait3A_291 : memref<128x64xf32, #tpu.memory_space<vmem_shared>>)
      tpu.yield
    }) : () -> ()
    %add3A_13 = arith.constant 512 : i32
    %add3A_14 = arith.addi %mul3A_5, %add3A_13 : i32
    "tpu.region"() ({
      %run_scoped3A_283 = tpu.sem_alloc : memref<!tpu.dma_semaphore, #tpu.memory_space<semaphore_mem>>
      %dma_start3A_284 = arith.constant 0 : i32
      %dma_start3A_285 = tpu.memref_slice %arg16[%add3A_14, %dma_start3A_284] : memref<10240x64xf32, #tpu.memory_space<vmem_shared>> -> memref<128x64xf32, #tpu.memory_space<vmem_shared>>
      %dma_start3A_286 = arith.constant 0 : i32
      %dma_start3A_287 = tpu.memref_slice %arg16[%add3A_14, %dma_start3A_286] : memref<10240x64xf32, #tpu.memory_space<vmem_shared>> -> memref<128x64xf32, #tpu.memory_space<vmem_shared>>
      tpu.enqueue_dma source(%arg12 : memref<128x64xf32, #tpu.memory_space<vmem>>) target(%dma_start3A_287 : memref<128x64xf32, #tpu.memory_space<vmem_shared>>) target_semaphore(%run_scoped3A_283 : memref<!tpu.dma_semaphore, #tpu.memory_space<semaphore_mem>>)
      %dma_wait3A_288 = arith.constant 0 : i32
      %dma_wait3A_289 = tpu.memref_slice %arg16[%add3A_14, %dma_wait3A_288] : memref<10240x64xf32, #tpu.memory_space<vmem_shared>> -> memref<128x64xf32, #tpu.memory_space<vmem_shared>>
      %dma_wait3A_290 = arith.constant 0 : i32
      %dma_wait3A_291 = tpu.memref_slice %arg16[%add3A_14, %dma_wait3A_290] : memref<10240x64xf32, #tpu.memory_space<vmem_shared>> -> memref<128x64xf32, #tpu.memory_space<vmem_shared>>
      tpu.wait_dma2 semaphore(%run_scoped3A_283 : memref<!tpu.dma_semaphore, #tpu.memory_space<semaphore_mem>>) src(%arg12 : memref<128x64xf32, #tpu.memory_space<vmem>>) dst(%dma_wait3A_291 : memref<128x64xf32, #tpu.memory_space<vmem_shared>>)
      tpu.yield
    }) : () -> ()
    %barrier3A = arith.constant 0 : index
    tpu.barrier barrier_id(%barrier3A)
    %mul3A_15 = arith.constant 160 : i32
    %mul3A_16 = arith.muli %arg1, %mul3A_15 : i32
    %run_scoped3A = arith.constant 0 : i32
    "tpu.region"() ({
      %run_scoped3A_283 = tpu.sem_alloc : memref<!tpu.dma_semaphore, #tpu.memory_space<semaphore_mem>>
      %dma_start3A_284 = arith.constant 0 : i32
      %dma_start3A_285 = arith.constant 0 : i32
      %dma_start3A_286 = tpu.memref_slice %arg6[%run_scoped3A, %dma_start3A_284, %dma_start3A_285] : memref<2x8x128xi32, #tpu.memory_space<vmem>> -> memref<1x8x128xi32, #tpu.memory_space<vmem>>
      %dma_start3A_287 = tpu.memref_squeeze %dma_start3A_286 : memref<1x8x128xi32, #tpu.memory_space<vmem>> -> memref<8x128xi32, #tpu.memory_space<vmem>>
      %dma_start3A_288 = arith.constant 0 : i32
      %dma_start3A_289 = tpu.memref_slice %arg3[%arg0, %mul3A_16, %dma_start3A_288] : memref<2x2560x128xi32, #tpu.memory_space<hbm>> -> memref<1x8x128xi32, #tpu.memory_space<hbm>>
      %dma_start3A_290 = tpu.memref_squeeze %dma_start3A_289 : memref<1x8x128xi32, #tpu.memory_space<hbm>> -> memref<8x128xi32, #tpu.memory_space<hbm>>
      %dma_start3A_291 = arith.constant 0 : i32
      %dma_start3A_292 = arith.constant 0 : i32
      %dma_start3A_293 = tpu.memref_slice %arg6[%run_scoped3A, %dma_start3A_291, %dma_start3A_292] : memref<2x8x128xi32, #tpu.memory_space<vmem>> -> memref<1x8x128xi32, #tpu.memory_space<vmem>>
      %dma_start3A_294 = tpu.memref_squeeze %dma_start3A_293 : memref<1x8x128xi32, #tpu.memory_space<vmem>> -> memref<8x128xi32, #tpu.memory_space<vmem>>
      %dma_start3A_295 = arith.constant 0 : i32
      %dma_start3A_296 = tpu.memref_slice %arg3[%arg0, %mul3A_16, %dma_start3A_295] : memref<2x2560x128xi32, #tpu.memory_space<hbm>> -> memref<1x8x128xi32, #tpu.memory_space<hbm>>
      %dma_start3A_297 = tpu.memref_squeeze %dma_start3A_296 : memref<1x8x128xi32, #tpu.memory_space<hbm>> -> memref<8x128xi32, #tpu.memory_space<hbm>>
      tpu.enqueue_dma source(%dma_start3A_297 : memref<8x128xi32, #tpu.memory_space<hbm>>) target(%dma_start3A_294 : memref<8x128xi32, #tpu.memory_space<vmem>>) target_semaphore(%run_scoped3A_283 : memref<!tpu.dma_semaphore, #tpu.memory_space<semaphore_mem>>)
      %dma_wait3A_298 = arith.constant 0 : i32
      %dma_wait3A_299 = arith.constant 0 : i32
      %dma_wait3A_300 = tpu.memref_slice %arg6[%run_scoped3A, %dma_wait3A_298, %dma_wait3A_299] : memref<2x8x128xi32, #tpu.memory_space<vmem>> -> memref<1x8x128xi32, #tpu.memory_space<vmem>>
      %dma_wait3A_301 = tpu.memref_squeeze %dma_wait3A_300 : memref<1x8x128xi32, #tpu.memory_space<vmem>> -> memref<8x128xi32, #tpu.memory_space<vmem>>
      %dma_wait3A_302 = arith.constant 0 : i32
      %dma_wait3A_303 = tpu.memref_slice %arg3[%arg0, %mul3A_16, %dma_wait3A_302] : memref<2x2560x128xi32, #tpu.memory_space<hbm>> -> memref<1x8x128xi32, #tpu.memory_space<hbm>>
      %dma_wait3A_304 = tpu.memref_squeeze %dma_wait3A_303 : memref<1x8x128xi32, #tpu.memory_space<hbm>> -> memref<8x128xi32, #tpu.memory_space<hbm>>
      %dma_wait3A_305 = arith.constant 0 : i32
      %dma_wait3A_306 = arith.constant 0 : i32
      %dma_wait3A_307 = tpu.memref_slice %arg6[%run_scoped3A, %dma_wait3A_305, %dma_wait3A_306] : memref<2x8x128xi32, #tpu.memory_space<vmem>> -> memref<1x8x128xi32, #tpu.memory_space<vmem>>
      %dma_wait3A_308 = tpu.memref_squeeze %dma_wait3A_307 : memref<1x8x128xi32, #tpu.memory_space<vmem>> -> memref<8x128xi32, #tpu.memory_space<vmem>>
      %dma_wait3A_309 = arith.constant 0 : i32
      %dma_wait3A_310 = tpu.memref_slice %arg3[%arg0, %mul3A_16, %dma_wait3A_309] : memref<2x2560x128xi32, #tpu.memory_space<hbm>> -> memref<1x8x128xi32, #tpu.memory_space<hbm>>
      %dma_wait3A_311 = tpu.memref_squeeze %dma_wait3A_310 : memref<1x8x128xi32, #tpu.memory_space<hbm>> -> memref<8x128xi32, #tpu.memory_space<hbm>>
      tpu.wait_dma2 semaphore(%run_scoped3A_283 : memref<!tpu.dma_semaphore, #tpu.memory_space<semaphore_mem>>) src(%dma_wait3A_311 : memref<8x128xi32, #tpu.memory_space<hbm>>) dst(%dma_wait3A_308 : memref<8x128xi32, #tpu.memory_space<vmem>>)
      tpu.yield
    }) : () -> ()
    %run_scoped3A_17 = arith.constant 0 : i32
    "tpu.region"() ({
      %run_scoped3A_283 = tpu.sem_alloc : memref<!tpu.dma_semaphore, #tpu.memory_space<semaphore_mem>>
      %dma_start3A_284 = arith.constant 0 : i32
      %dma_start3A_285 = arith.constant 0 : i32
      %dma_start3A_286 = tpu.memref_slice %arg7[%run_scoped3A_17, %dma_start3A_284, %dma_start3A_285] : memref<2x8x128xi32, #tpu.memory_space<vmem>> -> memref<1x8x128xi32, #tpu.memory_space<vmem>>
      %dma_start3A_287 = tpu.memref_squeeze %dma_start3A_286 : memref<1x8x128xi32, #tpu.memory_space<vmem>> -> memref<8x128xi32, #tpu.memory_space<vmem>>
      %dma_start3A_288 = arith.constant 0 : i32
      %dma_start3A_289 = tpu.memref_slice %arg4[%mul3A_16, %dma_start3A_288] : memref<2560x128xi32, #tpu.memory_space<hbm>> -> memref<8x128xi32, #tpu.memory_space<hbm>>
      %dma_start3A_290 = arith.constant 0 : i32
      %dma_start3A_291 = arith.constant 0 : i32
      %dma_start3A_292 = tpu.memref_slice %arg7[%run_scoped3A_17, %dma_start3A_290, %dma_start3A_291] : memref<2x8x128xi32, #tpu.memory_space<vmem>> -> memref<1x8x128xi32, #tpu.memory_space<vmem>>
      %dma_start3A_293 = tpu.memref_squeeze %dma_start3A_292 : memref<1x8x128xi32, #tpu.memory_space<vmem>> -> memref<8x128xi32, #tpu.memory_space<vmem>>
      %dma_start3A_294 = arith.constant 0 : i32
      %dma_start3A_295 = tpu.memref_slice %arg4[%mul3A_16, %dma_start3A_294] : memref<2560x128xi32, #tpu.memory_space<hbm>> -> memref<8x128xi32, #tpu.memory_space<hbm>>
      tpu.enqueue_dma source(%dma_start3A_295 : memref<8x128xi32, #tpu.memory_space<hbm>>) target(%dma_start3A_293 : memref<8x128xi32, #tpu.memory_space<vmem>>) target_semaphore(%run_scoped3A_283 : memref<!tpu.dma_semaphore, #tpu.memory_space<semaphore_mem>>)
      %dma_wait3A_296 = arith.constant 0 : i32
      %dma_wait3A_297 = arith.constant 0 : i32
      %dma_wait3A_298 = tpu.memref_slice %arg7[%run_scoped3A_17, %dma_wait3A_296, %dma_wait3A_297] : memref<2x8x128xi32, #tpu.memory_space<vmem>> -> memref<1x8x128xi32, #tpu.memory_space<vmem>>
      %dma_wait3A_299 = tpu.memref_squeeze %dma_wait3A_298 : memref<1x8x128xi32, #tpu.memory_space<vmem>> -> memref<8x128xi32, #tpu.memory_space<vmem>>
      %dma_wait3A_300 = arith.constant 0 : i32
      %dma_wait3A_301 = tpu.memref_slice %arg4[%mul3A_16, %dma_wait3A_300] : memref<2560x128xi32, #tpu.memory_space<hbm>> -> memref<8x128xi32, #tpu.memory_space<hbm>>
      %dma_wait3A_302 = arith.constant 0 : i32
      %dma_wait3A_303 = arith.constant 0 : i32
      %dma_wait3A_304 = tpu.memref_slice %arg7[%run_scoped3A_17, %dma_wait3A_302, %dma_wait3A_303] : memref<2x8x128xi32, #tpu.memory_space<vmem>> -> memref<1x8x128xi32, #tpu.memory_space<vmem>>
      %dma_wait3A_305 = tpu.memref_squeeze %dma_wait3A_304 : memref<1x8x128xi32, #tpu.memory_space<vmem>> -> memref<8x128xi32, #tpu.memory_space<vmem>>
      %dma_wait3A_306 = arith.constant 0 : i32
      %dma_wait3A_307 = tpu.memref_slice %arg4[%mul3A_16, %dma_wait3A_306] : memref<2560x128xi32, #tpu.memory_space<hbm>> -> memref<8x128xi32, #tpu.memory_space<hbm>>
      tpu.wait_dma2 semaphore(%run_scoped3A_283 : memref<!tpu.dma_semaphore, #tpu.memory_space<semaphore_mem>>) src(%dma_wait3A_307 : memref<8x128xi32, #tpu.memory_space<hbm>>) dst(%dma_wait3A_305 : memref<8x128xi32, #tpu.memory_space<vmem>>)
      tpu.yield
    }) : () -> ()
    %add3A_18 = arith.constant 8 : i32
    %add3A_19 = arith.addi %mul3A_16, %add3A_18 : i32
    %dma_start3A = arith.constant 1 : i32
    %dma_start3A_20 = arith.constant 0 : i32
    %dma_start3A_21 = arith.constant 0 : i32
    %dma_start3A_22 = tpu.memref_slice %arg6[%dma_start3A, %dma_start3A_20, %dma_start3A_21] : memref<2x8x128xi32, #tpu.memory_space<vmem>> -> memref<1x8x128xi32, #tpu.memory_space<vmem>>
    %dma_start3A_23 = tpu.memref_squeeze %dma_start3A_22 : memref<1x8x128xi32, #tpu.memory_space<vmem>> -> memref<8x128xi32, #tpu.memory_space<vmem>>
    %dma_start3A_24 = arith.constant 0 : i32
    %dma_start3A_25 = tpu.memref_slice %arg3[%arg0, %add3A_19, %dma_start3A_24] : memref<2x2560x128xi32, #tpu.memory_space<hbm>> -> memref<1x8x128xi32, #tpu.memory_space<hbm>>
    %dma_start3A_26 = tpu.memref_squeeze %dma_start3A_25 : memref<1x8x128xi32, #tpu.memory_space<hbm>> -> memref<8x128xi32, #tpu.memory_space<hbm>>
    %dma_start3A_27 = arith.constant 0 : i32
    %dma_start3A_28 = arith.constant 0 : i32
    %dma_start3A_29 = tpu.memref_slice %arg6[%dma_start3A, %dma_start3A_27, %dma_start3A_28] : memref<2x8x128xi32, #tpu.memory_space<vmem>> -> memref<1x8x128xi32, #tpu.memory_space<vmem>>
    %dma_start3A_30 = tpu.memref_squeeze %dma_start3A_29 : memref<1x8x128xi32, #tpu.memory_space<vmem>> -> memref<8x128xi32, #tpu.memory_space<vmem>>
    %dma_start3A_31 = arith.constant 0 : i32
    %dma_start3A_32 = tpu.memref_slice %arg3[%arg0, %add3A_19, %dma_start3A_31] : memref<2x2560x128xi32, #tpu.memory_space<hbm>> -> memref<1x8x128xi32, #tpu.memory_space<hbm>>
    %dma_start3A_33 = tpu.memref_squeeze %dma_start3A_32 : memref<1x8x128xi32, #tpu.memory_space<hbm>> -> memref<8x128xi32, #tpu.memory_space<hbm>>
    tpu.enqueue_dma source(%dma_start3A_33 : memref<8x128xi32, #tpu.memory_space<hbm>>) target(%dma_start3A_30 : memref<8x128xi32, #tpu.memory_space<vmem>>) target_semaphore(%arg26 : memref<!tpu.dma_semaphore, #tpu.memory_space<semaphore_mem>>)
    %add3A_34 = arith.constant 8 : i32
    %add3A_35 = arith.addi %mul3A_16, %add3A_34 : i32
    %dma_start3A_36 = arith.constant 1 : i32
    %dma_start3A_37 = arith.constant 0 : i32
    %dma_start3A_38 = arith.constant 0 : i32
    %dma_start3A_39 = tpu.memref_slice %arg7[%dma_start3A_36, %dma_start3A_37, %dma_start3A_38] : memref<2x8x128xi32, #tpu.memory_space<vmem>> -> memref<1x8x128xi32, #tpu.memory_space<vmem>>
    %dma_start3A_40 = tpu.memref_squeeze %dma_start3A_39 : memref<1x8x128xi32, #tpu.memory_space<vmem>> -> memref<8x128xi32, #tpu.memory_space<vmem>>
    %dma_start3A_41 = arith.constant 0 : i32
    %dma_start3A_42 = tpu.memref_slice %arg4[%add3A_35, %dma_start3A_41] : memref<2560x128xi32, #tpu.memory_space<hbm>> -> memref<8x128xi32, #tpu.memory_space<hbm>>
    %dma_start3A_43 = arith.constant 0 : i32
    %dma_start3A_44 = arith.constant 0 : i32
    %dma_start3A_45 = tpu.memref_slice %arg7[%dma_start3A_36, %dma_start3A_43, %dma_start3A_44] : memref<2x8x128xi32, #tpu.memory_space<vmem>> -> memref<1x8x128xi32, #tpu.memory_space<vmem>>
    %dma_start3A_46 = tpu.memref_squeeze %dma_start3A_45 : memref<1x8x128xi32, #tpu.memory_space<vmem>> -> memref<8x128xi32, #tpu.memory_space<vmem>>
    %dma_start3A_47 = arith.constant 0 : i32
    %dma_start3A_48 = tpu.memref_slice %arg4[%add3A_35, %dma_start3A_47] : memref<2560x128xi32, #tpu.memory_space<hbm>> -> memref<8x128xi32, #tpu.memory_space<hbm>>
    tpu.enqueue_dma source(%dma_start3A_48 : memref<8x128xi32, #tpu.memory_space<hbm>>) target(%dma_start3A_46 : memref<8x128xi32, #tpu.memory_space<vmem>>) target_semaphore(%arg26 : memref<!tpu.dma_semaphore, #tpu.memory_space<semaphore_mem>>)
    %dma_start3A_49 = arith.constant 0 : i32
    %dma_start3A_50 = arith.constant 0 : i32
    %dma_start3A_51 = arith.constant 0 : i32
    %dma_start3A_52 = tpu.memref_slice %arg6[%dma_start3A_49, %dma_start3A_50, %dma_start3A_51] : memref<2x8x128xi32, #tpu.memory_space<vmem>> -> memref<1x1x128xi32, #tpu.memory_space<vmem>>
    %dma_start3A_53 = tpu.memref_squeeze %dma_start3A_52 : memref<1x1x128xi32, #tpu.memory_space<vmem>> -> memref<128xi32, #tpu.memory_space<vmem>>
    %dma_start3A_54 = arith.constant 0 : i32
    %dma_start3A_55 = arith.constant 0 : i32
    %dma_start3A_56 = tpu.memref_slice %arg2[%dma_start3A_54, %dma_start3A_55] : memref<20000x64xf32, #tpu.memory_space<hbm>> -> memref<20000x64xf32, #tpu.memory_space<hbm>>
    tpu.enqueue_indirect_dma source(%dma_start3A_56 : memref<20000x64xf32, #tpu.memory_space<hbm>>) target(%arg8 : memref<128x64xf32, #tpu.memory_space<vmem>>) offsets(%dma_start3A_53 : memref<128xi32, #tpu.memory_space<vmem>>) semaphore(%arg18 : memref<!tpu.dma_semaphore, #tpu.memory_space<semaphore_mem>>)
    %dma_start3A_57 = arith.constant 0 : i32
    %dma_start3A_58 = arith.constant 1 : i32
    %dma_start3A_59 = arith.constant 0 : i32
    %dma_start3A_60 = tpu.memref_slice %arg6[%dma_start3A_57, %dma_start3A_58, %dma_start3A_59] : memref<2x8x128xi32, #tpu.memory_space<vmem>> -> memref<1x1x128xi32, #tpu.memory_space<vmem>>
    %dma_start3A_61 = tpu.memref_squeeze %dma_start3A_60 : memref<1x1x128xi32, #tpu.memory_space<vmem>> -> memref<128xi32, #tpu.memory_space<vmem>>
    %dma_start3A_62 = arith.constant 0 : i32
    %dma_start3A_63 = arith.constant 0 : i32
    %dma_start3A_64 = tpu.memref_slice %arg2[%dma_start3A_62, %dma_start3A_63] : memref<20000x64xf32, #tpu.memory_space<hbm>> -> memref<20000x64xf32, #tpu.memory_space<hbm>>
    tpu.enqueue_indirect_dma source(%dma_start3A_64 : memref<20000x64xf32, #tpu.memory_space<hbm>>) target(%arg9 : memref<128x64xf32, #tpu.memory_space<vmem>>) offsets(%dma_start3A_61 : memref<128xi32, #tpu.memory_space<vmem>>) semaphore(%arg19 : memref<!tpu.dma_semaphore, #tpu.memory_space<semaphore_mem>>)
    %dma_start3A_65 = arith.constant 0 : i32
    %dma_start3A_66 = arith.constant 2 : i32
    %dma_start3A_67 = arith.constant 0 : i32
    %dma_start3A_68 = tpu.memref_slice %arg6[%dma_start3A_65, %dma_start3A_66, %dma_start3A_67] : memref<2x8x128xi32, #tpu.memory_space<vmem>> -> memref<1x1x128xi32, #tpu.memory_space<vmem>>
    %dma_start3A_69 = tpu.memref_squeeze %dma_start3A_68 : memref<1x1x128xi32, #tpu.memory_space<vmem>> -> memref<128xi32, #tpu.memory_space<vmem>>
    %dma_start3A_70 = arith.constant 0 : i32
    %dma_start3A_71 = arith.constant 0 : i32
    %dma_start3A_72 = tpu.memref_slice %arg2[%dma_start3A_70, %dma_start3A_71] : memref<20000x64xf32, #tpu.memory_space<hbm>> -> memref<20000x64xf32, #tpu.memory_space<hbm>>
    tpu.enqueue_indirect_dma source(%dma_start3A_72 : memref<20000x64xf32, #tpu.memory_space<hbm>>) target(%arg10 : memref<128x64xf32, #tpu.memory_space<vmem>>) offsets(%dma_start3A_69 : memref<128xi32, #tpu.memory_space<vmem>>) semaphore(%arg20 : memref<!tpu.dma_semaphore, #tpu.memory_space<semaphore_mem>>)
    %dma_wait3A = arith.constant 0 : i32
    %dma_wait3A_73 = arith.constant 0 : i32
    %dma_wait3A_74 = tpu.memref_slice %arg2[%dma_wait3A, %dma_wait3A_73] : memref<20000x64xf32, #tpu.memory_space<hbm>> -> memref<128x64xf32, #tpu.memory_space<hbm>>
    %dma_wait3A_75 = arith.constant 0 : i32
    %dma_wait3A_76 = arith.constant 0 : i32
    %dma_wait3A_77 = tpu.memref_slice %arg2[%dma_wait3A_75, %dma_wait3A_76] : memref<20000x64xf32, #tpu.memory_space<hbm>> -> memref<128x64xf32, #tpu.memory_space<hbm>>
    tpu.wait_dma2 semaphore(%arg18 : memref<!tpu.dma_semaphore, #tpu.memory_space<semaphore_mem>>) src(%dma_wait3A_77 : memref<128x64xf32, #tpu.memory_space<hbm>>) dst(%arg8 : memref<128x64xf32, #tpu.memory_space<vmem>>)
    %dma_start3A_78 = arith.constant 0 : i32
    %dma_start3A_79 = arith.constant 0 : i32
    %dma_start3A_80 = arith.constant 0 : i32
    %dma_start3A_81 = tpu.memref_slice %arg7[%dma_start3A_78, %dma_start3A_79, %dma_start3A_80] : memref<2x8x128xi32, #tpu.memory_space<vmem>> -> memref<1x1x128xi32, #tpu.memory_space<vmem>>
    %dma_start3A_82 = tpu.memref_squeeze %dma_start3A_81 : memref<1x1x128xi32, #tpu.memory_space<vmem>> -> memref<128xi32, #tpu.memory_space<vmem>>
    %dma_start3A_83 = arith.constant 0 : i32
    %dma_start3A_84 = arith.constant 0 : i32
    %dma_start3A_85 = tpu.memref_slice %arg16[%dma_start3A_83, %dma_start3A_84] : memref<10240x64xf32, #tpu.memory_space<vmem_shared>> -> memref<10240x64xf32, #tpu.memory_space<vmem_shared>>
    tpu.enqueue_indirect_dma source(%arg8 : memref<128x64xf32, #tpu.memory_space<vmem>>) target(%dma_start3A_85 : memref<10240x64xf32, #tpu.memory_space<vmem_shared>>) offsets(%dma_start3A_82 : memref<128xi32, #tpu.memory_space<vmem>>) semaphore(%arg22 : memref<!tpu.dma_semaphore, #tpu.memory_space<semaphore_mem>>) {add = true}
    %dma_start3A_86 = arith.constant 0 : i32
    %dma_start3A_87 = arith.constant 3 : i32
    %dma_start3A_88 = arith.constant 0 : i32
    %dma_start3A_89 = tpu.memref_slice %arg6[%dma_start3A_86, %dma_start3A_87, %dma_start3A_88] : memref<2x8x128xi32, #tpu.memory_space<vmem>> -> memref<1x1x128xi32, #tpu.memory_space<vmem>>
    %dma_start3A_90 = tpu.memref_squeeze %dma_start3A_89 : memref<1x1x128xi32, #tpu.memory_space<vmem>> -> memref<128xi32, #tpu.memory_space<vmem>>
    %dma_start3A_91 = arith.constant 0 : i32
    %dma_start3A_92 = arith.constant 0 : i32
    %dma_start3A_93 = tpu.memref_slice %arg2[%dma_start3A_91, %dma_start3A_92] : memref<20000x64xf32, #tpu.memory_space<hbm>> -> memref<20000x64xf32, #tpu.memory_space<hbm>>
    tpu.enqueue_indirect_dma source(%dma_start3A_93 : memref<20000x64xf32, #tpu.memory_space<hbm>>) target(%arg11 : memref<128x64xf32, #tpu.memory_space<vmem>>) offsets(%dma_start3A_90 : memref<128xi32, #tpu.memory_space<vmem>>) semaphore(%arg21 : memref<!tpu.dma_semaphore, #tpu.memory_space<semaphore_mem>>)
    %dma_wait3A_94 = arith.constant 0 : i32
    %dma_wait3A_95 = arith.constant 0 : i32
    %dma_wait3A_96 = tpu.memref_slice %arg2[%dma_wait3A_94, %dma_wait3A_95] : memref<20000x64xf32, #tpu.memory_space<hbm>> -> memref<128x64xf32, #tpu.memory_space<hbm>>
    %dma_wait3A_97 = arith.constant 0 : i32
    %dma_wait3A_98 = arith.constant 0 : i32
    %dma_wait3A_99 = tpu.memref_slice %arg2[%dma_wait3A_97, %dma_wait3A_98] : memref<20000x64xf32, #tpu.memory_space<hbm>> -> memref<128x64xf32, #tpu.memory_space<hbm>>
    tpu.wait_dma2 semaphore(%arg19 : memref<!tpu.dma_semaphore, #tpu.memory_space<semaphore_mem>>) src(%dma_wait3A_99 : memref<128x64xf32, #tpu.memory_space<hbm>>) dst(%arg9 : memref<128x64xf32, #tpu.memory_space<vmem>>)
    %dma_start3A_100 = arith.constant 0 : i32
    %dma_start3A_101 = arith.constant 1 : i32
    %dma_start3A_102 = arith.constant 0 : i32
    %dma_start3A_103 = tpu.memref_slice %arg7[%dma_start3A_100, %dma_start3A_101, %dma_start3A_102] : memref<2x8x128xi32, #tpu.memory_space<vmem>> -> memref<1x1x128xi32, #tpu.memory_space<vmem>>
    %dma_start3A_104 = tpu.memref_squeeze %dma_start3A_103 : memref<1x1x128xi32, #tpu.memory_space<vmem>> -> memref<128xi32, #tpu.memory_space<vmem>>
    %dma_start3A_105 = arith.constant 0 : i32
    %dma_start3A_106 = arith.constant 0 : i32
    %dma_start3A_107 = tpu.memref_slice %arg16[%dma_start3A_105, %dma_start3A_106] : memref<10240x64xf32, #tpu.memory_space<vmem_shared>> -> memref<10240x64xf32, #tpu.memory_space<vmem_shared>>
    tpu.enqueue_indirect_dma source(%arg9 : memref<128x64xf32, #tpu.memory_space<vmem>>) target(%dma_start3A_107 : memref<10240x64xf32, #tpu.memory_space<vmem_shared>>) offsets(%dma_start3A_104 : memref<128xi32, #tpu.memory_space<vmem>>) semaphore(%arg23 : memref<!tpu.dma_semaphore, #tpu.memory_space<semaphore_mem>>) {add = true}
    %dma_wait3A_108 = arith.constant 0 : i32
    %dma_wait3A_109 = arith.constant 0 : i32
    %dma_wait3A_110 = tpu.memref_slice %arg16[%dma_wait3A_108, %dma_wait3A_109] : memref<10240x64xf32, #tpu.memory_space<vmem_shared>> -> memref<128x64xf32, #tpu.memory_space<vmem_shared>>
    %dma_wait3A_111 = arith.constant 0 : i32
    %dma_wait3A_112 = arith.constant 0 : i32
    %dma_wait3A_113 = tpu.memref_slice %arg16[%dma_wait3A_111, %dma_wait3A_112] : memref<10240x64xf32, #tpu.memory_space<vmem_shared>> -> memref<128x64xf32, #tpu.memory_space<vmem_shared>>
    tpu.wait_dma2 semaphore(%arg22 : memref<!tpu.dma_semaphore, #tpu.memory_space<semaphore_mem>>) src(%arg8 : memref<128x64xf32, #tpu.memory_space<vmem>>) dst(%dma_wait3A_113 : memref<128x64xf32, #tpu.memory_space<vmem_shared>>)
    %dma_start3A_114 = arith.constant 0 : i32
    %dma_start3A_115 = arith.constant 4 : i32
    %dma_start3A_116 = arith.constant 0 : i32
    %dma_start3A_117 = tpu.memref_slice %arg6[%dma_start3A_114, %dma_start3A_115, %dma_start3A_116] : memref<2x8x128xi32, #tpu.memory_space<vmem>> -> memref<1x1x128xi32, #tpu.memory_space<vmem>>
    %dma_start3A_118 = tpu.memref_squeeze %dma_start3A_117 : memref<1x1x128xi32, #tpu.memory_space<vmem>> -> memref<128xi32, #tpu.memory_space<vmem>>
    %dma_start3A_119 = arith.constant 0 : i32
    %dma_start3A_120 = arith.constant 0 : i32
    %dma_start3A_121 = tpu.memref_slice %arg2[%dma_start3A_119, %dma_start3A_120] : memref<20000x64xf32, #tpu.memory_space<hbm>> -> memref<20000x64xf32, #tpu.memory_space<hbm>>
    tpu.enqueue_indirect_dma source(%dma_start3A_121 : memref<20000x64xf32, #tpu.memory_space<hbm>>) target(%arg8 : memref<128x64xf32, #tpu.memory_space<vmem>>) offsets(%dma_start3A_118 : memref<128xi32, #tpu.memory_space<vmem>>) semaphore(%arg18 : memref<!tpu.dma_semaphore, #tpu.memory_space<semaphore_mem>>)
    %dma_wait3A_122 = arith.constant 0 : i32
    %dma_wait3A_123 = arith.constant 0 : i32
    %dma_wait3A_124 = tpu.memref_slice %arg2[%dma_wait3A_122, %dma_wait3A_123] : memref<20000x64xf32, #tpu.memory_space<hbm>> -> memref<128x64xf32, #tpu.memory_space<hbm>>
    %dma_wait3A_125 = arith.constant 0 : i32
    %dma_wait3A_126 = arith.constant 0 : i32
    %dma_wait3A_127 = tpu.memref_slice %arg2[%dma_wait3A_125, %dma_wait3A_126] : memref<20000x64xf32, #tpu.memory_space<hbm>> -> memref<128x64xf32, #tpu.memory_space<hbm>>
    tpu.wait_dma2 semaphore(%arg20 : memref<!tpu.dma_semaphore, #tpu.memory_space<semaphore_mem>>) src(%dma_wait3A_127 : memref<128x64xf32, #tpu.memory_space<hbm>>) dst(%arg10 : memref<128x64xf32, #tpu.memory_space<vmem>>)
    %dma_start3A_128 = arith.constant 0 : i32
    %dma_start3A_129 = arith.constant 2 : i32
    %dma_start3A_130 = arith.constant 0 : i32
    %dma_start3A_131 = tpu.memref_slice %arg7[%dma_start3A_128, %dma_start3A_129, %dma_start3A_130] : memref<2x8x128xi32, #tpu.memory_space<vmem>> -> memref<1x1x128xi32, #tpu.memory_space<vmem>>
    %dma_start3A_132 = tpu.memref_squeeze %dma_start3A_131 : memref<1x1x128xi32, #tpu.memory_space<vmem>> -> memref<128xi32, #tpu.memory_space<vmem>>
    %dma_start3A_133 = arith.constant 0 : i32
    %dma_start3A_134 = arith.constant 0 : i32
    %dma_start3A_135 = tpu.memref_slice %arg16[%dma_start3A_133, %dma_start3A_134] : memref<10240x64xf32, #tpu.memory_space<vmem_shared>> -> memref<10240x64xf32, #tpu.memory_space<vmem_shared>>
    tpu.enqueue_indirect_dma source(%arg10 : memref<128x64xf32, #tpu.memory_space<vmem>>) target(%dma_start3A_135 : memref<10240x64xf32, #tpu.memory_space<vmem_shared>>) offsets(%dma_start3A_132 : memref<128xi32, #tpu.memory_space<vmem>>) semaphore(%arg24 : memref<!tpu.dma_semaphore, #tpu.memory_space<semaphore_mem>>) {add = true}
    %dma_wait3A_136 = arith.constant 0 : i32
    %dma_wait3A_137 = arith.constant 0 : i32
    %dma_wait3A_138 = tpu.memref_slice %arg16[%dma_wait3A_136, %dma_wait3A_137] : memref<10240x64xf32, #tpu.memory_space<vmem_shared>> -> memref<128x64xf32, #tpu.memory_space<vmem_shared>>
    %dma_wait3A_139 = arith.constant 0 : i32
    %dma_wait3A_140 = arith.constant 0 : i32
    %dma_wait3A_141 = tpu.memref_slice %arg16[%dma_wait3A_139, %dma_wait3A_140] : memref<10240x64xf32, #tpu.memory_space<vmem_shared>> -> memref<128x64xf32, #tpu.memory_space<vmem_shared>>
    tpu.wait_dma2 semaphore(%arg23 : memref<!tpu.dma_semaphore, #tpu.memory_space<semaphore_mem>>) src(%arg9 : memref<128x64xf32, #tpu.memory_space<vmem>>) dst(%dma_wait3A_141 : memref<128x64xf32, #tpu.memory_space<vmem_shared>>)
    %dma_start3A_142 = arith.constant 0 : i32
    %dma_start3A_143 = arith.constant 5 : i32
    %dma_start3A_144 = arith.constant 0 : i32
    %dma_start3A_145 = tpu.memref_slice %arg6[%dma_start3A_142, %dma_start3A_143, %dma_start3A_144] : memref<2x8x128xi32, #tpu.memory_space<vmem>> -> memref<1x1x128xi32, #tpu.memory_space<vmem>>
    %dma_start3A_146 = tpu.memref_squeeze %dma_start3A_145 : memref<1x1x128xi32, #tpu.memory_space<vmem>> -> memref<128xi32, #tpu.memory_space<vmem>>
    %dma_start3A_147 = arith.constant 0 : i32
    %dma_start3A_148 = arith.constant 0 : i32
    %dma_start3A_149 = tpu.memref_slice %arg2[%dma_start3A_147, %dma_start3A_148] : memref<20000x64xf32, #tpu.memory_space<hbm>> -> memref<20000x64xf32, #tpu.memory_space<hbm>>
    tpu.enqueue_indirect_dma source(%dma_start3A_149 : memref<20000x64xf32, #tpu.memory_space<hbm>>) target(%arg9 : memref<128x64xf32, #tpu.memory_space<vmem>>) offsets(%dma_start3A_146 : memref<128xi32, #tpu.memory_space<vmem>>) semaphore(%arg19 : memref<!tpu.dma_semaphore, #tpu.memory_space<semaphore_mem>>)
    %dma_wait3A_150 = arith.constant 0 : i32
    %dma_wait3A_151 = arith.constant 0 : i32
    %dma_wait3A_152 = tpu.memref_slice %arg2[%dma_wait3A_150, %dma_wait3A_151] : memref<20000x64xf32, #tpu.memory_space<hbm>> -> memref<128x64xf32, #tpu.memory_space<hbm>>
    %dma_wait3A_153 = arith.constant 0 : i32
    %dma_wait3A_154 = arith.constant 0 : i32
    %dma_wait3A_155 = tpu.memref_slice %arg2[%dma_wait3A_153, %dma_wait3A_154] : memref<20000x64xf32, #tpu.memory_space<hbm>> -> memref<128x64xf32, #tpu.memory_space<hbm>>
    tpu.wait_dma2 semaphore(%arg21 : memref<!tpu.dma_semaphore, #tpu.memory_space<semaphore_mem>>) src(%dma_wait3A_155 : memref<128x64xf32, #tpu.memory_space<hbm>>) dst(%arg11 : memref<128x64xf32, #tpu.memory_space<vmem>>)
    %dma_start3A_156 = arith.constant 0 : i32
    %dma_start3A_157 = arith.constant 3 : i32
    %dma_start3A_158 = arith.constant 0 : i32
    %dma_start3A_159 = tpu.memref_slice %arg7[%dma_start3A_156, %dma_start3A_157, %dma_start3A_158] : memref<2x8x128xi32, #tpu.memory_space<vmem>> -> memref<1x1x128xi32, #tpu.memory_space<vmem>>
    %dma_start3A_160 = tpu.memref_squeeze %dma_start3A_159 : memref<1x1x128xi32, #tpu.memory_space<vmem>> -> memref<128xi32, #tpu.memory_space<vmem>>
    %dma_start3A_161 = arith.constant 0 : i32
    %dma_start3A_162 = arith.constant 0 : i32
    %dma_start3A_163 = tpu.memref_slice %arg16[%dma_start3A_161, %dma_start3A_162] : memref<10240x64xf32, #tpu.memory_space<vmem_shared>> -> memref<10240x64xf32, #tpu.memory_space<vmem_shared>>
    tpu.enqueue_indirect_dma source(%arg11 : memref<128x64xf32, #tpu.memory_space<vmem>>) target(%dma_start3A_163 : memref<10240x64xf32, #tpu.memory_space<vmem_shared>>) offsets(%dma_start3A_160 : memref<128xi32, #tpu.memory_space<vmem>>) semaphore(%arg25 : memref<!tpu.dma_semaphore, #tpu.memory_space<semaphore_mem>>) {add = true}
    %dma_wait3A_164 = arith.constant 0 : i32
    %dma_wait3A_165 = arith.constant 0 : i32
    %dma_wait3A_166 = tpu.memref_slice %arg16[%dma_wait3A_164, %dma_wait3A_165] : memref<10240x64xf32, #tpu.memory_space<vmem_shared>> -> memref<128x64xf32, #tpu.memory_space<vmem_shared>>
    %dma_wait3A_167 = arith.constant 0 : i32
    %dma_wait3A_168 = arith.constant 0 : i32
    %dma_wait3A_169 = tpu.memref_slice %arg16[%dma_wait3A_167, %dma_wait3A_168] : memref<10240x64xf32, #tpu.memory_space<vmem_shared>> -> memref<128x64xf32, #tpu.memory_space<vmem_shared>>
    tpu.wait_dma2 semaphore(%arg24 : memref<!tpu.dma_semaphore, #tpu.memory_space<semaphore_mem>>) src(%arg10 : memref<128x64xf32, #tpu.memory_space<vmem>>) dst(%dma_wait3A_169 : memref<128x64xf32, #tpu.memory_space<vmem_shared>>)
    %dma_start3A_170 = arith.constant 0 : i32
    %dma_start3A_171 = arith.constant 6 : i32
    %dma_start3A_172 = arith.constant 0 : i32
    %dma_start3A_173 = tpu.memref_slice %arg6[%dma_start3A_170, %dma_start3A_171, %dma_start3A_172] : memref<2x8x128xi32, #tpu.memory_space<vmem>> -> memref<1x1x128xi32, #tpu.memory_space<vmem>>
    %dma_start3A_174 = tpu.memref_squeeze %dma_start3A_173 : memref<1x1x128xi32, #tpu.memory_space<vmem>> -> memref<128xi32, #tpu.memory_space<vmem>>
    %dma_start3A_175 = arith.constant 0 : i32
    %dma_start3A_176 = arith.constant 0 : i32
    %dma_start3A_177 = tpu.memref_slice %arg2[%dma_start3A_175, %dma_start3A_176] : memref<20000x64xf32, #tpu.memory_space<hbm>> -> memref<20000x64xf32, #tpu.memory_space<hbm>>
    tpu.enqueue_indirect_dma source(%dma_start3A_177 : memref<20000x64xf32, #tpu.memory_space<hbm>>) target(%arg10 : memref<128x64xf32, #tpu.memory_space<vmem>>) offsets(%dma_start3A_174 : memref<128xi32, #tpu.memory_space<vmem>>) semaphore(%arg20 : memref<!tpu.dma_semaphore, #tpu.memory_space<semaphore_mem>>)
    %dma_wait3A_178 = arith.constant 0 : i32
    %dma_wait3A_179 = arith.constant 0 : i32
    %dma_wait3A_180 = tpu.memref_slice %arg2[%dma_wait3A_178, %dma_wait3A_179] : memref<20000x64xf32, #tpu.memory_space<hbm>> -> memref<128x64xf32, #tpu.memory_space<hbm>>
    %dma_wait3A_181 = arith.constant 0 : i32
    %dma_wait3A_182 = arith.constant 0 : i32
    %dma_wait3A_183 = tpu.memref_slice %arg2[%dma_wait3A_181, %dma_wait3A_182] : memref<20000x64xf32, #tpu.memory_space<hbm>> -> memref<128x64xf32, #tpu.memory_space<hbm>>
    tpu.wait_dma2 semaphore(%arg18 : memref<!tpu.dma_semaphore, #tpu.memory_space<semaphore_mem>>) src(%dma_wait3A_183 : memref<128x64xf32, #tpu.memory_space<hbm>>) dst(%arg8 : memref<128x64xf32, #tpu.memory_space<vmem>>)
    %dma_start3A_184 = arith.constant 0 : i32
    %dma_start3A_185 = arith.constant 4 : i32
    %dma_start3A_186 = arith.constant 0 : i32
    %dma_start3A_187 = tpu.memref_slice %arg7[%dma_start3A_184, %dma_start3A_185, %dma_start3A_186] : memref<2x8x128xi32, #tpu.memory_space<vmem>> -> memref<1x1x128xi32, #tpu.memory_space<vmem>>
    %dma_start3A_188 = tpu.memref_squeeze %dma_start3A_187 : memref<1x1x128xi32, #tpu.memory_space<vmem>> -> memref<128xi32, #tpu.memory_space<vmem>>
    %dma_start3A_189 = arith.constant 0 : i32
    %dma_start3A_190 = arith.constant 0 : i32
    %dma_start3A_191 = tpu.memref_slice %arg16[%dma_start3A_189, %dma_start3A_190] : memref<10240x64xf32, #tpu.memory_space<vmem_shared>> -> memref<10240x64xf32, #tpu.memory_space<vmem_shared>>
    tpu.enqueue_indirect_dma source(%arg8 : memref<128x64xf32, #tpu.memory_space<vmem>>) target(%dma_start3A_191 : memref<10240x64xf32, #tpu.memory_space<vmem_shared>>) offsets(%dma_start3A_188 : memref<128xi32, #tpu.memory_space<vmem>>) semaphore(%arg22 : memref<!tpu.dma_semaphore, #tpu.memory_space<semaphore_mem>>) {add = true}
    %dma_wait3A_192 = arith.constant 0 : i32
    %dma_wait3A_193 = arith.constant 0 : i32
    %dma_wait3A_194 = tpu.memref_slice %arg16[%dma_wait3A_192, %dma_wait3A_193] : memref<10240x64xf32, #tpu.memory_space<vmem_shared>> -> memref<128x64xf32, #tpu.memory_space<vmem_shared>>
    %dma_wait3A_195 = arith.constant 0 : i32
    %dma_wait3A_196 = arith.constant 0 : i32
    %dma_wait3A_197 = tpu.memref_slice %arg16[%dma_wait3A_195, %dma_wait3A_196] : memref<10240x64xf32, #tpu.memory_space<vmem_shared>> -> memref<128x64xf32, #tpu.memory_space<vmem_shared>>
    tpu.wait_dma2 semaphore(%arg25 : memref<!tpu.dma_semaphore, #tpu.memory_space<semaphore_mem>>) src(%arg11 : memref<128x64xf32, #tpu.memory_space<vmem>>) dst(%dma_wait3A_197 : memref<128x64xf32, #tpu.memory_space<vmem_shared>>)
    %dma_start3A_198 = arith.constant 0 : i32
    %dma_start3A_199 = arith.constant 7 : i32
    %dma_start3A_200 = arith.constant 0 : i32
    %dma_start3A_201 = tpu.memref_slice %arg6[%dma_start3A_198, %dma_start3A_199, %dma_start3A_200] : memref<2x8x128xi32, #tpu.memory_space<vmem>> -> memref<1x1x128xi32, #tpu.memory_space<vmem>>
    %dma_start3A_202 = tpu.memref_squeeze %dma_start3A_201 : memref<1x1x128xi32, #tpu.memory_space<vmem>> -> memref<128xi32, #tpu.memory_space<vmem>>
    %dma_start3A_203 = arith.constant 0 : i32
    %dma_start3A_204 = arith.constant 0 : i32
    %dma_start3A_205 = tpu.memref_slice %arg2[%dma_start3A_203, %dma_start3A_204] : memref<20000x64xf32, #tpu.memory_space<hbm>> -> memref<20000x64xf32, #tpu.memory_space<hbm>>
    tpu.enqueue_indirect_dma source(%dma_start3A_205 : memref<20000x64xf32, #tpu.memory_space<hbm>>) target(%arg11 : memref<128x64xf32, #tpu.memory_space<vmem>>) offsets(%dma_start3A_202 : memref<128xi32, #tpu.memory_space<vmem>>) semaphore(%arg21 : memref<!tpu.dma_semaphore, #tpu.memory_space<semaphore_mem>>)
    %dma_wait3A_206 = arith.constant 0 : i32
    %dma_wait3A_207 = arith.constant 0 : i32
    %dma_wait3A_208 = tpu.memref_slice %arg2[%dma_wait3A_206, %dma_wait3A_207] : memref<20000x64xf32, #tpu.memory_space<hbm>> -> memref<128x64xf32, #tpu.memory_space<hbm>>
    %dma_wait3A_209 = arith.constant 0 : i32
    %dma_wait3A_210 = arith.constant 0 : i32
    %dma_wait3A_211 = tpu.memref_slice %arg2[%dma_wait3A_209, %dma_wait3A_210] : memref<20000x64xf32, #tpu.memory_space<hbm>> -> memref<128x64xf32, #tpu.memory_space<hbm>>
    tpu.wait_dma2 semaphore(%arg19 : memref<!tpu.dma_semaphore, #tpu.memory_space<semaphore_mem>>) src(%dma_wait3A_211 : memref<128x64xf32, #tpu.memory_space<hbm>>) dst(%arg9 : memref<128x64xf32, #tpu.memory_space<vmem>>)
    %dma_start3A_212 = arith.constant 0 : i32
    %dma_start3A_213 = arith.constant 5 : i32
    %dma_start3A_214 = arith.constant 0 : i32
    %dma_start3A_215 = tpu.memref_slice %arg7[%dma_start3A_212, %dma_start3A_213, %dma_start3A_214] : memref<2x8x128xi32, #tpu.memory_space<vmem>> -> memref<1x1x128xi32, #tpu.memory_space<vmem>>
    %dma_start3A_216 = tpu.memref_squeeze %dma_start3A_215 : memref<1x1x128xi32, #tpu.memory_space<vmem>> -> memref<128xi32, #tpu.memory_space<vmem>>
    %dma_start3A_217 = arith.constant 0 : i32
    %dma_start3A_218 = arith.constant 0 : i32
    %dma_start3A_219 = tpu.memref_slice %arg16[%dma_start3A_217, %dma_start3A_218] : memref<10240x64xf32, #tpu.memory_space<vmem_shared>> -> memref<10240x64xf32, #tpu.memory_space<vmem_shared>>
    tpu.enqueue_indirect_dma source(%arg9 : memref<128x64xf32, #tpu.memory_space<vmem>>) target(%dma_start3A_219 : memref<10240x64xf32, #tpu.memory_space<vmem_shared>>) offsets(%dma_start3A_216 : memref<128xi32, #tpu.memory_space<vmem>>) semaphore(%arg23 : memref<!tpu.dma_semaphore, #tpu.memory_space<semaphore_mem>>) {add = true}
    %scan3A_220 = arith.constant 0 : i32
    %scan3A_221 = arith.constant 1 : i32
    %scan3A_222 = arith.constant 19 : i32
    %scan3A_223 = arith.addi %scan3A_221, %scan3A_222 : i32
    %scan3A_224 = arith.constant 1 : i32
    scf.for %scan3A_283 = %scan3A_221 to %scan3A_223 step %scan3A_224  : i32 {
      %rem3A = arith.constant 2 : i32
      %rem3A_284 = arith.remsi %scan3A_283, %rem3A : i32
      %add3A_285 = arith.constant 2 : i32
      %add3A_286 = arith.addi %scan3A_283, %add3A_285 : i32
      %sub3A = arith.constant 1 : i32
      %sub3A_287 = arith.subi %add3A_286, %sub3A : i32
      %rem3A_288 = arith.constant 2 : i32
      %rem3A_289 = arith.remsi %sub3A_287, %rem3A_288 : i32
      %add3A_290 = arith.constant 1 : i32
      %add3A_291 = arith.addi %scan3A_283, %add3A_290 : i32
      %rem3A_292 = arith.constant 2 : i32
      %rem3A_293 = arith.remsi %add3A_291, %rem3A_292 : i32
      %dma_wait3A_294 = arith.constant 0 : i32
      %dma_wait3A_295 = arith.constant 0 : i32
      %dma_wait3A_296 = tpu.memref_slice %arg6[%rem3A_284, %dma_wait3A_294, %dma_wait3A_295] : memref<2x8x128xi32, #tpu.memory_space<vmem>> -> memref<1x8x128xi32, #tpu.memory_space<vmem>>
      %dma_wait3A_297 = tpu.memref_squeeze %dma_wait3A_296 : memref<1x8x128xi32, #tpu.memory_space<vmem>> -> memref<8x128xi32, #tpu.memory_space<vmem>>
      %dma_wait3A_298 = arith.constant 0 : i32
      %dma_wait3A_299 = arith.constant 0 : i32
      %dma_wait3A_300 = tpu.memref_slice %arg3[%arg0, %dma_wait3A_298, %dma_wait3A_299] : memref<2x2560x128xi32, #tpu.memory_space<hbm>> -> memref<1x8x128xi32, #tpu.memory_space<hbm>>
      %dma_wait3A_301 = tpu.memref_squeeze %dma_wait3A_300 : memref<1x8x128xi32, #tpu.memory_space<hbm>> -> memref<8x128xi32, #tpu.memory_space<hbm>>
      %dma_wait3A_302 = arith.constant 0 : i32
      %dma_wait3A_303 = arith.constant 0 : i32
      %dma_wait3A_304 = tpu.memref_slice %arg6[%rem3A_284, %dma_wait3A_302, %dma_wait3A_303] : memref<2x8x128xi32, #tpu.memory_space<vmem>> -> memref<1x8x128xi32, #tpu.memory_space<vmem>>
      %dma_wait3A_305 = tpu.memref_squeeze %dma_wait3A_304 : memref<1x8x128xi32, #tpu.memory_space<vmem>> -> memref<8x128xi32, #tpu.memory_space<vmem>>
      %dma_wait3A_306 = arith.constant 0 : i32
      %dma_wait3A_307 = arith.constant 0 : i32
      %dma_wait3A_308 = tpu.memref_slice %arg3[%arg0, %dma_wait3A_306, %dma_wait3A_307] : memref<2x2560x128xi32, #tpu.memory_space<hbm>> -> memref<1x8x128xi32, #tpu.memory_space<hbm>>
      %dma_wait3A_309 = tpu.memref_squeeze %dma_wait3A_308 : memref<1x8x128xi32, #tpu.memory_space<hbm>> -> memref<8x128xi32, #tpu.memory_space<hbm>>
      tpu.wait_dma2 semaphore(%arg26 : memref<!tpu.dma_semaphore, #tpu.memory_space<semaphore_mem>>) src(%dma_wait3A_309 : memref<8x128xi32, #tpu.memory_space<hbm>>) dst(%dma_wait3A_305 : memref<8x128xi32, #tpu.memory_space<vmem>>)
      %dma_wait3A_310 = arith.constant 0 : i32
      %dma_wait3A_311 = arith.constant 0 : i32
      %dma_wait3A_312 = tpu.memref_slice %arg7[%rem3A_284, %dma_wait3A_310, %dma_wait3A_311] : memref<2x8x128xi32, #tpu.memory_space<vmem>> -> memref<1x8x128xi32, #tpu.memory_space<vmem>>
      %dma_wait3A_313 = tpu.memref_squeeze %dma_wait3A_312 : memref<1x8x128xi32, #tpu.memory_space<vmem>> -> memref<8x128xi32, #tpu.memory_space<vmem>>
      %dma_wait3A_314 = arith.constant 0 : i32
      %dma_wait3A_315 = arith.constant 0 : i32
      %dma_wait3A_316 = tpu.memref_slice %arg4[%dma_wait3A_314, %dma_wait3A_315] : memref<2560x128xi32, #tpu.memory_space<hbm>> -> memref<8x128xi32, #tpu.memory_space<hbm>>
      %dma_wait3A_317 = arith.constant 0 : i32
      %dma_wait3A_318 = arith.constant 0 : i32
      %dma_wait3A_319 = tpu.memref_slice %arg7[%rem3A_284, %dma_wait3A_317, %dma_wait3A_318] : memref<2x8x128xi32, #tpu.memory_space<vmem>> -> memref<1x8x128xi32, #tpu.memory_space<vmem>>
      %dma_wait3A_320 = tpu.memref_squeeze %dma_wait3A_319 : memref<1x8x128xi32, #tpu.memory_space<vmem>> -> memref<8x128xi32, #tpu.memory_space<vmem>>
      %dma_wait3A_321 = arith.constant 0 : i32
      %dma_wait3A_322 = arith.constant 0 : i32
      %dma_wait3A_323 = tpu.memref_slice %arg4[%dma_wait3A_321, %dma_wait3A_322] : memref<2560x128xi32, #tpu.memory_space<hbm>> -> memref<8x128xi32, #tpu.memory_space<hbm>>
      tpu.wait_dma2 semaphore(%arg26 : memref<!tpu.dma_semaphore, #tpu.memory_space<semaphore_mem>>) src(%dma_wait3A_323 : memref<8x128xi32, #tpu.memory_space<hbm>>) dst(%dma_wait3A_320 : memref<8x128xi32, #tpu.memory_space<vmem>>)
      %dma_wait3A_324 = arith.constant 0 : i32
      %dma_wait3A_325 = arith.constant 0 : i32
      %dma_wait3A_326 = tpu.memref_slice %arg16[%dma_wait3A_324, %dma_wait3A_325] : memref<10240x64xf32, #tpu.memory_space<vmem_shared>> -> memref<128x64xf32, #tpu.memory_space<vmem_shared>>
      %dma_wait3A_327 = arith.constant 0 : i32
      %dma_wait3A_328 = arith.constant 0 : i32
      %dma_wait3A_329 = tpu.memref_slice %arg16[%dma_wait3A_327, %dma_wait3A_328] : memref<10240x64xf32, #tpu.memory_space<vmem_shared>> -> memref<128x64xf32, #tpu.memory_space<vmem_shared>>
      tpu.wait_dma2 semaphore(%arg22 : memref<!tpu.dma_semaphore, #tpu.memory_space<semaphore_mem>>) src(%arg8 : memref<128x64xf32, #tpu.memory_space<vmem>>) dst(%dma_wait3A_329 : memref<128x64xf32, #tpu.memory_space<vmem_shared>>)
      %dma_start3A_330 = arith.constant 0 : i32
      %dma_start3A_331 = arith.constant 0 : i32
      %dma_start3A_332 = tpu.memref_slice %arg6[%rem3A_284, %dma_start3A_330, %dma_start3A_331] : memref<2x8x128xi32, #tpu.memory_space<vmem>> -> memref<1x1x128xi32, #tpu.memory_space<vmem>>
      %dma_start3A_333 = tpu.memref_squeeze %dma_start3A_332 : memref<1x1x128xi32, #tpu.memory_space<vmem>> -> memref<128xi32, #tpu.memory_space<vmem>>
      %dma_start3A_334 = arith.constant 0 : i32
      %dma_start3A_335 = arith.constant 0 : i32
      %dma_start3A_336 = tpu.memref_slice %arg2[%dma_start3A_334, %dma_start3A_335] : memref<20000x64xf32, #tpu.memory_space<hbm>> -> memref<20000x64xf32, #tpu.memory_space<hbm>>
      tpu.enqueue_indirect_dma source(%dma_start3A_336 : memref<20000x64xf32, #tpu.memory_space<hbm>>) target(%arg8 : memref<128x64xf32, #tpu.memory_space<vmem>>) offsets(%dma_start3A_333 : memref<128xi32, #tpu.memory_space<vmem>>) semaphore(%arg18 : memref<!tpu.dma_semaphore, #tpu.memory_space<semaphore_mem>>)
      %dma_wait3A_337 = arith.constant 0 : i32
      %dma_wait3A_338 = arith.constant 0 : i32
      %dma_wait3A_339 = tpu.memref_slice %arg2[%dma_wait3A_337, %dma_wait3A_338] : memref<20000x64xf32, #tpu.memory_space<hbm>> -> memref<128x64xf32, #tpu.memory_space<hbm>>
      %dma_wait3A_340 = arith.constant 0 : i32
      %dma_wait3A_341 = arith.constant 0 : i32
      %dma_wait3A_342 = tpu.memref_slice %arg2[%dma_wait3A_340, %dma_wait3A_341] : memref<20000x64xf32, #tpu.memory_space<hbm>> -> memref<128x64xf32, #tpu.memory_space<hbm>>
      tpu.wait_dma2 semaphore(%arg20 : memref<!tpu.dma_semaphore, #tpu.memory_space<semaphore_mem>>) src(%dma_wait3A_342 : memref<128x64xf32, #tpu.memory_space<hbm>>) dst(%arg10 : memref<128x64xf32, #tpu.memory_space<vmem>>)
      %dma_start3A_343 = arith.constant 6 : i32
      %dma_start3A_344 = arith.constant 0 : i32
      %dma_start3A_345 = tpu.memref_slice %arg7[%rem3A_289, %dma_start3A_343, %dma_start3A_344] : memref<2x8x128xi32, #tpu.memory_space<vmem>> -> memref<1x1x128xi32, #tpu.memory_space<vmem>>
      %dma_start3A_346 = tpu.memref_squeeze %dma_start3A_345 : memref<1x1x128xi32, #tpu.memory_space<vmem>> -> memref<128xi32, #tpu.memory_space<vmem>>
      %dma_start3A_347 = arith.constant 0 : i32
      %dma_start3A_348 = arith.constant 0 : i32
      %dma_start3A_349 = tpu.memref_slice %arg16[%dma_start3A_347, %dma_start3A_348] : memref<10240x64xf32, #tpu.memory_space<vmem_shared>> -> memref<10240x64xf32, #tpu.memory_space<vmem_shared>>
      tpu.enqueue_indirect_dma source(%arg10 : memref<128x64xf32, #tpu.memory_space<vmem>>) target(%dma_start3A_349 : memref<10240x64xf32, #tpu.memory_space<vmem_shared>>) offsets(%dma_start3A_346 : memref<128xi32, #tpu.memory_space<vmem>>) semaphore(%arg24 : memref<!tpu.dma_semaphore, #tpu.memory_space<semaphore_mem>>) {add = true}
      %dma_wait3A_350 = arith.constant 0 : i32
      %dma_wait3A_351 = arith.constant 0 : i32
      %dma_wait3A_352 = tpu.memref_slice %arg16[%dma_wait3A_350, %dma_wait3A_351] : memref<10240x64xf32, #tpu.memory_space<vmem_shared>> -> memref<128x64xf32, #tpu.memory_space<vmem_shared>>
      %dma_wait3A_353 = arith.constant 0 : i32
      %dma_wait3A_354 = arith.constant 0 : i32
      %dma_wait3A_355 = tpu.memref_slice %arg16[%dma_wait3A_353, %dma_wait3A_354] : memref<10240x64xf32, #tpu.memory_space<vmem_shared>> -> memref<128x64xf32, #tpu.memory_space<vmem_shared>>
      tpu.wait_dma2 semaphore(%arg23 : memref<!tpu.dma_semaphore, #tpu.memory_space<semaphore_mem>>) src(%arg9 : memref<128x64xf32, #tpu.memory_space<vmem>>) dst(%dma_wait3A_355 : memref<128x64xf32, #tpu.memory_space<vmem_shared>>)
      %dma_start3A_356 = arith.constant 1 : i32
      %dma_start3A_357 = arith.constant 0 : i32
      %dma_start3A_358 = tpu.memref_slice %arg6[%rem3A_284, %dma_start3A_356, %dma_start3A_357] : memref<2x8x128xi32, #tpu.memory_space<vmem>> -> memref<1x1x128xi32, #tpu.memory_space<vmem>>
      %dma_start3A_359 = tpu.memref_squeeze %dma_start3A_358 : memref<1x1x128xi32, #tpu.memory_space<vmem>> -> memref<128xi32, #tpu.memory_space<vmem>>
      %dma_start3A_360 = arith.constant 0 : i32
      %dma_start3A_361 = arith.constant 0 : i32
      %dma_start3A_362 = tpu.memref_slice %arg2[%dma_start3A_360, %dma_start3A_361] : memref<20000x64xf32, #tpu.memory_space<hbm>> -> memref<20000x64xf32, #tpu.memory_space<hbm>>
      tpu.enqueue_indirect_dma source(%dma_start3A_362 : memref<20000x64xf32, #tpu.memory_space<hbm>>) target(%arg9 : memref<128x64xf32, #tpu.memory_space<vmem>>) offsets(%dma_start3A_359 : memref<128xi32, #tpu.memory_space<vmem>>) semaphore(%arg19 : memref<!tpu.dma_semaphore, #tpu.memory_space<semaphore_mem>>)
      %dma_wait3A_363 = arith.constant 0 : i32
      %dma_wait3A_364 = arith.constant 0 : i32
      %dma_wait3A_365 = tpu.memref_slice %arg2[%dma_wait3A_363, %dma_wait3A_364] : memref<20000x64xf32, #tpu.memory_space<hbm>> -> memref<128x64xf32, #tpu.memory_space<hbm>>
      %dma_wait3A_366 = arith.constant 0 : i32
      %dma_wait3A_367 = arith.constant 0 : i32
      %dma_wait3A_368 = tpu.memref_slice %arg2[%dma_wait3A_366, %dma_wait3A_367] : memref<20000x64xf32, #tpu.memory_space<hbm>> -> memref<128x64xf32, #tpu.memory_space<hbm>>
      tpu.wait_dma2 semaphore(%arg21 : memref<!tpu.dma_semaphore, #tpu.memory_space<semaphore_mem>>) src(%dma_wait3A_368 : memref<128x64xf32, #tpu.memory_space<hbm>>) dst(%arg11 : memref<128x64xf32, #tpu.memory_space<vmem>>)
      %dma_start3A_369 = arith.constant 7 : i32
      %dma_start3A_370 = arith.constant 0 : i32
      %dma_start3A_371 = tpu.memref_slice %arg7[%rem3A_289, %dma_start3A_369, %dma_start3A_370] : memref<2x8x128xi32, #tpu.memory_space<vmem>> -> memref<1x1x128xi32, #tpu.memory_space<vmem>>
      %dma_start3A_372 = tpu.memref_squeeze %dma_start3A_371 : memref<1x1x128xi32, #tpu.memory_space<vmem>> -> memref<128xi32, #tpu.memory_space<vmem>>
      %dma_start3A_373 = arith.constant 0 : i32
      %dma_start3A_374 = arith.constant 0 : i32
      %dma_start3A_375 = tpu.memref_slice %arg16[%dma_start3A_373, %dma_start3A_374] : memref<10240x64xf32, #tpu.memory_space<vmem_shared>> -> memref<10240x64xf32, #tpu.memory_space<vmem_shared>>
      tpu.enqueue_indirect_dma source(%arg11 : memref<128x64xf32, #tpu.memory_space<vmem>>) target(%dma_start3A_375 : memref<10240x64xf32, #tpu.memory_space<vmem_shared>>) offsets(%dma_start3A_372 : memref<128xi32, #tpu.memory_space<vmem>>) semaphore(%arg25 : memref<!tpu.dma_semaphore, #tpu.memory_space<semaphore_mem>>) {add = true}
      %dma_wait3A_376 = arith.constant 0 : i32
      %dma_wait3A_377 = arith.constant 0 : i32
      %dma_wait3A_378 = tpu.memref_slice %arg16[%dma_wait3A_376, %dma_wait3A_377] : memref<10240x64xf32, #tpu.memory_space<vmem_shared>> -> memref<128x64xf32, #tpu.memory_space<vmem_shared>>
      %dma_wait3A_379 = arith.constant 0 : i32
      %dma_wait3A_380 = arith.constant 0 : i32
      %dma_wait3A_381 = tpu.memref_slice %arg16[%dma_wait3A_379, %dma_wait3A_380] : memref<10240x64xf32, #tpu.memory_space<vmem_shared>> -> memref<128x64xf32, #tpu.memory_space<vmem_shared>>
      tpu.wait_dma2 semaphore(%arg24 : memref<!tpu.dma_semaphore, #tpu.memory_space<semaphore_mem>>) src(%arg10 : memref<128x64xf32, #tpu.memory_space<vmem>>) dst(%dma_wait3A_381 : memref<128x64xf32, #tpu.memory_space<vmem_shared>>)
      %dma_start3A_382 = arith.constant 2 : i32
      %dma_start3A_383 = arith.constant 0 : i32
      %dma_start3A_384 = tpu.memref_slice %arg6[%rem3A_284, %dma_start3A_382, %dma_start3A_383] : memref<2x8x128xi32, #tpu.memory_space<vmem>> -> memref<1x1x128xi32, #tpu.memory_space<vmem>>
      %dma_start3A_385 = tpu.memref_squeeze %dma_start3A_384 : memref<1x1x128xi32, #tpu.memory_space<vmem>> -> memref<128xi32, #tpu.memory_space<vmem>>
      %dma_start3A_386 = arith.constant 0 : i32
      %dma_start3A_387 = arith.constant 0 : i32
      %dma_start3A_388 = tpu.memref_slice %arg2[%dma_start3A_386, %dma_start3A_387] : memref<20000x64xf32, #tpu.memory_space<hbm>> -> memref<20000x64xf32, #tpu.memory_space<hbm>>
      tpu.enqueue_indirect_dma source(%dma_start3A_388 : memref<20000x64xf32, #tpu.memory_space<hbm>>) target(%arg10 : memref<128x64xf32, #tpu.memory_space<vmem>>) offsets(%dma_start3A_385 : memref<128xi32, #tpu.memory_space<vmem>>) semaphore(%arg20 : memref<!tpu.dma_semaphore, #tpu.memory_space<semaphore_mem>>)
      %dma_wait3A_389 = arith.constant 0 : i32
      %dma_wait3A_390 = arith.constant 0 : i32
      %dma_wait3A_391 = tpu.memref_slice %arg2[%dma_wait3A_389, %dma_wait3A_390] : memref<20000x64xf32, #tpu.memory_space<hbm>> -> memref<128x64xf32, #tpu.memory_space<hbm>>
      %dma_wait3A_392 = arith.constant 0 : i32
      %dma_wait3A_393 = arith.constant 0 : i32
      %dma_wait3A_394 = tpu.memref_slice %arg2[%dma_wait3A_392, %dma_wait3A_393] : memref<20000x64xf32, #tpu.memory_space<hbm>> -> memref<128x64xf32, #tpu.memory_space<hbm>>
      tpu.wait_dma2 semaphore(%arg18 : memref<!tpu.dma_semaphore, #tpu.memory_space<semaphore_mem>>) src(%dma_wait3A_394 : memref<128x64xf32, #tpu.memory_space<hbm>>) dst(%arg8 : memref<128x64xf32, #tpu.memory_space<vmem>>)
      %dma_start3A_395 = arith.constant 0 : i32
      %dma_start3A_396 = arith.constant 0 : i32
      %dma_start3A_397 = tpu.memref_slice %arg7[%rem3A_284, %dma_start3A_395, %dma_start3A_396] : memref<2x8x128xi32, #tpu.memory_space<vmem>> -> memref<1x1x128xi32, #tpu.memory_space<vmem>>
      %dma_start3A_398 = tpu.memref_squeeze %dma_start3A_397 : memref<1x1x128xi32, #tpu.memory_space<vmem>> -> memref<128xi32, #tpu.memory_space<vmem>>
      %dma_start3A_399 = arith.constant 0 : i32
      %dma_start3A_400 = arith.constant 0 : i32
      %dma_start3A_401 = tpu.memref_slice %arg16[%dma_start3A_399, %dma_start3A_400] : memref<10240x64xf32, #tpu.memory_space<vmem_shared>> -> memref<10240x64xf32, #tpu.memory_space<vmem_shared>>
      tpu.enqueue_indirect_dma source(%arg8 : memref<128x64xf32, #tpu.memory_space<vmem>>) target(%dma_start3A_401 : memref<10240x64xf32, #tpu.memory_space<vmem_shared>>) offsets(%dma_start3A_398 : memref<128xi32, #tpu.memory_space<vmem>>) semaphore(%arg22 : memref<!tpu.dma_semaphore, #tpu.memory_space<semaphore_mem>>) {add = true}
      %dma_wait3A_402 = arith.constant 0 : i32
      %dma_wait3A_403 = arith.constant 0 : i32
      %dma_wait3A_404 = tpu.memref_slice %arg16[%dma_wait3A_402, %dma_wait3A_403] : memref<10240x64xf32, #tpu.memory_space<vmem_shared>> -> memref<128x64xf32, #tpu.memory_space<vmem_shared>>
      %dma_wait3A_405 = arith.constant 0 : i32
      %dma_wait3A_406 = arith.constant 0 : i32
      %dma_wait3A_407 = tpu.memref_slice %arg16[%dma_wait3A_405, %dma_wait3A_406] : memref<10240x64xf32, #tpu.memory_space<vmem_shared>> -> memref<128x64xf32, #tpu.memory_space<vmem_shared>>
      tpu.wait_dma2 semaphore(%arg25 : memref<!tpu.dma_semaphore, #tpu.memory_space<semaphore_mem>>) src(%arg11 : memref<128x64xf32, #tpu.memory_space<vmem>>) dst(%dma_wait3A_407 : memref<128x64xf32, #tpu.memory_space<vmem_shared>>)
      %dma_start3A_408 = arith.constant 3 : i32
      %dma_start3A_409 = arith.constant 0 : i32
      %dma_start3A_410 = tpu.memref_slice %arg6[%rem3A_284, %dma_start3A_408, %dma_start3A_409] : memref<2x8x128xi32, #tpu.memory_space<vmem>> -> memref<1x1x128xi32, #tpu.memory_space<vmem>>
      %dma_start3A_411 = tpu.memref_squeeze %dma_start3A_410 : memref<1x1x128xi32, #tpu.memory_space<vmem>> -> memref<128xi32, #tpu.memory_space<vmem>>
      %dma_start3A_412 = arith.constant 0 : i32
      %dma_start3A_413 = arith.constant 0 : i32
      %dma_start3A_414 = tpu.memref_slice %arg2[%dma_start3A_412, %dma_start3A_413] : memref<20000x64xf32, #tpu.memory_space<hbm>> -> memref<20000x64xf32, #tpu.memory_space<hbm>>
      tpu.enqueue_indirect_dma source(%dma_start3A_414 : memref<20000x64xf32, #tpu.memory_space<hbm>>) target(%arg11 : memref<128x64xf32, #tpu.memory_space<vmem>>) offsets(%dma_start3A_411 : memref<128xi32, #tpu.memory_space<vmem>>) semaphore(%arg21 : memref<!tpu.dma_semaphore, #tpu.memory_space<semaphore_mem>>)
      %dma_wait3A_415 = arith.constant 0 : i32
      %dma_wait3A_416 = arith.constant 0 : i32
      %dma_wait3A_417 = tpu.memref_slice %arg2[%dma_wait3A_415, %dma_wait3A_416] : memref<20000x64xf32, #tpu.memory_space<hbm>> -> memref<128x64xf32, #tpu.memory_space<hbm>>
      %dma_wait3A_418 = arith.constant 0 : i32
      %dma_wait3A_419 = arith.constant 0 : i32
      %dma_wait3A_420 = tpu.memref_slice %arg2[%dma_wait3A_418, %dma_wait3A_419] : memref<20000x64xf32, #tpu.memory_space<hbm>> -> memref<128x64xf32, #tpu.memory_space<hbm>>
      tpu.wait_dma2 semaphore(%arg19 : memref<!tpu.dma_semaphore, #tpu.memory_space<semaphore_mem>>) src(%dma_wait3A_420 : memref<128x64xf32, #tpu.memory_space<hbm>>) dst(%arg9 : memref<128x64xf32, #tpu.memory_space<vmem>>)
      %dma_start3A_421 = arith.constant 1 : i32
      %dma_start3A_422 = arith.constant 0 : i32
      %dma_start3A_423 = tpu.memref_slice %arg7[%rem3A_284, %dma_start3A_421, %dma_start3A_422] : memref<2x8x128xi32, #tpu.memory_space<vmem>> -> memref<1x1x128xi32, #tpu.memory_space<vmem>>
      %dma_start3A_424 = tpu.memref_squeeze %dma_start3A_423 : memref<1x1x128xi32, #tpu.memory_space<vmem>> -> memref<128xi32, #tpu.memory_space<vmem>>
      %dma_start3A_425 = arith.constant 0 : i32
      %dma_start3A_426 = arith.constant 0 : i32
      %dma_start3A_427 = tpu.memref_slice %arg16[%dma_start3A_425, %dma_start3A_426] : memref<10240x64xf32, #tpu.memory_space<vmem_shared>> -> memref<10240x64xf32, #tpu.memory_space<vmem_shared>>
      tpu.enqueue_indirect_dma source(%arg9 : memref<128x64xf32, #tpu.memory_space<vmem>>) target(%dma_start3A_427 : memref<10240x64xf32, #tpu.memory_space<vmem_shared>>) offsets(%dma_start3A_424 : memref<128xi32, #tpu.memory_space<vmem>>) semaphore(%arg23 : memref<!tpu.dma_semaphore, #tpu.memory_space<semaphore_mem>>) {add = true}
      %add3A_428 = arith.constant 1 : i32
      %add3A_429 = arith.addi %scan3A_283, %add3A_428 : i32
      %lt3A = arith.constant 20 : i32
      %lt3A_430 = arith.cmpi slt, %add3A_429, %lt3A : i32
      %convert_element_type3A = arith.extui %lt3A_430 : i1 to i32
      %cond3A = arith.constant 0 : i32
      %cond3A_431 = arith.cmpi ne, %convert_element_type3A, %cond3A : i32
      scf.if %cond3A_431 {
        %add3A_536 = arith.constant 1 : i32
        %add3A_537 = arith.addi %scan3A_283, %add3A_536 : i32
        %mul3A_538 = arith.constant 8 : i32
        %mul3A_539 = arith.muli %add3A_537, %mul3A_538 : i32
        %add3A_540 = arith.addi %mul3A_16, %mul3A_539 : i32
        %dma_start3A_541 = arith.constant 0 : i32
        %dma_start3A_542 = arith.constant 0 : i32
        %dma_start3A_543 = tpu.memref_slice %arg6[%rem3A_293, %dma_start3A_541, %dma_start3A_542] : memref<2x8x128xi32, #tpu.memory_space<vmem>> -> memref<1x8x128xi32, #tpu.memory_space<vmem>>
        %dma_start3A_544 = tpu.memref_squeeze %dma_start3A_543 : memref<1x8x128xi32, #tpu.memory_space<vmem>> -> memref<8x128xi32, #tpu.memory_space<vmem>>
        %dma_start3A_545 = arith.constant 0 : i32
        %dma_start3A_546 = tpu.memref_slice %arg3[%arg0, %add3A_540, %dma_start3A_545] : memref<2x2560x128xi32, #tpu.memory_space<hbm>> -> memref<1x8x128xi32, #tpu.memory_space<hbm>>
        %dma_start3A_547 = tpu.memref_squeeze %dma_start3A_546 : memref<1x8x128xi32, #tpu.memory_space<hbm>> -> memref<8x128xi32, #tpu.memory_space<hbm>>
        %dma_start3A_548 = arith.constant 0 : i32
        %dma_start3A_549 = arith.constant 0 : i32
        %dma_start3A_550 = tpu.memref_slice %arg6[%rem3A_293, %dma_start3A_548, %dma_start3A_549] : memref<2x8x128xi32, #tpu.memory_space<vmem>> -> memref<1x8x128xi32, #tpu.memory_space<vmem>>
        %dma_start3A_551 = tpu.memref_squeeze %dma_start3A_550 : memref<1x8x128xi32, #tpu.memory_space<vmem>> -> memref<8x128xi32, #tpu.memory_space<vmem>>
        %dma_start3A_552 = arith.constant 0 : i32
        %dma_start3A_553 = tpu.memref_slice %arg3[%arg0, %add3A_540, %dma_start3A_552] : memref<2x2560x128xi32, #tpu.memory_space<hbm>> -> memref<1x8x128xi32, #tpu.memory_space<hbm>>
        %dma_start3A_554 = tpu.memref_squeeze %dma_start3A_553 : memref<1x8x128xi32, #tpu.memory_space<hbm>> -> memref<8x128xi32, #tpu.memory_space<hbm>>
        tpu.enqueue_dma source(%dma_start3A_554 : memref<8x128xi32, #tpu.memory_space<hbm>>) target(%dma_start3A_551 : memref<8x128xi32, #tpu.memory_space<vmem>>) target_semaphore(%arg26 : memref<!tpu.dma_semaphore, #tpu.memory_space<semaphore_mem>>)
        %mul3A_555 = arith.constant 8 : i32
        %mul3A_556 = arith.muli %add3A_537, %mul3A_555 : i32
        %add3A_557 = arith.addi %mul3A_16, %mul3A_556 : i32
        %dma_start3A_558 = arith.constant 0 : i32
        %dma_start3A_559 = arith.constant 0 : i32
        %dma_start3A_560 = tpu.memref_slice %arg7[%rem3A_293, %dma_start3A_558, %dma_start3A_559] : memref<2x8x128xi32, #tpu.memory_space<vmem>> -> memref<1x8x128xi32, #tpu.memory_space<vmem>>
        %dma_start3A_561 = tpu.memref_squeeze %dma_start3A_560 : memref<1x8x128xi32, #tpu.memory_space<vmem>> -> memref<8x128xi32, #tpu.memory_space<vmem>>
        %dma_start3A_562 = arith.constant 0 : i32
        %dma_start3A_563 = tpu.memref_slice %arg4[%add3A_557, %dma_start3A_562] : memref<2560x128xi32, #tpu.memory_space<hbm>> -> memref<8x128xi32, #tpu.memory_space<hbm>>
        %dma_start3A_564 = arith.constant 0 : i32
        %dma_start3A_565 = arith.constant 0 : i32
        %dma_start3A_566 = tpu.memref_slice %arg7[%rem3A_293, %dma_start3A_564, %dma_start3A_565] : memref<2x8x128xi32, #tpu.memory_space<vmem>> -> memref<1x8x128xi32, #tpu.memory_space<vmem>>
        %dma_start3A_567 = tpu.memref_squeeze %dma_start3A_566 : memref<1x8x128xi32, #tpu.memory_space<vmem>> -> memref<8x128xi32, #tpu.memory_space<vmem>>
        %dma_start3A_568 = arith.constant 0 : i32
        %dma_start3A_569 = tpu.memref_slice %arg4[%add3A_557, %dma_start3A_568] : memref<2560x128xi32, #tpu.memory_space<hbm>> -> memref<8x128xi32, #tpu.memory_space<hbm>>
        tpu.enqueue_dma source(%dma_start3A_569 : memref<8x128xi32, #tpu.memory_space<hbm>>) target(%dma_start3A_567 : memref<8x128xi32, #tpu.memory_space<vmem>>) target_semaphore(%arg26 : memref<!tpu.dma_semaphore, #tpu.memory_space<semaphore_mem>>)
      } else {
      }
      %dma_wait3A_432 = arith.constant 0 : i32
      %dma_wait3A_433 = arith.constant 0 : i32
      %dma_wait3A_434 = tpu.memref_slice %arg16[%dma_wait3A_432, %dma_wait3A_433] : memref<10240x64xf32, #tpu.memory_space<vmem_shared>> -> memref<128x64xf32, #tpu.memory_space<vmem_shared>>
      %dma_wait3A_435 = arith.constant 0 : i32
      %dma_wait3A_436 = arith.constant 0 : i32
      %dma_wait3A_437 = tpu.memref_slice %arg16[%dma_wait3A_435, %dma_wait3A_436] : memref<10240x64xf32, #tpu.memory_space<vmem_shared>> -> memref<128x64xf32, #tpu.memory_space<vmem_shared>>
      tpu.wait_dma2 semaphore(%arg22 : memref<!tpu.dma_semaphore, #tpu.memory_space<semaphore_mem>>) src(%arg8 : memref<128x64xf32, #tpu.memory_space<vmem>>) dst(%dma_wait3A_437 : memref<128x64xf32, #tpu.memory_space<vmem_shared>>)
      %dma_start3A_438 = arith.constant 4 : i32
      %dma_start3A_439 = arith.constant 0 : i32
      %dma_start3A_440 = tpu.memref_slice %arg6[%rem3A_284, %dma_start3A_438, %dma_start3A_439] : memref<2x8x128xi32, #tpu.memory_space<vmem>> -> memref<1x1x128xi32, #tpu.memory_space<vmem>>
      %dma_start3A_441 = tpu.memref_squeeze %dma_start3A_440 : memref<1x1x128xi32, #tpu.memory_space<vmem>> -> memref<128xi32, #tpu.memory_space<vmem>>
      %dma_start3A_442 = arith.constant 0 : i32
      %dma_start3A_443 = arith.constant 0 : i32
      %dma_start3A_444 = tpu.memref_slice %arg2[%dma_start3A_442, %dma_start3A_443] : memref<20000x64xf32, #tpu.memory_space<hbm>> -> memref<20000x64xf32, #tpu.memory_space<hbm>>
      tpu.enqueue_indirect_dma source(%dma_start3A_444 : memref<20000x64xf32, #tpu.memory_space<hbm>>) target(%arg8 : memref<128x64xf32, #tpu.memory_space<vmem>>) offsets(%dma_start3A_441 : memref<128xi32, #tpu.memory_space<vmem>>) semaphore(%arg18 : memref<!tpu.dma_semaphore, #tpu.memory_space<semaphore_mem>>)
      %dma_wait3A_445 = arith.constant 0 : i32
      %dma_wait3A_446 = arith.constant 0 : i32
      %dma_wait3A_447 = tpu.memref_slice %arg2[%dma_wait3A_445, %dma_wait3A_446] : memref<20000x64xf32, #tpu.memory_space<hbm>> -> memref<128x64xf32, #tpu.memory_space<hbm>>
      %dma_wait3A_448 = arith.constant 0 : i32
      %dma_wait3A_449 = arith.constant 0 : i32
      %dma_wait3A_450 = tpu.memref_slice %arg2[%dma_wait3A_448, %dma_wait3A_449] : memref<20000x64xf32, #tpu.memory_space<hbm>> -> memref<128x64xf32, #tpu.memory_space<hbm>>
      tpu.wait_dma2 semaphore(%arg20 : memref<!tpu.dma_semaphore, #tpu.memory_space<semaphore_mem>>) src(%dma_wait3A_450 : memref<128x64xf32, #tpu.memory_space<hbm>>) dst(%arg10 : memref<128x64xf32, #tpu.memory_space<vmem>>)
      %dma_start3A_451 = arith.constant 2 : i32
      %dma_start3A_452 = arith.constant 0 : i32
      %dma_start3A_453 = tpu.memref_slice %arg7[%rem3A_284, %dma_start3A_451, %dma_start3A_452] : memref<2x8x128xi32, #tpu.memory_space<vmem>> -> memref<1x1x128xi32, #tpu.memory_space<vmem>>
      %dma_start3A_454 = tpu.memref_squeeze %dma_start3A_453 : memref<1x1x128xi32, #tpu.memory_space<vmem>> -> memref<128xi32, #tpu.memory_space<vmem>>
      %dma_start3A_455 = arith.constant 0 : i32
      %dma_start3A_456 = arith.constant 0 : i32
      %dma_start3A_457 = tpu.memref_slice %arg16[%dma_start3A_455, %dma_start3A_456] : memref<10240x64xf32, #tpu.memory_space<vmem_shared>> -> memref<10240x64xf32, #tpu.memory_space<vmem_shared>>
      tpu.enqueue_indirect_dma source(%arg10 : memref<128x64xf32, #tpu.memory_space<vmem>>) target(%dma_start3A_457 : memref<10240x64xf32, #tpu.memory_space<vmem_shared>>) offsets(%dma_start3A_454 : memref<128xi32, #tpu.memory_space<vmem>>) semaphore(%arg24 : memref<!tpu.dma_semaphore, #tpu.memory_space<semaphore_mem>>) {add = true}
      %dma_wait3A_458 = arith.constant 0 : i32
      %dma_wait3A_459 = arith.constant 0 : i32
      %dma_wait3A_460 = tpu.memref_slice %arg16[%dma_wait3A_458, %dma_wait3A_459] : memref<10240x64xf32, #tpu.memory_space<vmem_shared>> -> memref<128x64xf32, #tpu.memory_space<vmem_shared>>
      %dma_wait3A_461 = arith.constant 0 : i32
      %dma_wait3A_462 = arith.constant 0 : i32
      %dma_wait3A_463 = tpu.memref_slice %arg16[%dma_wait3A_461, %dma_wait3A_462] : memref<10240x64xf32, #tpu.memory_space<vmem_shared>> -> memref<128x64xf32, #tpu.memory_space<vmem_shared>>
      tpu.wait_dma2 semaphore(%arg23 : memref<!tpu.dma_semaphore, #tpu.memory_space<semaphore_mem>>) src(%arg9 : memref<128x64xf32, #tpu.memory_space<vmem>>) dst(%dma_wait3A_463 : memref<128x64xf32, #tpu.memory_space<vmem_shared>>)
      %dma_start3A_464 = arith.constant 5 : i32
      %dma_start3A_465 = arith.constant 0 : i32
      %dma_start3A_466 = tpu.memref_slice %arg6[%rem3A_284, %dma_start3A_464, %dma_start3A_465] : memref<2x8x128xi32, #tpu.memory_space<vmem>> -> memref<1x1x128xi32, #tpu.memory_space<vmem>>
      %dma_start3A_467 = tpu.memref_squeeze %dma_start3A_466 : memref<1x1x128xi32, #tpu.memory_space<vmem>> -> memref<128xi32, #tpu.memory_space<vmem>>
      %dma_start3A_468 = arith.constant 0 : i32
      %dma_start3A_469 = arith.constant 0 : i32
      %dma_start3A_470 = tpu.memref_slice %arg2[%dma_start3A_468, %dma_start3A_469] : memref<20000x64xf32, #tpu.memory_space<hbm>> -> memref<20000x64xf32, #tpu.memory_space<hbm>>
      tpu.enqueue_indirect_dma source(%dma_start3A_470 : memref<20000x64xf32, #tpu.memory_space<hbm>>) target(%arg9 : memref<128x64xf32, #tpu.memory_space<vmem>>) offsets(%dma_start3A_467 : memref<128xi32, #tpu.memory_space<vmem>>) semaphore(%arg19 : memref<!tpu.dma_semaphore, #tpu.memory_space<semaphore_mem>>)
      %dma_wait3A_471 = arith.constant 0 : i32
      %dma_wait3A_472 = arith.constant 0 : i32
      %dma_wait3A_473 = tpu.memref_slice %arg2[%dma_wait3A_471, %dma_wait3A_472] : memref<20000x64xf32, #tpu.memory_space<hbm>> -> memref<128x64xf32, #tpu.memory_space<hbm>>
      %dma_wait3A_474 = arith.constant 0 : i32
      %dma_wait3A_475 = arith.constant 0 : i32
      %dma_wait3A_476 = tpu.memref_slice %arg2[%dma_wait3A_474, %dma_wait3A_475] : memref<20000x64xf32, #tpu.memory_space<hbm>> -> memref<128x64xf32, #tpu.memory_space<hbm>>
      tpu.wait_dma2 semaphore(%arg21 : memref<!tpu.dma_semaphore, #tpu.memory_space<semaphore_mem>>) src(%dma_wait3A_476 : memref<128x64xf32, #tpu.memory_space<hbm>>) dst(%arg11 : memref<128x64xf32, #tpu.memory_space<vmem>>)
      %dma_start3A_477 = arith.constant 3 : i32
      %dma_start3A_478 = arith.constant 0 : i32
      %dma_start3A_479 = tpu.memref_slice %arg7[%rem3A_284, %dma_start3A_477, %dma_start3A_478] : memref<2x8x128xi32, #tpu.memory_space<vmem>> -> memref<1x1x128xi32, #tpu.memory_space<vmem>>
      %dma_start3A_480 = tpu.memref_squeeze %dma_start3A_479 : memref<1x1x128xi32, #tpu.memory_space<vmem>> -> memref<128xi32, #tpu.memory_space<vmem>>
      %dma_start3A_481 = arith.constant 0 : i32
      %dma_start3A_482 = arith.constant 0 : i32
      %dma_start3A_483 = tpu.memref_slice %arg16[%dma_start3A_481, %dma_start3A_482] : memref<10240x64xf32, #tpu.memory_space<vmem_shared>> -> memref<10240x64xf32, #tpu.memory_space<vmem_shared>>
      tpu.enqueue_indirect_dma source(%arg11 : memref<128x64xf32, #tpu.memory_space<vmem>>) target(%dma_start3A_483 : memref<10240x64xf32, #tpu.memory_space<vmem_shared>>) offsets(%dma_start3A_480 : memref<128xi32, #tpu.memory_space<vmem>>) semaphore(%arg25 : memref<!tpu.dma_semaphore, #tpu.memory_space<semaphore_mem>>) {add = true}
      %dma_wait3A_484 = arith.constant 0 : i32
      %dma_wait3A_485 = arith.constant 0 : i32
      %dma_wait3A_486 = tpu.memref_slice %arg16[%dma_wait3A_484, %dma_wait3A_485] : memref<10240x64xf32, #tpu.memory_space<vmem_shared>> -> memref<128x64xf32, #tpu.memory_space<vmem_shared>>
      %dma_wait3A_487 = arith.constant 0 : i32
      %dma_wait3A_488 = arith.constant 0 : i32
      %dma_wait3A_489 = tpu.memref_slice %arg16[%dma_wait3A_487, %dma_wait3A_488] : memref<10240x64xf32, #tpu.memory_space<vmem_shared>> -> memref<128x64xf32, #tpu.memory_space<vmem_shared>>
      tpu.wait_dma2 semaphore(%arg24 : memref<!tpu.dma_semaphore, #tpu.memory_space<semaphore_mem>>) src(%arg10 : memref<128x64xf32, #tpu.memory_space<vmem>>) dst(%dma_wait3A_489 : memref<128x64xf32, #tpu.memory_space<vmem_shared>>)
      %dma_start3A_490 = arith.constant 6 : i32
      %dma_start3A_491 = arith.constant 0 : i32
      %dma_start3A_492 = tpu.memref_slice %arg6[%rem3A_284, %dma_start3A_490, %dma_start3A_491] : memref<2x8x128xi32, #tpu.memory_space<vmem>> -> memref<1x1x128xi32, #tpu.memory_space<vmem>>
      %dma_start3A_493 = tpu.memref_squeeze %dma_start3A_492 : memref<1x1x128xi32, #tpu.memory_space<vmem>> -> memref<128xi32, #tpu.memory_space<vmem>>
      %dma_start3A_494 = arith.constant 0 : i32
      %dma_start3A_495 = arith.constant 0 : i32
      %dma_start3A_496 = tpu.memref_slice %arg2[%dma_start3A_494, %dma_start3A_495] : memref<20000x64xf32, #tpu.memory_space<hbm>> -> memref<20000x64xf32, #tpu.memory_space<hbm>>
      tpu.enqueue_indirect_dma source(%dma_start3A_496 : memref<20000x64xf32, #tpu.memory_space<hbm>>) target(%arg10 : memref<128x64xf32, #tpu.memory_space<vmem>>) offsets(%dma_start3A_493 : memref<128xi32, #tpu.memory_space<vmem>>) semaphore(%arg20 : memref<!tpu.dma_semaphore, #tpu.memory_space<semaphore_mem>>)
      %dma_wait3A_497 = arith.constant 0 : i32
      %dma_wait3A_498 = arith.constant 0 : i32
      %dma_wait3A_499 = tpu.memref_slice %arg2[%dma_wait3A_497, %dma_wait3A_498] : memref<20000x64xf32, #tpu.memory_space<hbm>> -> memref<128x64xf32, #tpu.memory_space<hbm>>
      %dma_wait3A_500 = arith.constant 0 : i32
      %dma_wait3A_501 = arith.constant 0 : i32
      %dma_wait3A_502 = tpu.memref_slice %arg2[%dma_wait3A_500, %dma_wait3A_501] : memref<20000x64xf32, #tpu.memory_space<hbm>> -> memref<128x64xf32, #tpu.memory_space<hbm>>
      tpu.wait_dma2 semaphore(%arg18 : memref<!tpu.dma_semaphore, #tpu.memory_space<semaphore_mem>>) src(%dma_wait3A_502 : memref<128x64xf32, #tpu.memory_space<hbm>>) dst(%arg8 : memref<128x64xf32, #tpu.memory_space<vmem>>)
      %dma_start3A_503 = arith.constant 4 : i32
      %dma_start3A_504 = arith.constant 0 : i32
      %dma_start3A_505 = tpu.memref_slice %arg7[%rem3A_284, %dma_start3A_503, %dma_start3A_504] : memref<2x8x128xi32, #tpu.memory_space<vmem>> -> memref<1x1x128xi32, #tpu.memory_space<vmem>>
      %dma_start3A_506 = tpu.memref_squeeze %dma_start3A_505 : memref<1x1x128xi32, #tpu.memory_space<vmem>> -> memref<128xi32, #tpu.memory_space<vmem>>
      %dma_start3A_507 = arith.constant 0 : i32
      %dma_start3A_508 = arith.constant 0 : i32
      %dma_start3A_509 = tpu.memref_slice %arg16[%dma_start3A_507, %dma_start3A_508] : memref<10240x64xf32, #tpu.memory_space<vmem_shared>> -> memref<10240x64xf32, #tpu.memory_space<vmem_shared>>
      tpu.enqueue_indirect_dma source(%arg8 : memref<128x64xf32, #tpu.memory_space<vmem>>) target(%dma_start3A_509 : memref<10240x64xf32, #tpu.memory_space<vmem_shared>>) offsets(%dma_start3A_506 : memref<128xi32, #tpu.memory_space<vmem>>) semaphore(%arg22 : memref<!tpu.dma_semaphore, #tpu.memory_space<semaphore_mem>>) {add = true}
      %dma_wait3A_510 = arith.constant 0 : i32
      %dma_wait3A_511 = arith.constant 0 : i32
      %dma_wait3A_512 = tpu.memref_slice %arg16[%dma_wait3A_510, %dma_wait3A_511] : memref<10240x64xf32, #tpu.memory_space<vmem_shared>> -> memref<128x64xf32, #tpu.memory_space<vmem_shared>>
      %dma_wait3A_513 = arith.constant 0 : i32
      %dma_wait3A_514 = arith.constant 0 : i32
      %dma_wait3A_515 = tpu.memref_slice %arg16[%dma_wait3A_513, %dma_wait3A_514] : memref<10240x64xf32, #tpu.memory_space<vmem_shared>> -> memref<128x64xf32, #tpu.memory_space<vmem_shared>>
      tpu.wait_dma2 semaphore(%arg25 : memref<!tpu.dma_semaphore, #tpu.memory_space<semaphore_mem>>) src(%arg11 : memref<128x64xf32, #tpu.memory_space<vmem>>) dst(%dma_wait3A_515 : memref<128x64xf32, #tpu.memory_space<vmem_shared>>)
      %dma_start3A_516 = arith.constant 7 : i32
      %dma_start3A_517 = arith.constant 0 : i32
      %dma_start3A_518 = tpu.memref_slice %arg6[%rem3A_284, %dma_start3A_516, %dma_start3A_517] : memref<2x8x128xi32, #tpu.memory_space<vmem>> -> memref<1x1x128xi32, #tpu.memory_space<vmem>>
      %dma_start3A_519 = tpu.memref_squeeze %dma_start3A_518 : memref<1x1x128xi32, #tpu.memory_space<vmem>> -> memref<128xi32, #tpu.memory_space<vmem>>
      %dma_start3A_520 = arith.constant 0 : i32
      %dma_start3A_521 = arith.constant 0 : i32
      %dma_start3A_522 = tpu.memref_slice %arg2[%dma_start3A_520, %dma_start3A_521] : memref<20000x64xf32, #tpu.memory_space<hbm>> -> memref<20000x64xf32, #tpu.memory_space<hbm>>
      tpu.enqueue_indirect_dma source(%dma_start3A_522 : memref<20000x64xf32, #tpu.memory_space<hbm>>) target(%arg11 : memref<128x64xf32, #tpu.memory_space<vmem>>) offsets(%dma_start3A_519 : memref<128xi32, #tpu.memory_space<vmem>>) semaphore(%arg21 : memref<!tpu.dma_semaphore, #tpu.memory_space<semaphore_mem>>)
      %dma_wait3A_523 = arith.constant 0 : i32
      %dma_wait3A_524 = arith.constant 0 : i32
      %dma_wait3A_525 = tpu.memref_slice %arg2[%dma_wait3A_523, %dma_wait3A_524] : memref<20000x64xf32, #tpu.memory_space<hbm>> -> memref<128x64xf32, #tpu.memory_space<hbm>>
      %dma_wait3A_526 = arith.constant 0 : i32
      %dma_wait3A_527 = arith.constant 0 : i32
      %dma_wait3A_528 = tpu.memref_slice %arg2[%dma_wait3A_526, %dma_wait3A_527] : memref<20000x64xf32, #tpu.memory_space<hbm>> -> memref<128x64xf32, #tpu.memory_space<hbm>>
      tpu.wait_dma2 semaphore(%arg19 : memref<!tpu.dma_semaphore, #tpu.memory_space<semaphore_mem>>) src(%dma_wait3A_528 : memref<128x64xf32, #tpu.memory_space<hbm>>) dst(%arg9 : memref<128x64xf32, #tpu.memory_space<vmem>>)
      %dma_start3A_529 = arith.constant 5 : i32
      %dma_start3A_530 = arith.constant 0 : i32
      %dma_start3A_531 = tpu.memref_slice %arg7[%rem3A_284, %dma_start3A_529, %dma_start3A_530] : memref<2x8x128xi32, #tpu.memory_space<vmem>> -> memref<1x1x128xi32, #tpu.memory_space<vmem>>
      %dma_start3A_532 = tpu.memref_squeeze %dma_start3A_531 : memref<1x1x128xi32, #tpu.memory_space<vmem>> -> memref<128xi32, #tpu.memory_space<vmem>>
      %dma_start3A_533 = arith.constant 0 : i32
      %dma_start3A_534 = arith.constant 0 : i32
      %dma_start3A_535 = tpu.memref_slice %arg16[%dma_start3A_533, %dma_start3A_534] : memref<10240x64xf32, #tpu.memory_space<vmem_shared>> -> memref<10240x64xf32, #tpu.memory_space<vmem_shared>>
      tpu.enqueue_indirect_dma source(%arg9 : memref<128x64xf32, #tpu.memory_space<vmem>>) target(%dma_start3A_535 : memref<10240x64xf32, #tpu.memory_space<vmem_shared>>) offsets(%dma_start3A_532 : memref<128xi32, #tpu.memory_space<vmem>>) semaphore(%arg23 : memref<!tpu.dma_semaphore, #tpu.memory_space<semaphore_mem>>) {add = true}
    }
    %scan3A_225 = arith.constant 19 : i32
    %dma_wait3A_226 = arith.constant 0 : i32
    %dma_wait3A_227 = arith.constant 0 : i32
    %dma_wait3A_228 = tpu.memref_slice %arg2[%dma_wait3A_226, %dma_wait3A_227] : memref<20000x64xf32, #tpu.memory_space<hbm>> -> memref<128x64xf32, #tpu.memory_space<hbm>>
    %dma_wait3A_229 = arith.constant 0 : i32
    %dma_wait3A_230 = arith.constant 0 : i32
    %dma_wait3A_231 = tpu.memref_slice %arg2[%dma_wait3A_229, %dma_wait3A_230] : memref<20000x64xf32, #tpu.memory_space<hbm>> -> memref<128x64xf32, #tpu.memory_space<hbm>>
    tpu.wait_dma2 semaphore(%arg20 : memref<!tpu.dma_semaphore, #tpu.memory_space<semaphore_mem>>) src(%dma_wait3A_231 : memref<128x64xf32, #tpu.memory_space<hbm>>) dst(%arg10 : memref<128x64xf32, #tpu.memory_space<vmem>>)
    %dma_start3A_232 = arith.constant 1 : i32
    %dma_start3A_233 = arith.constant 6 : i32
    %dma_start3A_234 = arith.constant 0 : i32
    %dma_start3A_235 = tpu.memref_slice %arg7[%dma_start3A_232, %dma_start3A_233, %dma_start3A_234] : memref<2x8x128xi32, #tpu.memory_space<vmem>> -> memref<1x1x128xi32, #tpu.memory_space<vmem>>
    %dma_start3A_236 = tpu.memref_squeeze %dma_start3A_235 : memref<1x1x128xi32, #tpu.memory_space<vmem>> -> memref<128xi32, #tpu.memory_space<vmem>>
    %dma_start3A_237 = arith.constant 0 : i32
    %dma_start3A_238 = arith.constant 0 : i32
    %dma_start3A_239 = tpu.memref_slice %arg16[%dma_start3A_237, %dma_start3A_238] : memref<10240x64xf32, #tpu.memory_space<vmem_shared>> -> memref<10240x64xf32, #tpu.memory_space<vmem_shared>>
    tpu.enqueue_indirect_dma source(%arg10 : memref<128x64xf32, #tpu.memory_space<vmem>>) target(%dma_start3A_239 : memref<10240x64xf32, #tpu.memory_space<vmem_shared>>) offsets(%dma_start3A_236 : memref<128xi32, #tpu.memory_space<vmem>>) semaphore(%arg24 : memref<!tpu.dma_semaphore, #tpu.memory_space<semaphore_mem>>) {add = true}
    %dma_wait3A_240 = arith.constant 0 : i32
    %dma_wait3A_241 = arith.constant 0 : i32
    %dma_wait3A_242 = tpu.memref_slice %arg2[%dma_wait3A_240, %dma_wait3A_241] : memref<20000x64xf32, #tpu.memory_space<hbm>> -> memref<128x64xf32, #tpu.memory_space<hbm>>
    %dma_wait3A_243 = arith.constant 0 : i32
    %dma_wait3A_244 = arith.constant 0 : i32
    %dma_wait3A_245 = tpu.memref_slice %arg2[%dma_wait3A_243, %dma_wait3A_244] : memref<20000x64xf32, #tpu.memory_space<hbm>> -> memref<128x64xf32, #tpu.memory_space<hbm>>
    tpu.wait_dma2 semaphore(%arg21 : memref<!tpu.dma_semaphore, #tpu.memory_space<semaphore_mem>>) src(%dma_wait3A_245 : memref<128x64xf32, #tpu.memory_space<hbm>>) dst(%arg11 : memref<128x64xf32, #tpu.memory_space<vmem>>)
    %dma_start3A_246 = arith.constant 1 : i32
    %dma_start3A_247 = arith.constant 7 : i32
    %dma_start3A_248 = arith.constant 0 : i32
    %dma_start3A_249 = tpu.memref_slice %arg7[%dma_start3A_246, %dma_start3A_247, %dma_start3A_248] : memref<2x8x128xi32, #tpu.memory_space<vmem>> -> memref<1x1x128xi32, #tpu.memory_space<vmem>>
    %dma_start3A_250 = tpu.memref_squeeze %dma_start3A_249 : memref<1x1x128xi32, #tpu.memory_space<vmem>> -> memref<128xi32, #tpu.memory_space<vmem>>
    %dma_start3A_251 = arith.constant 0 : i32
    %dma_start3A_252 = arith.constant 0 : i32
    %dma_start3A_253 = tpu.memref_slice %arg16[%dma_start3A_251, %dma_start3A_252] : memref<10240x64xf32, #tpu.memory_space<vmem_shared>> -> memref<10240x64xf32, #tpu.memory_space<vmem_shared>>
    tpu.enqueue_indirect_dma source(%arg11 : memref<128x64xf32, #tpu.memory_space<vmem>>) target(%dma_start3A_253 : memref<10240x64xf32, #tpu.memory_space<vmem_shared>>) offsets(%dma_start3A_250 : memref<128xi32, #tpu.memory_space<vmem>>) semaphore(%arg25 : memref<!tpu.dma_semaphore, #tpu.memory_space<semaphore_mem>>) {add = true}
    %dma_wait3A_254 = arith.constant 0 : i32
    %dma_wait3A_255 = arith.constant 0 : i32
    %dma_wait3A_256 = tpu.memref_slice %arg16[%dma_wait3A_254, %dma_wait3A_255] : memref<10240x64xf32, #tpu.memory_space<vmem_shared>> -> memref<128x64xf32, #tpu.memory_space<vmem_shared>>
    %dma_wait3A_257 = arith.constant 0 : i32
    %dma_wait3A_258 = arith.constant 0 : i32
    %dma_wait3A_259 = tpu.memref_slice %arg16[%dma_wait3A_257, %dma_wait3A_258] : memref<10240x64xf32, #tpu.memory_space<vmem_shared>> -> memref<128x64xf32, #tpu.memory_space<vmem_shared>>
    tpu.wait_dma2 semaphore(%arg22 : memref<!tpu.dma_semaphore, #tpu.memory_space<semaphore_mem>>) src(%arg8 : memref<128x64xf32, #tpu.memory_space<vmem>>) dst(%dma_wait3A_259 : memref<128x64xf32, #tpu.memory_space<vmem_shared>>)
    %dma_wait3A_260 = arith.constant 0 : i32
    %dma_wait3A_261 = arith.constant 0 : i32
    %dma_wait3A_262 = tpu.memref_slice %arg16[%dma_wait3A_260, %dma_wait3A_261] : memref<10240x64xf32, #tpu.memory_space<vmem_shared>> -> memref<128x64xf32, #tpu.memory_space<vmem_shared>>
    %dma_wait3A_263 = arith.constant 0 : i32
    %dma_wait3A_264 = arith.constant 0 : i32
    %dma_wait3A_265 = tpu.memref_slice %arg16[%dma_wait3A_263, %dma_wait3A_264] : memref<10240x64xf32, #tpu.memory_space<vmem_shared>> -> memref<128x64xf32, #tpu.memory_space<vmem_shared>>
    tpu.wait_dma2 semaphore(%arg23 : memref<!tpu.dma_semaphore, #tpu.memory_space<semaphore_mem>>) src(%arg9 : memref<128x64xf32, #tpu.memory_space<vmem>>) dst(%dma_wait3A_265 : memref<128x64xf32, #tpu.memory_space<vmem_shared>>)
    %dma_wait3A_266 = arith.constant 0 : i32
    %dma_wait3A_267 = arith.constant 0 : i32
    %dma_wait3A_268 = tpu.memref_slice %arg16[%dma_wait3A_266, %dma_wait3A_267] : memref<10240x64xf32, #tpu.memory_space<vmem_shared>> -> memref<128x64xf32, #tpu.memory_space<vmem_shared>>
    %dma_wait3A_269 = arith.constant 0 : i32
    %dma_wait3A_270 = arith.constant 0 : i32
    %dma_wait3A_271 = tpu.memref_slice %arg16[%dma_wait3A_269, %dma_wait3A_270] : memref<10240x64xf32, #tpu.memory_space<vmem_shared>> -> memref<128x64xf32, #tpu.memory_space<vmem_shared>>
    tpu.wait_dma2 semaphore(%arg24 : memref<!tpu.dma_semaphore, #tpu.memory_space<semaphore_mem>>) src(%arg10 : memref<128x64xf32, #tpu.memory_space<vmem>>) dst(%dma_wait3A_271 : memref<128x64xf32, #tpu.memory_space<vmem_shared>>)
    %dma_wait3A_272 = arith.constant 0 : i32
    %dma_wait3A_273 = arith.constant 0 : i32
    %dma_wait3A_274 = tpu.memref_slice %arg16[%dma_wait3A_272, %dma_wait3A_273] : memref<10240x64xf32, #tpu.memory_space<vmem_shared>> -> memref<128x64xf32, #tpu.memory_space<vmem_shared>>
    %dma_wait3A_275 = arith.constant 0 : i32
    %dma_wait3A_276 = arith.constant 0 : i32
    %dma_wait3A_277 = tpu.memref_slice %arg16[%dma_wait3A_275, %dma_wait3A_276] : memref<10240x64xf32, #tpu.memory_space<vmem_shared>> -> memref<128x64xf32, #tpu.memory_space<vmem_shared>>
    tpu.wait_dma2 semaphore(%arg25 : memref<!tpu.dma_semaphore, #tpu.memory_space<semaphore_mem>>) src(%arg11 : memref<128x64xf32, #tpu.memory_space<vmem>>) dst(%dma_wait3A_277 : memref<128x64xf32, #tpu.memory_space<vmem_shared>>)
    %barrier3A_278 = arith.constant 0 : index
    tpu.barrier barrier_id(%barrier3A_278)
    %mul3A_279 = arith.constant 640 : i32
    %mul3A_280 = arith.muli %arg1, %mul3A_279 : i32
    %mul3A_281 = arith.constant 64 : i32
    %mul3A_282 = arith.muli %arg0, %mul3A_281 : i32
    "tpu.region"() ({
      %run_scoped3A_283 = tpu.sem_alloc : memref<!tpu.dma_semaphore, #tpu.memory_space<semaphore_mem>>
      %dma_start3A_284 = tpu.memref_slice %arg5[%mul3A_280, %mul3A_282] : memref<10240x128xf32, #tpu.memory_space<hbm>> -> memref<640x64xf32, #tpu.memory_space<hbm>>
      %dma_start3A_285 = arith.constant 0 : i32
      %dma_start3A_286 = tpu.memref_slice %arg16[%mul3A_280, %dma_start3A_285] : memref<10240x64xf32, #tpu.memory_space<vmem_shared>> -> memref<640x64xf32, #tpu.memory_space<vmem_shared>>
      tpu.enqueue_dma source(%dma_start3A_286 : memref<640x64xf32, #tpu.memory_space<vmem_shared>>) target(%dma_start3A_284 : memref<640x64xf32, #tpu.memory_space<hbm>>) target_semaphore(%run_scoped3A_283 : memref<!tpu.dma_semaphore, #tpu.memory_space<semaphore_mem>>)
      %dma_wait3A_287 = tpu.memref_slice %arg5[%mul3A_280, %mul3A_282] : memref<10240x128xf32, #tpu.memory_space<hbm>> -> memref<640x64xf32, #tpu.memory_space<hbm>>
      %dma_wait3A_288 = arith.constant 0 : i32
      %dma_wait3A_289 = tpu.memref_slice %arg16[%mul3A_280, %dma_wait3A_288] : memref<10240x64xf32, #tpu.memory_space<vmem_shared>> -> memref<640x64xf32, #tpu.memory_space<vmem_shared>>
      tpu.wait_dma2 semaphore(%run_scoped3A_283 : memref<!tpu.dma_semaphore, #tpu.memory_space<semaphore_mem>>) src(%dma_wait3A_289 : memref<640x64xf32, #tpu.memory_space<vmem_shared>>) dst(%dma_wait3A_287 : memref<640x64xf32, #tpu.memory_space<hbm>>)
      tpu.yield
    }) : () -> ()
    return
  }
}

#map = affine_map<(d0, d1) -> (0, 0)>
#map1 = affine_map<(d0, d1) -> (0, 0, 0)>
#map2 = affine_map<(d0, d1) -> (0)>
module attributes {stable_mosaic.version = 14 : i64} {
  func.func @body(%arg0: i32, %arg1: i32, %arg2: memref<20000x64xf32, #tpu.memory_space<hbm>>, %arg3: memref<2x2560x128xi32, #tpu.memory_space<hbm>>, %arg4: memref<2560x128xi32, #tpu.memory_space<hbm>>, %arg5: memref<10240x128xf32, #tpu.memory_space<hbm>>, %arg6: memref<10240xf32, #tpu.memory_space<hbm>>, %arg7: memref<2x8x128xi32, #tpu.memory_space<vmem>>, %arg8: memref<2x8x128xi32, #tpu.memory_space<vmem>>, %arg9: memref<128x64xf32, #tpu.memory_space<vmem>>, %arg10: memref<128x64xf32, #tpu.memory_space<vmem>>, %arg11: memref<128x64xf32, #tpu.memory_space<vmem>>, %arg12: memref<128x64xf32, #tpu.memory_space<vmem>>, %arg13: memref<128x64xf32, #tpu.memory_space<vmem>>, %arg14: memref<10240xf32, #tpu.memory_space<vmem>>, %arg15: memref<16x640xf32, #tpu.memory_space<vmem>>, %arg16: memref<640xf32, #tpu.memory_space<vmem>>, %arg17: memref<10240x64xf32, #tpu.memory_space<vmem_shared>>, %arg18: memref<16x10240xf32, #tpu.memory_space<vmem_shared>>, %arg19: memref<!tpu.dma_semaphore, #tpu.memory_space<semaphore_mem>>, %arg20: memref<!tpu.dma_semaphore, #tpu.memory_space<semaphore_mem>>, %arg21: memref<!tpu.dma_semaphore, #tpu.memory_space<semaphore_mem>>, %arg22: memref<!tpu.dma_semaphore, #tpu.memory_space<semaphore_mem>>, %arg23: memref<!tpu.dma_semaphore, #tpu.memory_space<semaphore_mem>>, %arg24: memref<!tpu.dma_semaphore, #tpu.memory_space<semaphore_mem>>, %arg25: memref<!tpu.dma_semaphore, #tpu.memory_space<semaphore_mem>>, %arg26: memref<!tpu.dma_semaphore, #tpu.memory_space<semaphore_mem>>, %arg27: memref<!tpu.dma_semaphore, #tpu.memory_space<semaphore_mem>>) attributes {dimension_semantics = [#tpu.dimension_semantics<core_parallel>, #tpu.dimension_semantics<subcore_parallel>], iteration_bounds = array<i64: 2, 16>, scalar_prefetch = 0 : i64, scratch_operands = 21 : i64, tpu.core_type = #tpu.core_type<sc_vector_subcore>, window_params = [{transform_indices = #map}, {transform_indices = #map1}, {transform_indices = #map}, {transform_indices = #map}, {transform_indices = #map2}]} {
    %scan3A = arith.constant 0 : i32
    %scan3A_0 = arith.constant 0 : i32
    %scan3A_1 = arith.constant 128 : i32
    %scan3A_2 = arith.addi %scan3A_0, %scan3A_1 : i32
    %scan3A_3 = arith.constant 1 : i32
    scf.for %scan3A_331 = %scan3A_0 to %scan3A_2 step %scan3A_3  : i32 {
      %broadcast_in_dim3A = arith.constant 0.000000e+00 : f32
      %broadcast_in_dim3A_332 = vector.broadcast %broadcast_in_dim3A : f32 to vector<16xf32>
      %swap3A = arith.index_cast %scan3A_331 : i32 to index
      %swap3A_333 = arith.constant 0 : index
      %swap3A_334 = tpu.vector_load %arg13[%swap3A, %swap3A_333] {strides = array<i32>} : memref<128x64xf32, #tpu.memory_space<vmem>>, vector<16xf32>,
      tpu.vector_store %arg13[%swap3A, %swap3A_333], %broadcast_in_dim3A_332 {strides = array<i32>} : memref<128x64xf32, #tpu.memory_space<vmem>>, vector<16xf32>,
      %broadcast_in_dim3A_335 = arith.constant 0.000000e+00 : f32
      %broadcast_in_dim3A_336 = vector.broadcast %broadcast_in_dim3A_335 : f32 to vector<16xf32>
      %swap3A_337 = arith.index_cast %scan3A_331 : i32 to index
      %swap3A_338 = arith.constant 16 : index
      %swap3A_339 = tpu.vector_load %arg13[%swap3A_337, %swap3A_338] {strides = array<i32>} : memref<128x64xf32, #tpu.memory_space<vmem>>, vector<16xf32>,
      tpu.vector_store %arg13[%swap3A_337, %swap3A_338], %broadcast_in_dim3A_336 {strides = array<i32>} : memref<128x64xf32, #tpu.memory_space<vmem>>, vector<16xf32>,
      %broadcast_in_dim3A_340 = arith.constant 0.000000e+00 : f32
      %broadcast_in_dim3A_341 = vector.broadcast %broadcast_in_dim3A_340 : f32 to vector<16xf32>
      %swap3A_342 = arith.index_cast %scan3A_331 : i32 to index
      %swap3A_343 = arith.constant 32 : index
      %swap3A_344 = tpu.vector_load %arg13[%swap3A_342, %swap3A_343] {strides = array<i32>} : memref<128x64xf32, #tpu.memory_space<vmem>>, vector<16xf32>,
      tpu.vector_store %arg13[%swap3A_342, %swap3A_343], %broadcast_in_dim3A_341 {strides = array<i32>} : memref<128x64xf32, #tpu.memory_space<vmem>>, vector<16xf32>,
      %broadcast_in_dim3A_345 = arith.constant 0.000000e+00 : f32
      %broadcast_in_dim3A_346 = vector.broadcast %broadcast_in_dim3A_345 : f32 to vector<16xf32>
      %swap3A_347 = arith.index_cast %scan3A_331 : i32 to index
      %swap3A_348 = arith.constant 48 : index
      %swap3A_349 = tpu.vector_load %arg13[%swap3A_347, %swap3A_348] {strides = array<i32>} : memref<128x64xf32, #tpu.memory_space<vmem>>, vector<16xf32>,
      tpu.vector_store %arg13[%swap3A_347, %swap3A_348], %broadcast_in_dim3A_346 {strides = array<i32>} : memref<128x64xf32, #tpu.memory_space<vmem>>, vector<16xf32>,
    }
    %scan3A_4 = arith.constant 128 : i32
    %scan3A_5 = arith.constant 0 : i32
    %scan3A_6 = arith.constant 0 : i32
    %scan3A_7 = arith.constant 640 : i32
    %scan3A_8 = arith.addi %scan3A_6, %scan3A_7 : i32
    %scan3A_9 = arith.constant 1 : i32
    scf.for %scan3A_331 = %scan3A_6 to %scan3A_8 step %scan3A_9  : i32 {
      %broadcast_in_dim3A = arith.constant 0.000000e+00 : f32
      %broadcast_in_dim3A_332 = vector.broadcast %broadcast_in_dim3A : f32 to vector<16xf32>
      %mul3A_333 = arith.constant 16 : i32
      %mul3A_334 = arith.muli %scan3A_331, %mul3A_333 : i32
      %swap3A = arith.index_cast %mul3A_334 : i32 to index
      %swap3A_335 = tpu.vector_load %arg14[%swap3A] {strides = array<i32>} : memref<10240xf32, #tpu.memory_space<vmem>>, vector<16xf32>,
      tpu.vector_store %arg14[%swap3A], %broadcast_in_dim3A_332 {strides = array<i32>} : memref<10240xf32, #tpu.memory_space<vmem>>, vector<16xf32>,
    }
    %scan3A_10 = arith.constant 640 : i32
    %mul3A = arith.constant 640 : i32
    %mul3A_11 = arith.muli %arg1, %mul3A : i32
    %add3A = arith.constant 0 : i32
    %add3A_12 = arith.addi %mul3A_11, %add3A : i32
    "tpu.region"() ({
      %run_scoped3A_331 = tpu.sem_alloc : memref<!tpu.dma_semaphore, #tpu.memory_space<semaphore_mem>>
      %dma_start3A_332 = arith.constant 0 : i32
      %dma_start3A_333 = tpu.memref_slice %arg17[%add3A_12, %dma_start3A_332] : memref<10240x64xf32, #tpu.memory_space<vmem_shared>> -> memref<128x64xf32, #tpu.memory_space<vmem_shared>>
      %dma_start3A_334 = arith.constant 0 : i32
      %dma_start3A_335 = tpu.memref_slice %arg17[%add3A_12, %dma_start3A_334] : memref<10240x64xf32, #tpu.memory_space<vmem_shared>> -> memref<128x64xf32, #tpu.memory_space<vmem_shared>>
      tpu.enqueue_dma source(%arg13 : memref<128x64xf32, #tpu.memory_space<vmem>>) target(%dma_start3A_335 : memref<128x64xf32, #tpu.memory_space<vmem_shared>>) target_semaphore(%run_scoped3A_331 : memref<!tpu.dma_semaphore, #tpu.memory_space<semaphore_mem>>)
      %dma_wait3A_336 = arith.constant 0 : i32
      %dma_wait3A_337 = tpu.memref_slice %arg17[%add3A_12, %dma_wait3A_336] : memref<10240x64xf32, #tpu.memory_space<vmem_shared>> -> memref<128x64xf32, #tpu.memory_space<vmem_shared>>
      %dma_wait3A_338 = arith.constant 0 : i32
      %dma_wait3A_339 = tpu.memref_slice %arg17[%add3A_12, %dma_wait3A_338] : memref<10240x64xf32, #tpu.memory_space<vmem_shared>> -> memref<128x64xf32, #tpu.memory_space<vmem_shared>>
      tpu.wait_dma2 semaphore(%run_scoped3A_331 : memref<!tpu.dma_semaphore, #tpu.memory_space<semaphore_mem>>) src(%arg13 : memref<128x64xf32, #tpu.memory_space<vmem>>) dst(%dma_wait3A_339 : memref<128x64xf32, #tpu.memory_space<vmem_shared>>)
      tpu.yield
    }) : () -> ()
    %add3A_13 = arith.constant 128 : i32
    %add3A_14 = arith.addi %mul3A_11, %add3A_13 : i32
    "tpu.region"() ({
      %run_scoped3A_331 = tpu.sem_alloc : memref<!tpu.dma_semaphore, #tpu.memory_space<semaphore_mem>>
      %dma_start3A_332 = arith.constant 0 : i32
      %dma_start3A_333 = tpu.memref_slice %arg17[%add3A_14, %dma_start3A_332] : memref<10240x64xf32, #tpu.memory_space<vmem_shared>> -> memref<128x64xf32, #tpu.memory_space<vmem_shared>>
      %dma_start3A_334 = arith.constant 0 : i32
      %dma_start3A_335 = tpu.memref_slice %arg17[%add3A_14, %dma_start3A_334] : memref<10240x64xf32, #tpu.memory_space<vmem_shared>> -> memref<128x64xf32, #tpu.memory_space<vmem_shared>>
      tpu.enqueue_dma source(%arg13 : memref<128x64xf32, #tpu.memory_space<vmem>>) target(%dma_start3A_335 : memref<128x64xf32, #tpu.memory_space<vmem_shared>>) target_semaphore(%run_scoped3A_331 : memref<!tpu.dma_semaphore, #tpu.memory_space<semaphore_mem>>)
      %dma_wait3A_336 = arith.constant 0 : i32
      %dma_wait3A_337 = tpu.memref_slice %arg17[%add3A_14, %dma_wait3A_336] : memref<10240x64xf32, #tpu.memory_space<vmem_shared>> -> memref<128x64xf32, #tpu.memory_space<vmem_shared>>
      %dma_wait3A_338 = arith.constant 0 : i32
      %dma_wait3A_339 = tpu.memref_slice %arg17[%add3A_14, %dma_wait3A_338] : memref<10240x64xf32, #tpu.memory_space<vmem_shared>> -> memref<128x64xf32, #tpu.memory_space<vmem_shared>>
      tpu.wait_dma2 semaphore(%run_scoped3A_331 : memref<!tpu.dma_semaphore, #tpu.memory_space<semaphore_mem>>) src(%arg13 : memref<128x64xf32, #tpu.memory_space<vmem>>) dst(%dma_wait3A_339 : memref<128x64xf32, #tpu.memory_space<vmem_shared>>)
      tpu.yield
    }) : () -> ()
    %add3A_15 = arith.constant 256 : i32
    %add3A_16 = arith.addi %mul3A_11, %add3A_15 : i32
    "tpu.region"() ({
      %run_scoped3A_331 = tpu.sem_alloc : memref<!tpu.dma_semaphore, #tpu.memory_space<semaphore_mem>>
      %dma_start3A_332 = arith.constant 0 : i32
      %dma_start3A_333 = tpu.memref_slice %arg17[%add3A_16, %dma_start3A_332] : memref<10240x64xf32, #tpu.memory_space<vmem_shared>> -> memref<128x64xf32, #tpu.memory_space<vmem_shared>>
      %dma_start3A_334 = arith.constant 0 : i32
      %dma_start3A_335 = tpu.memref_slice %arg17[%add3A_16, %dma_start3A_334] : memref<10240x64xf32, #tpu.memory_space<vmem_shared>> -> memref<128x64xf32, #tpu.memory_space<vmem_shared>>
      tpu.enqueue_dma source(%arg13 : memref<128x64xf32, #tpu.memory_space<vmem>>) target(%dma_start3A_335 : memref<128x64xf32, #tpu.memory_space<vmem_shared>>) target_semaphore(%run_scoped3A_331 : memref<!tpu.dma_semaphore, #tpu.memory_space<semaphore_mem>>)
      %dma_wait3A_336 = arith.constant 0 : i32
      %dma_wait3A_337 = tpu.memref_slice %arg17[%add3A_16, %dma_wait3A_336] : memref<10240x64xf32, #tpu.memory_space<vmem_shared>> -> memref<128x64xf32, #tpu.memory_space<vmem_shared>>
      %dma_wait3A_338 = arith.constant 0 : i32
      %dma_wait3A_339 = tpu.memref_slice %arg17[%add3A_16, %dma_wait3A_338] : memref<10240x64xf32, #tpu.memory_space<vmem_shared>> -> memref<128x64xf32, #tpu.memory_space<vmem_shared>>
      tpu.wait_dma2 semaphore(%run_scoped3A_331 : memref<!tpu.dma_semaphore, #tpu.memory_space<semaphore_mem>>) src(%arg13 : memref<128x64xf32, #tpu.memory_space<vmem>>) dst(%dma_wait3A_339 : memref<128x64xf32, #tpu.memory_space<vmem_shared>>)
      tpu.yield
    }) : () -> ()
    %add3A_17 = arith.constant 384 : i32
    %add3A_18 = arith.addi %mul3A_11, %add3A_17 : i32
    "tpu.region"() ({
      %run_scoped3A_331 = tpu.sem_alloc : memref<!tpu.dma_semaphore, #tpu.memory_space<semaphore_mem>>
      %dma_start3A_332 = arith.constant 0 : i32
      %dma_start3A_333 = tpu.memref_slice %arg17[%add3A_18, %dma_start3A_332] : memref<10240x64xf32, #tpu.memory_space<vmem_shared>> -> memref<128x64xf32, #tpu.memory_space<vmem_shared>>
      %dma_start3A_334 = arith.constant 0 : i32
      %dma_start3A_335 = tpu.memref_slice %arg17[%add3A_18, %dma_start3A_334] : memref<10240x64xf32, #tpu.memory_space<vmem_shared>> -> memref<128x64xf32, #tpu.memory_space<vmem_shared>>
      tpu.enqueue_dma source(%arg13 : memref<128x64xf32, #tpu.memory_space<vmem>>) target(%dma_start3A_335 : memref<128x64xf32, #tpu.memory_space<vmem_shared>>) target_semaphore(%run_scoped3A_331 : memref<!tpu.dma_semaphore, #tpu.memory_space<semaphore_mem>>)
      %dma_wait3A_336 = arith.constant 0 : i32
      %dma_wait3A_337 = tpu.memref_slice %arg17[%add3A_18, %dma_wait3A_336] : memref<10240x64xf32, #tpu.memory_space<vmem_shared>> -> memref<128x64xf32, #tpu.memory_space<vmem_shared>>
      %dma_wait3A_338 = arith.constant 0 : i32
      %dma_wait3A_339 = tpu.memref_slice %arg17[%add3A_18, %dma_wait3A_338] : memref<10240x64xf32, #tpu.memory_space<vmem_shared>> -> memref<128x64xf32, #tpu.memory_space<vmem_shared>>
      tpu.wait_dma2 semaphore(%run_scoped3A_331 : memref<!tpu.dma_semaphore, #tpu.memory_space<semaphore_mem>>) src(%arg13 : memref<128x64xf32, #tpu.memory_space<vmem>>) dst(%dma_wait3A_339 : memref<128x64xf32, #tpu.memory_space<vmem_shared>>)
      tpu.yield
    }) : () -> ()
    %add3A_19 = arith.constant 512 : i32
    %add3A_20 = arith.addi %mul3A_11, %add3A_19 : i32
    "tpu.region"() ({
      %run_scoped3A_331 = tpu.sem_alloc : memref<!tpu.dma_semaphore, #tpu.memory_space<semaphore_mem>>
      %dma_start3A_332 = arith.constant 0 : i32
      %dma_start3A_333 = tpu.memref_slice %arg17[%add3A_20, %dma_start3A_332] : memref<10240x64xf32, #tpu.memory_space<vmem_shared>> -> memref<128x64xf32, #tpu.memory_space<vmem_shared>>
      %dma_start3A_334 = arith.constant 0 : i32
      %dma_start3A_335 = tpu.memref_slice %arg17[%add3A_20, %dma_start3A_334] : memref<10240x64xf32, #tpu.memory_space<vmem_shared>> -> memref<128x64xf32, #tpu.memory_space<vmem_shared>>
      tpu.enqueue_dma source(%arg13 : memref<128x64xf32, #tpu.memory_space<vmem>>) target(%dma_start3A_335 : memref<128x64xf32, #tpu.memory_space<vmem_shared>>) target_semaphore(%run_scoped3A_331 : memref<!tpu.dma_semaphore, #tpu.memory_space<semaphore_mem>>)
      %dma_wait3A_336 = arith.constant 0 : i32
      %dma_wait3A_337 = tpu.memref_slice %arg17[%add3A_20, %dma_wait3A_336] : memref<10240x64xf32, #tpu.memory_space<vmem_shared>> -> memref<128x64xf32, #tpu.memory_space<vmem_shared>>
      %dma_wait3A_338 = arith.constant 0 : i32
      %dma_wait3A_339 = tpu.memref_slice %arg17[%add3A_20, %dma_wait3A_338] : memref<10240x64xf32, #tpu.memory_space<vmem_shared>> -> memref<128x64xf32, #tpu.memory_space<vmem_shared>>
      tpu.wait_dma2 semaphore(%run_scoped3A_331 : memref<!tpu.dma_semaphore, #tpu.memory_space<semaphore_mem>>) src(%arg13 : memref<128x64xf32, #tpu.memory_space<vmem>>) dst(%dma_wait3A_339 : memref<128x64xf32, #tpu.memory_space<vmem_shared>>)
      tpu.yield
    }) : () -> ()
    %barrier3A = arith.constant 0 : index
    tpu.barrier barrier_id(%barrier3A)
    %mul3A_21 = arith.constant 160 : i32
    %mul3A_22 = arith.muli %arg1, %mul3A_21 : i32
    %run_scoped3A = arith.constant 0 : i32
    "tpu.region"() ({
      %run_scoped3A_331 = tpu.sem_alloc : memref<!tpu.dma_semaphore, #tpu.memory_space<semaphore_mem>>
      %dma_start3A_332 = arith.constant 0 : i32
      %dma_start3A_333 = arith.constant 0 : i32
      %dma_start3A_334 = tpu.memref_slice %arg7[%run_scoped3A, %dma_start3A_332, %dma_start3A_333] : memref<2x8x128xi32, #tpu.memory_space<vmem>> -> memref<1x8x128xi32, #tpu.memory_space<vmem>>
      %dma_start3A_335 = tpu.memref_squeeze %dma_start3A_334 : memref<1x8x128xi32, #tpu.memory_space<vmem>> -> memref<8x128xi32, #tpu.memory_space<vmem>>
      %dma_start3A_336 = arith.constant 0 : i32
      %dma_start3A_337 = tpu.memref_slice %arg3[%arg0, %mul3A_22, %dma_start3A_336] : memref<2x2560x128xi32, #tpu.memory_space<hbm>> -> memref<1x8x128xi32, #tpu.memory_space<hbm>>
      %dma_start3A_338 = tpu.memref_squeeze %dma_start3A_337 : memref<1x8x128xi32, #tpu.memory_space<hbm>> -> memref<8x128xi32, #tpu.memory_space<hbm>>
      %dma_start3A_339 = arith.constant 0 : i32
      %dma_start3A_340 = arith.constant 0 : i32
      %dma_start3A_341 = tpu.memref_slice %arg7[%run_scoped3A, %dma_start3A_339, %dma_start3A_340] : memref<2x8x128xi32, #tpu.memory_space<vmem>> -> memref<1x8x128xi32, #tpu.memory_space<vmem>>
      %dma_start3A_342 = tpu.memref_squeeze %dma_start3A_341 : memref<1x8x128xi32, #tpu.memory_space<vmem>> -> memref<8x128xi32, #tpu.memory_space<vmem>>
      %dma_start3A_343 = arith.constant 0 : i32
      %dma_start3A_344 = tpu.memref_slice %arg3[%arg0, %mul3A_22, %dma_start3A_343] : memref<2x2560x128xi32, #tpu.memory_space<hbm>> -> memref<1x8x128xi32, #tpu.memory_space<hbm>>
      %dma_start3A_345 = tpu.memref_squeeze %dma_start3A_344 : memref<1x8x128xi32, #tpu.memory_space<hbm>> -> memref<8x128xi32, #tpu.memory_space<hbm>>
      tpu.enqueue_dma source(%dma_start3A_345 : memref<8x128xi32, #tpu.memory_space<hbm>>) target(%dma_start3A_342 : memref<8x128xi32, #tpu.memory_space<vmem>>) target_semaphore(%run_scoped3A_331 : memref<!tpu.dma_semaphore, #tpu.memory_space<semaphore_mem>>)
      %dma_wait3A_346 = arith.constant 0 : i32
      %dma_wait3A_347 = arith.constant 0 : i32
      %dma_wait3A_348 = tpu.memref_slice %arg7[%run_scoped3A, %dma_wait3A_346, %dma_wait3A_347] : memref<2x8x128xi32, #tpu.memory_space<vmem>> -> memref<1x8x128xi32, #tpu.memory_space<vmem>>
      %dma_wait3A_349 = tpu.memref_squeeze %dma_wait3A_348 : memref<1x8x128xi32, #tpu.memory_space<vmem>> -> memref<8x128xi32, #tpu.memory_space<vmem>>
      %dma_wait3A_350 = arith.constant 0 : i32
      %dma_wait3A_351 = tpu.memref_slice %arg3[%arg0, %mul3A_22, %dma_wait3A_350] : memref<2x2560x128xi32, #tpu.memory_space<hbm>> -> memref<1x8x128xi32, #tpu.memory_space<hbm>>
      %dma_wait3A_352 = tpu.memref_squeeze %dma_wait3A_351 : memref<1x8x128xi32, #tpu.memory_space<hbm>> -> memref<8x128xi32, #tpu.memory_space<hbm>>
      %dma_wait3A_353 = arith.constant 0 : i32
      %dma_wait3A_354 = arith.constant 0 : i32
      %dma_wait3A_355 = tpu.memref_slice %arg7[%run_scoped3A, %dma_wait3A_353, %dma_wait3A_354] : memref<2x8x128xi32, #tpu.memory_space<vmem>> -> memref<1x8x128xi32, #tpu.memory_space<vmem>>
      %dma_wait3A_356 = tpu.memref_squeeze %dma_wait3A_355 : memref<1x8x128xi32, #tpu.memory_space<vmem>> -> memref<8x128xi32, #tpu.memory_space<vmem>>
      %dma_wait3A_357 = arith.constant 0 : i32
      %dma_wait3A_358 = tpu.memref_slice %arg3[%arg0, %mul3A_22, %dma_wait3A_357] : memref<2x2560x128xi32, #tpu.memory_space<hbm>> -> memref<1x8x128xi32, #tpu.memory_space<hbm>>
      %dma_wait3A_359 = tpu.memref_squeeze %dma_wait3A_358 : memref<1x8x128xi32, #tpu.memory_space<hbm>> -> memref<8x128xi32, #tpu.memory_space<hbm>>
      tpu.wait_dma2 semaphore(%run_scoped3A_331 : memref<!tpu.dma_semaphore, #tpu.memory_space<semaphore_mem>>) src(%dma_wait3A_359 : memref<8x128xi32, #tpu.memory_space<hbm>>) dst(%dma_wait3A_356 : memref<8x128xi32, #tpu.memory_space<vmem>>)
      tpu.yield
    }) : () -> ()
    %run_scoped3A_23 = arith.constant 0 : i32
    "tpu.region"() ({
      %run_scoped3A_331 = tpu.sem_alloc : memref<!tpu.dma_semaphore, #tpu.memory_space<semaphore_mem>>
      %dma_start3A_332 = arith.constant 0 : i32
      %dma_start3A_333 = arith.constant 0 : i32
      %dma_start3A_334 = tpu.memref_slice %arg8[%run_scoped3A_23, %dma_start3A_332, %dma_start3A_333] : memref<2x8x128xi32, #tpu.memory_space<vmem>> -> memref<1x8x128xi32, #tpu.memory_space<vmem>>
      %dma_start3A_335 = tpu.memref_squeeze %dma_start3A_334 : memref<1x8x128xi32, #tpu.memory_space<vmem>> -> memref<8x128xi32, #tpu.memory_space<vmem>>
      %dma_start3A_336 = arith.constant 0 : i32
      %dma_start3A_337 = tpu.memref_slice %arg4[%mul3A_22, %dma_start3A_336] : memref<2560x128xi32, #tpu.memory_space<hbm>> -> memref<8x128xi32, #tpu.memory_space<hbm>>
      %dma_start3A_338 = arith.constant 0 : i32
      %dma_start3A_339 = arith.constant 0 : i32
      %dma_start3A_340 = tpu.memref_slice %arg8[%run_scoped3A_23, %dma_start3A_338, %dma_start3A_339] : memref<2x8x128xi32, #tpu.memory_space<vmem>> -> memref<1x8x128xi32, #tpu.memory_space<vmem>>
      %dma_start3A_341 = tpu.memref_squeeze %dma_start3A_340 : memref<1x8x128xi32, #tpu.memory_space<vmem>> -> memref<8x128xi32, #tpu.memory_space<vmem>>
      %dma_start3A_342 = arith.constant 0 : i32
      %dma_start3A_343 = tpu.memref_slice %arg4[%mul3A_22, %dma_start3A_342] : memref<2560x128xi32, #tpu.memory_space<hbm>> -> memref<8x128xi32, #tpu.memory_space<hbm>>
      tpu.enqueue_dma source(%dma_start3A_343 : memref<8x128xi32, #tpu.memory_space<hbm>>) target(%dma_start3A_341 : memref<8x128xi32, #tpu.memory_space<vmem>>) target_semaphore(%run_scoped3A_331 : memref<!tpu.dma_semaphore, #tpu.memory_space<semaphore_mem>>)
      %dma_wait3A_344 = arith.constant 0 : i32
      %dma_wait3A_345 = arith.constant 0 : i32
      %dma_wait3A_346 = tpu.memref_slice %arg8[%run_scoped3A_23, %dma_wait3A_344, %dma_wait3A_345] : memref<2x8x128xi32, #tpu.memory_space<vmem>> -> memref<1x8x128xi32, #tpu.memory_space<vmem>>
      %dma_wait3A_347 = tpu.memref_squeeze %dma_wait3A_346 : memref<1x8x128xi32, #tpu.memory_space<vmem>> -> memref<8x128xi32, #tpu.memory_space<vmem>>
      %dma_wait3A_348 = arith.constant 0 : i32
      %dma_wait3A_349 = tpu.memref_slice %arg4[%mul3A_22, %dma_wait3A_348] : memref<2560x128xi32, #tpu.memory_space<hbm>> -> memref<8x128xi32, #tpu.memory_space<hbm>>
      %dma_wait3A_350 = arith.constant 0 : i32
      %dma_wait3A_351 = arith.constant 0 : i32
      %dma_wait3A_352 = tpu.memref_slice %arg8[%run_scoped3A_23, %dma_wait3A_350, %dma_wait3A_351] : memref<2x8x128xi32, #tpu.memory_space<vmem>> -> memref<1x8x128xi32, #tpu.memory_space<vmem>>
      %dma_wait3A_353 = tpu.memref_squeeze %dma_wait3A_352 : memref<1x8x128xi32, #tpu.memory_space<vmem>> -> memref<8x128xi32, #tpu.memory_space<vmem>>
      %dma_wait3A_354 = arith.constant 0 : i32
      %dma_wait3A_355 = tpu.memref_slice %arg4[%mul3A_22, %dma_wait3A_354] : memref<2560x128xi32, #tpu.memory_space<hbm>> -> memref<8x128xi32, #tpu.memory_space<hbm>>
      tpu.wait_dma2 semaphore(%run_scoped3A_331 : memref<!tpu.dma_semaphore, #tpu.memory_space<semaphore_mem>>) src(%dma_wait3A_355 : memref<8x128xi32, #tpu.memory_space<hbm>>) dst(%dma_wait3A_353 : memref<8x128xi32, #tpu.memory_space<vmem>>)
      tpu.yield
    }) : () -> ()
    %add3A_24 = arith.constant 8 : i32
    %add3A_25 = arith.addi %mul3A_22, %add3A_24 : i32
    %dma_start3A = arith.constant 1 : i32
    %dma_start3A_26 = arith.constant 0 : i32
    %dma_start3A_27 = arith.constant 0 : i32
    %dma_start3A_28 = tpu.memref_slice %arg7[%dma_start3A, %dma_start3A_26, %dma_start3A_27] : memref<2x8x128xi32, #tpu.memory_space<vmem>> -> memref<1x8x128xi32, #tpu.memory_space<vmem>>
    %dma_start3A_29 = tpu.memref_squeeze %dma_start3A_28 : memref<1x8x128xi32, #tpu.memory_space<vmem>> -> memref<8x128xi32, #tpu.memory_space<vmem>>
    %dma_start3A_30 = arith.constant 0 : i32
    %dma_start3A_31 = tpu.memref_slice %arg3[%arg0, %add3A_25, %dma_start3A_30] : memref<2x2560x128xi32, #tpu.memory_space<hbm>> -> memref<1x8x128xi32, #tpu.memory_space<hbm>>
    %dma_start3A_32 = tpu.memref_squeeze %dma_start3A_31 : memref<1x8x128xi32, #tpu.memory_space<hbm>> -> memref<8x128xi32, #tpu.memory_space<hbm>>
    %dma_start3A_33 = arith.constant 0 : i32
    %dma_start3A_34 = arith.constant 0 : i32
    %dma_start3A_35 = tpu.memref_slice %arg7[%dma_start3A, %dma_start3A_33, %dma_start3A_34] : memref<2x8x128xi32, #tpu.memory_space<vmem>> -> memref<1x8x128xi32, #tpu.memory_space<vmem>>
    %dma_start3A_36 = tpu.memref_squeeze %dma_start3A_35 : memref<1x8x128xi32, #tpu.memory_space<vmem>> -> memref<8x128xi32, #tpu.memory_space<vmem>>
    %dma_start3A_37 = arith.constant 0 : i32
    %dma_start3A_38 = tpu.memref_slice %arg3[%arg0, %add3A_25, %dma_start3A_37] : memref<2x2560x128xi32, #tpu.memory_space<hbm>> -> memref<1x8x128xi32, #tpu.memory_space<hbm>>
    %dma_start3A_39 = tpu.memref_squeeze %dma_start3A_38 : memref<1x8x128xi32, #tpu.memory_space<hbm>> -> memref<8x128xi32, #tpu.memory_space<hbm>>
    tpu.enqueue_dma source(%dma_start3A_39 : memref<8x128xi32, #tpu.memory_space<hbm>>) target(%dma_start3A_36 : memref<8x128xi32, #tpu.memory_space<vmem>>) target_semaphore(%arg27 : memref<!tpu.dma_semaphore, #tpu.memory_space<semaphore_mem>>)
    %add3A_40 = arith.constant 8 : i32
    %add3A_41 = arith.addi %mul3A_22, %add3A_40 : i32
    %dma_start3A_42 = arith.constant 1 : i32
    %dma_start3A_43 = arith.constant 0 : i32
    %dma_start3A_44 = arith.constant 0 : i32
    %dma_start3A_45 = tpu.memref_slice %arg8[%dma_start3A_42, %dma_start3A_43, %dma_start3A_44] : memref<2x8x128xi32, #tpu.memory_space<vmem>> -> memref<1x8x128xi32, #tpu.memory_space<vmem>>
    %dma_start3A_46 = tpu.memref_squeeze %dma_start3A_45 : memref<1x8x128xi32, #tpu.memory_space<vmem>> -> memref<8x128xi32, #tpu.memory_space<vmem>>
    %dma_start3A_47 = arith.constant 0 : i32
    %dma_start3A_48 = tpu.memref_slice %arg4[%add3A_41, %dma_start3A_47] : memref<2560x128xi32, #tpu.memory_space<hbm>> -> memref<8x128xi32, #tpu.memory_space<hbm>>
    %dma_start3A_49 = arith.constant 0 : i32
    %dma_start3A_50 = arith.constant 0 : i32
    %dma_start3A_51 = tpu.memref_slice %arg8[%dma_start3A_42, %dma_start3A_49, %dma_start3A_50] : memref<2x8x128xi32, #tpu.memory_space<vmem>> -> memref<1x8x128xi32, #tpu.memory_space<vmem>>
    %dma_start3A_52 = tpu.memref_squeeze %dma_start3A_51 : memref<1x8x128xi32, #tpu.memory_space<vmem>> -> memref<8x128xi32, #tpu.memory_space<vmem>>
    %dma_start3A_53 = arith.constant 0 : i32
    %dma_start3A_54 = tpu.memref_slice %arg4[%add3A_41, %dma_start3A_53] : memref<2560x128xi32, #tpu.memory_space<hbm>> -> memref<8x128xi32, #tpu.memory_space<hbm>>
    tpu.enqueue_dma source(%dma_start3A_54 : memref<8x128xi32, #tpu.memory_space<hbm>>) target(%dma_start3A_52 : memref<8x128xi32, #tpu.memory_space<vmem>>) target_semaphore(%arg27 : memref<!tpu.dma_semaphore, #tpu.memory_space<semaphore_mem>>)
    %dma_start3A_55 = arith.constant 0 : i32
    %dma_start3A_56 = arith.constant 0 : i32
    %dma_start3A_57 = arith.constant 0 : i32
    %dma_start3A_58 = tpu.memref_slice %arg7[%dma_start3A_55, %dma_start3A_56, %dma_start3A_57] : memref<2x8x128xi32, #tpu.memory_space<vmem>> -> memref<1x1x128xi32, #tpu.memory_space<vmem>>
    %dma_start3A_59 = tpu.memref_squeeze %dma_start3A_58 : memref<1x1x128xi32, #tpu.memory_space<vmem>> -> memref<128xi32, #tpu.memory_space<vmem>>
    %dma_start3A_60 = arith.constant 0 : i32
    %dma_start3A_61 = arith.constant 0 : i32
    %dma_start3A_62 = tpu.memref_slice %arg2[%dma_start3A_60, %dma_start3A_61] : memref<20000x64xf32, #tpu.memory_space<hbm>> -> memref<20000x64xf32, #tpu.memory_space<hbm>>
    tpu.enqueue_indirect_dma source(%dma_start3A_62 : memref<20000x64xf32, #tpu.memory_space<hbm>>) target(%arg9 : memref<128x64xf32, #tpu.memory_space<vmem>>) offsets(%dma_start3A_59 : memref<128xi32, #tpu.memory_space<vmem>>) semaphore(%arg19 : memref<!tpu.dma_semaphore, #tpu.memory_space<semaphore_mem>>)
    %dma_start3A_63 = arith.constant 0 : i32
    %dma_start3A_64 = arith.constant 1 : i32
    %dma_start3A_65 = arith.constant 0 : i32
    %dma_start3A_66 = tpu.memref_slice %arg7[%dma_start3A_63, %dma_start3A_64, %dma_start3A_65] : memref<2x8x128xi32, #tpu.memory_space<vmem>> -> memref<1x1x128xi32, #tpu.memory_space<vmem>>
    %dma_start3A_67 = tpu.memref_squeeze %dma_start3A_66 : memref<1x1x128xi32, #tpu.memory_space<vmem>> -> memref<128xi32, #tpu.memory_space<vmem>>
    %dma_start3A_68 = arith.constant 0 : i32
    %dma_start3A_69 = arith.constant 0 : i32
    %dma_start3A_70 = tpu.memref_slice %arg2[%dma_start3A_68, %dma_start3A_69] : memref<20000x64xf32, #tpu.memory_space<hbm>> -> memref<20000x64xf32, #tpu.memory_space<hbm>>
    tpu.enqueue_indirect_dma source(%dma_start3A_70 : memref<20000x64xf32, #tpu.memory_space<hbm>>) target(%arg10 : memref<128x64xf32, #tpu.memory_space<vmem>>) offsets(%dma_start3A_67 : memref<128xi32, #tpu.memory_space<vmem>>) semaphore(%arg20 : memref<!tpu.dma_semaphore, #tpu.memory_space<semaphore_mem>>)
    %dma_start3A_71 = arith.constant 0 : i32
    %dma_start3A_72 = arith.constant 2 : i32
    %dma_start3A_73 = arith.constant 0 : i32
    %dma_start3A_74 = tpu.memref_slice %arg7[%dma_start3A_71, %dma_start3A_72, %dma_start3A_73] : memref<2x8x128xi32, #tpu.memory_space<vmem>> -> memref<1x1x128xi32, #tpu.memory_space<vmem>>
    %dma_start3A_75 = tpu.memref_squeeze %dma_start3A_74 : memref<1x1x128xi32, #tpu.memory_space<vmem>> -> memref<128xi32, #tpu.memory_space<vmem>>
    %dma_start3A_76 = arith.constant 0 : i32
    %dma_start3A_77 = arith.constant 0 : i32
    %dma_start3A_78 = tpu.memref_slice %arg2[%dma_start3A_76, %dma_start3A_77] : memref<20000x64xf32, #tpu.memory_space<hbm>> -> memref<20000x64xf32, #tpu.memory_space<hbm>>
    tpu.enqueue_indirect_dma source(%dma_start3A_78 : memref<20000x64xf32, #tpu.memory_space<hbm>>) target(%arg11 : memref<128x64xf32, #tpu.memory_space<vmem>>) offsets(%dma_start3A_75 : memref<128xi32, #tpu.memory_space<vmem>>) semaphore(%arg21 : memref<!tpu.dma_semaphore, #tpu.memory_space<semaphore_mem>>)
    %dma_wait3A = arith.constant 0 : i32
    %dma_wait3A_79 = arith.constant 0 : i32
    %dma_wait3A_80 = tpu.memref_slice %arg2[%dma_wait3A, %dma_wait3A_79] : memref<20000x64xf32, #tpu.memory_space<hbm>> -> memref<128x64xf32, #tpu.memory_space<hbm>>
    %dma_wait3A_81 = arith.constant 0 : i32
    %dma_wait3A_82 = arith.constant 0 : i32
    %dma_wait3A_83 = tpu.memref_slice %arg2[%dma_wait3A_81, %dma_wait3A_82] : memref<20000x64xf32, #tpu.memory_space<hbm>> -> memref<128x64xf32, #tpu.memory_space<hbm>>
    tpu.wait_dma2 semaphore(%arg19 : memref<!tpu.dma_semaphore, #tpu.memory_space<semaphore_mem>>) src(%dma_wait3A_83 : memref<128x64xf32, #tpu.memory_space<hbm>>) dst(%arg9 : memref<128x64xf32, #tpu.memory_space<vmem>>)
    %dma_start3A_84 = arith.constant 0 : i32
    %dma_start3A_85 = arith.constant 0 : i32
    %dma_start3A_86 = arith.constant 0 : i32
    %dma_start3A_87 = tpu.memref_slice %arg8[%dma_start3A_84, %dma_start3A_85, %dma_start3A_86] : memref<2x8x128xi32, #tpu.memory_space<vmem>> -> memref<1x1x128xi32, #tpu.memory_space<vmem>>
    %dma_start3A_88 = tpu.memref_squeeze %dma_start3A_87 : memref<1x1x128xi32, #tpu.memory_space<vmem>> -> memref<128xi32, #tpu.memory_space<vmem>>
    %dma_start3A_89 = arith.constant 0 : i32
    %dma_start3A_90 = arith.constant 0 : i32
    %dma_start3A_91 = tpu.memref_slice %arg17[%dma_start3A_89, %dma_start3A_90] : memref<10240x64xf32, #tpu.memory_space<vmem_shared>> -> memref<10240x64xf32, #tpu.memory_space<vmem_shared>>
    tpu.enqueue_indirect_dma source(%arg9 : memref<128x64xf32, #tpu.memory_space<vmem>>) target(%dma_start3A_91 : memref<10240x64xf32, #tpu.memory_space<vmem_shared>>) offsets(%dma_start3A_88 : memref<128xi32, #tpu.memory_space<vmem>>) semaphore(%arg23 : memref<!tpu.dma_semaphore, #tpu.memory_space<semaphore_mem>>) {add = true}
    %eq3A = arith.constant 0 : i32
    %eq3A_92 = arith.cmpi eq, %arg0, %eq3A : i32
    %convert_element_type3A = arith.extui %eq3A_92 : i1 to i32
    %cond3A = arith.constant 0 : i32
    %cond3A_93 = arith.cmpi ne, %convert_element_type3A, %cond3A : i32
    scf.if %cond3A_93 {
      %broadcast_in_dim3A = arith.constant 1.000000e+00 : f32
      %broadcast_in_dim3A_331 = vector.broadcast %broadcast_in_dim3A : f32 to vector<16xf32>
      %get3A = arith.constant 0 : i32
      %get3A_332 = arith.constant 0 : i32
      %get3A_333 = arith.index_cast %get3A : i32 to index
      %get3A_334 = arith.index_cast %get3A_332 : i32 to index
      %get3A_335 = arith.constant 0 : index
      %get3A_336 = tpu.vector_load %arg8[%get3A_333, %get3A_334, %get3A_335] {strides = array<i32>} : memref<2x8x128xi32, #tpu.memory_space<vmem>>, vector<16xi32>,
      tpu.vector_store_idx %arg14[%get3A_336], %broadcast_in_dim3A_331 {add = true} : memref<10240xf32, #tpu.memory_space<vmem>>[vector<16xi32>], vector<16xf32>,
      %get3A_337 = arith.constant 0 : i32
      %get3A_338 = arith.constant 0 : i32
      %get3A_339 = arith.index_cast %get3A_337 : i32 to index
      %get3A_340 = arith.index_cast %get3A_338 : i32 to index
      %get3A_341 = arith.constant 16 : index
      %get3A_342 = tpu.vector_load %arg8[%get3A_339, %get3A_340, %get3A_341] {strides = array<i32>} : memref<2x8x128xi32, #tpu.memory_space<vmem>>, vector<16xi32>,
      tpu.vector_store_idx %arg14[%get3A_342], %broadcast_in_dim3A_331 {add = true} : memref<10240xf32, #tpu.memory_space<vmem>>[vector<16xi32>], vector<16xf32>,
      %get3A_343 = arith.constant 0 : i32
      %get3A_344 = arith.constant 0 : i32
      %get3A_345 = arith.index_cast %get3A_343 : i32 to index
      %get3A_346 = arith.index_cast %get3A_344 : i32 to index
      %get3A_347 = arith.constant 32 : index
      %get3A_348 = tpu.vector_load %arg8[%get3A_345, %get3A_346, %get3A_347] {strides = array<i32>} : memref<2x8x128xi32, #tpu.memory_space<vmem>>, vector<16xi32>,
      tpu.vector_store_idx %arg14[%get3A_348], %broadcast_in_dim3A_331 {add = true} : memref<10240xf32, #tpu.memory_space<vmem>>[vector<16xi32>], vector<16xf32>,
      %get3A_349 = arith.constant 0 : i32
      %get3A_350 = arith.constant 0 : i32
      %get3A_351 = arith.index_cast %get3A_349 : i32 to index
      %get3A_352 = arith.index_cast %get3A_350 : i32 to index
      %get3A_353 = arith.constant 48 : index
      %get3A_354 = tpu.vector_load %arg8[%get3A_351, %get3A_352, %get3A_353] {strides = array<i32>} : memref<2x8x128xi32, #tpu.memory_space<vmem>>, vector<16xi32>,
      tpu.vector_store_idx %arg14[%get3A_354], %broadcast_in_dim3A_331 {add = true} : memref<10240xf32, #tpu.memory_space<vmem>>[vector<16xi32>], vector<16xf32>,
      %get3A_355 = arith.constant 0 : i32
      %get3A_356 = arith.constant 0 : i32
      %get3A_357 = arith.index_cast %get3A_355 : i32 to index
      %get3A_358 = arith.index_cast %get3A_356 : i32 to index
      %get3A_359 = arith.constant 64 : index
      %get3A_360 = tpu.vector_load %arg8[%get3A_357, %get3A_358, %get3A_359] {strides = array<i32>} : memref<2x8x128xi32, #tpu.memory_space<vmem>>, vector<16xi32>,
      tpu.vector_store_idx %arg14[%get3A_360], %broadcast_in_dim3A_331 {add = true} : memref<10240xf32, #tpu.memory_space<vmem>>[vector<16xi32>], vector<16xf32>,
      %get3A_361 = arith.constant 0 : i32
      %get3A_362 = arith.constant 0 : i32
      %get3A_363 = arith.index_cast %get3A_361 : i32 to index
      %get3A_364 = arith.index_cast %get3A_362 : i32 to index
      %get3A_365 = arith.constant 80 : index
      %get3A_366 = tpu.vector_load %arg8[%get3A_363, %get3A_364, %get3A_365] {strides = array<i32>} : memref<2x8x128xi32, #tpu.memory_space<vmem>>, vector<16xi32>,
      tpu.vector_store_idx %arg14[%get3A_366], %broadcast_in_dim3A_331 {add = true} : memref<10240xf32, #tpu.memory_space<vmem>>[vector<16xi32>], vector<16xf32>,
      %get3A_367 = arith.constant 0 : i32
      %get3A_368 = arith.constant 0 : i32
      %get3A_369 = arith.index_cast %get3A_367 : i32 to index
      %get3A_370 = arith.index_cast %get3A_368 : i32 to index
      %get3A_371 = arith.constant 96 : index
      %get3A_372 = tpu.vector_load %arg8[%get3A_369, %get3A_370, %get3A_371] {strides = array<i32>} : memref<2x8x128xi32, #tpu.memory_space<vmem>>, vector<16xi32>,
      tpu.vector_store_idx %arg14[%get3A_372], %broadcast_in_dim3A_331 {add = true} : memref<10240xf32, #tpu.memory_space<vmem>>[vector<16xi32>], vector<16xf32>,
      %get3A_373 = arith.constant 0 : i32
      %get3A_374 = arith.constant 0 : i32
      %get3A_375 = arith.index_cast %get3A_373 : i32 to index
      %get3A_376 = arith.index_cast %get3A_374 : i32 to index
      %get3A_377 = arith.constant 112 : index
      %get3A_378 = tpu.vector_load %arg8[%get3A_375, %get3A_376, %get3A_377] {strides = array<i32>} : memref<2x8x128xi32, #tpu.memory_space<vmem>>, vector<16xi32>,
      tpu.vector_store_idx %arg14[%get3A_378], %broadcast_in_dim3A_331 {add = true} : memref<10240xf32, #tpu.memory_space<vmem>>[vector<16xi32>], vector<16xf32>,
    } else {
    }
    %dma_start3A_94 = arith.constant 0 : i32
    %dma_start3A_95 = arith.constant 3 : i32
    %dma_start3A_96 = arith.constant 0 : i32
    %dma_start3A_97 = tpu.memref_slice %arg7[%dma_start3A_94, %dma_start3A_95, %dma_start3A_96] : memref<2x8x128xi32, #tpu.memory_space<vmem>> -> memref<1x1x128xi32, #tpu.memory_space<vmem>>
    %dma_start3A_98 = tpu.memref_squeeze %dma_start3A_97 : memref<1x1x128xi32, #tpu.memory_space<vmem>> -> memref<128xi32, #tpu.memory_space<vmem>>
    %dma_start3A_99 = arith.constant 0 : i32
    %dma_start3A_100 = arith.constant 0 : i32
    %dma_start3A_101 = tpu.memref_slice %arg2[%dma_start3A_99, %dma_start3A_100] : memref<20000x64xf32, #tpu.memory_space<hbm>> -> memref<20000x64xf32, #tpu.memory_space<hbm>>
    tpu.enqueue_indirect_dma source(%dma_start3A_101 : memref<20000x64xf32, #tpu.memory_space<hbm>>) target(%arg12 : memref<128x64xf32, #tpu.memory_space<vmem>>) offsets(%dma_start3A_98 : memref<128xi32, #tpu.memory_space<vmem>>) semaphore(%arg22 : memref<!tpu.dma_semaphore, #tpu.memory_space<semaphore_mem>>)
    %dma_wait3A_102 = arith.constant 0 : i32
    %dma_wait3A_103 = arith.constant 0 : i32
    %dma_wait3A_104 = tpu.memref_slice %arg2[%dma_wait3A_102, %dma_wait3A_103] : memref<20000x64xf32, #tpu.memory_space<hbm>> -> memref<128x64xf32, #tpu.memory_space<hbm>>
    %dma_wait3A_105 = arith.constant 0 : i32
    %dma_wait3A_106 = arith.constant 0 : i32
    %dma_wait3A_107 = tpu.memref_slice %arg2[%dma_wait3A_105, %dma_wait3A_106] : memref<20000x64xf32, #tpu.memory_space<hbm>> -> memref<128x64xf32, #tpu.memory_space<hbm>>
    tpu.wait_dma2 semaphore(%arg20 : memref<!tpu.dma_semaphore, #tpu.memory_space<semaphore_mem>>) src(%dma_wait3A_107 : memref<128x64xf32, #tpu.memory_space<hbm>>) dst(%arg10 : memref<128x64xf32, #tpu.memory_space<vmem>>)
    %dma_start3A_108 = arith.constant 0 : i32
    %dma_start3A_109 = arith.constant 1 : i32
    %dma_start3A_110 = arith.constant 0 : i32
    %dma_start3A_111 = tpu.memref_slice %arg8[%dma_start3A_108, %dma_start3A_109, %dma_start3A_110] : memref<2x8x128xi32, #tpu.memory_space<vmem>> -> memref<1x1x128xi32, #tpu.memory_space<vmem>>
    %dma_start3A_112 = tpu.memref_squeeze %dma_start3A_111 : memref<1x1x128xi32, #tpu.memory_space<vmem>> -> memref<128xi32, #tpu.memory_space<vmem>>
    %dma_start3A_113 = arith.constant 0 : i32
    %dma_start3A_114 = arith.constant 0 : i32
    %dma_start3A_115 = tpu.memref_slice %arg17[%dma_start3A_113, %dma_start3A_114] : memref<10240x64xf32, #tpu.memory_space<vmem_shared>> -> memref<10240x64xf32, #tpu.memory_space<vmem_shared>>
    tpu.enqueue_indirect_dma source(%arg10 : memref<128x64xf32, #tpu.memory_space<vmem>>) target(%dma_start3A_115 : memref<10240x64xf32, #tpu.memory_space<vmem_shared>>) offsets(%dma_start3A_112 : memref<128xi32, #tpu.memory_space<vmem>>) semaphore(%arg24 : memref<!tpu.dma_semaphore, #tpu.memory_space<semaphore_mem>>) {add = true}
    %eq3A_116 = arith.constant 0 : i32
    %eq3A_117 = arith.cmpi eq, %arg0, %eq3A_116 : i32
    %convert_element_type3A_118 = arith.extui %eq3A_117 : i1 to i32
    %cond3A_119 = arith.constant 0 : i32
    %cond3A_120 = arith.cmpi ne, %convert_element_type3A_118, %cond3A_119 : i32
    scf.if %cond3A_120 {
      %broadcast_in_dim3A = arith.constant 1.000000e+00 : f32
      %broadcast_in_dim3A_331 = vector.broadcast %broadcast_in_dim3A : f32 to vector<16xf32>
      %get3A = arith.constant 0 : i32
      %get3A_332 = arith.constant 1 : i32
      %get3A_333 = arith.index_cast %get3A : i32 to index
      %get3A_334 = arith.index_cast %get3A_332 : i32 to index
      %get3A_335 = arith.constant 0 : index
      %get3A_336 = tpu.vector_load %arg8[%get3A_333, %get3A_334, %get3A_335] {strides = array<i32>} : memref<2x8x128xi32, #tpu.memory_space<vmem>>, vector<16xi32>,
      tpu.vector_store_idx %arg14[%get3A_336], %broadcast_in_dim3A_331 {add = true} : memref<10240xf32, #tpu.memory_space<vmem>>[vector<16xi32>], vector<16xf32>,
      %get3A_337 = arith.constant 0 : i32
      %get3A_338 = arith.constant 1 : i32
      %get3A_339 = arith.index_cast %get3A_337 : i32 to index
      %get3A_340 = arith.index_cast %get3A_338 : i32 to index
      %get3A_341 = arith.constant 16 : index
      %get3A_342 = tpu.vector_load %arg8[%get3A_339, %get3A_340, %get3A_341] {strides = array<i32>} : memref<2x8x128xi32, #tpu.memory_space<vmem>>, vector<16xi32>,
      tpu.vector_store_idx %arg14[%get3A_342], %broadcast_in_dim3A_331 {add = true} : memref<10240xf32, #tpu.memory_space<vmem>>[vector<16xi32>], vector<16xf32>,
      %get3A_343 = arith.constant 0 : i32
      %get3A_344 = arith.constant 1 : i32
      %get3A_345 = arith.index_cast %get3A_343 : i32 to index
      %get3A_346 = arith.index_cast %get3A_344 : i32 to index
      %get3A_347 = arith.constant 32 : index
      %get3A_348 = tpu.vector_load %arg8[%get3A_345, %get3A_346, %get3A_347] {strides = array<i32>} : memref<2x8x128xi32, #tpu.memory_space<vmem>>, vector<16xi32>,
      tpu.vector_store_idx %arg14[%get3A_348], %broadcast_in_dim3A_331 {add = true} : memref<10240xf32, #tpu.memory_space<vmem>>[vector<16xi32>], vector<16xf32>,
      %get3A_349 = arith.constant 0 : i32
      %get3A_350 = arith.constant 1 : i32
      %get3A_351 = arith.index_cast %get3A_349 : i32 to index
      %get3A_352 = arith.index_cast %get3A_350 : i32 to index
      %get3A_353 = arith.constant 48 : index
      %get3A_354 = tpu.vector_load %arg8[%get3A_351, %get3A_352, %get3A_353] {strides = array<i32>} : memref<2x8x128xi32, #tpu.memory_space<vmem>>, vector<16xi32>,
      tpu.vector_store_idx %arg14[%get3A_354], %broadcast_in_dim3A_331 {add = true} : memref<10240xf32, #tpu.memory_space<vmem>>[vector<16xi32>], vector<16xf32>,
      %get3A_355 = arith.constant 0 : i32
      %get3A_356 = arith.constant 1 : i32
      %get3A_357 = arith.index_cast %get3A_355 : i32 to index
      %get3A_358 = arith.index_cast %get3A_356 : i32 to index
      %get3A_359 = arith.constant 64 : index
      %get3A_360 = tpu.vector_load %arg8[%get3A_357, %get3A_358, %get3A_359] {strides = array<i32>} : memref<2x8x128xi32, #tpu.memory_space<vmem>>, vector<16xi32>,
      tpu.vector_store_idx %arg14[%get3A_360], %broadcast_in_dim3A_331 {add = true} : memref<10240xf32, #tpu.memory_space<vmem>>[vector<16xi32>], vector<16xf32>,
      %get3A_361 = arith.constant 0 : i32
      %get3A_362 = arith.constant 1 : i32
      %get3A_363 = arith.index_cast %get3A_361 : i32 to index
      %get3A_364 = arith.index_cast %get3A_362 : i32 to index
      %get3A_365 = arith.constant 80 : index
      %get3A_366 = tpu.vector_load %arg8[%get3A_363, %get3A_364, %get3A_365] {strides = array<i32>} : memref<2x8x128xi32, #tpu.memory_space<vmem>>, vector<16xi32>,
      tpu.vector_store_idx %arg14[%get3A_366], %broadcast_in_dim3A_331 {add = true} : memref<10240xf32, #tpu.memory_space<vmem>>[vector<16xi32>], vector<16xf32>,
      %get3A_367 = arith.constant 0 : i32
      %get3A_368 = arith.constant 1 : i32
      %get3A_369 = arith.index_cast %get3A_367 : i32 to index
      %get3A_370 = arith.index_cast %get3A_368 : i32 to index
      %get3A_371 = arith.constant 96 : index
      %get3A_372 = tpu.vector_load %arg8[%get3A_369, %get3A_370, %get3A_371] {strides = array<i32>} : memref<2x8x128xi32, #tpu.memory_space<vmem>>, vector<16xi32>,
      tpu.vector_store_idx %arg14[%get3A_372], %broadcast_in_dim3A_331 {add = true} : memref<10240xf32, #tpu.memory_space<vmem>>[vector<16xi32>], vector<16xf32>,
      %get3A_373 = arith.constant 0 : i32
      %get3A_374 = arith.constant 1 : i32
      %get3A_375 = arith.index_cast %get3A_373 : i32 to index
      %get3A_376 = arith.index_cast %get3A_374 : i32 to index
      %get3A_377 = arith.constant 112 : index
      %get3A_378 = tpu.vector_load %arg8[%get3A_375, %get3A_376, %get3A_377] {strides = array<i32>} : memref<2x8x128xi32, #tpu.memory_space<vmem>>, vector<16xi32>,
      tpu.vector_store_idx %arg14[%get3A_378], %broadcast_in_dim3A_331 {add = true} : memref<10240xf32, #tpu.memory_space<vmem>>[vector<16xi32>], vector<16xf32>,
    } else {
    }
    %dma_wait3A_121 = arith.constant 0 : i32
    %dma_wait3A_122 = arith.constant 0 : i32
    %dma_wait3A_123 = tpu.memref_slice %arg17[%dma_wait3A_121, %dma_wait3A_122] : memref<10240x64xf32, #tpu.memory_space<vmem_shared>> -> memref<128x64xf32, #tpu.memory_space<vmem_shared>>
    %dma_wait3A_124 = arith.constant 0 : i32
    %dma_wait3A_125 = arith.constant 0 : i32
    %dma_wait3A_126 = tpu.memref_slice %arg17[%dma_wait3A_124, %dma_wait3A_125] : memref<10240x64xf32, #tpu.memory_space<vmem_shared>> -> memref<128x64xf32, #tpu.memory_space<vmem_shared>>
    tpu.wait_dma2 semaphore(%arg23 : memref<!tpu.dma_semaphore, #tpu.memory_space<semaphore_mem>>) src(%arg9 : memref<128x64xf32, #tpu.memory_space<vmem>>) dst(%dma_wait3A_126 : memref<128x64xf32, #tpu.memory_space<vmem_shared>>)
    %dma_start3A_127 = arith.constant 0 : i32
    %dma_start3A_128 = arith.constant 4 : i32
    %dma_start3A_129 = arith.constant 0 : i32
    %dma_start3A_130 = tpu.memref_slice %arg7[%dma_start3A_127, %dma_start3A_128, %dma_start3A_129] : memref<2x8x128xi32, #tpu.memory_space<vmem>> -> memref<1x1x128xi32, #tpu.memory_space<vmem>>
    %dma_start3A_131 = tpu.memref_squeeze %dma_start3A_130 : memref<1x1x128xi32, #tpu.memory_space<vmem>> -> memref<128xi32, #tpu.memory_space<vmem>>
    %dma_start3A_132 = arith.constant 0 : i32
    %dma_start3A_133 = arith.constant 0 : i32
    %dma_start3A_134 = tpu.memref_slice %arg2[%dma_start3A_132, %dma_start3A_133] : memref<20000x64xf32, #tpu.memory_space<hbm>> -> memref<20000x64xf32, #tpu.memory_space<hbm>>
    tpu.enqueue_indirect_dma source(%dma_start3A_134 : memref<20000x64xf32, #tpu.memory_space<hbm>>) target(%arg9 : memref<128x64xf32, #tpu.memory_space<vmem>>) offsets(%dma_start3A_131 : memref<128xi32, #tpu.memory_space<vmem>>) semaphore(%arg19 : memref<!tpu.dma_semaphore, #tpu.memory_space<semaphore_mem>>)
    %dma_wait3A_135 = arith.constant 0 : i32
    %dma_wait3A_136 = arith.constant 0 : i32
    %dma_wait3A_137 = tpu.memref_slice %arg2[%dma_wait3A_135, %dma_wait3A_136] : memref<20000x64xf32, #tpu.memory_space<hbm>> -> memref<128x64xf32, #tpu.memory_space<hbm>>
    %dma_wait3A_138 = arith.constant 0 : i32
    %dma_wait3A_139 = arith.constant 0 : i32
    %dma_wait3A_140 = tpu.memref_slice %arg2[%dma_wait3A_138, %dma_wait3A_139] : memref<20000x64xf32, #tpu.memory_space<hbm>> -> memref<128x64xf32, #tpu.memory_space<hbm>>
    tpu.wait_dma2 semaphore(%arg21 : memref<!tpu.dma_semaphore, #tpu.memory_space<semaphore_mem>>) src(%dma_wait3A_140 : memref<128x64xf32, #tpu.memory_space<hbm>>) dst(%arg11 : memref<128x64xf32, #tpu.memory_space<vmem>>)
    %dma_start3A_141 = arith.constant 0 : i32
    %dma_start3A_142 = arith.constant 2 : i32
    %dma_start3A_143 = arith.constant 0 : i32
    %dma_start3A_144 = tpu.memref_slice %arg8[%dma_start3A_141, %dma_start3A_142, %dma_start3A_143] : memref<2x8x128xi32, #tpu.memory_space<vmem>> -> memref<1x1x128xi32, #tpu.memory_space<vmem>>
    %dma_start3A_145 = tpu.memref_squeeze %dma_start3A_144 : memref<1x1x128xi32, #tpu.memory_space<vmem>> -> memref<128xi32, #tpu.memory_space<vmem>>
    %dma_start3A_146 = arith.constant 0 : i32
    %dma_start3A_147 = arith.constant 0 : i32
    %dma_start3A_148 = tpu.memref_slice %arg17[%dma_start3A_146, %dma_start3A_147] : memref<10240x64xf32, #tpu.memory_space<vmem_shared>> -> memref<10240x64xf32, #tpu.memory_space<vmem_shared>>
    tpu.enqueue_indirect_dma source(%arg11 : memref<128x64xf32, #tpu.memory_space<vmem>>) target(%dma_start3A_148 : memref<10240x64xf32, #tpu.memory_space<vmem_shared>>) offsets(%dma_start3A_145 : memref<128xi32, #tpu.memory_space<vmem>>) semaphore(%arg25 : memref<!tpu.dma_semaphore, #tpu.memory_space<semaphore_mem>>) {add = true}
    %eq3A_149 = arith.constant 0 : i32
    %eq3A_150 = arith.cmpi eq, %arg0, %eq3A_149 : i32
    %convert_element_type3A_151 = arith.extui %eq3A_150 : i1 to i32
    %cond3A_152 = arith.constant 0 : i32
    %cond3A_153 = arith.cmpi ne, %convert_element_type3A_151, %cond3A_152 : i32
    scf.if %cond3A_153 {
      %broadcast_in_dim3A = arith.constant 1.000000e+00 : f32
      %broadcast_in_dim3A_331 = vector.broadcast %broadcast_in_dim3A : f32 to vector<16xf32>
      %get3A = arith.constant 0 : i32
      %get3A_332 = arith.constant 2 : i32
      %get3A_333 = arith.index_cast %get3A : i32 to index
      %get3A_334 = arith.index_cast %get3A_332 : i32 to index
      %get3A_335 = arith.constant 0 : index
      %get3A_336 = tpu.vector_load %arg8[%get3A_333, %get3A_334, %get3A_335] {strides = array<i32>} : memref<2x8x128xi32, #tpu.memory_space<vmem>>, vector<16xi32>,
      tpu.vector_store_idx %arg14[%get3A_336], %broadcast_in_dim3A_331 {add = true} : memref<10240xf32, #tpu.memory_space<vmem>>[vector<16xi32>], vector<16xf32>,
      %get3A_337 = arith.constant 0 : i32
      %get3A_338 = arith.constant 2 : i32
      %get3A_339 = arith.index_cast %get3A_337 : i32 to index
      %get3A_340 = arith.index_cast %get3A_338 : i32 to index
      %get3A_341 = arith.constant 16 : index
      %get3A_342 = tpu.vector_load %arg8[%get3A_339, %get3A_340, %get3A_341] {strides = array<i32>} : memref<2x8x128xi32, #tpu.memory_space<vmem>>, vector<16xi32>,
      tpu.vector_store_idx %arg14[%get3A_342], %broadcast_in_dim3A_331 {add = true} : memref<10240xf32, #tpu.memory_space<vmem>>[vector<16xi32>], vector<16xf32>,
      %get3A_343 = arith.constant 0 : i32
      %get3A_344 = arith.constant 2 : i32
      %get3A_345 = arith.index_cast %get3A_343 : i32 to index
      %get3A_346 = arith.index_cast %get3A_344 : i32 to index
      %get3A_347 = arith.constant 32 : index
      %get3A_348 = tpu.vector_load %arg8[%get3A_345, %get3A_346, %get3A_347] {strides = array<i32>} : memref<2x8x128xi32, #tpu.memory_space<vmem>>, vector<16xi32>,
      tpu.vector_store_idx %arg14[%get3A_348], %broadcast_in_dim3A_331 {add = true} : memref<10240xf32, #tpu.memory_space<vmem>>[vector<16xi32>], vector<16xf32>,
      %get3A_349 = arith.constant 0 : i32
      %get3A_350 = arith.constant 2 : i32
      %get3A_351 = arith.index_cast %get3A_349 : i32 to index
      %get3A_352 = arith.index_cast %get3A_350 : i32 to index
      %get3A_353 = arith.constant 48 : index
      %get3A_354 = tpu.vector_load %arg8[%get3A_351, %get3A_352, %get3A_353] {strides = array<i32>} : memref<2x8x128xi32, #tpu.memory_space<vmem>>, vector<16xi32>,
      tpu.vector_store_idx %arg14[%get3A_354], %broadcast_in_dim3A_331 {add = true} : memref<10240xf32, #tpu.memory_space<vmem>>[vector<16xi32>], vector<16xf32>,
      %get3A_355 = arith.constant 0 : i32
      %get3A_356 = arith.constant 2 : i32
      %get3A_357 = arith.index_cast %get3A_355 : i32 to index
      %get3A_358 = arith.index_cast %get3A_356 : i32 to index
      %get3A_359 = arith.constant 64 : index
      %get3A_360 = tpu.vector_load %arg8[%get3A_357, %get3A_358, %get3A_359] {strides = array<i32>} : memref<2x8x128xi32, #tpu.memory_space<vmem>>, vector<16xi32>,
      tpu.vector_store_idx %arg14[%get3A_360], %broadcast_in_dim3A_331 {add = true} : memref<10240xf32, #tpu.memory_space<vmem>>[vector<16xi32>], vector<16xf32>,
      %get3A_361 = arith.constant 0 : i32
      %get3A_362 = arith.constant 2 : i32
      %get3A_363 = arith.index_cast %get3A_361 : i32 to index
      %get3A_364 = arith.index_cast %get3A_362 : i32 to index
      %get3A_365 = arith.constant 80 : index
      %get3A_366 = tpu.vector_load %arg8[%get3A_363, %get3A_364, %get3A_365] {strides = array<i32>} : memref<2x8x128xi32, #tpu.memory_space<vmem>>, vector<16xi32>,
      tpu.vector_store_idx %arg14[%get3A_366], %broadcast_in_dim3A_331 {add = true} : memref<10240xf32, #tpu.memory_space<vmem>>[vector<16xi32>], vector<16xf32>,
      %get3A_367 = arith.constant 0 : i32
      %get3A_368 = arith.constant 2 : i32
      %get3A_369 = arith.index_cast %get3A_367 : i32 to index
      %get3A_370 = arith.index_cast %get3A_368 : i32 to index
      %get3A_371 = arith.constant 96 : index
      %get3A_372 = tpu.vector_load %arg8[%get3A_369, %get3A_370, %get3A_371] {strides = array<i32>} : memref<2x8x128xi32, #tpu.memory_space<vmem>>, vector<16xi32>,
      tpu.vector_store_idx %arg14[%get3A_372], %broadcast_in_dim3A_331 {add = true} : memref<10240xf32, #tpu.memory_space<vmem>>[vector<16xi32>], vector<16xf32>,
      %get3A_373 = arith.constant 0 : i32
      %get3A_374 = arith.constant 2 : i32
      %get3A_375 = arith.index_cast %get3A_373 : i32 to index
      %get3A_376 = arith.index_cast %get3A_374 : i32 to index
      %get3A_377 = arith.constant 112 : index
      %get3A_378 = tpu.vector_load %arg8[%get3A_375, %get3A_376, %get3A_377] {strides = array<i32>} : memref<2x8x128xi32, #tpu.memory_space<vmem>>, vector<16xi32>,
      tpu.vector_store_idx %arg14[%get3A_378], %broadcast_in_dim3A_331 {add = true} : memref<10240xf32, #tpu.memory_space<vmem>>[vector<16xi32>], vector<16xf32>,
    } else {
    }
    %dma_wait3A_154 = arith.constant 0 : i32
    %dma_wait3A_155 = arith.constant 0 : i32
    %dma_wait3A_156 = tpu.memref_slice %arg17[%dma_wait3A_154, %dma_wait3A_155] : memref<10240x64xf32, #tpu.memory_space<vmem_shared>> -> memref<128x64xf32, #tpu.memory_space<vmem_shared>>
    %dma_wait3A_157 = arith.constant 0 : i32
    %dma_wait3A_158 = arith.constant 0 : i32
    %dma_wait3A_159 = tpu.memref_slice %arg17[%dma_wait3A_157, %dma_wait3A_158] : memref<10240x64xf32, #tpu.memory_space<vmem_shared>> -> memref<128x64xf32, #tpu.memory_space<vmem_shared>>
    tpu.wait_dma2 semaphore(%arg24 : memref<!tpu.dma_semaphore, #tpu.memory_space<semaphore_mem>>) src(%arg10 : memref<128x64xf32, #tpu.memory_space<vmem>>) dst(%dma_wait3A_159 : memref<128x64xf32, #tpu.memory_space<vmem_shared>>)
    %dma_start3A_160 = arith.constant 0 : i32
    %dma_start3A_161 = arith.constant 5 : i32
    %dma_start3A_162 = arith.constant 0 : i32
    %dma_start3A_163 = tpu.memref_slice %arg7[%dma_start3A_160, %dma_start3A_161, %dma_start3A_162] : memref<2x8x128xi32, #tpu.memory_space<vmem>> -> memref<1x1x128xi32, #tpu.memory_space<vmem>>
    %dma_start3A_164 = tpu.memref_squeeze %dma_start3A_163 : memref<1x1x128xi32, #tpu.memory_space<vmem>> -> memref<128xi32, #tpu.memory_space<vmem>>
    %dma_start3A_165 = arith.constant 0 : i32
    %dma_start3A_166 = arith.constant 0 : i32
    %dma_start3A_167 = tpu.memref_slice %arg2[%dma_start3A_165, %dma_start3A_166] : memref<20000x64xf32, #tpu.memory_space<hbm>> -> memref<20000x64xf32, #tpu.memory_space<hbm>>
    tpu.enqueue_indirect_dma source(%dma_start3A_167 : memref<20000x64xf32, #tpu.memory_space<hbm>>) target(%arg10 : memref<128x64xf32, #tpu.memory_space<vmem>>) offsets(%dma_start3A_164 : memref<128xi32, #tpu.memory_space<vmem>>) semaphore(%arg20 : memref<!tpu.dma_semaphore, #tpu.memory_space<semaphore_mem>>)
    %dma_wait3A_168 = arith.constant 0 : i32
    %dma_wait3A_169 = arith.constant 0 : i32
    %dma_wait3A_170 = tpu.memref_slice %arg2[%dma_wait3A_168, %dma_wait3A_169] : memref<20000x64xf32, #tpu.memory_space<hbm>> -> memref<128x64xf32, #tpu.memory_space<hbm>>
    %dma_wait3A_171 = arith.constant 0 : i32
    %dma_wait3A_172 = arith.constant 0 : i32
    %dma_wait3A_173 = tpu.memref_slice %arg2[%dma_wait3A_171, %dma_wait3A_172] : memref<20000x64xf32, #tpu.memory_space<hbm>> -> memref<128x64xf32, #tpu.memory_space<hbm>>
    tpu.wait_dma2 semaphore(%arg22 : memref<!tpu.dma_semaphore, #tpu.memory_space<semaphore_mem>>) src(%dma_wait3A_173 : memref<128x64xf32, #tpu.memory_space<hbm>>) dst(%arg12 : memref<128x64xf32, #tpu.memory_space<vmem>>)
    %dma_start3A_174 = arith.constant 0 : i32
    %dma_start3A_175 = arith.constant 3 : i32
    %dma_start3A_176 = arith.constant 0 : i32
    %dma_start3A_177 = tpu.memref_slice %arg8[%dma_start3A_174, %dma_start3A_175, %dma_start3A_176] : memref<2x8x128xi32, #tpu.memory_space<vmem>> -> memref<1x1x128xi32, #tpu.memory_space<vmem>>
    %dma_start3A_178 = tpu.memref_squeeze %dma_start3A_177 : memref<1x1x128xi32, #tpu.memory_space<vmem>> -> memref<128xi32, #tpu.memory_space<vmem>>
    %dma_start3A_179 = arith.constant 0 : i32
    %dma_start3A_180 = arith.constant 0 : i32
    %dma_start3A_181 = tpu.memref_slice %arg17[%dma_start3A_179, %dma_start3A_180] : memref<10240x64xf32, #tpu.memory_space<vmem_shared>> -> memref<10240x64xf32, #tpu.memory_space<vmem_shared>>
    tpu.enqueue_indirect_dma source(%arg12 : memref<128x64xf32, #tpu.memory_space<vmem>>) target(%dma_start3A_181 : memref<10240x64xf32, #tpu.memory_space<vmem_shared>>) offsets(%dma_start3A_178 : memref<128xi32, #tpu.memory_space<vmem>>) semaphore(%arg26 : memref<!tpu.dma_semaphore, #tpu.memory_space<semaphore_mem>>) {add = true}
    %eq3A_182 = arith.constant 0 : i32
    %eq3A_183 = arith.cmpi eq, %arg0, %eq3A_182 : i32
    %convert_element_type3A_184 = arith.extui %eq3A_183 : i1 to i32
    %cond3A_185 = arith.constant 0 : i32
    %cond3A_186 = arith.cmpi ne, %convert_element_type3A_184, %cond3A_185 : i32
    scf.if %cond3A_186 {
      %broadcast_in_dim3A = arith.constant 1.000000e+00 : f32
      %broadcast_in_dim3A_331 = vector.broadcast %broadcast_in_dim3A : f32 to vector<16xf32>
      %get3A = arith.constant 0 : i32
      %get3A_332 = arith.constant 3 : i32
      %get3A_333 = arith.index_cast %get3A : i32 to index
      %get3A_334 = arith.index_cast %get3A_332 : i32 to index
      %get3A_335 = arith.constant 0 : index
      %get3A_336 = tpu.vector_load %arg8[%get3A_333, %get3A_334, %get3A_335] {strides = array<i32>} : memref<2x8x128xi32, #tpu.memory_space<vmem>>, vector<16xi32>,
      tpu.vector_store_idx %arg14[%get3A_336], %broadcast_in_dim3A_331 {add = true} : memref<10240xf32, #tpu.memory_space<vmem>>[vector<16xi32>], vector<16xf32>,
      %get3A_337 = arith.constant 0 : i32
      %get3A_338 = arith.constant 3 : i32
      %get3A_339 = arith.index_cast %get3A_337 : i32 to index
      %get3A_340 = arith.index_cast %get3A_338 : i32 to index
      %get3A_341 = arith.constant 16 : index
      %get3A_342 = tpu.vector_load %arg8[%get3A_339, %get3A_340, %get3A_341] {strides = array<i32>} : memref<2x8x128xi32, #tpu.memory_space<vmem>>, vector<16xi32>,
      tpu.vector_store_idx %arg14[%get3A_342], %broadcast_in_dim3A_331 {add = true} : memref<10240xf32, #tpu.memory_space<vmem>>[vector<16xi32>], vector<16xf32>,
      %get3A_343 = arith.constant 0 : i32
      %get3A_344 = arith.constant 3 : i32
      %get3A_345 = arith.index_cast %get3A_343 : i32 to index
      %get3A_346 = arith.index_cast %get3A_344 : i32 to index
      %get3A_347 = arith.constant 32 : index
      %get3A_348 = tpu.vector_load %arg8[%get3A_345, %get3A_346, %get3A_347] {strides = array<i32>} : memref<2x8x128xi32, #tpu.memory_space<vmem>>, vector<16xi32>,
      tpu.vector_store_idx %arg14[%get3A_348], %broadcast_in_dim3A_331 {add = true} : memref<10240xf32, #tpu.memory_space<vmem>>[vector<16xi32>], vector<16xf32>,
      %get3A_349 = arith.constant 0 : i32
      %get3A_350 = arith.constant 3 : i32
      %get3A_351 = arith.index_cast %get3A_349 : i32 to index
      %get3A_352 = arith.index_cast %get3A_350 : i32 to index
      %get3A_353 = arith.constant 48 : index
      %get3A_354 = tpu.vector_load %arg8[%get3A_351, %get3A_352, %get3A_353] {strides = array<i32>} : memref<2x8x128xi32, #tpu.memory_space<vmem>>, vector<16xi32>,
      tpu.vector_store_idx %arg14[%get3A_354], %broadcast_in_dim3A_331 {add = true} : memref<10240xf32, #tpu.memory_space<vmem>>[vector<16xi32>], vector<16xf32>,
      %get3A_355 = arith.constant 0 : i32
      %get3A_356 = arith.constant 3 : i32
      %get3A_357 = arith.index_cast %get3A_355 : i32 to index
      %get3A_358 = arith.index_cast %get3A_356 : i32 to index
      %get3A_359 = arith.constant 64 : index
      %get3A_360 = tpu.vector_load %arg8[%get3A_357, %get3A_358, %get3A_359] {strides = array<i32>} : memref<2x8x128xi32, #tpu.memory_space<vmem>>, vector<16xi32>,
      tpu.vector_store_idx %arg14[%get3A_360], %broadcast_in_dim3A_331 {add = true} : memref<10240xf32, #tpu.memory_space<vmem>>[vector<16xi32>], vector<16xf32>,
      %get3A_361 = arith.constant 0 : i32
      %get3A_362 = arith.constant 3 : i32
      %get3A_363 = arith.index_cast %get3A_361 : i32 to index
      %get3A_364 = arith.index_cast %get3A_362 : i32 to index
      %get3A_365 = arith.constant 80 : index
      %get3A_366 = tpu.vector_load %arg8[%get3A_363, %get3A_364, %get3A_365] {strides = array<i32>} : memref<2x8x128xi32, #tpu.memory_space<vmem>>, vector<16xi32>,
      tpu.vector_store_idx %arg14[%get3A_366], %broadcast_in_dim3A_331 {add = true} : memref<10240xf32, #tpu.memory_space<vmem>>[vector<16xi32>], vector<16xf32>,
      %get3A_367 = arith.constant 0 : i32
      %get3A_368 = arith.constant 3 : i32
      %get3A_369 = arith.index_cast %get3A_367 : i32 to index
      %get3A_370 = arith.index_cast %get3A_368 : i32 to index
      %get3A_371 = arith.constant 96 : index
      %get3A_372 = tpu.vector_load %arg8[%get3A_369, %get3A_370, %get3A_371] {strides = array<i32>} : memref<2x8x128xi32, #tpu.memory_space<vmem>>, vector<16xi32>,
      tpu.vector_store_idx %arg14[%get3A_372], %broadcast_in_dim3A_331 {add = true} : memref<10240xf32, #tpu.memory_space<vmem>>[vector<16xi32>], vector<16xf32>,
      %get3A_373 = arith.constant 0 : i32
      %get3A_374 = arith.constant 3 : i32
      %get3A_375 = arith.index_cast %get3A_373 : i32 to index
      %get3A_376 = arith.index_cast %get3A_374 : i32 to index
      %get3A_377 = arith.constant 112 : index
      %get3A_378 = tpu.vector_load %arg8[%get3A_375, %get3A_376, %get3A_377] {strides = array<i32>} : memref<2x8x128xi32, #tpu.memory_space<vmem>>, vector<16xi32>,
      tpu.vector_store_idx %arg14[%get3A_378], %broadcast_in_dim3A_331 {add = true} : memref<10240xf32, #tpu.memory_space<vmem>>[vector<16xi32>], vector<16xf32>,
    } else {
    }
    %dma_wait3A_187 = arith.constant 0 : i32
    %dma_wait3A_188 = arith.constant 0 : i32
    %dma_wait3A_189 = tpu.memref_slice %arg17[%dma_wait3A_187, %dma_wait3A_188] : memref<10240x64xf32, #tpu.memory_space<vmem_shared>> -> memref<128x64xf32, #tpu.memory_space<vmem_shared>>
    %dma_wait3A_190 = arith.constant 0 : i32
    %dma_wait3A_191 = arith.constant 0 : i32
    %dma_wait3A_192 = tpu.memref_slice %arg17[%dma_wait3A_190, %dma_wait3A_191] : memref<10240x64xf32, #tpu.memory_space<vmem_shared>> -> memref<128x64xf32, #tpu.memory_space<vmem_shared>>
    tpu.wait_dma2 semaphore(%arg25 : memref<!tpu.dma_semaphore, #tpu.memory_space<semaphore_mem>>) src(%arg11 : memref<128x64xf32, #tpu.memory_space<vmem>>) dst(%dma_wait3A_192 : memref<128x64xf32, #tpu.memory_space<vmem_shared>>)
    %dma_start3A_193 = arith.constant 0 : i32
    %dma_start3A_194 = arith.constant 6 : i32
    %dma_start3A_195 = arith.constant 0 : i32
    %dma_start3A_196 = tpu.memref_slice %arg7[%dma_start3A_193, %dma_start3A_194, %dma_start3A_195] : memref<2x8x128xi32, #tpu.memory_space<vmem>> -> memref<1x1x128xi32, #tpu.memory_space<vmem>>
    %dma_start3A_197 = tpu.memref_squeeze %dma_start3A_196 : memref<1x1x128xi32, #tpu.memory_space<vmem>> -> memref<128xi32, #tpu.memory_space<vmem>>
    %dma_start3A_198 = arith.constant 0 : i32
    %dma_start3A_199 = arith.constant 0 : i32
    %dma_start3A_200 = tpu.memref_slice %arg2[%dma_start3A_198, %dma_start3A_199] : memref<20000x64xf32, #tpu.memory_space<hbm>> -> memref<20000x64xf32, #tpu.memory_space<hbm>>
    tpu.enqueue_indirect_dma source(%dma_start3A_200 : memref<20000x64xf32, #tpu.memory_space<hbm>>) target(%arg11 : memref<128x64xf32, #tpu.memory_space<vmem>>) offsets(%dma_start3A_197 : memref<128xi32, #tpu.memory_space<vmem>>) semaphore(%arg21 : memref<!tpu.dma_semaphore, #tpu.memory_space<semaphore_mem>>)
    %dma_wait3A_201 = arith.constant 0 : i32
    %dma_wait3A_202 = arith.constant 0 : i32
    %dma_wait3A_203 = tpu.memref_slice %arg2[%dma_wait3A_201, %dma_wait3A_202] : memref<20000x64xf32, #tpu.memory_space<hbm>> -> memref<128x64xf32, #tpu.memory_space<hbm>>
    %dma_wait3A_204 = arith.constant 0 : i32
    %dma_wait3A_205 = arith.constant 0 : i32
    %dma_wait3A_206 = tpu.memref_slice %arg2[%dma_wait3A_204, %dma_wait3A_205] : memref<20000x64xf32, #tpu.memory_space<hbm>> -> memref<128x64xf32, #tpu.memory_space<hbm>>
    tpu.wait_dma2 semaphore(%arg19 : memref<!tpu.dma_semaphore, #tpu.memory_space<semaphore_mem>>) src(%dma_wait3A_206 : memref<128x64xf32, #tpu.memory_space<hbm>>) dst(%arg9 : memref<128x64xf32, #tpu.memory_space<vmem>>)
    %dma_start3A_207 = arith.constant 0 : i32
    %dma_start3A_208 = arith.constant 4 : i32
    %dma_start3A_209 = arith.constant 0 : i32
    %dma_start3A_210 = tpu.memref_slice %arg8[%dma_start3A_207, %dma_start3A_208, %dma_start3A_209] : memref<2x8x128xi32, #tpu.memory_space<vmem>> -> memref<1x1x128xi32, #tpu.memory_space<vmem>>
    %dma_start3A_211 = tpu.memref_squeeze %dma_start3A_210 : memref<1x1x128xi32, #tpu.memory_space<vmem>> -> memref<128xi32, #tpu.memory_space<vmem>>
    %dma_start3A_212 = arith.constant 0 : i32
    %dma_start3A_213 = arith.constant 0 : i32
    %dma_start3A_214 = tpu.memref_slice %arg17[%dma_start3A_212, %dma_start3A_213] : memref<10240x64xf32, #tpu.memory_space<vmem_shared>> -> memref<10240x64xf32, #tpu.memory_space<vmem_shared>>
    tpu.enqueue_indirect_dma source(%arg9 : memref<128x64xf32, #tpu.memory_space<vmem>>) target(%dma_start3A_214 : memref<10240x64xf32, #tpu.memory_space<vmem_shared>>) offsets(%dma_start3A_211 : memref<128xi32, #tpu.memory_space<vmem>>) semaphore(%arg23 : memref<!tpu.dma_semaphore, #tpu.memory_space<semaphore_mem>>) {add = true}
    %eq3A_215 = arith.constant 0 : i32
    %eq3A_216 = arith.cmpi eq, %arg0, %eq3A_215 : i32
    %convert_element_type3A_217 = arith.extui %eq3A_216 : i1 to i32
    %cond3A_218 = arith.constant 0 : i32
    %cond3A_219 = arith.cmpi ne, %convert_element_type3A_217, %cond3A_218 : i32
    scf.if %cond3A_219 {
      %broadcast_in_dim3A = arith.constant 1.000000e+00 : f32
      %broadcast_in_dim3A_331 = vector.broadcast %broadcast_in_dim3A : f32 to vector<16xf32>
      %get3A = arith.constant 0 : i32
      %get3A_332 = arith.constant 4 : i32
      %get3A_333 = arith.index_cast %get3A : i32 to index
      %get3A_334 = arith.index_cast %get3A_332 : i32 to index
      %get3A_335 = arith.constant 0 : index
      %get3A_336 = tpu.vector_load %arg8[%get3A_333, %get3A_334, %get3A_335] {strides = array<i32>} : memref<2x8x128xi32, #tpu.memory_space<vmem>>, vector<16xi32>,
      tpu.vector_store_idx %arg14[%get3A_336], %broadcast_in_dim3A_331 {add = true} : memref<10240xf32, #tpu.memory_space<vmem>>[vector<16xi32>], vector<16xf32>,
      %get3A_337 = arith.constant 0 : i32
      %get3A_338 = arith.constant 4 : i32
      %get3A_339 = arith.index_cast %get3A_337 : i32 to index
      %get3A_340 = arith.index_cast %get3A_338 : i32 to index
      %get3A_341 = arith.constant 16 : index
      %get3A_342 = tpu.vector_load %arg8[%get3A_339, %get3A_340, %get3A_341] {strides = array<i32>} : memref<2x8x128xi32, #tpu.memory_space<vmem>>, vector<16xi32>,
      tpu.vector_store_idx %arg14[%get3A_342], %broadcast_in_dim3A_331 {add = true} : memref<10240xf32, #tpu.memory_space<vmem>>[vector<16xi32>], vector<16xf32>,
      %get3A_343 = arith.constant 0 : i32
      %get3A_344 = arith.constant 4 : i32
      %get3A_345 = arith.index_cast %get3A_343 : i32 to index
      %get3A_346 = arith.index_cast %get3A_344 : i32 to index
      %get3A_347 = arith.constant 32 : index
      %get3A_348 = tpu.vector_load %arg8[%get3A_345, %get3A_346, %get3A_347] {strides = array<i32>} : memref<2x8x128xi32, #tpu.memory_space<vmem>>, vector<16xi32>,
      tpu.vector_store_idx %arg14[%get3A_348], %broadcast_in_dim3A_331 {add = true} : memref<10240xf32, #tpu.memory_space<vmem>>[vector<16xi32>], vector<16xf32>,
      %get3A_349 = arith.constant 0 : i32
      %get3A_350 = arith.constant 4 : i32
      %get3A_351 = arith.index_cast %get3A_349 : i32 to index
      %get3A_352 = arith.index_cast %get3A_350 : i32 to index
      %get3A_353 = arith.constant 48 : index
      %get3A_354 = tpu.vector_load %arg8[%get3A_351, %get3A_352, %get3A_353] {strides = array<i32>} : memref<2x8x128xi32, #tpu.memory_space<vmem>>, vector<16xi32>,
      tpu.vector_store_idx %arg14[%get3A_354], %broadcast_in_dim3A_331 {add = true} : memref<10240xf32, #tpu.memory_space<vmem>>[vector<16xi32>], vector<16xf32>,
      %get3A_355 = arith.constant 0 : i32
      %get3A_356 = arith.constant 4 : i32
      %get3A_357 = arith.index_cast %get3A_355 : i32 to index
      %get3A_358 = arith.index_cast %get3A_356 : i32 to index
      %get3A_359 = arith.constant 64 : index
      %get3A_360 = tpu.vector_load %arg8[%get3A_357, %get3A_358, %get3A_359] {strides = array<i32>} : memref<2x8x128xi32, #tpu.memory_space<vmem>>, vector<16xi32>,
      tpu.vector_store_idx %arg14[%get3A_360], %broadcast_in_dim3A_331 {add = true} : memref<10240xf32, #tpu.memory_space<vmem>>[vector<16xi32>], vector<16xf32>,
      %get3A_361 = arith.constant 0 : i32
      %get3A_362 = arith.constant 4 : i32
      %get3A_363 = arith.index_cast %get3A_361 : i32 to index
      %get3A_364 = arith.index_cast %get3A_362 : i32 to index
      %get3A_365 = arith.constant 80 : index
      %get3A_366 = tpu.vector_load %arg8[%get3A_363, %get3A_364, %get3A_365] {strides = array<i32>} : memref<2x8x128xi32, #tpu.memory_space<vmem>>, vector<16xi32>,
      tpu.vector_store_idx %arg14[%get3A_366], %broadcast_in_dim3A_331 {add = true} : memref<10240xf32, #tpu.memory_space<vmem>>[vector<16xi32>], vector<16xf32>,
      %get3A_367 = arith.constant 0 : i32
      %get3A_368 = arith.constant 4 : i32
      %get3A_369 = arith.index_cast %get3A_367 : i32 to index
      %get3A_370 = arith.index_cast %get3A_368 : i32 to index
      %get3A_371 = arith.constant 96 : index
      %get3A_372 = tpu.vector_load %arg8[%get3A_369, %get3A_370, %get3A_371] {strides = array<i32>} : memref<2x8x128xi32, #tpu.memory_space<vmem>>, vector<16xi32>,
      tpu.vector_store_idx %arg14[%get3A_372], %broadcast_in_dim3A_331 {add = true} : memref<10240xf32, #tpu.memory_space<vmem>>[vector<16xi32>], vector<16xf32>,
      %get3A_373 = arith.constant 0 : i32
      %get3A_374 = arith.constant 4 : i32
      %get3A_375 = arith.index_cast %get3A_373 : i32 to index
      %get3A_376 = arith.index_cast %get3A_374 : i32 to index
      %get3A_377 = arith.constant 112 : index
      %get3A_378 = tpu.vector_load %arg8[%get3A_375, %get3A_376, %get3A_377] {strides = array<i32>} : memref<2x8x128xi32, #tpu.memory_space<vmem>>, vector<16xi32>,
      tpu.vector_store_idx %arg14[%get3A_378], %broadcast_in_dim3A_331 {add = true} : memref<10240xf32, #tpu.memory_space<vmem>>[vector<16xi32>], vector<16xf32>,
    } else {
    }
    %dma_wait3A_220 = arith.constant 0 : i32
    %dma_wait3A_221 = arith.constant 0 : i32
    %dma_wait3A_222 = tpu.memref_slice %arg17[%dma_wait3A_220, %dma_wait3A_221] : memref<10240x64xf32, #tpu.memory_space<vmem_shared>> -> memref<128x64xf32, #tpu.memory_space<vmem_shared>>
    %dma_wait3A_223 = arith.constant 0 : i32
    %dma_wait3A_224 = arith.constant 0 : i32
    %dma_wait3A_225 = tpu.memref_slice %arg17[%dma_wait3A_223, %dma_wait3A_224] : memref<10240x64xf32, #tpu.memory_space<vmem_shared>> -> memref<128x64xf32, #tpu.memory_space<vmem_shared>>
    tpu.wait_dma2 semaphore(%arg26 : memref<!tpu.dma_semaphore, #tpu.memory_space<semaphore_mem>>) src(%arg12 : memref<128x64xf32, #tpu.memory_space<vmem>>) dst(%dma_wait3A_225 : memref<128x64xf32, #tpu.memory_space<vmem_shared>>)
    %dma_start3A_226 = arith.constant 0 : i32
    %dma_start3A_227 = arith.constant 7 : i32
    %dma_start3A_228 = arith.constant 0 : i32
    %dma_start3A_229 = tpu.memref_slice %arg7[%dma_start3A_226, %dma_start3A_227, %dma_start3A_228] : memref<2x8x128xi32, #tpu.memory_space<vmem>> -> memref<1x1x128xi32, #tpu.memory_space<vmem>>
    %dma_start3A_230 = tpu.memref_squeeze %dma_start3A_229 : memref<1x1x128xi32, #tpu.memory_space<vmem>> -> memref<128xi32, #tpu.memory_space<vmem>>
    %dma_start3A_231 = arith.constant 0 : i32
    %dma_start3A_232 = arith.constant 0 : i32
    %dma_start3A_233 = tpu.memref_slice %arg2[%dma_start3A_231, %dma_start3A_232] : memref<20000x64xf32, #tpu.memory_space<hbm>> -> memref<20000x64xf32, #tpu.memory_space<hbm>>
    tpu.enqueue_indirect_dma source(%dma_start3A_233 : memref<20000x64xf32, #tpu.memory_space<hbm>>) target(%arg12 : memref<128x64xf32, #tpu.memory_space<vmem>>) offsets(%dma_start3A_230 : memref<128xi32, #tpu.memory_space<vmem>>) semaphore(%arg22 : memref<!tpu.dma_semaphore, #tpu.memory_space<semaphore_mem>>)
    %dma_wait3A_234 = arith.constant 0 : i32
    %dma_wait3A_235 = arith.constant 0 : i32
    %dma_wait3A_236 = tpu.memref_slice %arg2[%dma_wait3A_234, %dma_wait3A_235] : memref<20000x64xf32, #tpu.memory_space<hbm>> -> memref<128x64xf32, #tpu.memory_space<hbm>>
    %dma_wait3A_237 = arith.constant 0 : i32
    %dma_wait3A_238 = arith.constant 0 : i32
    %dma_wait3A_239 = tpu.memref_slice %arg2[%dma_wait3A_237, %dma_wait3A_238] : memref<20000x64xf32, #tpu.memory_space<hbm>> -> memref<128x64xf32, #tpu.memory_space<hbm>>
    tpu.wait_dma2 semaphore(%arg20 : memref<!tpu.dma_semaphore, #tpu.memory_space<semaphore_mem>>) src(%dma_wait3A_239 : memref<128x64xf32, #tpu.memory_space<hbm>>) dst(%arg10 : memref<128x64xf32, #tpu.memory_space<vmem>>)
    %dma_start3A_240 = arith.constant 0 : i32
    %dma_start3A_241 = arith.constant 5 : i32
    %dma_start3A_242 = arith.constant 0 : i32
    %dma_start3A_243 = tpu.memref_slice %arg8[%dma_start3A_240, %dma_start3A_241, %dma_start3A_242] : memref<2x8x128xi32, #tpu.memory_space<vmem>> -> memref<1x1x128xi32, #tpu.memory_space<vmem>>
    %dma_start3A_244 = tpu.memref_squeeze %dma_start3A_243 : memref<1x1x128xi32, #tpu.memory_space<vmem>> -> memref<128xi32, #tpu.memory_space<vmem>>
    %dma_start3A_245 = arith.constant 0 : i32
    %dma_start3A_246 = arith.constant 0 : i32
    %dma_start3A_247 = tpu.memref_slice %arg17[%dma_start3A_245, %dma_start3A_246] : memref<10240x64xf32, #tpu.memory_space<vmem_shared>> -> memref<10240x64xf32, #tpu.memory_space<vmem_shared>>
    tpu.enqueue_indirect_dma source(%arg10 : memref<128x64xf32, #tpu.memory_space<vmem>>) target(%dma_start3A_247 : memref<10240x64xf32, #tpu.memory_space<vmem_shared>>) offsets(%dma_start3A_244 : memref<128xi32, #tpu.memory_space<vmem>>) semaphore(%arg24 : memref<!tpu.dma_semaphore, #tpu.memory_space<semaphore_mem>>) {add = true}
    %eq3A_248 = arith.constant 0 : i32
    %eq3A_249 = arith.cmpi eq, %arg0, %eq3A_248 : i32
    %convert_element_type3A_250 = arith.extui %eq3A_249 : i1 to i32
    %cond3A_251 = arith.constant 0 : i32
    %cond3A_252 = arith.cmpi ne, %convert_element_type3A_250, %cond3A_251 : i32
    scf.if %cond3A_252 {
      %broadcast_in_dim3A = arith.constant 1.000000e+00 : f32
      %broadcast_in_dim3A_331 = vector.broadcast %broadcast_in_dim3A : f32 to vector<16xf32>
      %get3A = arith.constant 0 : i32
      %get3A_332 = arith.constant 5 : i32
      %get3A_333 = arith.index_cast %get3A : i32 to index
      %get3A_334 = arith.index_cast %get3A_332 : i32 to index
      %get3A_335 = arith.constant 0 : index
      %get3A_336 = tpu.vector_load %arg8[%get3A_333, %get3A_334, %get3A_335] {strides = array<i32>} : memref<2x8x128xi32, #tpu.memory_space<vmem>>, vector<16xi32>,
      tpu.vector_store_idx %arg14[%get3A_336], %broadcast_in_dim3A_331 {add = true} : memref<10240xf32, #tpu.memory_space<vmem>>[vector<16xi32>], vector<16xf32>,
      %get3A_337 = arith.constant 0 : i32
      %get3A_338 = arith.constant 5 : i32
      %get3A_339 = arith.index_cast %get3A_337 : i32 to index
      %get3A_340 = arith.index_cast %get3A_338 : i32 to index
      %get3A_341 = arith.constant 16 : index
      %get3A_342 = tpu.vector_load %arg8[%get3A_339, %get3A_340, %get3A_341] {strides = array<i32>} : memref<2x8x128xi32, #tpu.memory_space<vmem>>, vector<16xi32>,
      tpu.vector_store_idx %arg14[%get3A_342], %broadcast_in_dim3A_331 {add = true} : memref<10240xf32, #tpu.memory_space<vmem>>[vector<16xi32>], vector<16xf32>,
      %get3A_343 = arith.constant 0 : i32
      %get3A_344 = arith.constant 5 : i32
      %get3A_345 = arith.index_cast %get3A_343 : i32 to index
      %get3A_346 = arith.index_cast %get3A_344 : i32 to index
      %get3A_347 = arith.constant 32 : index
      %get3A_348 = tpu.vector_load %arg8[%get3A_345, %get3A_346, %get3A_347] {strides = array<i32>} : memref<2x8x128xi32, #tpu.memory_space<vmem>>, vector<16xi32>,
      tpu.vector_store_idx %arg14[%get3A_348], %broadcast_in_dim3A_331 {add = true} : memref<10240xf32, #tpu.memory_space<vmem>>[vector<16xi32>], vector<16xf32>,
      %get3A_349 = arith.constant 0 : i32
      %get3A_350 = arith.constant 5 : i32
      %get3A_351 = arith.index_cast %get3A_349 : i32 to index
      %get3A_352 = arith.index_cast %get3A_350 : i32 to index
      %get3A_353 = arith.constant 48 : index
      %get3A_354 = tpu.vector_load %arg8[%get3A_351, %get3A_352, %get3A_353] {strides = array<i32>} : memref<2x8x128xi32, #tpu.memory_space<vmem>>, vector<16xi32>,
      tpu.vector_store_idx %arg14[%get3A_354], %broadcast_in_dim3A_331 {add = true} : memref<10240xf32, #tpu.memory_space<vmem>>[vector<16xi32>], vector<16xf32>,
      %get3A_355 = arith.constant 0 : i32
      %get3A_356 = arith.constant 5 : i32
      %get3A_357 = arith.index_cast %get3A_355 : i32 to index
      %get3A_358 = arith.index_cast %get3A_356 : i32 to index
      %get3A_359 = arith.constant 64 : index
      %get3A_360 = tpu.vector_load %arg8[%get3A_357, %get3A_358, %get3A_359] {strides = array<i32>} : memref<2x8x128xi32, #tpu.memory_space<vmem>>, vector<16xi32>,
      tpu.vector_store_idx %arg14[%get3A_360], %broadcast_in_dim3A_331 {add = true} : memref<10240xf32, #tpu.memory_space<vmem>>[vector<16xi32>], vector<16xf32>,
      %get3A_361 = arith.constant 0 : i32
      %get3A_362 = arith.constant 5 : i32
      %get3A_363 = arith.index_cast %get3A_361 : i32 to index
      %get3A_364 = arith.index_cast %get3A_362 : i32 to index
      %get3A_365 = arith.constant 80 : index
      %get3A_366 = tpu.vector_load %arg8[%get3A_363, %get3A_364, %get3A_365] {strides = array<i32>} : memref<2x8x128xi32, #tpu.memory_space<vmem>>, vector<16xi32>,
      tpu.vector_store_idx %arg14[%get3A_366], %broadcast_in_dim3A_331 {add = true} : memref<10240xf32, #tpu.memory_space<vmem>>[vector<16xi32>], vector<16xf32>,
      %get3A_367 = arith.constant 0 : i32
      %get3A_368 = arith.constant 5 : i32
      %get3A_369 = arith.index_cast %get3A_367 : i32 to index
      %get3A_370 = arith.index_cast %get3A_368 : i32 to index
      %get3A_371 = arith.constant 96 : index
      %get3A_372 = tpu.vector_load %arg8[%get3A_369, %get3A_370, %get3A_371] {strides = array<i32>} : memref<2x8x128xi32, #tpu.memory_space<vmem>>, vector<16xi32>,
      tpu.vector_store_idx %arg14[%get3A_372], %broadcast_in_dim3A_331 {add = true} : memref<10240xf32, #tpu.memory_space<vmem>>[vector<16xi32>], vector<16xf32>,
      %get3A_373 = arith.constant 0 : i32
      %get3A_374 = arith.constant 5 : i32
      %get3A_375 = arith.index_cast %get3A_373 : i32 to index
      %get3A_376 = arith.index_cast %get3A_374 : i32 to index
      %get3A_377 = arith.constant 112 : index
      %get3A_378 = tpu.vector_load %arg8[%get3A_375, %get3A_376, %get3A_377] {strides = array<i32>} : memref<2x8x128xi32, #tpu.memory_space<vmem>>, vector<16xi32>,
      tpu.vector_store_idx %arg14[%get3A_378], %broadcast_in_dim3A_331 {add = true} : memref<10240xf32, #tpu.memory_space<vmem>>[vector<16xi32>], vector<16xf32>,
    } else {
    }
    %scan3A_253 = arith.constant 0 : i32
    %scan3A_254 = arith.constant 1 : i32
    %scan3A_255 = arith.constant 19 : i32
    %scan3A_256 = arith.addi %scan3A_254, %scan3A_255 : i32
    %scan3A_257 = arith.constant 1 : i32
    scf.for %scan3A_331 = %scan3A_254 to %scan3A_256 step %scan3A_257  : i32 {
      %rem3A = arith.constant 2 : i32
      %rem3A_332 = arith.remsi %scan3A_331, %rem3A : i32
      %add3A_333 = arith.constant 2 : i32
      %add3A_334 = arith.addi %scan3A_331, %add3A_333 : i32
      %sub3A = arith.constant 1 : i32
      %sub3A_335 = arith.subi %add3A_334, %sub3A : i32
      %rem3A_336 = arith.constant 2 : i32
      %rem3A_337 = arith.remsi %sub3A_335, %rem3A_336 : i32
      %add3A_338 = arith.constant 1 : i32
      %add3A_339 = arith.addi %scan3A_331, %add3A_338 : i32
      %rem3A_340 = arith.constant 2 : i32
      %rem3A_341 = arith.remsi %add3A_339, %rem3A_340 : i32
      %dma_wait3A_342 = arith.constant 0 : i32
      %dma_wait3A_343 = arith.constant 0 : i32
      %dma_wait3A_344 = tpu.memref_slice %arg7[%rem3A_332, %dma_wait3A_342, %dma_wait3A_343] : memref<2x8x128xi32, #tpu.memory_space<vmem>> -> memref<1x8x128xi32, #tpu.memory_space<vmem>>
      %dma_wait3A_345 = tpu.memref_squeeze %dma_wait3A_344 : memref<1x8x128xi32, #tpu.memory_space<vmem>> -> memref<8x128xi32, #tpu.memory_space<vmem>>
      %dma_wait3A_346 = arith.constant 0 : i32
      %dma_wait3A_347 = arith.constant 0 : i32
      %dma_wait3A_348 = tpu.memref_slice %arg3[%arg0, %dma_wait3A_346, %dma_wait3A_347] : memref<2x2560x128xi32, #tpu.memory_space<hbm>> -> memref<1x8x128xi32, #tpu.memory_space<hbm>>
      %dma_wait3A_349 = tpu.memref_squeeze %dma_wait3A_348 : memref<1x8x128xi32, #tpu.memory_space<hbm>> -> memref<8x128xi32, #tpu.memory_space<hbm>>
      %dma_wait3A_350 = arith.constant 0 : i32
      %dma_wait3A_351 = arith.constant 0 : i32
      %dma_wait3A_352 = tpu.memref_slice %arg7[%rem3A_332, %dma_wait3A_350, %dma_wait3A_351] : memref<2x8x128xi32, #tpu.memory_space<vmem>> -> memref<1x8x128xi32, #tpu.memory_space<vmem>>
      %dma_wait3A_353 = tpu.memref_squeeze %dma_wait3A_352 : memref<1x8x128xi32, #tpu.memory_space<vmem>> -> memref<8x128xi32, #tpu.memory_space<vmem>>
      %dma_wait3A_354 = arith.constant 0 : i32
      %dma_wait3A_355 = arith.constant 0 : i32
      %dma_wait3A_356 = tpu.memref_slice %arg3[%arg0, %dma_wait3A_354, %dma_wait3A_355] : memref<2x2560x128xi32, #tpu.memory_space<hbm>> -> memref<1x8x128xi32, #tpu.memory_space<hbm>>
      %dma_wait3A_357 = tpu.memref_squeeze %dma_wait3A_356 : memref<1x8x128xi32, #tpu.memory_space<hbm>> -> memref<8x128xi32, #tpu.memory_space<hbm>>
      tpu.wait_dma2 semaphore(%arg27 : memref<!tpu.dma_semaphore, #tpu.memory_space<semaphore_mem>>) src(%dma_wait3A_357 : memref<8x128xi32, #tpu.memory_space<hbm>>) dst(%dma_wait3A_353 : memref<8x128xi32, #tpu.memory_space<vmem>>)
      %dma_wait3A_358 = arith.constant 0 : i32
      %dma_wait3A_359 = arith.constant 0 : i32
      %dma_wait3A_360 = tpu.memref_slice %arg8[%rem3A_332, %dma_wait3A_358, %dma_wait3A_359] : memref<2x8x128xi32, #tpu.memory_space<vmem>> -> memref<1x8x128xi32, #tpu.memory_space<vmem>>
      %dma_wait3A_361 = tpu.memref_squeeze %dma_wait3A_360 : memref<1x8x128xi32, #tpu.memory_space<vmem>> -> memref<8x128xi32, #tpu.memory_space<vmem>>
      %dma_wait3A_362 = arith.constant 0 : i32
      %dma_wait3A_363 = arith.constant 0 : i32
      %dma_wait3A_364 = tpu.memref_slice %arg4[%dma_wait3A_362, %dma_wait3A_363] : memref<2560x128xi32, #tpu.memory_space<hbm>> -> memref<8x128xi32, #tpu.memory_space<hbm>>
      %dma_wait3A_365 = arith.constant 0 : i32
      %dma_wait3A_366 = arith.constant 0 : i32
      %dma_wait3A_367 = tpu.memref_slice %arg8[%rem3A_332, %dma_wait3A_365, %dma_wait3A_366] : memref<2x8x128xi32, #tpu.memory_space<vmem>> -> memref<1x8x128xi32, #tpu.memory_space<vmem>>
      %dma_wait3A_368 = tpu.memref_squeeze %dma_wait3A_367 : memref<1x8x128xi32, #tpu.memory_space<vmem>> -> memref<8x128xi32, #tpu.memory_space<vmem>>
      %dma_wait3A_369 = arith.constant 0 : i32
      %dma_wait3A_370 = arith.constant 0 : i32
      %dma_wait3A_371 = tpu.memref_slice %arg4[%dma_wait3A_369, %dma_wait3A_370] : memref<2560x128xi32, #tpu.memory_space<hbm>> -> memref<8x128xi32, #tpu.memory_space<hbm>>
      tpu.wait_dma2 semaphore(%arg27 : memref<!tpu.dma_semaphore, #tpu.memory_space<semaphore_mem>>) src(%dma_wait3A_371 : memref<8x128xi32, #tpu.memory_space<hbm>>) dst(%dma_wait3A_368 : memref<8x128xi32, #tpu.memory_space<vmem>>)
      %dma_wait3A_372 = arith.constant 0 : i32
      %dma_wait3A_373 = arith.constant 0 : i32
      %dma_wait3A_374 = tpu.memref_slice %arg17[%dma_wait3A_372, %dma_wait3A_373] : memref<10240x64xf32, #tpu.memory_space<vmem_shared>> -> memref<128x64xf32, #tpu.memory_space<vmem_shared>>
      %dma_wait3A_375 = arith.constant 0 : i32
      %dma_wait3A_376 = arith.constant 0 : i32
      %dma_wait3A_377 = tpu.memref_slice %arg17[%dma_wait3A_375, %dma_wait3A_376] : memref<10240x64xf32, #tpu.memory_space<vmem_shared>> -> memref<128x64xf32, #tpu.memory_space<vmem_shared>>
      tpu.wait_dma2 semaphore(%arg23 : memref<!tpu.dma_semaphore, #tpu.memory_space<semaphore_mem>>) src(%arg9 : memref<128x64xf32, #tpu.memory_space<vmem>>) dst(%dma_wait3A_377 : memref<128x64xf32, #tpu.memory_space<vmem_shared>>)
      %dma_start3A_378 = arith.constant 0 : i32
      %dma_start3A_379 = arith.constant 0 : i32
      %dma_start3A_380 = tpu.memref_slice %arg7[%rem3A_332, %dma_start3A_378, %dma_start3A_379] : memref<2x8x128xi32, #tpu.memory_space<vmem>> -> memref<1x1x128xi32, #tpu.memory_space<vmem>>
      %dma_start3A_381 = tpu.memref_squeeze %dma_start3A_380 : memref<1x1x128xi32, #tpu.memory_space<vmem>> -> memref<128xi32, #tpu.memory_space<vmem>>
      %dma_start3A_382 = arith.constant 0 : i32
      %dma_start3A_383 = arith.constant 0 : i32
      %dma_start3A_384 = tpu.memref_slice %arg2[%dma_start3A_382, %dma_start3A_383] : memref<20000x64xf32, #tpu.memory_space<hbm>> -> memref<20000x64xf32, #tpu.memory_space<hbm>>
      tpu.enqueue_indirect_dma source(%dma_start3A_384 : memref<20000x64xf32, #tpu.memory_space<hbm>>) target(%arg9 : memref<128x64xf32, #tpu.memory_space<vmem>>) offsets(%dma_start3A_381 : memref<128xi32, #tpu.memory_space<vmem>>) semaphore(%arg19 : memref<!tpu.dma_semaphore, #tpu.memory_space<semaphore_mem>>)
      %dma_wait3A_385 = arith.constant 0 : i32
      %dma_wait3A_386 = arith.constant 0 : i32
      %dma_wait3A_387 = tpu.memref_slice %arg2[%dma_wait3A_385, %dma_wait3A_386] : memref<20000x64xf32, #tpu.memory_space<hbm>> -> memref<128x64xf32, #tpu.memory_space<hbm>>
      %dma_wait3A_388 = arith.constant 0 : i32
      %dma_wait3A_389 = arith.constant 0 : i32
      %dma_wait3A_390 = tpu.memref_slice %arg2[%dma_wait3A_388, %dma_wait3A_389] : memref<20000x64xf32, #tpu.memory_space<hbm>> -> memref<128x64xf32, #tpu.memory_space<hbm>>
      tpu.wait_dma2 semaphore(%arg21 : memref<!tpu.dma_semaphore, #tpu.memory_space<semaphore_mem>>) src(%dma_wait3A_390 : memref<128x64xf32, #tpu.memory_space<hbm>>) dst(%arg11 : memref<128x64xf32, #tpu.memory_space<vmem>>)
      %dma_start3A_391 = arith.constant 6 : i32
      %dma_start3A_392 = arith.constant 0 : i32
      %dma_start3A_393 = tpu.memref_slice %arg8[%rem3A_337, %dma_start3A_391, %dma_start3A_392] : memref<2x8x128xi32, #tpu.memory_space<vmem>> -> memref<1x1x128xi32, #tpu.memory_space<vmem>>
      %dma_start3A_394 = tpu.memref_squeeze %dma_start3A_393 : memref<1x1x128xi32, #tpu.memory_space<vmem>> -> memref<128xi32, #tpu.memory_space<vmem>>
      %dma_start3A_395 = arith.constant 0 : i32
      %dma_start3A_396 = arith.constant 0 : i32
      %dma_start3A_397 = tpu.memref_slice %arg17[%dma_start3A_395, %dma_start3A_396] : memref<10240x64xf32, #tpu.memory_space<vmem_shared>> -> memref<10240x64xf32, #tpu.memory_space<vmem_shared>>
      tpu.enqueue_indirect_dma source(%arg11 : memref<128x64xf32, #tpu.memory_space<vmem>>) target(%dma_start3A_397 : memref<10240x64xf32, #tpu.memory_space<vmem_shared>>) offsets(%dma_start3A_394 : memref<128xi32, #tpu.memory_space<vmem>>) semaphore(%arg25 : memref<!tpu.dma_semaphore, #tpu.memory_space<semaphore_mem>>) {add = true}
      %eq3A_398 = arith.constant 0 : i32
      %eq3A_399 = arith.cmpi eq, %arg0, %eq3A_398 : i32
      %convert_element_type3A_400 = arith.extui %eq3A_399 : i1 to i32
      %cond3A_401 = arith.constant 0 : i32
      %cond3A_402 = arith.cmpi ne, %convert_element_type3A_400, %cond3A_401 : i32
      scf.if %cond3A_402 {
        %broadcast_in_dim3A = arith.constant 1.000000e+00 : f32
        %broadcast_in_dim3A_626 = vector.broadcast %broadcast_in_dim3A : f32 to vector<16xf32>
        %get3A = arith.constant 6 : i32
        %get3A_627 = arith.index_cast %rem3A_337 : i32 to index
        %get3A_628 = arith.index_cast %get3A : i32 to index
        %get3A_629 = arith.constant 0 : index
        %get3A_630 = tpu.vector_load %arg8[%get3A_627, %get3A_628, %get3A_629] {strides = array<i32>} : memref<2x8x128xi32, #tpu.memory_space<vmem>>, vector<16xi32>,
        tpu.vector_store_idx %arg14[%get3A_630], %broadcast_in_dim3A_626 {add = true} : memref<10240xf32, #tpu.memory_space<vmem>>[vector<16xi32>], vector<16xf32>,
        %get3A_631 = arith.constant 6 : i32
        %get3A_632 = arith.index_cast %rem3A_337 : i32 to index
        %get3A_633 = arith.index_cast %get3A_631 : i32 to index
        %get3A_634 = arith.constant 16 : index
        %get3A_635 = tpu.vector_load %arg8[%get3A_632, %get3A_633, %get3A_634] {strides = array<i32>} : memref<2x8x128xi32, #tpu.memory_space<vmem>>, vector<16xi32>,
        tpu.vector_store_idx %arg14[%get3A_635], %broadcast_in_dim3A_626 {add = true} : memref<10240xf32, #tpu.memory_space<vmem>>[vector<16xi32>], vector<16xf32>,
        %get3A_636 = arith.constant 6 : i32
        %get3A_637 = arith.index_cast %rem3A_337 : i32 to index
        %get3A_638 = arith.index_cast %get3A_636 : i32 to index
        %get3A_639 = arith.constant 32 : index
        %get3A_640 = tpu.vector_load %arg8[%get3A_637, %get3A_638, %get3A_639] {strides = array<i32>} : memref<2x8x128xi32, #tpu.memory_space<vmem>>, vector<16xi32>,
        tpu.vector_store_idx %arg14[%get3A_640], %broadcast_in_dim3A_626 {add = true} : memref<10240xf32, #tpu.memory_space<vmem>>[vector<16xi32>], vector<16xf32>,
        %get3A_641 = arith.constant 6 : i32
        %get3A_642 = arith.index_cast %rem3A_337 : i32 to index
        %get3A_643 = arith.index_cast %get3A_641 : i32 to index
        %get3A_644 = arith.constant 48 : index
        %get3A_645 = tpu.vector_load %arg8[%get3A_642, %get3A_643, %get3A_644] {strides = array<i32>} : memref<2x8x128xi32, #tpu.memory_space<vmem>>, vector<16xi32>,
        tpu.vector_store_idx %arg14[%get3A_645], %broadcast_in_dim3A_626 {add = true} : memref<10240xf32, #tpu.memory_space<vmem>>[vector<16xi32>], vector<16xf32>,
        %get3A_646 = arith.constant 6 : i32
        %get3A_647 = arith.index_cast %rem3A_337 : i32 to index
        %get3A_648 = arith.index_cast %get3A_646 : i32 to index
        %get3A_649 = arith.constant 64 : index
        %get3A_650 = tpu.vector_load %arg8[%get3A_647, %get3A_648, %get3A_649] {strides = array<i32>} : memref<2x8x128xi32, #tpu.memory_space<vmem>>, vector<16xi32>,
        tpu.vector_store_idx %arg14[%get3A_650], %broadcast_in_dim3A_626 {add = true} : memref<10240xf32, #tpu.memory_space<vmem>>[vector<16xi32>], vector<16xf32>,
        %get3A_651 = arith.constant 6 : i32
        %get3A_652 = arith.index_cast %rem3A_337 : i32 to index
        %get3A_653 = arith.index_cast %get3A_651 : i32 to index
        %get3A_654 = arith.constant 80 : index
        %get3A_655 = tpu.vector_load %arg8[%get3A_652, %get3A_653, %get3A_654] {strides = array<i32>} : memref<2x8x128xi32, #tpu.memory_space<vmem>>, vector<16xi32>,
        tpu.vector_store_idx %arg14[%get3A_655], %broadcast_in_dim3A_626 {add = true} : memref<10240xf32, #tpu.memory_space<vmem>>[vector<16xi32>], vector<16xf32>,
        %get3A_656 = arith.constant 6 : i32
        %get3A_657 = arith.index_cast %rem3A_337 : i32 to index
        %get3A_658 = arith.index_cast %get3A_656 : i32 to index
        %get3A_659 = arith.constant 96 : index
        %get3A_660 = tpu.vector_load %arg8[%get3A_657, %get3A_658, %get3A_659] {strides = array<i32>} : memref<2x8x128xi32, #tpu.memory_space<vmem>>, vector<16xi32>,
        tpu.vector_store_idx %arg14[%get3A_660], %broadcast_in_dim3A_626 {add = true} : memref<10240xf32, #tpu.memory_space<vmem>>[vector<16xi32>], vector<16xf32>,
        %get3A_661 = arith.constant 6 : i32
        %get3A_662 = arith.index_cast %rem3A_337 : i32 to index
        %get3A_663 = arith.index_cast %get3A_661 : i32 to index
        %get3A_664 = arith.constant 112 : index
        %get3A_665 = tpu.vector_load %arg8[%get3A_662, %get3A_663, %get3A_664] {strides = array<i32>} : memref<2x8x128xi32, #tpu.memory_space<vmem>>, vector<16xi32>,
        tpu.vector_store_idx %arg14[%get3A_665], %broadcast_in_dim3A_626 {add = true} : memref<10240xf32, #tpu.memory_space<vmem>>[vector<16xi32>], vector<16xf32>,
      } else {
      }
      %dma_wait3A_403 = arith.constant 0 : i32
      %dma_wait3A_404 = arith.constant 0 : i32
      %dma_wait3A_405 = tpu.memref_slice %arg17[%dma_wait3A_403, %dma_wait3A_404] : memref<10240x64xf32, #tpu.memory_space<vmem_shared>> -> memref<128x64xf32, #tpu.memory_space<vmem_shared>>
      %dma_wait3A_406 = arith.constant 0 : i32
      %dma_wait3A_407 = arith.constant 0 : i32
      %dma_wait3A_408 = tpu.memref_slice %arg17[%dma_wait3A_406, %dma_wait3A_407] : memref<10240x64xf32, #tpu.memory_space<vmem_shared>> -> memref<128x64xf32, #tpu.memory_space<vmem_shared>>
      tpu.wait_dma2 semaphore(%arg24 : memref<!tpu.dma_semaphore, #tpu.memory_space<semaphore_mem>>) src(%arg10 : memref<128x64xf32, #tpu.memory_space<vmem>>) dst(%dma_wait3A_408 : memref<128x64xf32, #tpu.memory_space<vmem_shared>>)
      %dma_start3A_409 = arith.constant 1 : i32
      %dma_start3A_410 = arith.constant 0 : i32
      %dma_start3A_411 = tpu.memref_slice %arg7[%rem3A_332, %dma_start3A_409, %dma_start3A_410] : memref<2x8x128xi32, #tpu.memory_space<vmem>> -> memref<1x1x128xi32, #tpu.memory_space<vmem>>
      %dma_start3A_412 = tpu.memref_squeeze %dma_start3A_411 : memref<1x1x128xi32, #tpu.memory_space<vmem>> -> memref<128xi32, #tpu.memory_space<vmem>>
      %dma_start3A_413 = arith.constant 0 : i32
      %dma_start3A_414 = arith.constant 0 : i32
      %dma_start3A_415 = tpu.memref_slice %arg2[%dma_start3A_413, %dma_start3A_414] : memref<20000x64xf32, #tpu.memory_space<hbm>> -> memref<20000x64xf32, #tpu.memory_space<hbm>>
      tpu.enqueue_indirect_dma source(%dma_start3A_415 : memref<20000x64xf32, #tpu.memory_space<hbm>>) target(%arg10 : memref<128x64xf32, #tpu.memory_space<vmem>>) offsets(%dma_start3A_412 : memref<128xi32, #tpu.memory_space<vmem>>) semaphore(%arg20 : memref<!tpu.dma_semaphore, #tpu.memory_space<semaphore_mem>>)
      %dma_wait3A_416 = arith.constant 0 : i32
      %dma_wait3A_417 = arith.constant 0 : i32
      %dma_wait3A_418 = tpu.memref_slice %arg2[%dma_wait3A_416, %dma_wait3A_417] : memref<20000x64xf32, #tpu.memory_space<hbm>> -> memref<128x64xf32, #tpu.memory_space<hbm>>
      %dma_wait3A_419 = arith.constant 0 : i32
      %dma_wait3A_420 = arith.constant 0 : i32
      %dma_wait3A_421 = tpu.memref_slice %arg2[%dma_wait3A_419, %dma_wait3A_420] : memref<20000x64xf32, #tpu.memory_space<hbm>> -> memref<128x64xf32, #tpu.memory_space<hbm>>
      tpu.wait_dma2 semaphore(%arg22 : memref<!tpu.dma_semaphore, #tpu.memory_space<semaphore_mem>>) src(%dma_wait3A_421 : memref<128x64xf32, #tpu.memory_space<hbm>>) dst(%arg12 : memref<128x64xf32, #tpu.memory_space<vmem>>)
      %dma_start3A_422 = arith.constant 7 : i32
      %dma_start3A_423 = arith.constant 0 : i32
      %dma_start3A_424 = tpu.memref_slice %arg8[%rem3A_337, %dma_start3A_422, %dma_start3A_423] : memref<2x8x128xi32, #tpu.memory_space<vmem>> -> memref<1x1x128xi32, #tpu.memory_space<vmem>>
      %dma_start3A_425 = tpu.memref_squeeze %dma_start3A_424 : memref<1x1x128xi32, #tpu.memory_space<vmem>> -> memref<128xi32, #tpu.memory_space<vmem>>
      %dma_start3A_426 = arith.constant 0 : i32
      %dma_start3A_427 = arith.constant 0 : i32
      %dma_start3A_428 = tpu.memref_slice %arg17[%dma_start3A_426, %dma_start3A_427] : memref<10240x64xf32, #tpu.memory_space<vmem_shared>> -> memref<10240x64xf32, #tpu.memory_space<vmem_shared>>
      tpu.enqueue_indirect_dma source(%arg12 : memref<128x64xf32, #tpu.memory_space<vmem>>) target(%dma_start3A_428 : memref<10240x64xf32, #tpu.memory_space<vmem_shared>>) offsets(%dma_start3A_425 : memref<128xi32, #tpu.memory_space<vmem>>) semaphore(%arg26 : memref<!tpu.dma_semaphore, #tpu.memory_space<semaphore_mem>>) {add = true}
      %eq3A_429 = arith.constant 0 : i32
      %eq3A_430 = arith.cmpi eq, %arg0, %eq3A_429 : i32
      %convert_element_type3A_431 = arith.extui %eq3A_430 : i1 to i32
      %cond3A_432 = arith.constant 0 : i32
      %cond3A_433 = arith.cmpi ne, %convert_element_type3A_431, %cond3A_432 : i32
      scf.if %cond3A_433 {
        %broadcast_in_dim3A = arith.constant 1.000000e+00 : f32
        %broadcast_in_dim3A_626 = vector.broadcast %broadcast_in_dim3A : f32 to vector<16xf32>
        %get3A = arith.constant 7 : i32
        %get3A_627 = arith.index_cast %rem3A_337 : i32 to index
        %get3A_628 = arith.index_cast %get3A : i32 to index
        %get3A_629 = arith.constant 0 : index
        %get3A_630 = tpu.vector_load %arg8[%get3A_627, %get3A_628, %get3A_629] {strides = array<i32>} : memref<2x8x128xi32, #tpu.memory_space<vmem>>, vector<16xi32>,
        tpu.vector_store_idx %arg14[%get3A_630], %broadcast_in_dim3A_626 {add = true} : memref<10240xf32, #tpu.memory_space<vmem>>[vector<16xi32>], vector<16xf32>,
        %get3A_631 = arith.constant 7 : i32
        %get3A_632 = arith.index_cast %rem3A_337 : i32 to index
        %get3A_633 = arith.index_cast %get3A_631 : i32 to index
        %get3A_634 = arith.constant 16 : index
        %get3A_635 = tpu.vector_load %arg8[%get3A_632, %get3A_633, %get3A_634] {strides = array<i32>} : memref<2x8x128xi32, #tpu.memory_space<vmem>>, vector<16xi32>,
        tpu.vector_store_idx %arg14[%get3A_635], %broadcast_in_dim3A_626 {add = true} : memref<10240xf32, #tpu.memory_space<vmem>>[vector<16xi32>], vector<16xf32>,
        %get3A_636 = arith.constant 7 : i32
        %get3A_637 = arith.index_cast %rem3A_337 : i32 to index
        %get3A_638 = arith.index_cast %get3A_636 : i32 to index
        %get3A_639 = arith.constant 32 : index
        %get3A_640 = tpu.vector_load %arg8[%get3A_637, %get3A_638, %get3A_639] {strides = array<i32>} : memref<2x8x128xi32, #tpu.memory_space<vmem>>, vector<16xi32>,
        tpu.vector_store_idx %arg14[%get3A_640], %broadcast_in_dim3A_626 {add = true} : memref<10240xf32, #tpu.memory_space<vmem>>[vector<16xi32>], vector<16xf32>,
        %get3A_641 = arith.constant 7 : i32
        %get3A_642 = arith.index_cast %rem3A_337 : i32 to index
        %get3A_643 = arith.index_cast %get3A_641 : i32 to index
        %get3A_644 = arith.constant 48 : index
        %get3A_645 = tpu.vector_load %arg8[%get3A_642, %get3A_643, %get3A_644] {strides = array<i32>} : memref<2x8x128xi32, #tpu.memory_space<vmem>>, vector<16xi32>,
        tpu.vector_store_idx %arg14[%get3A_645], %broadcast_in_dim3A_626 {add = true} : memref<10240xf32, #tpu.memory_space<vmem>>[vector<16xi32>], vector<16xf32>,
        %get3A_646 = arith.constant 7 : i32
        %get3A_647 = arith.index_cast %rem3A_337 : i32 to index
        %get3A_648 = arith.index_cast %get3A_646 : i32 to index
        %get3A_649 = arith.constant 64 : index
        %get3A_650 = tpu.vector_load %arg8[%get3A_647, %get3A_648, %get3A_649] {strides = array<i32>} : memref<2x8x128xi32, #tpu.memory_space<vmem>>, vector<16xi32>,
        tpu.vector_store_idx %arg14[%get3A_650], %broadcast_in_dim3A_626 {add = true} : memref<10240xf32, #tpu.memory_space<vmem>>[vector<16xi32>], vector<16xf32>,
        %get3A_651 = arith.constant 7 : i32
        %get3A_652 = arith.index_cast %rem3A_337 : i32 to index
        %get3A_653 = arith.index_cast %get3A_651 : i32 to index
        %get3A_654 = arith.constant 80 : index
        %get3A_655 = tpu.vector_load %arg8[%get3A_652, %get3A_653, %get3A_654] {strides = array<i32>} : memref<2x8x128xi32, #tpu.memory_space<vmem>>, vector<16xi32>,
        tpu.vector_store_idx %arg14[%get3A_655], %broadcast_in_dim3A_626 {add = true} : memref<10240xf32, #tpu.memory_space<vmem>>[vector<16xi32>], vector<16xf32>,
        %get3A_656 = arith.constant 7 : i32
        %get3A_657 = arith.index_cast %rem3A_337 : i32 to index
        %get3A_658 = arith.index_cast %get3A_656 : i32 to index
        %get3A_659 = arith.constant 96 : index
        %get3A_660 = tpu.vector_load %arg8[%get3A_657, %get3A_658, %get3A_659] {strides = array<i32>} : memref<2x8x128xi32, #tpu.memory_space<vmem>>, vector<16xi32>,
        tpu.vector_store_idx %arg14[%get3A_660], %broadcast_in_dim3A_626 {add = true} : memref<10240xf32, #tpu.memory_space<vmem>>[vector<16xi32>], vector<16xf32>,
        %get3A_661 = arith.constant 7 : i32
        %get3A_662 = arith.index_cast %rem3A_337 : i32 to index
        %get3A_663 = arith.index_cast %get3A_661 : i32 to index
        %get3A_664 = arith.constant 112 : index
        %get3A_665 = tpu.vector_load %arg8[%get3A_662, %get3A_663, %get3A_664] {strides = array<i32>} : memref<2x8x128xi32, #tpu.memory_space<vmem>>, vector<16xi32>,
        tpu.vector_store_idx %arg14[%get3A_665], %broadcast_in_dim3A_626 {add = true} : memref<10240xf32, #tpu.memory_space<vmem>>[vector<16xi32>], vector<16xf32>,
      } else {
      }
      %dma_wait3A_434 = arith.constant 0 : i32
      %dma_wait3A_435 = arith.constant 0 : i32
      %dma_wait3A_436 = tpu.memref_slice %arg17[%dma_wait3A_434, %dma_wait3A_435] : memref<10240x64xf32, #tpu.memory_space<vmem_shared>> -> memref<128x64xf32, #tpu.memory_space<vmem_shared>>
      %dma_wait3A_437 = arith.constant 0 : i32
      %dma_wait3A_438 = arith.constant 0 : i32
      %dma_wait3A_439 = tpu.memref_slice %arg17[%dma_wait3A_437, %dma_wait3A_438] : memref<10240x64xf32, #tpu.memory_space<vmem_shared>> -> memref<128x64xf32, #tpu.memory_space<vmem_shared>>
      tpu.wait_dma2 semaphore(%arg25 : memref<!tpu.dma_semaphore, #tpu.memory_space<semaphore_mem>>) src(%arg11 : memref<128x64xf32, #tpu.memory_space<vmem>>) dst(%dma_wait3A_439 : memref<128x64xf32, #tpu.memory_space<vmem_shared>>)
      %dma_start3A_440 = arith.constant 2 : i32
      %dma_start3A_441 = arith.constant 0 : i32
      %dma_start3A_442 = tpu.memref_slice %arg7[%rem3A_332, %dma_start3A_440, %dma_start3A_441] : memref<2x8x128xi32, #tpu.memory_space<vmem>> -> memref<1x1x128xi32, #tpu.memory_space<vmem>>
      %dma_start3A_443 = tpu.memref_squeeze %dma_start3A_442 : memref<1x1x128xi32, #tpu.memory_space<vmem>> -> memref<128xi32, #tpu.memory_space<vmem>>
      %dma_start3A_444 = arith.constant 0 : i32
      %dma_start3A_445 = arith.constant 0 : i32
      %dma_start3A_446 = tpu.memref_slice %arg2[%dma_start3A_444, %dma_start3A_445] : memref<20000x64xf32, #tpu.memory_space<hbm>> -> memref<20000x64xf32, #tpu.memory_space<hbm>>
      tpu.enqueue_indirect_dma source(%dma_start3A_446 : memref<20000x64xf32, #tpu.memory_space<hbm>>) target(%arg11 : memref<128x64xf32, #tpu.memory_space<vmem>>) offsets(%dma_start3A_443 : memref<128xi32, #tpu.memory_space<vmem>>) semaphore(%arg21 : memref<!tpu.dma_semaphore, #tpu.memory_space<semaphore_mem>>)
      %dma_wait3A_447 = arith.constant 0 : i32
      %dma_wait3A_448 = arith.constant 0 : i32
      %dma_wait3A_449 = tpu.memref_slice %arg2[%dma_wait3A_447, %dma_wait3A_448] : memref<20000x64xf32, #tpu.memory_space<hbm>> -> memref<128x64xf32, #tpu.memory_space<hbm>>
      %dma_wait3A_450 = arith.constant 0 : i32
      %dma_wait3A_451 = arith.constant 0 : i32
      %dma_wait3A_452 = tpu.memref_slice %arg2[%dma_wait3A_450, %dma_wait3A_451] : memref<20000x64xf32, #tpu.memory_space<hbm>> -> memref<128x64xf32, #tpu.memory_space<hbm>>
      tpu.wait_dma2 semaphore(%arg19 : memref<!tpu.dma_semaphore, #tpu.memory_space<semaphore_mem>>) src(%dma_wait3A_452 : memref<128x64xf32, #tpu.memory_space<hbm>>) dst(%arg9 : memref<128x64xf32, #tpu.memory_space<vmem>>)
      %dma_start3A_453 = arith.constant 0 : i32
      %dma_start3A_454 = arith.constant 0 : i32
      %dma_start3A_455 = tpu.memref_slice %arg8[%rem3A_332, %dma_start3A_453, %dma_start3A_454] : memref<2x8x128xi32, #tpu.memory_space<vmem>> -> memref<1x1x128xi32, #tpu.memory_space<vmem>>
      %dma_start3A_456 = tpu.memref_squeeze %dma_start3A_455 : memref<1x1x128xi32, #tpu.memory_space<vmem>> -> memref<128xi32, #tpu.memory_space<vmem>>
      %dma_start3A_457 = arith.constant 0 : i32
      %dma_start3A_458 = arith.constant 0 : i32
      %dma_start3A_459 = tpu.memref_slice %arg17[%dma_start3A_457, %dma_start3A_458] : memref<10240x64xf32, #tpu.memory_space<vmem_shared>> -> memref<10240x64xf32, #tpu.memory_space<vmem_shared>>
      tpu.enqueue_indirect_dma source(%arg9 : memref<128x64xf32, #tpu.memory_space<vmem>>) target(%dma_start3A_459 : memref<10240x64xf32, #tpu.memory_space<vmem_shared>>) offsets(%dma_start3A_456 : memref<128xi32, #tpu.memory_space<vmem>>) semaphore(%arg23 : memref<!tpu.dma_semaphore, #tpu.memory_space<semaphore_mem>>) {add = true}
      %eq3A_460 = arith.constant 0 : i32
      %eq3A_461 = arith.cmpi eq, %arg0, %eq3A_460 : i32
      %convert_element_type3A_462 = arith.extui %eq3A_461 : i1 to i32
      %cond3A_463 = arith.constant 0 : i32
      %cond3A_464 = arith.cmpi ne, %convert_element_type3A_462, %cond3A_463 : i32
      scf.if %cond3A_464 {
        %broadcast_in_dim3A = arith.constant 1.000000e+00 : f32
        %broadcast_in_dim3A_626 = vector.broadcast %broadcast_in_dim3A : f32 to vector<16xf32>
        %get3A = arith.constant 0 : i32
        %get3A_627 = arith.index_cast %rem3A_332 : i32 to index
        %get3A_628 = arith.index_cast %get3A : i32 to index
        %get3A_629 = arith.constant 0 : index
        %get3A_630 = tpu.vector_load %arg8[%get3A_627, %get3A_628, %get3A_629] {strides = array<i32>} : memref<2x8x128xi32, #tpu.memory_space<vmem>>, vector<16xi32>,
        tpu.vector_store_idx %arg14[%get3A_630], %broadcast_in_dim3A_626 {add = true} : memref<10240xf32, #tpu.memory_space<vmem>>[vector<16xi32>], vector<16xf32>,
        %get3A_631 = arith.constant 0 : i32
        %get3A_632 = arith.index_cast %rem3A_332 : i32 to index
        %get3A_633 = arith.index_cast %get3A_631 : i32 to index
        %get3A_634 = arith.constant 16 : index
        %get3A_635 = tpu.vector_load %arg8[%get3A_632, %get3A_633, %get3A_634] {strides = array<i32>} : memref<2x8x128xi32, #tpu.memory_space<vmem>>, vector<16xi32>,
        tpu.vector_store_idx %arg14[%get3A_635], %broadcast_in_dim3A_626 {add = true} : memref<10240xf32, #tpu.memory_space<vmem>>[vector<16xi32>], vector<16xf32>,
        %get3A_636 = arith.constant 0 : i32
        %get3A_637 = arith.index_cast %rem3A_332 : i32 to index
        %get3A_638 = arith.index_cast %get3A_636 : i32 to index
        %get3A_639 = arith.constant 32 : index
        %get3A_640 = tpu.vector_load %arg8[%get3A_637, %get3A_638, %get3A_639] {strides = array<i32>} : memref<2x8x128xi32, #tpu.memory_space<vmem>>, vector<16xi32>,
        tpu.vector_store_idx %arg14[%get3A_640], %broadcast_in_dim3A_626 {add = true} : memref<10240xf32, #tpu.memory_space<vmem>>[vector<16xi32>], vector<16xf32>,
        %get3A_641 = arith.constant 0 : i32
        %get3A_642 = arith.index_cast %rem3A_332 : i32 to index
        %get3A_643 = arith.index_cast %get3A_641 : i32 to index
        %get3A_644 = arith.constant 48 : index
        %get3A_645 = tpu.vector_load %arg8[%get3A_642, %get3A_643, %get3A_644] {strides = array<i32>} : memref<2x8x128xi32, #tpu.memory_space<vmem>>, vector<16xi32>,
        tpu.vector_store_idx %arg14[%get3A_645], %broadcast_in_dim3A_626 {add = true} : memref<10240xf32, #tpu.memory_space<vmem>>[vector<16xi32>], vector<16xf32>,
        %get3A_646 = arith.constant 0 : i32
        %get3A_647 = arith.index_cast %rem3A_332 : i32 to index
        %get3A_648 = arith.index_cast %get3A_646 : i32 to index
        %get3A_649 = arith.constant 64 : index
        %get3A_650 = tpu.vector_load %arg8[%get3A_647, %get3A_648, %get3A_649] {strides = array<i32>} : memref<2x8x128xi32, #tpu.memory_space<vmem>>, vector<16xi32>,
        tpu.vector_store_idx %arg14[%get3A_650], %broadcast_in_dim3A_626 {add = true} : memref<10240xf32, #tpu.memory_space<vmem>>[vector<16xi32>], vector<16xf32>,
        %get3A_651 = arith.constant 0 : i32
        %get3A_652 = arith.index_cast %rem3A_332 : i32 to index
        %get3A_653 = arith.index_cast %get3A_651 : i32 to index
        %get3A_654 = arith.constant 80 : index
        %get3A_655 = tpu.vector_load %arg8[%get3A_652, %get3A_653, %get3A_654] {strides = array<i32>} : memref<2x8x128xi32, #tpu.memory_space<vmem>>, vector<16xi32>,
        tpu.vector_store_idx %arg14[%get3A_655], %broadcast_in_dim3A_626 {add = true} : memref<10240xf32, #tpu.memory_space<vmem>>[vector<16xi32>], vector<16xf32>,
        %get3A_656 = arith.constant 0 : i32
        %get3A_657 = arith.index_cast %rem3A_332 : i32 to index
        %get3A_658 = arith.index_cast %get3A_656 : i32 to index
        %get3A_659 = arith.constant 96 : index
        %get3A_660 = tpu.vector_load %arg8[%get3A_657, %get3A_658, %get3A_659] {strides = array<i32>} : memref<2x8x128xi32, #tpu.memory_space<vmem>>, vector<16xi32>,
        tpu.vector_store_idx %arg14[%get3A_660], %broadcast_in_dim3A_626 {add = true} : memref<10240xf32, #tpu.memory_space<vmem>>[vector<16xi32>], vector<16xf32>,
        %get3A_661 = arith.constant 0 : i32
        %get3A_662 = arith.index_cast %rem3A_332 : i32 to index
        %get3A_663 = arith.index_cast %get3A_661 : i32 to index
        %get3A_664 = arith.constant 112 : index
        %get3A_665 = tpu.vector_load %arg8[%get3A_662, %get3A_663, %get3A_664] {strides = array<i32>} : memref<2x8x128xi32, #tpu.memory_space<vmem>>, vector<16xi32>,
        tpu.vector_store_idx %arg14[%get3A_665], %broadcast_in_dim3A_626 {add = true} : memref<10240xf32, #tpu.memory_space<vmem>>[vector<16xi32>], vector<16xf32>,
      } else {
      }
      %dma_wait3A_465 = arith.constant 0 : i32
      %dma_wait3A_466 = arith.constant 0 : i32
      %dma_wait3A_467 = tpu.memref_slice %arg17[%dma_wait3A_465, %dma_wait3A_466] : memref<10240x64xf32, #tpu.memory_space<vmem_shared>> -> memref<128x64xf32, #tpu.memory_space<vmem_shared>>
      %dma_wait3A_468 = arith.constant 0 : i32
      %dma_wait3A_469 = arith.constant 0 : i32
      %dma_wait3A_470 = tpu.memref_slice %arg17[%dma_wait3A_468, %dma_wait3A_469] : memref<10240x64xf32, #tpu.memory_space<vmem_shared>> -> memref<128x64xf32, #tpu.memory_space<vmem_shared>>
      tpu.wait_dma2 semaphore(%arg26 : memref<!tpu.dma_semaphore, #tpu.memory_space<semaphore_mem>>) src(%arg12 : memref<128x64xf32, #tpu.memory_space<vmem>>) dst(%dma_wait3A_470 : memref<128x64xf32, #tpu.memory_space<vmem_shared>>)
      %dma_start3A_471 = arith.constant 3 : i32
      %dma_start3A_472 = arith.constant 0 : i32
      %dma_start3A_473 = tpu.memref_slice %arg7[%rem3A_332, %dma_start3A_471, %dma_start3A_472] : memref<2x8x128xi32, #tpu.memory_space<vmem>> -> memref<1x1x128xi32, #tpu.memory_space<vmem>>
      %dma_start3A_474 = tpu.memref_squeeze %dma_start3A_473 : memref<1x1x128xi32, #tpu.memory_space<vmem>> -> memref<128xi32, #tpu.memory_space<vmem>>
      %dma_start3A_475 = arith.constant 0 : i32
      %dma_start3A_476 = arith.constant 0 : i32
      %dma_start3A_477 = tpu.memref_slice %arg2[%dma_start3A_475, %dma_start3A_476] : memref<20000x64xf32, #tpu.memory_space<hbm>> -> memref<20000x64xf32, #tpu.memory_space<hbm>>
      tpu.enqueue_indirect_dma source(%dma_start3A_477 : memref<20000x64xf32, #tpu.memory_space<hbm>>) target(%arg12 : memref<128x64xf32, #tpu.memory_space<vmem>>) offsets(%dma_start3A_474 : memref<128xi32, #tpu.memory_space<vmem>>) semaphore(%arg22 : memref<!tpu.dma_semaphore, #tpu.memory_space<semaphore_mem>>)
      %dma_wait3A_478 = arith.constant 0 : i32
      %dma_wait3A_479 = arith.constant 0 : i32
      %dma_wait3A_480 = tpu.memref_slice %arg2[%dma_wait3A_478, %dma_wait3A_479] : memref<20000x64xf32, #tpu.memory_space<hbm>> -> memref<128x64xf32, #tpu.memory_space<hbm>>
      %dma_wait3A_481 = arith.constant 0 : i32
      %dma_wait3A_482 = arith.constant 0 : i32
      %dma_wait3A_483 = tpu.memref_slice %arg2[%dma_wait3A_481, %dma_wait3A_482] : memref<20000x64xf32, #tpu.memory_space<hbm>> -> memref<128x64xf32, #tpu.memory_space<hbm>>
      tpu.wait_dma2 semaphore(%arg20 : memref<!tpu.dma_semaphore, #tpu.memory_space<semaphore_mem>>) src(%dma_wait3A_483 : memref<128x64xf32, #tpu.memory_space<hbm>>) dst(%arg10 : memref<128x64xf32, #tpu.memory_space<vmem>>)
      %dma_start3A_484 = arith.constant 1 : i32
      %dma_start3A_485 = arith.constant 0 : i32
      %dma_start3A_486 = tpu.memref_slice %arg8[%rem3A_332, %dma_start3A_484, %dma_start3A_485] : memref<2x8x128xi32, #tpu.memory_space<vmem>> -> memref<1x1x128xi32, #tpu.memory_space<vmem>>
      %dma_start3A_487 = tpu.memref_squeeze %dma_start3A_486 : memref<1x1x128xi32, #tpu.memory_space<vmem>> -> memref<128xi32, #tpu.memory_space<vmem>>
      %dma_start3A_488 = arith.constant 0 : i32
      %dma_start3A_489 = arith.constant 0 : i32
      %dma_start3A_490 = tpu.memref_slice %arg17[%dma_start3A_488, %dma_start3A_489] : memref<10240x64xf32, #tpu.memory_space<vmem_shared>> -> memref<10240x64xf32, #tpu.memory_space<vmem_shared>>
      tpu.enqueue_indirect_dma source(%arg10 : memref<128x64xf32, #tpu.memory_space<vmem>>) target(%dma_start3A_490 : memref<10240x64xf32, #tpu.memory_space<vmem_shared>>) offsets(%dma_start3A_487 : memref<128xi32, #tpu.memory_space<vmem>>) semaphore(%arg24 : memref<!tpu.dma_semaphore, #tpu.memory_space<semaphore_mem>>) {add = true}
      %eq3A_491 = arith.constant 0 : i32
      %eq3A_492 = arith.cmpi eq, %arg0, %eq3A_491 : i32
      %convert_element_type3A_493 = arith.extui %eq3A_492 : i1 to i32
      %cond3A_494 = arith.constant 0 : i32
      %cond3A_495 = arith.cmpi ne, %convert_element_type3A_493, %cond3A_494 : i32
      scf.if %cond3A_495 {
        %broadcast_in_dim3A = arith.constant 1.000000e+00 : f32
        %broadcast_in_dim3A_626 = vector.broadcast %broadcast_in_dim3A : f32 to vector<16xf32>
        %get3A = arith.constant 1 : i32
        %get3A_627 = arith.index_cast %rem3A_332 : i32 to index
        %get3A_628 = arith.index_cast %get3A : i32 to index
        %get3A_629 = arith.constant 0 : index
        %get3A_630 = tpu.vector_load %arg8[%get3A_627, %get3A_628, %get3A_629] {strides = array<i32>} : memref<2x8x128xi32, #tpu.memory_space<vmem>>, vector<16xi32>,
        tpu.vector_store_idx %arg14[%get3A_630], %broadcast_in_dim3A_626 {add = true} : memref<10240xf32, #tpu.memory_space<vmem>>[vector<16xi32>], vector<16xf32>,
        %get3A_631 = arith.constant 1 : i32
        %get3A_632 = arith.index_cast %rem3A_332 : i32 to index
        %get3A_633 = arith.index_cast %get3A_631 : i32 to index
        %get3A_634 = arith.constant 16 : index
        %get3A_635 = tpu.vector_load %arg8[%get3A_632, %get3A_633, %get3A_634] {strides = array<i32>} : memref<2x8x128xi32, #tpu.memory_space<vmem>>, vector<16xi32>,
        tpu.vector_store_idx %arg14[%get3A_635], %broadcast_in_dim3A_626 {add = true} : memref<10240xf32, #tpu.memory_space<vmem>>[vector<16xi32>], vector<16xf32>,
        %get3A_636 = arith.constant 1 : i32
        %get3A_637 = arith.index_cast %rem3A_332 : i32 to index
        %get3A_638 = arith.index_cast %get3A_636 : i32 to index
        %get3A_639 = arith.constant 32 : index
        %get3A_640 = tpu.vector_load %arg8[%get3A_637, %get3A_638, %get3A_639] {strides = array<i32>} : memref<2x8x128xi32, #tpu.memory_space<vmem>>, vector<16xi32>,
        tpu.vector_store_idx %arg14[%get3A_640], %broadcast_in_dim3A_626 {add = true} : memref<10240xf32, #tpu.memory_space<vmem>>[vector<16xi32>], vector<16xf32>,
        %get3A_641 = arith.constant 1 : i32
        %get3A_642 = arith.index_cast %rem3A_332 : i32 to index
        %get3A_643 = arith.index_cast %get3A_641 : i32 to index
        %get3A_644 = arith.constant 48 : index
        %get3A_645 = tpu.vector_load %arg8[%get3A_642, %get3A_643, %get3A_644] {strides = array<i32>} : memref<2x8x128xi32, #tpu.memory_space<vmem>>, vector<16xi32>,
        tpu.vector_store_idx %arg14[%get3A_645], %broadcast_in_dim3A_626 {add = true} : memref<10240xf32, #tpu.memory_space<vmem>>[vector<16xi32>], vector<16xf32>,
        %get3A_646 = arith.constant 1 : i32
        %get3A_647 = arith.index_cast %rem3A_332 : i32 to index
        %get3A_648 = arith.index_cast %get3A_646 : i32 to index
        %get3A_649 = arith.constant 64 : index
        %get3A_650 = tpu.vector_load %arg8[%get3A_647, %get3A_648, %get3A_649] {strides = array<i32>} : memref<2x8x128xi32, #tpu.memory_space<vmem>>, vector<16xi32>,
        tpu.vector_store_idx %arg14[%get3A_650], %broadcast_in_dim3A_626 {add = true} : memref<10240xf32, #tpu.memory_space<vmem>>[vector<16xi32>], vector<16xf32>,
        %get3A_651 = arith.constant 1 : i32
        %get3A_652 = arith.index_cast %rem3A_332 : i32 to index
        %get3A_653 = arith.index_cast %get3A_651 : i32 to index
        %get3A_654 = arith.constant 80 : index
        %get3A_655 = tpu.vector_load %arg8[%get3A_652, %get3A_653, %get3A_654] {strides = array<i32>} : memref<2x8x128xi32, #tpu.memory_space<vmem>>, vector<16xi32>,
        tpu.vector_store_idx %arg14[%get3A_655], %broadcast_in_dim3A_626 {add = true} : memref<10240xf32, #tpu.memory_space<vmem>>[vector<16xi32>], vector<16xf32>,
        %get3A_656 = arith.constant 1 : i32
        %get3A_657 = arith.index_cast %rem3A_332 : i32 to index
        %get3A_658 = arith.index_cast %get3A_656 : i32 to index
        %get3A_659 = arith.constant 96 : index
        %get3A_660 = tpu.vector_load %arg8[%get3A_657, %get3A_658, %get3A_659] {strides = array<i32>} : memref<2x8x128xi32, #tpu.memory_space<vmem>>, vector<16xi32>,
        tpu.vector_store_idx %arg14[%get3A_660], %broadcast_in_dim3A_626 {add = true} : memref<10240xf32, #tpu.memory_space<vmem>>[vector<16xi32>], vector<16xf32>,
        %get3A_661 = arith.constant 1 : i32
        %get3A_662 = arith.index_cast %rem3A_332 : i32 to index
        %get3A_663 = arith.index_cast %get3A_661 : i32 to index
        %get3A_664 = arith.constant 112 : index
        %get3A_665 = tpu.vector_load %arg8[%get3A_662, %get3A_663, %get3A_664] {strides = array<i32>} : memref<2x8x128xi32, #tpu.memory_space<vmem>>, vector<16xi32>,
        tpu.vector_store_idx %arg14[%get3A_665], %broadcast_in_dim3A_626 {add = true} : memref<10240xf32, #tpu.memory_space<vmem>>[vector<16xi32>], vector<16xf32>,
      } else {
      }
      %add3A_496 = arith.constant 1 : i32
      %add3A_497 = arith.addi %scan3A_331, %add3A_496 : i32
      %lt3A = arith.constant 20 : i32
      %lt3A_498 = arith.cmpi slt, %add3A_497, %lt3A : i32
      %convert_element_type3A_499 = arith.extui %lt3A_498 : i1 to i32
      %cond3A_500 = arith.constant 0 : i32
      %cond3A_501 = arith.cmpi ne, %convert_element_type3A_499, %cond3A_500 : i32
      scf.if %cond3A_501 {
        %add3A_626 = arith.constant 1 : i32
        %add3A_627 = arith.addi %scan3A_331, %add3A_626 : i32
        %mul3A_628 = arith.constant 8 : i32
        %mul3A_629 = arith.muli %add3A_627, %mul3A_628 : i32
        %add3A_630 = arith.addi %mul3A_22, %mul3A_629 : i32
        %dma_start3A_631 = arith.constant 0 : i32
        %dma_start3A_632 = arith.constant 0 : i32
        %dma_start3A_633 = tpu.memref_slice %arg7[%rem3A_341, %dma_start3A_631, %dma_start3A_632] : memref<2x8x128xi32, #tpu.memory_space<vmem>> -> memref<1x8x128xi32, #tpu.memory_space<vmem>>
        %dma_start3A_634 = tpu.memref_squeeze %dma_start3A_633 : memref<1x8x128xi32, #tpu.memory_space<vmem>> -> memref<8x128xi32, #tpu.memory_space<vmem>>
        %dma_start3A_635 = arith.constant 0 : i32
        %dma_start3A_636 = tpu.memref_slice %arg3[%arg0, %add3A_630, %dma_start3A_635] : memref<2x2560x128xi32, #tpu.memory_space<hbm>> -> memref<1x8x128xi32, #tpu.memory_space<hbm>>
        %dma_start3A_637 = tpu.memref_squeeze %dma_start3A_636 : memref<1x8x128xi32, #tpu.memory_space<hbm>> -> memref<8x128xi32, #tpu.memory_space<hbm>>
        %dma_start3A_638 = arith.constant 0 : i32
        %dma_start3A_639 = arith.constant 0 : i32
        %dma_start3A_640 = tpu.memref_slice %arg7[%rem3A_341, %dma_start3A_638, %dma_start3A_639] : memref<2x8x128xi32, #tpu.memory_space<vmem>> -> memref<1x8x128xi32, #tpu.memory_space<vmem>>
        %dma_start3A_641 = tpu.memref_squeeze %dma_start3A_640 : memref<1x8x128xi32, #tpu.memory_space<vmem>> -> memref<8x128xi32, #tpu.memory_space<vmem>>
        %dma_start3A_642 = arith.constant 0 : i32
        %dma_start3A_643 = tpu.memref_slice %arg3[%arg0, %add3A_630, %dma_start3A_642] : memref<2x2560x128xi32, #tpu.memory_space<hbm>> -> memref<1x8x128xi32, #tpu.memory_space<hbm>>
        %dma_start3A_644 = tpu.memref_squeeze %dma_start3A_643 : memref<1x8x128xi32, #tpu.memory_space<hbm>> -> memref<8x128xi32, #tpu.memory_space<hbm>>
        tpu.enqueue_dma source(%dma_start3A_644 : memref<8x128xi32, #tpu.memory_space<hbm>>) target(%dma_start3A_641 : memref<8x128xi32, #tpu.memory_space<vmem>>) target_semaphore(%arg27 : memref<!tpu.dma_semaphore, #tpu.memory_space<semaphore_mem>>)
        %mul3A_645 = arith.constant 8 : i32
        %mul3A_646 = arith.muli %add3A_627, %mul3A_645 : i32
        %add3A_647 = arith.addi %mul3A_22, %mul3A_646 : i32
        %dma_start3A_648 = arith.constant 0 : i32
        %dma_start3A_649 = arith.constant 0 : i32
        %dma_start3A_650 = tpu.memref_slice %arg8[%rem3A_341, %dma_start3A_648, %dma_start3A_649] : memref<2x8x128xi32, #tpu.memory_space<vmem>> -> memref<1x8x128xi32, #tpu.memory_space<vmem>>
        %dma_start3A_651 = tpu.memref_squeeze %dma_start3A_650 : memref<1x8x128xi32, #tpu.memory_space<vmem>> -> memref<8x128xi32, #tpu.memory_space<vmem>>
        %dma_start3A_652 = arith.constant 0 : i32
        %dma_start3A_653 = tpu.memref_slice %arg4[%add3A_647, %dma_start3A_652] : memref<2560x128xi32, #tpu.memory_space<hbm>> -> memref<8x128xi32, #tpu.memory_space<hbm>>
        %dma_start3A_654 = arith.constant 0 : i32
        %dma_start3A_655 = arith.constant 0 : i32
        %dma_start3A_656 = tpu.memref_slice %arg8[%rem3A_341, %dma_start3A_654, %dma_start3A_655] : memref<2x8x128xi32, #tpu.memory_space<vmem>> -> memref<1x8x128xi32, #tpu.memory_space<vmem>>
        %dma_start3A_657 = tpu.memref_squeeze %dma_start3A_656 : memref<1x8x128xi32, #tpu.memory_space<vmem>> -> memref<8x128xi32, #tpu.memory_space<vmem>>
        %dma_start3A_658 = arith.constant 0 : i32
        %dma_start3A_659 = tpu.memref_slice %arg4[%add3A_647, %dma_start3A_658] : memref<2560x128xi32, #tpu.memory_space<hbm>> -> memref<8x128xi32, #tpu.memory_space<hbm>>
        tpu.enqueue_dma source(%dma_start3A_659 : memref<8x128xi32, #tpu.memory_space<hbm>>) target(%dma_start3A_657 : memref<8x128xi32, #tpu.memory_space<vmem>>) target_semaphore(%arg27 : memref<!tpu.dma_semaphore, #tpu.memory_space<semaphore_mem>>)
      } else {
      }
      %dma_wait3A_502 = arith.constant 0 : i32
      %dma_wait3A_503 = arith.constant 0 : i32
      %dma_wait3A_504 = tpu.memref_slice %arg17[%dma_wait3A_502, %dma_wait3A_503] : memref<10240x64xf32, #tpu.memory_space<vmem_shared>> -> memref<128x64xf32, #tpu.memory_space<vmem_shared>>
      %dma_wait3A_505 = arith.constant 0 : i32
      %dma_wait3A_506 = arith.constant 0 : i32
      %dma_wait3A_507 = tpu.memref_slice %arg17[%dma_wait3A_505, %dma_wait3A_506] : memref<10240x64xf32, #tpu.memory_space<vmem_shared>> -> memref<128x64xf32, #tpu.memory_space<vmem_shared>>
      tpu.wait_dma2 semaphore(%arg23 : memref<!tpu.dma_semaphore, #tpu.memory_space<semaphore_mem>>) src(%arg9 : memref<128x64xf32, #tpu.memory_space<vmem>>) dst(%dma_wait3A_507 : memref<128x64xf32, #tpu.memory_space<vmem_shared>>)
      %dma_start3A_508 = arith.constant 4 : i32
      %dma_start3A_509 = arith.constant 0 : i32
      %dma_start3A_510 = tpu.memref_slice %arg7[%rem3A_332, %dma_start3A_508, %dma_start3A_509] : memref<2x8x128xi32, #tpu.memory_space<vmem>> -> memref<1x1x128xi32, #tpu.memory_space<vmem>>
      %dma_start3A_511 = tpu.memref_squeeze %dma_start3A_510 : memref<1x1x128xi32, #tpu.memory_space<vmem>> -> memref<128xi32, #tpu.memory_space<vmem>>
      %dma_start3A_512 = arith.constant 0 : i32
      %dma_start3A_513 = arith.constant 0 : i32
      %dma_start3A_514 = tpu.memref_slice %arg2[%dma_start3A_512, %dma_start3A_513] : memref<20000x64xf32, #tpu.memory_space<hbm>> -> memref<20000x64xf32, #tpu.memory_space<hbm>>
      tpu.enqueue_indirect_dma source(%dma_start3A_514 : memref<20000x64xf32, #tpu.memory_space<hbm>>) target(%arg9 : memref<128x64xf32, #tpu.memory_space<vmem>>) offsets(%dma_start3A_511 : memref<128xi32, #tpu.memory_space<vmem>>) semaphore(%arg19 : memref<!tpu.dma_semaphore, #tpu.memory_space<semaphore_mem>>)
      %dma_wait3A_515 = arith.constant 0 : i32
      %dma_wait3A_516 = arith.constant 0 : i32
      %dma_wait3A_517 = tpu.memref_slice %arg2[%dma_wait3A_515, %dma_wait3A_516] : memref<20000x64xf32, #tpu.memory_space<hbm>> -> memref<128x64xf32, #tpu.memory_space<hbm>>
      %dma_wait3A_518 = arith.constant 0 : i32
      %dma_wait3A_519 = arith.constant 0 : i32
      %dma_wait3A_520 = tpu.memref_slice %arg2[%dma_wait3A_518, %dma_wait3A_519] : memref<20000x64xf32, #tpu.memory_space<hbm>> -> memref<128x64xf32, #tpu.memory_space<hbm>>
      tpu.wait_dma2 semaphore(%arg21 : memref<!tpu.dma_semaphore, #tpu.memory_space<semaphore_mem>>) src(%dma_wait3A_520 : memref<128x64xf32, #tpu.memory_space<hbm>>) dst(%arg11 : memref<128x64xf32, #tpu.memory_space<vmem>>)
      %dma_start3A_521 = arith.constant 2 : i32
      %dma_start3A_522 = arith.constant 0 : i32
      %dma_start3A_523 = tpu.memref_slice %arg8[%rem3A_332, %dma_start3A_521, %dma_start3A_522] : memref<2x8x128xi32, #tpu.memory_space<vmem>> -> memref<1x1x128xi32, #tpu.memory_space<vmem>>
      %dma_start3A_524 = tpu.memref_squeeze %dma_start3A_523 : memref<1x1x128xi32, #tpu.memory_space<vmem>> -> memref<128xi32, #tpu.memory_space<vmem>>
      %dma_start3A_525 = arith.constant 0 : i32
      %dma_start3A_526 = arith.constant 0 : i32
      %dma_start3A_527 = tpu.memref_slice %arg17[%dma_start3A_525, %dma_start3A_526] : memref<10240x64xf32, #tpu.memory_space<vmem_shared>> -> memref<10240x64xf32, #tpu.memory_space<vmem_shared>>
      tpu.enqueue_indirect_dma source(%arg11 : memref<128x64xf32, #tpu.memory_space<vmem>>) target(%dma_start3A_527 : memref<10240x64xf32, #tpu.memory_space<vmem_shared>>) offsets(%dma_start3A_524 : memref<128xi32, #tpu.memory_space<vmem>>) semaphore(%arg25 : memref<!tpu.dma_semaphore, #tpu.memory_space<semaphore_mem>>) {add = true}
      %eq3A_528 = arith.constant 0 : i32
      %eq3A_529 = arith.cmpi eq, %arg0, %eq3A_528 : i32
      %convert_element_type3A_530 = arith.extui %eq3A_529 : i1 to i32
      %cond3A_531 = arith.constant 0 : i32
      %cond3A_532 = arith.cmpi ne, %convert_element_type3A_530, %cond3A_531 : i32
      scf.if %cond3A_532 {
        %broadcast_in_dim3A = arith.constant 1.000000e+00 : f32
        %broadcast_in_dim3A_626 = vector.broadcast %broadcast_in_dim3A : f32 to vector<16xf32>
        %get3A = arith.constant 2 : i32
        %get3A_627 = arith.index_cast %rem3A_332 : i32 to index
        %get3A_628 = arith.index_cast %get3A : i32 to index
        %get3A_629 = arith.constant 0 : index
        %get3A_630 = tpu.vector_load %arg8[%get3A_627, %get3A_628, %get3A_629] {strides = array<i32>} : memref<2x8x128xi32, #tpu.memory_space<vmem>>, vector<16xi32>,
        tpu.vector_store_idx %arg14[%get3A_630], %broadcast_in_dim3A_626 {add = true} : memref<10240xf32, #tpu.memory_space<vmem>>[vector<16xi32>], vector<16xf32>,
        %get3A_631 = arith.constant 2 : i32
        %get3A_632 = arith.index_cast %rem3A_332 : i32 to index
        %get3A_633 = arith.index_cast %get3A_631 : i32 to index
        %get3A_634 = arith.constant 16 : index
        %get3A_635 = tpu.vector_load %arg8[%get3A_632, %get3A_633, %get3A_634] {strides = array<i32>} : memref<2x8x128xi32, #tpu.memory_space<vmem>>, vector<16xi32>,
        tpu.vector_store_idx %arg14[%get3A_635], %broadcast_in_dim3A_626 {add = true} : memref<10240xf32, #tpu.memory_space<vmem>>[vector<16xi32>], vector<16xf32>,
        %get3A_636 = arith.constant 2 : i32
        %get3A_637 = arith.index_cast %rem3A_332 : i32 to index
        %get3A_638 = arith.index_cast %get3A_636 : i32 to index
        %get3A_639 = arith.constant 32 : index
        %get3A_640 = tpu.vector_load %arg8[%get3A_637, %get3A_638, %get3A_639] {strides = array<i32>} : memref<2x8x128xi32, #tpu.memory_space<vmem>>, vector<16xi32>,
        tpu.vector_store_idx %arg14[%get3A_640], %broadcast_in_dim3A_626 {add = true} : memref<10240xf32, #tpu.memory_space<vmem>>[vector<16xi32>], vector<16xf32>,
        %get3A_641 = arith.constant 2 : i32
        %get3A_642 = arith.index_cast %rem3A_332 : i32 to index
        %get3A_643 = arith.index_cast %get3A_641 : i32 to index
        %get3A_644 = arith.constant 48 : index
        %get3A_645 = tpu.vector_load %arg8[%get3A_642, %get3A_643, %get3A_644] {strides = array<i32>} : memref<2x8x128xi32, #tpu.memory_space<vmem>>, vector<16xi32>,
        tpu.vector_store_idx %arg14[%get3A_645], %broadcast_in_dim3A_626 {add = true} : memref<10240xf32, #tpu.memory_space<vmem>>[vector<16xi32>], vector<16xf32>,
        %get3A_646 = arith.constant 2 : i32
        %get3A_647 = arith.index_cast %rem3A_332 : i32 to index
        %get3A_648 = arith.index_cast %get3A_646 : i32 to index
        %get3A_649 = arith.constant 64 : index
        %get3A_650 = tpu.vector_load %arg8[%get3A_647, %get3A_648, %get3A_649] {strides = array<i32>} : memref<2x8x128xi32, #tpu.memory_space<vmem>>, vector<16xi32>,
        tpu.vector_store_idx %arg14[%get3A_650], %broadcast_in_dim3A_626 {add = true} : memref<10240xf32, #tpu.memory_space<vmem>>[vector<16xi32>], vector<16xf32>,
        %get3A_651 = arith.constant 2 : i32
        %get3A_652 = arith.index_cast %rem3A_332 : i32 to index
        %get3A_653 = arith.index_cast %get3A_651 : i32 to index
        %get3A_654 = arith.constant 80 : index
        %get3A_655 = tpu.vector_load %arg8[%get3A_652, %get3A_653, %get3A_654] {strides = array<i32>} : memref<2x8x128xi32, #tpu.memory_space<vmem>>, vector<16xi32>,
        tpu.vector_store_idx %arg14[%get3A_655], %broadcast_in_dim3A_626 {add = true} : memref<10240xf32, #tpu.memory_space<vmem>>[vector<16xi32>], vector<16xf32>,
        %get3A_656 = arith.constant 2 : i32
        %get3A_657 = arith.index_cast %rem3A_332 : i32 to index
        %get3A_658 = arith.index_cast %get3A_656 : i32 to index
        %get3A_659 = arith.constant 96 : index
        %get3A_660 = tpu.vector_load %arg8[%get3A_657, %get3A_658, %get3A_659] {strides = array<i32>} : memref<2x8x128xi32, #tpu.memory_space<vmem>>, vector<16xi32>,
        tpu.vector_store_idx %arg14[%get3A_660], %broadcast_in_dim3A_626 {add = true} : memref<10240xf32, #tpu.memory_space<vmem>>[vector<16xi32>], vector<16xf32>,
        %get3A_661 = arith.constant 2 : i32
        %get3A_662 = arith.index_cast %rem3A_332 : i32 to index
        %get3A_663 = arith.index_cast %get3A_661 : i32 to index
        %get3A_664 = arith.constant 112 : index
        %get3A_665 = tpu.vector_load %arg8[%get3A_662, %get3A_663, %get3A_664] {strides = array<i32>} : memref<2x8x128xi32, #tpu.memory_space<vmem>>, vector<16xi32>,
        tpu.vector_store_idx %arg14[%get3A_665], %broadcast_in_dim3A_626 {add = true} : memref<10240xf32, #tpu.memory_space<vmem>>[vector<16xi32>], vector<16xf32>,
      } else {
      }
      %dma_wait3A_533 = arith.constant 0 : i32
      %dma_wait3A_534 = arith.constant 0 : i32
      %dma_wait3A_535 = tpu.memref_slice %arg17[%dma_wait3A_533, %dma_wait3A_534] : memref<10240x64xf32, #tpu.memory_space<vmem_shared>> -> memref<128x64xf32, #tpu.memory_space<vmem_shared>>
      %dma_wait3A_536 = arith.constant 0 : i32
      %dma_wait3A_537 = arith.constant 0 : i32
      %dma_wait3A_538 = tpu.memref_slice %arg17[%dma_wait3A_536, %dma_wait3A_537] : memref<10240x64xf32, #tpu.memory_space<vmem_shared>> -> memref<128x64xf32, #tpu.memory_space<vmem_shared>>
      tpu.wait_dma2 semaphore(%arg24 : memref<!tpu.dma_semaphore, #tpu.memory_space<semaphore_mem>>) src(%arg10 : memref<128x64xf32, #tpu.memory_space<vmem>>) dst(%dma_wait3A_538 : memref<128x64xf32, #tpu.memory_space<vmem_shared>>)
      %dma_start3A_539 = arith.constant 5 : i32
      %dma_start3A_540 = arith.constant 0 : i32
      %dma_start3A_541 = tpu.memref_slice %arg7[%rem3A_332, %dma_start3A_539, %dma_start3A_540] : memref<2x8x128xi32, #tpu.memory_space<vmem>> -> memref<1x1x128xi32, #tpu.memory_space<vmem>>
      %dma_start3A_542 = tpu.memref_squeeze %dma_start3A_541 : memref<1x1x128xi32, #tpu.memory_space<vmem>> -> memref<128xi32, #tpu.memory_space<vmem>>
      %dma_start3A_543 = arith.constant 0 : i32
      %dma_start3A_544 = arith.constant 0 : i32
      %dma_start3A_545 = tpu.memref_slice %arg2[%dma_start3A_543, %dma_start3A_544] : memref<20000x64xf32, #tpu.memory_space<hbm>> -> memref<20000x64xf32, #tpu.memory_space<hbm>>
      tpu.enqueue_indirect_dma source(%dma_start3A_545 : memref<20000x64xf32, #tpu.memory_space<hbm>>) target(%arg10 : memref<128x64xf32, #tpu.memory_space<vmem>>) offsets(%dma_start3A_542 : memref<128xi32, #tpu.memory_space<vmem>>) semaphore(%arg20 : memref<!tpu.dma_semaphore, #tpu.memory_space<semaphore_mem>>)
      %dma_wait3A_546 = arith.constant 0 : i32
      %dma_wait3A_547 = arith.constant 0 : i32
      %dma_wait3A_548 = tpu.memref_slice %arg2[%dma_wait3A_546, %dma_wait3A_547] : memref<20000x64xf32, #tpu.memory_space<hbm>> -> memref<128x64xf32, #tpu.memory_space<hbm>>
      %dma_wait3A_549 = arith.constant 0 : i32
      %dma_wait3A_550 = arith.constant 0 : i32
      %dma_wait3A_551 = tpu.memref_slice %arg2[%dma_wait3A_549, %dma_wait3A_550] : memref<20000x64xf32, #tpu.memory_space<hbm>> -> memref<128x64xf32, #tpu.memory_space<hbm>>
      tpu.wait_dma2 semaphore(%arg22 : memref<!tpu.dma_semaphore, #tpu.memory_space<semaphore_mem>>) src(%dma_wait3A_551 : memref<128x64xf32, #tpu.memory_space<hbm>>) dst(%arg12 : memref<128x64xf32, #tpu.memory_space<vmem>>)
      %dma_start3A_552 = arith.constant 3 : i32
      %dma_start3A_553 = arith.constant 0 : i32
      %dma_start3A_554 = tpu.memref_slice %arg8[%rem3A_332, %dma_start3A_552, %dma_start3A_553] : memref<2x8x128xi32, #tpu.memory_space<vmem>> -> memref<1x1x128xi32, #tpu.memory_space<vmem>>
      %dma_start3A_555 = tpu.memref_squeeze %dma_start3A_554 : memref<1x1x128xi32, #tpu.memory_space<vmem>> -> memref<128xi32, #tpu.memory_space<vmem>>
      %dma_start3A_556 = arith.constant 0 : i32
      %dma_start3A_557 = arith.constant 0 : i32
      %dma_start3A_558 = tpu.memref_slice %arg17[%dma_start3A_556, %dma_start3A_557] : memref<10240x64xf32, #tpu.memory_space<vmem_shared>> -> memref<10240x64xf32, #tpu.memory_space<vmem_shared>>
      tpu.enqueue_indirect_dma source(%arg12 : memref<128x64xf32, #tpu.memory_space<vmem>>) target(%dma_start3A_558 : memref<10240x64xf32, #tpu.memory_space<vmem_shared>>) offsets(%dma_start3A_555 : memref<128xi32, #tpu.memory_space<vmem>>) semaphore(%arg26 : memref<!tpu.dma_semaphore, #tpu.memory_space<semaphore_mem>>) {add = true}
      %eq3A_559 = arith.constant 0 : i32
      %eq3A_560 = arith.cmpi eq, %arg0, %eq3A_559 : i32
      %convert_element_type3A_561 = arith.extui %eq3A_560 : i1 to i32
      %cond3A_562 = arith.constant 0 : i32
      %cond3A_563 = arith.cmpi ne, %convert_element_type3A_561, %cond3A_562 : i32
      scf.if %cond3A_563 {
        %broadcast_in_dim3A = arith.constant 1.000000e+00 : f32
        %broadcast_in_dim3A_626 = vector.broadcast %broadcast_in_dim3A : f32 to vector<16xf32>
        %get3A = arith.constant 3 : i32
        %get3A_627 = arith.index_cast %rem3A_332 : i32 to index
        %get3A_628 = arith.index_cast %get3A : i32 to index
        %get3A_629 = arith.constant 0 : index
        %get3A_630 = tpu.vector_load %arg8[%get3A_627, %get3A_628, %get3A_629] {strides = array<i32>} : memref<2x8x128xi32, #tpu.memory_space<vmem>>, vector<16xi32>,
        tpu.vector_store_idx %arg14[%get3A_630], %broadcast_in_dim3A_626 {add = true} : memref<10240xf32, #tpu.memory_space<vmem>>[vector<16xi32>], vector<16xf32>,
        %get3A_631 = arith.constant 3 : i32
        %get3A_632 = arith.index_cast %rem3A_332 : i32 to index
        %get3A_633 = arith.index_cast %get3A_631 : i32 to index
        %get3A_634 = arith.constant 16 : index
        %get3A_635 = tpu.vector_load %arg8[%get3A_632, %get3A_633, %get3A_634] {strides = array<i32>} : memref<2x8x128xi32, #tpu.memory_space<vmem>>, vector<16xi32>,
        tpu.vector_store_idx %arg14[%get3A_635], %broadcast_in_dim3A_626 {add = true} : memref<10240xf32, #tpu.memory_space<vmem>>[vector<16xi32>], vector<16xf32>,
        %get3A_636 = arith.constant 3 : i32
        %get3A_637 = arith.index_cast %rem3A_332 : i32 to index
        %get3A_638 = arith.index_cast %get3A_636 : i32 to index
        %get3A_639 = arith.constant 32 : index
        %get3A_640 = tpu.vector_load %arg8[%get3A_637, %get3A_638, %get3A_639] {strides = array<i32>} : memref<2x8x128xi32, #tpu.memory_space<vmem>>, vector<16xi32>,
        tpu.vector_store_idx %arg14[%get3A_640], %broadcast_in_dim3A_626 {add = true} : memref<10240xf32, #tpu.memory_space<vmem>>[vector<16xi32>], vector<16xf32>,
        %get3A_641 = arith.constant 3 : i32
        %get3A_642 = arith.index_cast %rem3A_332 : i32 to index
        %get3A_643 = arith.index_cast %get3A_641 : i32 to index
        %get3A_644 = arith.constant 48 : index
        %get3A_645 = tpu.vector_load %arg8[%get3A_642, %get3A_643, %get3A_644] {strides = array<i32>} : memref<2x8x128xi32, #tpu.memory_space<vmem>>, vector<16xi32>,
        tpu.vector_store_idx %arg14[%get3A_645], %broadcast_in_dim3A_626 {add = true} : memref<10240xf32, #tpu.memory_space<vmem>>[vector<16xi32>], vector<16xf32>,
        %get3A_646 = arith.constant 3 : i32
        %get3A_647 = arith.index_cast %rem3A_332 : i32 to index
        %get3A_648 = arith.index_cast %get3A_646 : i32 to index
        %get3A_649 = arith.constant 64 : index
        %get3A_650 = tpu.vector_load %arg8[%get3A_647, %get3A_648, %get3A_649] {strides = array<i32>} : memref<2x8x128xi32, #tpu.memory_space<vmem>>, vector<16xi32>,
        tpu.vector_store_idx %arg14[%get3A_650], %broadcast_in_dim3A_626 {add = true} : memref<10240xf32, #tpu.memory_space<vmem>>[vector<16xi32>], vector<16xf32>,
        %get3A_651 = arith.constant 3 : i32
        %get3A_652 = arith.index_cast %rem3A_332 : i32 to index
        %get3A_653 = arith.index_cast %get3A_651 : i32 to index
        %get3A_654 = arith.constant 80 : index
        %get3A_655 = tpu.vector_load %arg8[%get3A_652, %get3A_653, %get3A_654] {strides = array<i32>} : memref<2x8x128xi32, #tpu.memory_space<vmem>>, vector<16xi32>,
        tpu.vector_store_idx %arg14[%get3A_655], %broadcast_in_dim3A_626 {add = true} : memref<10240xf32, #tpu.memory_space<vmem>>[vector<16xi32>], vector<16xf32>,
        %get3A_656 = arith.constant 3 : i32
        %get3A_657 = arith.index_cast %rem3A_332 : i32 to index
        %get3A_658 = arith.index_cast %get3A_656 : i32 to index
        %get3A_659 = arith.constant 96 : index
        %get3A_660 = tpu.vector_load %arg8[%get3A_657, %get3A_658, %get3A_659] {strides = array<i32>} : memref<2x8x128xi32, #tpu.memory_space<vmem>>, vector<16xi32>,
        tpu.vector_store_idx %arg14[%get3A_660], %broadcast_in_dim3A_626 {add = true} : memref<10240xf32, #tpu.memory_space<vmem>>[vector<16xi32>], vector<16xf32>,
        %get3A_661 = arith.constant 3 : i32
        %get3A_662 = arith.index_cast %rem3A_332 : i32 to index
        %get3A_663 = arith.index_cast %get3A_661 : i32 to index
        %get3A_664 = arith.constant 112 : index
        %get3A_665 = tpu.vector_load %arg8[%get3A_662, %get3A_663, %get3A_664] {strides = array<i32>} : memref<2x8x128xi32, #tpu.memory_space<vmem>>, vector<16xi32>,
        tpu.vector_store_idx %arg14[%get3A_665], %broadcast_in_dim3A_626 {add = true} : memref<10240xf32, #tpu.memory_space<vmem>>[vector<16xi32>], vector<16xf32>,
      } else {
      }
      %dma_wait3A_564 = arith.constant 0 : i32
      %dma_wait3A_565 = arith.constant 0 : i32
      %dma_wait3A_566 = tpu.memref_slice %arg17[%dma_wait3A_564, %dma_wait3A_565] : memref<10240x64xf32, #tpu.memory_space<vmem_shared>> -> memref<128x64xf32, #tpu.memory_space<vmem_shared>>
      %dma_wait3A_567 = arith.constant 0 : i32
      %dma_wait3A_568 = arith.constant 0 : i32
      %dma_wait3A_569 = tpu.memref_slice %arg17[%dma_wait3A_567, %dma_wait3A_568] : memref<10240x64xf32, #tpu.memory_space<vmem_shared>> -> memref<128x64xf32, #tpu.memory_space<vmem_shared>>
      tpu.wait_dma2 semaphore(%arg25 : memref<!tpu.dma_semaphore, #tpu.memory_space<semaphore_mem>>) src(%arg11 : memref<128x64xf32, #tpu.memory_space<vmem>>) dst(%dma_wait3A_569 : memref<128x64xf32, #tpu.memory_space<vmem_shared>>)
      %dma_start3A_570 = arith.constant 6 : i32
      %dma_start3A_571 = arith.constant 0 : i32
      %dma_start3A_572 = tpu.memref_slice %arg7[%rem3A_332, %dma_start3A_570, %dma_start3A_571] : memref<2x8x128xi32, #tpu.memory_space<vmem>> -> memref<1x1x128xi32, #tpu.memory_space<vmem>>
      %dma_start3A_573 = tpu.memref_squeeze %dma_start3A_572 : memref<1x1x128xi32, #tpu.memory_space<vmem>> -> memref<128xi32, #tpu.memory_space<vmem>>
      %dma_start3A_574 = arith.constant 0 : i32
      %dma_start3A_575 = arith.constant 0 : i32
      %dma_start3A_576 = tpu.memref_slice %arg2[%dma_start3A_574, %dma_start3A_575] : memref<20000x64xf32, #tpu.memory_space<hbm>> -> memref<20000x64xf32, #tpu.memory_space<hbm>>
      tpu.enqueue_indirect_dma source(%dma_start3A_576 : memref<20000x64xf32, #tpu.memory_space<hbm>>) target(%arg11 : memref<128x64xf32, #tpu.memory_space<vmem>>) offsets(%dma_start3A_573 : memref<128xi32, #tpu.memory_space<vmem>>) semaphore(%arg21 : memref<!tpu.dma_semaphore, #tpu.memory_space<semaphore_mem>>)
      %dma_wait3A_577 = arith.constant 0 : i32
      %dma_wait3A_578 = arith.constant 0 : i32
      %dma_wait3A_579 = tpu.memref_slice %arg2[%dma_wait3A_577, %dma_wait3A_578] : memref<20000x64xf32, #tpu.memory_space<hbm>> -> memref<128x64xf32, #tpu.memory_space<hbm>>
      %dma_wait3A_580 = arith.constant 0 : i32
      %dma_wait3A_581 = arith.constant 0 : i32
      %dma_wait3A_582 = tpu.memref_slice %arg2[%dma_wait3A_580, %dma_wait3A_581] : memref<20000x64xf32, #tpu.memory_space<hbm>> -> memref<128x64xf32, #tpu.memory_space<hbm>>
      tpu.wait_dma2 semaphore(%arg19 : memref<!tpu.dma_semaphore, #tpu.memory_space<semaphore_mem>>) src(%dma_wait3A_582 : memref<128x64xf32, #tpu.memory_space<hbm>>) dst(%arg9 : memref<128x64xf32, #tpu.memory_space<vmem>>)
      %dma_start3A_583 = arith.constant 4 : i32
      %dma_start3A_584 = arith.constant 0 : i32
      %dma_start3A_585 = tpu.memref_slice %arg8[%rem3A_332, %dma_start3A_583, %dma_start3A_584] : memref<2x8x128xi32, #tpu.memory_space<vmem>> -> memref<1x1x128xi32, #tpu.memory_space<vmem>>
      %dma_start3A_586 = tpu.memref_squeeze %dma_start3A_585 : memref<1x1x128xi32, #tpu.memory_space<vmem>> -> memref<128xi32, #tpu.memory_space<vmem>>
      %dma_start3A_587 = arith.constant 0 : i32
      %dma_start3A_588 = arith.constant 0 : i32
      %dma_start3A_589 = tpu.memref_slice %arg17[%dma_start3A_587, %dma_start3A_588] : memref<10240x64xf32, #tpu.memory_space<vmem_shared>> -> memref<10240x64xf32, #tpu.memory_space<vmem_shared>>
      tpu.enqueue_indirect_dma source(%arg9 : memref<128x64xf32, #tpu.memory_space<vmem>>) target(%dma_start3A_589 : memref<10240x64xf32, #tpu.memory_space<vmem_shared>>) offsets(%dma_start3A_586 : memref<128xi32, #tpu.memory_space<vmem>>) semaphore(%arg23 : memref<!tpu.dma_semaphore, #tpu.memory_space<semaphore_mem>>) {add = true}
      %eq3A_590 = arith.constant 0 : i32
      %eq3A_591 = arith.cmpi eq, %arg0, %eq3A_590 : i32
      %convert_element_type3A_592 = arith.extui %eq3A_591 : i1 to i32
      %cond3A_593 = arith.constant 0 : i32
      %cond3A_594 = arith.cmpi ne, %convert_element_type3A_592, %cond3A_593 : i32
      scf.if %cond3A_594 {
        %broadcast_in_dim3A = arith.constant 1.000000e+00 : f32
        %broadcast_in_dim3A_626 = vector.broadcast %broadcast_in_dim3A : f32 to vector<16xf32>
        %get3A = arith.constant 4 : i32
        %get3A_627 = arith.index_cast %rem3A_332 : i32 to index
        %get3A_628 = arith.index_cast %get3A : i32 to index
        %get3A_629 = arith.constant 0 : index
        %get3A_630 = tpu.vector_load %arg8[%get3A_627, %get3A_628, %get3A_629] {strides = array<i32>} : memref<2x8x128xi32, #tpu.memory_space<vmem>>, vector<16xi32>,
        tpu.vector_store_idx %arg14[%get3A_630], %broadcast_in_dim3A_626 {add = true} : memref<10240xf32, #tpu.memory_space<vmem>>[vector<16xi32>], vector<16xf32>,
        %get3A_631 = arith.constant 4 : i32
        %get3A_632 = arith.index_cast %rem3A_332 : i32 to index
        %get3A_633 = arith.index_cast %get3A_631 : i32 to index
        %get3A_634 = arith.constant 16 : index
        %get3A_635 = tpu.vector_load %arg8[%get3A_632, %get3A_633, %get3A_634] {strides = array<i32>} : memref<2x8x128xi32, #tpu.memory_space<vmem>>, vector<16xi32>,
        tpu.vector_store_idx %arg14[%get3A_635], %broadcast_in_dim3A_626 {add = true} : memref<10240xf32, #tpu.memory_space<vmem>>[vector<16xi32>], vector<16xf32>,
        %get3A_636 = arith.constant 4 : i32
        %get3A_637 = arith.index_cast %rem3A_332 : i32 to index
        %get3A_638 = arith.index_cast %get3A_636 : i32 to index
        %get3A_639 = arith.constant 32 : index
        %get3A_640 = tpu.vector_load %arg8[%get3A_637, %get3A_638, %get3A_639] {strides = array<i32>} : memref<2x8x128xi32, #tpu.memory_space<vmem>>, vector<16xi32>,
        tpu.vector_store_idx %arg14[%get3A_640], %broadcast_in_dim3A_626 {add = true} : memref<10240xf32, #tpu.memory_space<vmem>>[vector<16xi32>], vector<16xf32>,
        %get3A_641 = arith.constant 4 : i32
        %get3A_642 = arith.index_cast %rem3A_332 : i32 to index
        %get3A_643 = arith.index_cast %get3A_641 : i32 to index
        %get3A_644 = arith.constant 48 : index
        %get3A_645 = tpu.vector_load %arg8[%get3A_642, %get3A_643, %get3A_644] {strides = array<i32>} : memref<2x8x128xi32, #tpu.memory_space<vmem>>, vector<16xi32>,
        tpu.vector_store_idx %arg14[%get3A_645], %broadcast_in_dim3A_626 {add = true} : memref<10240xf32, #tpu.memory_space<vmem>>[vector<16xi32>], vector<16xf32>,
        %get3A_646 = arith.constant 4 : i32
        %get3A_647 = arith.index_cast %rem3A_332 : i32 to index
        %get3A_648 = arith.index_cast %get3A_646 : i32 to index
        %get3A_649 = arith.constant 64 : index
        %get3A_650 = tpu.vector_load %arg8[%get3A_647, %get3A_648, %get3A_649] {strides = array<i32>} : memref<2x8x128xi32, #tpu.memory_space<vmem>>, vector<16xi32>,
        tpu.vector_store_idx %arg14[%get3A_650], %broadcast_in_dim3A_626 {add = true} : memref<10240xf32, #tpu.memory_space<vmem>>[vector<16xi32>], vector<16xf32>,
        %get3A_651 = arith.constant 4 : i32
        %get3A_652 = arith.index_cast %rem3A_332 : i32 to index
        %get3A_653 = arith.index_cast %get3A_651 : i32 to index
        %get3A_654 = arith.constant 80 : index
        %get3A_655 = tpu.vector_load %arg8[%get3A_652, %get3A_653, %get3A_654] {strides = array<i32>} : memref<2x8x128xi32, #tpu.memory_space<vmem>>, vector<16xi32>,
        tpu.vector_store_idx %arg14[%get3A_655], %broadcast_in_dim3A_626 {add = true} : memref<10240xf32, #tpu.memory_space<vmem>>[vector<16xi32>], vector<16xf32>,
        %get3A_656 = arith.constant 4 : i32
        %get3A_657 = arith.index_cast %rem3A_332 : i32 to index
        %get3A_658 = arith.index_cast %get3A_656 : i32 to index
        %get3A_659 = arith.constant 96 : index
        %get3A_660 = tpu.vector_load %arg8[%get3A_657, %get3A_658, %get3A_659] {strides = array<i32>} : memref<2x8x128xi32, #tpu.memory_space<vmem>>, vector<16xi32>,
        tpu.vector_store_idx %arg14[%get3A_660], %broadcast_in_dim3A_626 {add = true} : memref<10240xf32, #tpu.memory_space<vmem>>[vector<16xi32>], vector<16xf32>,
        %get3A_661 = arith.constant 4 : i32
        %get3A_662 = arith.index_cast %rem3A_332 : i32 to index
        %get3A_663 = arith.index_cast %get3A_661 : i32 to index
        %get3A_664 = arith.constant 112 : index
        %get3A_665 = tpu.vector_load %arg8[%get3A_662, %get3A_663, %get3A_664] {strides = array<i32>} : memref<2x8x128xi32, #tpu.memory_space<vmem>>, vector<16xi32>,
        tpu.vector_store_idx %arg14[%get3A_665], %broadcast_in_dim3A_626 {add = true} : memref<10240xf32, #tpu.memory_space<vmem>>[vector<16xi32>], vector<16xf32>,
      } else {
      }
      %dma_wait3A_595 = arith.constant 0 : i32
      %dma_wait3A_596 = arith.constant 0 : i32
      %dma_wait3A_597 = tpu.memref_slice %arg17[%dma_wait3A_595, %dma_wait3A_596] : memref<10240x64xf32, #tpu.memory_space<vmem_shared>> -> memref<128x64xf32, #tpu.memory_space<vmem_shared>>
      %dma_wait3A_598 = arith.constant 0 : i32
      %dma_wait3A_599 = arith.constant 0 : i32
      %dma_wait3A_600 = tpu.memref_slice %arg17[%dma_wait3A_598, %dma_wait3A_599] : memref<10240x64xf32, #tpu.memory_space<vmem_shared>> -> memref<128x64xf32, #tpu.memory_space<vmem_shared>>
      tpu.wait_dma2 semaphore(%arg26 : memref<!tpu.dma_semaphore, #tpu.memory_space<semaphore_mem>>) src(%arg12 : memref<128x64xf32, #tpu.memory_space<vmem>>) dst(%dma_wait3A_600 : memref<128x64xf32, #tpu.memory_space<vmem_shared>>)
      %dma_start3A_601 = arith.constant 7 : i32
      %dma_start3A_602 = arith.constant 0 : i32
      %dma_start3A_603 = tpu.memref_slice %arg7[%rem3A_332, %dma_start3A_601, %dma_start3A_602] : memref<2x8x128xi32, #tpu.memory_space<vmem>> -> memref<1x1x128xi32, #tpu.memory_space<vmem>>
      %dma_start3A_604 = tpu.memref_squeeze %dma_start3A_603 : memref<1x1x128xi32, #tpu.memory_space<vmem>> -> memref<128xi32, #tpu.memory_space<vmem>>
      %dma_start3A_605 = arith.constant 0 : i32
      %dma_start3A_606 = arith.constant 0 : i32
      %dma_start3A_607 = tpu.memref_slice %arg2[%dma_start3A_605, %dma_start3A_606] : memref<20000x64xf32, #tpu.memory_space<hbm>> -> memref<20000x64xf32, #tpu.memory_space<hbm>>
      tpu.enqueue_indirect_dma source(%dma_start3A_607 : memref<20000x64xf32, #tpu.memory_space<hbm>>) target(%arg12 : memref<128x64xf32, #tpu.memory_space<vmem>>) offsets(%dma_start3A_604 : memref<128xi32, #tpu.memory_space<vmem>>) semaphore(%arg22 : memref<!tpu.dma_semaphore, #tpu.memory_space<semaphore_mem>>)
      %dma_wait3A_608 = arith.constant 0 : i32
      %dma_wait3A_609 = arith.constant 0 : i32
      %dma_wait3A_610 = tpu.memref_slice %arg2[%dma_wait3A_608, %dma_wait3A_609] : memref<20000x64xf32, #tpu.memory_space<hbm>> -> memref<128x64xf32, #tpu.memory_space<hbm>>
      %dma_wait3A_611 = arith.constant 0 : i32
      %dma_wait3A_612 = arith.constant 0 : i32
      %dma_wait3A_613 = tpu.memref_slice %arg2[%dma_wait3A_611, %dma_wait3A_612] : memref<20000x64xf32, #tpu.memory_space<hbm>> -> memref<128x64xf32, #tpu.memory_space<hbm>>
      tpu.wait_dma2 semaphore(%arg20 : memref<!tpu.dma_semaphore, #tpu.memory_space<semaphore_mem>>) src(%dma_wait3A_613 : memref<128x64xf32, #tpu.memory_space<hbm>>) dst(%arg10 : memref<128x64xf32, #tpu.memory_space<vmem>>)
      %dma_start3A_614 = arith.constant 5 : i32
      %dma_start3A_615 = arith.constant 0 : i32
      %dma_start3A_616 = tpu.memref_slice %arg8[%rem3A_332, %dma_start3A_614, %dma_start3A_615] : memref<2x8x128xi32, #tpu.memory_space<vmem>> -> memref<1x1x128xi32, #tpu.memory_space<vmem>>
      %dma_start3A_617 = tpu.memref_squeeze %dma_start3A_616 : memref<1x1x128xi32, #tpu.memory_space<vmem>> -> memref<128xi32, #tpu.memory_space<vmem>>
      %dma_start3A_618 = arith.constant 0 : i32
      %dma_start3A_619 = arith.constant 0 : i32
      %dma_start3A_620 = tpu.memref_slice %arg17[%dma_start3A_618, %dma_start3A_619] : memref<10240x64xf32, #tpu.memory_space<vmem_shared>> -> memref<10240x64xf32, #tpu.memory_space<vmem_shared>>
      tpu.enqueue_indirect_dma source(%arg10 : memref<128x64xf32, #tpu.memory_space<vmem>>) target(%dma_start3A_620 : memref<10240x64xf32, #tpu.memory_space<vmem_shared>>) offsets(%dma_start3A_617 : memref<128xi32, #tpu.memory_space<vmem>>) semaphore(%arg24 : memref<!tpu.dma_semaphore, #tpu.memory_space<semaphore_mem>>) {add = true}
      %eq3A_621 = arith.constant 0 : i32
      %eq3A_622 = arith.cmpi eq, %arg0, %eq3A_621 : i32
      %convert_element_type3A_623 = arith.extui %eq3A_622 : i1 to i32
      %cond3A_624 = arith.constant 0 : i32
      %cond3A_625 = arith.cmpi ne, %convert_element_type3A_623, %cond3A_624 : i32
      scf.if %cond3A_625 {
        %broadcast_in_dim3A = arith.constant 1.000000e+00 : f32
        %broadcast_in_dim3A_626 = vector.broadcast %broadcast_in_dim3A : f32 to vector<16xf32>
        %get3A = arith.constant 5 : i32
        %get3A_627 = arith.index_cast %rem3A_332 : i32 to index
        %get3A_628 = arith.index_cast %get3A : i32 to index
        %get3A_629 = arith.constant 0 : index
        %get3A_630 = tpu.vector_load %arg8[%get3A_627, %get3A_628, %get3A_629] {strides = array<i32>} : memref<2x8x128xi32, #tpu.memory_space<vmem>>, vector<16xi32>,
        tpu.vector_store_idx %arg14[%get3A_630], %broadcast_in_dim3A_626 {add = true} : memref<10240xf32, #tpu.memory_space<vmem>>[vector<16xi32>], vector<16xf32>,
        %get3A_631 = arith.constant 5 : i32
        %get3A_632 = arith.index_cast %rem3A_332 : i32 to index
        %get3A_633 = arith.index_cast %get3A_631 : i32 to index
        %get3A_634 = arith.constant 16 : index
        %get3A_635 = tpu.vector_load %arg8[%get3A_632, %get3A_633, %get3A_634] {strides = array<i32>} : memref<2x8x128xi32, #tpu.memory_space<vmem>>, vector<16xi32>,
        tpu.vector_store_idx %arg14[%get3A_635], %broadcast_in_dim3A_626 {add = true} : memref<10240xf32, #tpu.memory_space<vmem>>[vector<16xi32>], vector<16xf32>,
        %get3A_636 = arith.constant 5 : i32
        %get3A_637 = arith.index_cast %rem3A_332 : i32 to index
        %get3A_638 = arith.index_cast %get3A_636 : i32 to index
        %get3A_639 = arith.constant 32 : index
        %get3A_640 = tpu.vector_load %arg8[%get3A_637, %get3A_638, %get3A_639] {strides = array<i32>} : memref<2x8x128xi32, #tpu.memory_space<vmem>>, vector<16xi32>,
        tpu.vector_store_idx %arg14[%get3A_640], %broadcast_in_dim3A_626 {add = true} : memref<10240xf32, #tpu.memory_space<vmem>>[vector<16xi32>], vector<16xf32>,
        %get3A_641 = arith.constant 5 : i32
        %get3A_642 = arith.index_cast %rem3A_332 : i32 to index
        %get3A_643 = arith.index_cast %get3A_641 : i32 to index
        %get3A_644 = arith.constant 48 : index
        %get3A_645 = tpu.vector_load %arg8[%get3A_642, %get3A_643, %get3A_644] {strides = array<i32>} : memref<2x8x128xi32, #tpu.memory_space<vmem>>, vector<16xi32>,
        tpu.vector_store_idx %arg14[%get3A_645], %broadcast_in_dim3A_626 {add = true} : memref<10240xf32, #tpu.memory_space<vmem>>[vector<16xi32>], vector<16xf32>,
        %get3A_646 = arith.constant 5 : i32
        %get3A_647 = arith.index_cast %rem3A_332 : i32 to index
        %get3A_648 = arith.index_cast %get3A_646 : i32 to index
        %get3A_649 = arith.constant 64 : index
        %get3A_650 = tpu.vector_load %arg8[%get3A_647, %get3A_648, %get3A_649] {strides = array<i32>} : memref<2x8x128xi32, #tpu.memory_space<vmem>>, vector<16xi32>,
        tpu.vector_store_idx %arg14[%get3A_650], %broadcast_in_dim3A_626 {add = true} : memref<10240xf32, #tpu.memory_space<vmem>>[vector<16xi32>], vector<16xf32>,
        %get3A_651 = arith.constant 5 : i32
        %get3A_652 = arith.index_cast %rem3A_332 : i32 to index
        %get3A_653 = arith.index_cast %get3A_651 : i32 to index
        %get3A_654 = arith.constant 80 : index
        %get3A_655 = tpu.vector_load %arg8[%get3A_652, %get3A_653, %get3A_654] {strides = array<i32>} : memref<2x8x128xi32, #tpu.memory_space<vmem>>, vector<16xi32>,
        tpu.vector_store_idx %arg14[%get3A_655], %broadcast_in_dim3A_626 {add = true} : memref<10240xf32, #tpu.memory_space<vmem>>[vector<16xi32>], vector<16xf32>,
        %get3A_656 = arith.constant 5 : i32
        %get3A_657 = arith.index_cast %rem3A_332 : i32 to index
        %get3A_658 = arith.index_cast %get3A_656 : i32 to index
        %get3A_659 = arith.constant 96 : index
        %get3A_660 = tpu.vector_load %arg8[%get3A_657, %get3A_658, %get3A_659] {strides = array<i32>} : memref<2x8x128xi32, #tpu.memory_space<vmem>>, vector<16xi32>,
        tpu.vector_store_idx %arg14[%get3A_660], %broadcast_in_dim3A_626 {add = true} : memref<10240xf32, #tpu.memory_space<vmem>>[vector<16xi32>], vector<16xf32>,
        %get3A_661 = arith.constant 5 : i32
        %get3A_662 = arith.index_cast %rem3A_332 : i32 to index
        %get3A_663 = arith.index_cast %get3A_661 : i32 to index
        %get3A_664 = arith.constant 112 : index
        %get3A_665 = tpu.vector_load %arg8[%get3A_662, %get3A_663, %get3A_664] {strides = array<i32>} : memref<2x8x128xi32, #tpu.memory_space<vmem>>, vector<16xi32>,
        tpu.vector_store_idx %arg14[%get3A_665], %broadcast_in_dim3A_626 {add = true} : memref<10240xf32, #tpu.memory_space<vmem>>[vector<16xi32>], vector<16xf32>,
      } else {
      }
    }
    %scan3A_258 = arith.constant 19 : i32
    %dma_wait3A_259 = arith.constant 0 : i32
    %dma_wait3A_260 = arith.constant 0 : i32
    %dma_wait3A_261 = tpu.memref_slice %arg2[%dma_wait3A_259, %dma_wait3A_260] : memref<20000x64xf32, #tpu.memory_space<hbm>> -> memref<128x64xf32, #tpu.memory_space<hbm>>
    %dma_wait3A_262 = arith.constant 0 : i32
    %dma_wait3A_263 = arith.constant 0 : i32
    %dma_wait3A_264 = tpu.memref_slice %arg2[%dma_wait3A_262, %dma_wait3A_263] : memref<20000x64xf32, #tpu.memory_space<hbm>> -> memref<128x64xf32, #tpu.memory_space<hbm>>
    tpu.wait_dma2 semaphore(%arg21 : memref<!tpu.dma_semaphore, #tpu.memory_space<semaphore_mem>>) src(%dma_wait3A_264 : memref<128x64xf32, #tpu.memory_space<hbm>>) dst(%arg11 : memref<128x64xf32, #tpu.memory_space<vmem>>)
    %dma_start3A_265 = arith.constant 1 : i32
    %dma_start3A_266 = arith.constant 6 : i32
    %dma_start3A_267 = arith.constant 0 : i32
    %dma_start3A_268 = tpu.memref_slice %arg8[%dma_start3A_265, %dma_start3A_266, %dma_start3A_267] : memref<2x8x128xi32, #tpu.memory_space<vmem>> -> memref<1x1x128xi32, #tpu.memory_space<vmem>>
    %dma_start3A_269 = tpu.memref_squeeze %dma_start3A_268 : memref<1x1x128xi32, #tpu.memory_space<vmem>> -> memref<128xi32, #tpu.memory_space<vmem>>
    %dma_start3A_270 = arith.constant 0 : i32
    %dma_start3A_271 = arith.constant 0 : i32
    %dma_start3A_272 = tpu.memref_slice %arg17[%dma_start3A_270, %dma_start3A_271] : memref<10240x64xf32, #tpu.memory_space<vmem_shared>> -> memref<10240x64xf32, #tpu.memory_space<vmem_shared>>
    tpu.enqueue_indirect_dma source(%arg11 : memref<128x64xf32, #tpu.memory_space<vmem>>) target(%dma_start3A_272 : memref<10240x64xf32, #tpu.memory_space<vmem_shared>>) offsets(%dma_start3A_269 : memref<128xi32, #tpu.memory_space<vmem>>) semaphore(%arg25 : memref<!tpu.dma_semaphore, #tpu.memory_space<semaphore_mem>>) {add = true}
    %eq3A_273 = arith.constant 0 : i32
    %eq3A_274 = arith.cmpi eq, %arg0, %eq3A_273 : i32
    %convert_element_type3A_275 = arith.extui %eq3A_274 : i1 to i32
    %cond3A_276 = arith.constant 0 : i32
    %cond3A_277 = arith.cmpi ne, %convert_element_type3A_275, %cond3A_276 : i32
    scf.if %cond3A_277 {
      %broadcast_in_dim3A = arith.constant 1.000000e+00 : f32
      %broadcast_in_dim3A_331 = vector.broadcast %broadcast_in_dim3A : f32 to vector<16xf32>
      %get3A = arith.constant 1 : i32
      %get3A_332 = arith.constant 6 : i32
      %get3A_333 = arith.index_cast %get3A : i32 to index
      %get3A_334 = arith.index_cast %get3A_332 : i32 to index
      %get3A_335 = arith.constant 0 : index
      %get3A_336 = tpu.vector_load %arg8[%get3A_333, %get3A_334, %get3A_335] {strides = array<i32>} : memref<2x8x128xi32, #tpu.memory_space<vmem>>, vector<16xi32>,
      tpu.vector_store_idx %arg14[%get3A_336], %broadcast_in_dim3A_331 {add = true} : memref<10240xf32, #tpu.memory_space<vmem>>[vector<16xi32>], vector<16xf32>,
      %get3A_337 = arith.constant 1 : i32
      %get3A_338 = arith.constant 6 : i32
      %get3A_339 = arith.index_cast %get3A_337 : i32 to index
      %get3A_340 = arith.index_cast %get3A_338 : i32 to index
      %get3A_341 = arith.constant 16 : index
      %get3A_342 = tpu.vector_load %arg8[%get3A_339, %get3A_340, %get3A_341] {strides = array<i32>} : memref<2x8x128xi32, #tpu.memory_space<vmem>>, vector<16xi32>,
      tpu.vector_store_idx %arg14[%get3A_342], %broadcast_in_dim3A_331 {add = true} : memref<10240xf32, #tpu.memory_space<vmem>>[vector<16xi32>], vector<16xf32>,
      %get3A_343 = arith.constant 1 : i32
      %get3A_344 = arith.constant 6 : i32
      %get3A_345 = arith.index_cast %get3A_343 : i32 to index
      %get3A_346 = arith.index_cast %get3A_344 : i32 to index
      %get3A_347 = arith.constant 32 : index
      %get3A_348 = tpu.vector_load %arg8[%get3A_345, %get3A_346, %get3A_347] {strides = array<i32>} : memref<2x8x128xi32, #tpu.memory_space<vmem>>, vector<16xi32>,
      tpu.vector_store_idx %arg14[%get3A_348], %broadcast_in_dim3A_331 {add = true} : memref<10240xf32, #tpu.memory_space<vmem>>[vector<16xi32>], vector<16xf32>,
      %get3A_349 = arith.constant 1 : i32
      %get3A_350 = arith.constant 6 : i32
      %get3A_351 = arith.index_cast %get3A_349 : i32 to index
      %get3A_352 = arith.index_cast %get3A_350 : i32 to index
      %get3A_353 = arith.constant 48 : index
      %get3A_354 = tpu.vector_load %arg8[%get3A_351, %get3A_352, %get3A_353] {strides = array<i32>} : memref<2x8x128xi32, #tpu.memory_space<vmem>>, vector<16xi32>,
      tpu.vector_store_idx %arg14[%get3A_354], %broadcast_in_dim3A_331 {add = true} : memref<10240xf32, #tpu.memory_space<vmem>>[vector<16xi32>], vector<16xf32>,
      %get3A_355 = arith.constant 1 : i32
      %get3A_356 = arith.constant 6 : i32
      %get3A_357 = arith.index_cast %get3A_355 : i32 to index
      %get3A_358 = arith.index_cast %get3A_356 : i32 to index
      %get3A_359 = arith.constant 64 : index
      %get3A_360 = tpu.vector_load %arg8[%get3A_357, %get3A_358, %get3A_359] {strides = array<i32>} : memref<2x8x128xi32, #tpu.memory_space<vmem>>, vector<16xi32>,
      tpu.vector_store_idx %arg14[%get3A_360], %broadcast_in_dim3A_331 {add = true} : memref<10240xf32, #tpu.memory_space<vmem>>[vector<16xi32>], vector<16xf32>,
      %get3A_361 = arith.constant 1 : i32
      %get3A_362 = arith.constant 6 : i32
      %get3A_363 = arith.index_cast %get3A_361 : i32 to index
      %get3A_364 = arith.index_cast %get3A_362 : i32 to index
      %get3A_365 = arith.constant 80 : index
      %get3A_366 = tpu.vector_load %arg8[%get3A_363, %get3A_364, %get3A_365] {strides = array<i32>} : memref<2x8x128xi32, #tpu.memory_space<vmem>>, vector<16xi32>,
      tpu.vector_store_idx %arg14[%get3A_366], %broadcast_in_dim3A_331 {add = true} : memref<10240xf32, #tpu.memory_space<vmem>>[vector<16xi32>], vector<16xf32>,
      %get3A_367 = arith.constant 1 : i32
      %get3A_368 = arith.constant 6 : i32
      %get3A_369 = arith.index_cast %get3A_367 : i32 to index
      %get3A_370 = arith.index_cast %get3A_368 : i32 to index
      %get3A_371 = arith.constant 96 : index
      %get3A_372 = tpu.vector_load %arg8[%get3A_369, %get3A_370, %get3A_371] {strides = array<i32>} : memref<2x8x128xi32, #tpu.memory_space<vmem>>, vector<16xi32>,
      tpu.vector_store_idx %arg14[%get3A_372], %broadcast_in_dim3A_331 {add = true} : memref<10240xf32, #tpu.memory_space<vmem>>[vector<16xi32>], vector<16xf32>,
      %get3A_373 = arith.constant 1 : i32
      %get3A_374 = arith.constant 6 : i32
      %get3A_375 = arith.index_cast %get3A_373 : i32 to index
      %get3A_376 = arith.index_cast %get3A_374 : i32 to index
      %get3A_377 = arith.constant 112 : index
      %get3A_378 = tpu.vector_load %arg8[%get3A_375, %get3A_376, %get3A_377] {strides = array<i32>} : memref<2x8x128xi32, #tpu.memory_space<vmem>>, vector<16xi32>,
      tpu.vector_store_idx %arg14[%get3A_378], %broadcast_in_dim3A_331 {add = true} : memref<10240xf32, #tpu.memory_space<vmem>>[vector<16xi32>], vector<16xf32>,
    } else {
    }
    %dma_wait3A_278 = arith.constant 0 : i32
    %dma_wait3A_279 = arith.constant 0 : i32
    %dma_wait3A_280 = tpu.memref_slice %arg2[%dma_wait3A_278, %dma_wait3A_279] : memref<20000x64xf32, #tpu.memory_space<hbm>> -> memref<128x64xf32, #tpu.memory_space<hbm>>
    %dma_wait3A_281 = arith.constant 0 : i32
    %dma_wait3A_282 = arith.constant 0 : i32
    %dma_wait3A_283 = tpu.memref_slice %arg2[%dma_wait3A_281, %dma_wait3A_282] : memref<20000x64xf32, #tpu.memory_space<hbm>> -> memref<128x64xf32, #tpu.memory_space<hbm>>
    tpu.wait_dma2 semaphore(%arg22 : memref<!tpu.dma_semaphore, #tpu.memory_space<semaphore_mem>>) src(%dma_wait3A_283 : memref<128x64xf32, #tpu.memory_space<hbm>>) dst(%arg12 : memref<128x64xf32, #tpu.memory_space<vmem>>)
    %dma_start3A_284 = arith.constant 1 : i32
    %dma_start3A_285 = arith.constant 7 : i32
    %dma_start3A_286 = arith.constant 0 : i32
    %dma_start3A_287 = tpu.memref_slice %arg8[%dma_start3A_284, %dma_start3A_285, %dma_start3A_286] : memref<2x8x128xi32, #tpu.memory_space<vmem>> -> memref<1x1x128xi32, #tpu.memory_space<vmem>>
    %dma_start3A_288 = tpu.memref_squeeze %dma_start3A_287 : memref<1x1x128xi32, #tpu.memory_space<vmem>> -> memref<128xi32, #tpu.memory_space<vmem>>
    %dma_start3A_289 = arith.constant 0 : i32
    %dma_start3A_290 = arith.constant 0 : i32
    %dma_start3A_291 = tpu.memref_slice %arg17[%dma_start3A_289, %dma_start3A_290] : memref<10240x64xf32, #tpu.memory_space<vmem_shared>> -> memref<10240x64xf32, #tpu.memory_space<vmem_shared>>
    tpu.enqueue_indirect_dma source(%arg12 : memref<128x64xf32, #tpu.memory_space<vmem>>) target(%dma_start3A_291 : memref<10240x64xf32, #tpu.memory_space<vmem_shared>>) offsets(%dma_start3A_288 : memref<128xi32, #tpu.memory_space<vmem>>) semaphore(%arg26 : memref<!tpu.dma_semaphore, #tpu.memory_space<semaphore_mem>>) {add = true}
    %eq3A_292 = arith.constant 0 : i32
    %eq3A_293 = arith.cmpi eq, %arg0, %eq3A_292 : i32
    %convert_element_type3A_294 = arith.extui %eq3A_293 : i1 to i32
    %cond3A_295 = arith.constant 0 : i32
    %cond3A_296 = arith.cmpi ne, %convert_element_type3A_294, %cond3A_295 : i32
    scf.if %cond3A_296 {
      %broadcast_in_dim3A = arith.constant 1.000000e+00 : f32
      %broadcast_in_dim3A_331 = vector.broadcast %broadcast_in_dim3A : f32 to vector<16xf32>
      %get3A = arith.constant 1 : i32
      %get3A_332 = arith.constant 7 : i32
      %get3A_333 = arith.index_cast %get3A : i32 to index
      %get3A_334 = arith.index_cast %get3A_332 : i32 to index
      %get3A_335 = arith.constant 0 : index
      %get3A_336 = tpu.vector_load %arg8[%get3A_333, %get3A_334, %get3A_335] {strides = array<i32>} : memref<2x8x128xi32, #tpu.memory_space<vmem>>, vector<16xi32>,
      tpu.vector_store_idx %arg14[%get3A_336], %broadcast_in_dim3A_331 {add = true} : memref<10240xf32, #tpu.memory_space<vmem>>[vector<16xi32>], vector<16xf32>,
      %get3A_337 = arith.constant 1 : i32
      %get3A_338 = arith.constant 7 : i32
      %get3A_339 = arith.index_cast %get3A_337 : i32 to index
      %get3A_340 = arith.index_cast %get3A_338 : i32 to index
      %get3A_341 = arith.constant 16 : index
      %get3A_342 = tpu.vector_load %arg8[%get3A_339, %get3A_340, %get3A_341] {strides = array<i32>} : memref<2x8x128xi32, #tpu.memory_space<vmem>>, vector<16xi32>,
      tpu.vector_store_idx %arg14[%get3A_342], %broadcast_in_dim3A_331 {add = true} : memref<10240xf32, #tpu.memory_space<vmem>>[vector<16xi32>], vector<16xf32>,
      %get3A_343 = arith.constant 1 : i32
      %get3A_344 = arith.constant 7 : i32
      %get3A_345 = arith.index_cast %get3A_343 : i32 to index
      %get3A_346 = arith.index_cast %get3A_344 : i32 to index
      %get3A_347 = arith.constant 32 : index
      %get3A_348 = tpu.vector_load %arg8[%get3A_345, %get3A_346, %get3A_347] {strides = array<i32>} : memref<2x8x128xi32, #tpu.memory_space<vmem>>, vector<16xi32>,
      tpu.vector_store_idx %arg14[%get3A_348], %broadcast_in_dim3A_331 {add = true} : memref<10240xf32, #tpu.memory_space<vmem>>[vector<16xi32>], vector<16xf32>,
      %get3A_349 = arith.constant 1 : i32
      %get3A_350 = arith.constant 7 : i32
      %get3A_351 = arith.index_cast %get3A_349 : i32 to index
      %get3A_352 = arith.index_cast %get3A_350 : i32 to index
      %get3A_353 = arith.constant 48 : index
      %get3A_354 = tpu.vector_load %arg8[%get3A_351, %get3A_352, %get3A_353] {strides = array<i32>} : memref<2x8x128xi32, #tpu.memory_space<vmem>>, vector<16xi32>,
      tpu.vector_store_idx %arg14[%get3A_354], %broadcast_in_dim3A_331 {add = true} : memref<10240xf32, #tpu.memory_space<vmem>>[vector<16xi32>], vector<16xf32>,
      %get3A_355 = arith.constant 1 : i32
      %get3A_356 = arith.constant 7 : i32
      %get3A_357 = arith.index_cast %get3A_355 : i32 to index
      %get3A_358 = arith.index_cast %get3A_356 : i32 to index
      %get3A_359 = arith.constant 64 : index
      %get3A_360 = tpu.vector_load %arg8[%get3A_357, %get3A_358, %get3A_359] {strides = array<i32>} : memref<2x8x128xi32, #tpu.memory_space<vmem>>, vector<16xi32>,
      tpu.vector_store_idx %arg14[%get3A_360], %broadcast_in_dim3A_331 {add = true} : memref<10240xf32, #tpu.memory_space<vmem>>[vector<16xi32>], vector<16xf32>,
      %get3A_361 = arith.constant 1 : i32
      %get3A_362 = arith.constant 7 : i32
      %get3A_363 = arith.index_cast %get3A_361 : i32 to index
      %get3A_364 = arith.index_cast %get3A_362 : i32 to index
      %get3A_365 = arith.constant 80 : index
      %get3A_366 = tpu.vector_load %arg8[%get3A_363, %get3A_364, %get3A_365] {strides = array<i32>} : memref<2x8x128xi32, #tpu.memory_space<vmem>>, vector<16xi32>,
      tpu.vector_store_idx %arg14[%get3A_366], %broadcast_in_dim3A_331 {add = true} : memref<10240xf32, #tpu.memory_space<vmem>>[vector<16xi32>], vector<16xf32>,
      %get3A_367 = arith.constant 1 : i32
      %get3A_368 = arith.constant 7 : i32
      %get3A_369 = arith.index_cast %get3A_367 : i32 to index
      %get3A_370 = arith.index_cast %get3A_368 : i32 to index
      %get3A_371 = arith.constant 96 : index
      %get3A_372 = tpu.vector_load %arg8[%get3A_369, %get3A_370, %get3A_371] {strides = array<i32>} : memref<2x8x128xi32, #tpu.memory_space<vmem>>, vector<16xi32>,
      tpu.vector_store_idx %arg14[%get3A_372], %broadcast_in_dim3A_331 {add = true} : memref<10240xf32, #tpu.memory_space<vmem>>[vector<16xi32>], vector<16xf32>,
      %get3A_373 = arith.constant 1 : i32
      %get3A_374 = arith.constant 7 : i32
      %get3A_375 = arith.index_cast %get3A_373 : i32 to index
      %get3A_376 = arith.index_cast %get3A_374 : i32 to index
      %get3A_377 = arith.constant 112 : index
      %get3A_378 = tpu.vector_load %arg8[%get3A_375, %get3A_376, %get3A_377] {strides = array<i32>} : memref<2x8x128xi32, #tpu.memory_space<vmem>>, vector<16xi32>,
      tpu.vector_store_idx %arg14[%get3A_378], %broadcast_in_dim3A_331 {add = true} : memref<10240xf32, #tpu.memory_space<vmem>>[vector<16xi32>], vector<16xf32>,
    } else {
    }
    %dma_wait3A_297 = arith.constant 0 : i32
    %dma_wait3A_298 = arith.constant 0 : i32
    %dma_wait3A_299 = tpu.memref_slice %arg17[%dma_wait3A_297, %dma_wait3A_298] : memref<10240x64xf32, #tpu.memory_space<vmem_shared>> -> memref<128x64xf32, #tpu.memory_space<vmem_shared>>
    %dma_wait3A_300 = arith.constant 0 : i32
    %dma_wait3A_301 = arith.constant 0 : i32
    %dma_wait3A_302 = tpu.memref_slice %arg17[%dma_wait3A_300, %dma_wait3A_301] : memref<10240x64xf32, #tpu.memory_space<vmem_shared>> -> memref<128x64xf32, #tpu.memory_space<vmem_shared>>
    tpu.wait_dma2 semaphore(%arg23 : memref<!tpu.dma_semaphore, #tpu.memory_space<semaphore_mem>>) src(%arg9 : memref<128x64xf32, #tpu.memory_space<vmem>>) dst(%dma_wait3A_302 : memref<128x64xf32, #tpu.memory_space<vmem_shared>>)
    %dma_wait3A_303 = arith.constant 0 : i32
    %dma_wait3A_304 = arith.constant 0 : i32
    %dma_wait3A_305 = tpu.memref_slice %arg17[%dma_wait3A_303, %dma_wait3A_304] : memref<10240x64xf32, #tpu.memory_space<vmem_shared>> -> memref<128x64xf32, #tpu.memory_space<vmem_shared>>
    %dma_wait3A_306 = arith.constant 0 : i32
    %dma_wait3A_307 = arith.constant 0 : i32
    %dma_wait3A_308 = tpu.memref_slice %arg17[%dma_wait3A_306, %dma_wait3A_307] : memref<10240x64xf32, #tpu.memory_space<vmem_shared>> -> memref<128x64xf32, #tpu.memory_space<vmem_shared>>
    tpu.wait_dma2 semaphore(%arg24 : memref<!tpu.dma_semaphore, #tpu.memory_space<semaphore_mem>>) src(%arg10 : memref<128x64xf32, #tpu.memory_space<vmem>>) dst(%dma_wait3A_308 : memref<128x64xf32, #tpu.memory_space<vmem_shared>>)
    %dma_wait3A_309 = arith.constant 0 : i32
    %dma_wait3A_310 = arith.constant 0 : i32
    %dma_wait3A_311 = tpu.memref_slice %arg17[%dma_wait3A_309, %dma_wait3A_310] : memref<10240x64xf32, #tpu.memory_space<vmem_shared>> -> memref<128x64xf32, #tpu.memory_space<vmem_shared>>
    %dma_wait3A_312 = arith.constant 0 : i32
    %dma_wait3A_313 = arith.constant 0 : i32
    %dma_wait3A_314 = tpu.memref_slice %arg17[%dma_wait3A_312, %dma_wait3A_313] : memref<10240x64xf32, #tpu.memory_space<vmem_shared>> -> memref<128x64xf32, #tpu.memory_space<vmem_shared>>
    tpu.wait_dma2 semaphore(%arg25 : memref<!tpu.dma_semaphore, #tpu.memory_space<semaphore_mem>>) src(%arg11 : memref<128x64xf32, #tpu.memory_space<vmem>>) dst(%dma_wait3A_314 : memref<128x64xf32, #tpu.memory_space<vmem_shared>>)
    %dma_wait3A_315 = arith.constant 0 : i32
    %dma_wait3A_316 = arith.constant 0 : i32
    %dma_wait3A_317 = tpu.memref_slice %arg17[%dma_wait3A_315, %dma_wait3A_316] : memref<10240x64xf32, #tpu.memory_space<vmem_shared>> -> memref<128x64xf32, #tpu.memory_space<vmem_shared>>
    %dma_wait3A_318 = arith.constant 0 : i32
    %dma_wait3A_319 = arith.constant 0 : i32
    %dma_wait3A_320 = tpu.memref_slice %arg17[%dma_wait3A_318, %dma_wait3A_319] : memref<10240x64xf32, #tpu.memory_space<vmem_shared>> -> memref<128x64xf32, #tpu.memory_space<vmem_shared>>
    tpu.wait_dma2 semaphore(%arg26 : memref<!tpu.dma_semaphore, #tpu.memory_space<semaphore_mem>>) src(%arg12 : memref<128x64xf32, #tpu.memory_space<vmem>>) dst(%dma_wait3A_320 : memref<128x64xf32, #tpu.memory_space<vmem_shared>>)
    %barrier3A_321 = arith.constant 0 : index
    tpu.barrier barrier_id(%barrier3A_321)
    %mul3A_322 = arith.constant 640 : i32
    %mul3A_323 = arith.muli %arg1, %mul3A_322 : i32
    %mul3A_324 = arith.constant 64 : i32
    %mul3A_325 = arith.muli %arg0, %mul3A_324 : i32
    "tpu.region"() ({
      %run_scoped3A_331 = tpu.sem_alloc : memref<!tpu.dma_semaphore, #tpu.memory_space<semaphore_mem>>
      %dma_start3A_332 = tpu.memref_slice %arg5[%mul3A_323, %mul3A_325] : memref<10240x128xf32, #tpu.memory_space<hbm>> -> memref<640x64xf32, #tpu.memory_space<hbm>>
      %dma_start3A_333 = arith.constant 0 : i32
      %dma_start3A_334 = tpu.memref_slice %arg17[%mul3A_323, %dma_start3A_333] : memref<10240x64xf32, #tpu.memory_space<vmem_shared>> -> memref<640x64xf32, #tpu.memory_space<vmem_shared>>
      tpu.enqueue_dma source(%dma_start3A_334 : memref<640x64xf32, #tpu.memory_space<vmem_shared>>) target(%dma_start3A_332 : memref<640x64xf32, #tpu.memory_space<hbm>>) target_semaphore(%run_scoped3A_331 : memref<!tpu.dma_semaphore, #tpu.memory_space<semaphore_mem>>)
      %dma_wait3A_335 = tpu.memref_slice %arg5[%mul3A_323, %mul3A_325] : memref<10240x128xf32, #tpu.memory_space<hbm>> -> memref<640x64xf32, #tpu.memory_space<hbm>>
      %dma_wait3A_336 = arith.constant 0 : i32
      %dma_wait3A_337 = tpu.memref_slice %arg17[%mul3A_323, %dma_wait3A_336] : memref<10240x64xf32, #tpu.memory_space<vmem_shared>> -> memref<640x64xf32, #tpu.memory_space<vmem_shared>>
      tpu.wait_dma2 semaphore(%run_scoped3A_331 : memref<!tpu.dma_semaphore, #tpu.memory_space<semaphore_mem>>) src(%dma_wait3A_337 : memref<640x64xf32, #tpu.memory_space<vmem_shared>>) dst(%dma_wait3A_335 : memref<640x64xf32, #tpu.memory_space<hbm>>)
      tpu.yield
    }) : () -> ()
    %eq3A_326 = arith.constant 0 : i32
    %eq3A_327 = arith.cmpi eq, %arg0, %eq3A_326 : i32
    %convert_element_type3A_328 = arith.extui %eq3A_327 : i1 to i32
    %cond3A_329 = arith.constant 0 : i32
    %cond3A_330 = arith.cmpi ne, %convert_element_type3A_328, %cond3A_329 : i32
    scf.if %cond3A_330 {
      "tpu.region"() ({
        %run_scoped3A_370 = tpu.sem_alloc : memref<!tpu.dma_semaphore, #tpu.memory_space<semaphore_mem>>
        %dma_start3A_371 = arith.constant 0 : i32
        %dma_start3A_372 = tpu.memref_slice %arg18[%arg1, %dma_start3A_371] : memref<16x10240xf32, #tpu.memory_space<vmem_shared>> -> memref<1x10240xf32, #tpu.memory_space<vmem_shared>>
        %dma_start3A_373 = tpu.memref_squeeze %dma_start3A_372 : memref<1x10240xf32, #tpu.memory_space<vmem_shared>> -> memref<10240xf32, #tpu.memory_space<vmem_shared>>
        %dma_start3A_374 = arith.constant 0 : i32
        %dma_start3A_375 = tpu.memref_slice %arg18[%arg1, %dma_start3A_374] : memref<16x10240xf32, #tpu.memory_space<vmem_shared>> -> memref<1x10240xf32, #tpu.memory_space<vmem_shared>>
        %dma_start3A_376 = tpu.memref_squeeze %dma_start3A_375 : memref<1x10240xf32, #tpu.memory_space<vmem_shared>> -> memref<10240xf32, #tpu.memory_space<vmem_shared>>
        tpu.enqueue_dma source(%arg14 : memref<10240xf32, #tpu.memory_space<vmem>>) target(%dma_start3A_376 : memref<10240xf32, #tpu.memory_space<vmem_shared>>) target_semaphore(%run_scoped3A_370 : memref<!tpu.dma_semaphore, #tpu.memory_space<semaphore_mem>>)
        %dma_wait3A_377 = arith.constant 0 : i32
        %dma_wait3A_378 = tpu.memref_slice %arg18[%arg1, %dma_wait3A_377] : memref<16x10240xf32, #tpu.memory_space<vmem_shared>> -> memref<1x10240xf32, #tpu.memory_space<vmem_shared>>
        %dma_wait3A_379 = tpu.memref_squeeze %dma_wait3A_378 : memref<1x10240xf32, #tpu.memory_space<vmem_shared>> -> memref<10240xf32, #tpu.memory_space<vmem_shared>>
        %dma_wait3A_380 = arith.constant 0 : i32
        %dma_wait3A_381 = tpu.memref_slice %arg18[%arg1, %dma_wait3A_380] : memref<16x10240xf32, #tpu.memory_space<vmem_shared>> -> memref<1x10240xf32, #tpu.memory_space<vmem_shared>>
        %dma_wait3A_382 = tpu.memref_squeeze %dma_wait3A_381 : memref<1x10240xf32, #tpu.memory_space<vmem_shared>> -> memref<10240xf32, #tpu.memory_space<vmem_shared>>
        tpu.wait_dma2 semaphore(%run_scoped3A_370 : memref<!tpu.dma_semaphore, #tpu.memory_space<semaphore_mem>>) src(%arg14 : memref<10240xf32, #tpu.memory_space<vmem>>) dst(%dma_wait3A_382 : memref<10240xf32, #tpu.memory_space<vmem_shared>>)
        tpu.yield
      }) : () -> ()
      %barrier3A_331 = arith.constant 0 : index
      tpu.barrier barrier_id(%barrier3A_331)
      %run_scoped3A_332 = arith.constant 0 : i32
      %run_scoped3A_333 = arith.constant 0 : i32
      "tpu.region"() ({
        %run_scoped3A_370 = tpu.sem_alloc : memref<!tpu.dma_semaphore, #tpu.memory_space<semaphore_mem>>
        %dma_start3A_371 = arith.constant 0 : i32
        %dma_start3A_372 = tpu.memref_slice %arg15[%run_scoped3A_333, %dma_start3A_371] : memref<16x640xf32, #tpu.memory_space<vmem>> -> memref<1x640xf32, #tpu.memory_space<vmem>>
        %dma_start3A_373 = tpu.memref_squeeze %dma_start3A_372 : memref<1x640xf32, #tpu.memory_space<vmem>> -> memref<640xf32, #tpu.memory_space<vmem>>
        %dma_start3A_374 = tpu.memref_slice %arg18[%run_scoped3A_332, %mul3A_323] : memref<16x10240xf32, #tpu.memory_space<vmem_shared>> -> memref<1x640xf32, #tpu.memory_space<vmem_shared>>
        %dma_start3A_375 = tpu.memref_squeeze %dma_start3A_374 : memref<1x640xf32, #tpu.memory_space<vmem_shared>> -> memref<640xf32, #tpu.memory_space<vmem_shared>>
        %dma_start3A_376 = arith.constant 0 : i32
        %dma_start3A_377 = tpu.memref_slice %arg15[%run_scoped3A_333, %dma_start3A_376] : memref<16x640xf32, #tpu.memory_space<vmem>> -> memref<1x640xf32, #tpu.memory_space<vmem>>
        %dma_start3A_378 = tpu.memref_squeeze %dma_start3A_377 : memref<1x640xf32, #tpu.memory_space<vmem>> -> memref<640xf32, #tpu.memory_space<vmem>>
        %dma_start3A_379 = tpu.memref_slice %arg18[%run_scoped3A_332, %mul3A_323] : memref<16x10240xf32, #tpu.memory_space<vmem_shared>> -> memref<1x640xf32, #tpu.memory_space<vmem_shared>>
        %dma_start3A_380 = tpu.memref_squeeze %dma_start3A_379 : memref<1x640xf32, #tpu.memory_space<vmem_shared>> -> memref<640xf32, #tpu.memory_space<vmem_shared>>
        tpu.enqueue_dma source(%dma_start3A_380 : memref<640xf32, #tpu.memory_space<vmem_shared>>) target(%dma_start3A_378 : memref<640xf32, #tpu.memory_space<vmem>>) target_semaphore(%run_scoped3A_370 : memref<!tpu.dma_semaphore, #tpu.memory_space<semaphore_mem>>)
        %dma_wait3A_381 = arith.constant 0 : i32
        %dma_wait3A_382 = tpu.memref_slice %arg15[%run_scoped3A_333, %dma_wait3A_381] : memref<16x640xf32, #tpu.memory_space<vmem>> -> memref<1x640xf32, #tpu.memory_space<vmem>>
        %dma_wait3A_383 = tpu.memref_squeeze %dma_wait3A_382 : memref<1x640xf32, #tpu.memory_space<vmem>> -> memref<640xf32, #tpu.memory_space<vmem>>
        %dma_wait3A_384 = tpu.memref_slice %arg18[%run_scoped3A_332, %mul3A_323] : memref<16x10240xf32, #tpu.memory_space<vmem_shared>> -> memref<1x640xf32, #tpu.memory_space<vmem_shared>>
        %dma_wait3A_385 = tpu.memref_squeeze %dma_wait3A_384 : memref<1x640xf32, #tpu.memory_space<vmem_shared>> -> memref<640xf32, #tpu.memory_space<vmem_shared>>
        %dma_wait3A_386 = arith.constant 0 : i32
        %dma_wait3A_387 = tpu.memref_slice %arg15[%run_scoped3A_333, %dma_wait3A_386] : memref<16x640xf32, #tpu.memory_space<vmem>> -> memref<1x640xf32, #tpu.memory_space<vmem>>
        %dma_wait3A_388 = tpu.memref_squeeze %dma_wait3A_387 : memref<1x640xf32, #tpu.memory_space<vmem>> -> memref<640xf32, #tpu.memory_space<vmem>>
        %dma_wait3A_389 = tpu.memref_slice %arg18[%run_scoped3A_332, %mul3A_323] : memref<16x10240xf32, #tpu.memory_space<vmem_shared>> -> memref<1x640xf32, #tpu.memory_space<vmem_shared>>
        %dma_wait3A_390 = tpu.memref_squeeze %dma_wait3A_389 : memref<1x640xf32, #tpu.memory_space<vmem_shared>> -> memref<640xf32, #tpu.memory_space<vmem_shared>>
        tpu.wait_dma2 semaphore(%run_scoped3A_370 : memref<!tpu.dma_semaphore, #tpu.memory_space<semaphore_mem>>) src(%dma_wait3A_390 : memref<640xf32, #tpu.memory_space<vmem_shared>>) dst(%dma_wait3A_388 : memref<640xf32, #tpu.memory_space<vmem>>)
        tpu.yield
      }) : () -> ()
      %run_scoped3A_334 = arith.constant 1 : i32
      %run_scoped3A_335 = arith.constant 1 : i32
      "tpu.region"() ({
        %run_scoped3A_370 = tpu.sem_alloc : memref<!tpu.dma_semaphore, #tpu.memory_space<semaphore_mem>>
        %dma_start3A_371 = arith.constant 0 : i32
        %dma_start3A_372 = tpu.memref_slice %arg15[%run_scoped3A_335, %dma_start3A_371] : memref<16x640xf32, #tpu.memory_space<vmem>> -> memref<1x640xf32, #tpu.memory_space<vmem>>
        %dma_start3A_373 = tpu.memref_squeeze %dma_start3A_372 : memref<1x640xf32, #tpu.memory_space<vmem>> -> memref<640xf32, #tpu.memory_space<vmem>>
        %dma_start3A_374 = tpu.memref_slice %arg18[%run_scoped3A_334, %mul3A_323] : memref<16x10240xf32, #tpu.memory_space<vmem_shared>> -> memref<1x640xf32, #tpu.memory_space<vmem_shared>>
        %dma_start3A_375 = tpu.memref_squeeze %dma_start3A_374 : memref<1x640xf32, #tpu.memory_space<vmem_shared>> -> memref<640xf32, #tpu.memory_space<vmem_shared>>
        %dma_start3A_376 = arith.constant 0 : i32
        %dma_start3A_377 = tpu.memref_slice %arg15[%run_scoped3A_335, %dma_start3A_376] : memref<16x640xf32, #tpu.memory_space<vmem>> -> memref<1x640xf32, #tpu.memory_space<vmem>>
        %dma_start3A_378 = tpu.memref_squeeze %dma_start3A_377 : memref<1x640xf32, #tpu.memory_space<vmem>> -> memref<640xf32, #tpu.memory_space<vmem>>
        %dma_start3A_379 = tpu.memref_slice %arg18[%run_scoped3A_334, %mul3A_323] : memref<16x10240xf32, #tpu.memory_space<vmem_shared>> -> memref<1x640xf32, #tpu.memory_space<vmem_shared>>
        %dma_start3A_380 = tpu.memref_squeeze %dma_start3A_379 : memref<1x640xf32, #tpu.memory_space<vmem_shared>> -> memref<640xf32, #tpu.memory_space<vmem_shared>>
        tpu.enqueue_dma source(%dma_start3A_380 : memref<640xf32, #tpu.memory_space<vmem_shared>>) target(%dma_start3A_378 : memref<640xf32, #tpu.memory_space<vmem>>) target_semaphore(%run_scoped3A_370 : memref<!tpu.dma_semaphore, #tpu.memory_space<semaphore_mem>>)
        %dma_wait3A_381 = arith.constant 0 : i32
        %dma_wait3A_382 = tpu.memref_slice %arg15[%run_scoped3A_335, %dma_wait3A_381] : memref<16x640xf32, #tpu.memory_space<vmem>> -> memref<1x640xf32, #tpu.memory_space<vmem>>
        %dma_wait3A_383 = tpu.memref_squeeze %dma_wait3A_382 : memref<1x640xf32, #tpu.memory_space<vmem>> -> memref<640xf32, #tpu.memory_space<vmem>>
        %dma_wait3A_384 = tpu.memref_slice %arg18[%run_scoped3A_334, %mul3A_323] : memref<16x10240xf32, #tpu.memory_space<vmem_shared>> -> memref<1x640xf32, #tpu.memory_space<vmem_shared>>
        %dma_wait3A_385 = tpu.memref_squeeze %dma_wait3A_384 : memref<1x640xf32, #tpu.memory_space<vmem_shared>> -> memref<640xf32, #tpu.memory_space<vmem_shared>>
        %dma_wait3A_386 = arith.constant 0 : i32
        %dma_wait3A_387 = tpu.memref_slice %arg15[%run_scoped3A_335, %dma_wait3A_386] : memref<16x640xf32, #tpu.memory_space<vmem>> -> memref<1x640xf32, #tpu.memory_space<vmem>>
        %dma_wait3A_388 = tpu.memref_squeeze %dma_wait3A_387 : memref<1x640xf32, #tpu.memory_space<vmem>> -> memref<640xf32, #tpu.memory_space<vmem>>
        %dma_wait3A_389 = tpu.memref_slice %arg18[%run_scoped3A_334, %mul3A_323] : memref<16x10240xf32, #tpu.memory_space<vmem_shared>> -> memref<1x640xf32, #tpu.memory_space<vmem_shared>>
        %dma_wait3A_390 = tpu.memref_squeeze %dma_wait3A_389 : memref<1x640xf32, #tpu.memory_space<vmem_shared>> -> memref<640xf32, #tpu.memory_space<vmem_shared>>
        tpu.wait_dma2 semaphore(%run_scoped3A_370 : memref<!tpu.dma_semaphore, #tpu.memory_space<semaphore_mem>>) src(%dma_wait3A_390 : memref<640xf32, #tpu.memory_space<vmem_shared>>) dst(%dma_wait3A_388 : memref<640xf32, #tpu.memory_space<vmem>>)
        tpu.yield
      }) : () -> ()
      %run_scoped3A_336 = arith.constant 2 : i32
      %run_scoped3A_337 = arith.constant 2 : i32
      "tpu.region"() ({
        %run_scoped3A_370 = tpu.sem_alloc : memref<!tpu.dma_semaphore, #tpu.memory_space<semaphore_mem>>
        %dma_start3A_371 = arith.constant 0 : i32
        %dma_start3A_372 = tpu.memref_slice %arg15[%run_scoped3A_337, %dma_start3A_371] : memref<16x640xf32, #tpu.memory_space<vmem>> -> memref<1x640xf32, #tpu.memory_space<vmem>>
        %dma_start3A_373 = tpu.memref_squeeze %dma_start3A_372 : memref<1x640xf32, #tpu.memory_space<vmem>> -> memref<640xf32, #tpu.memory_space<vmem>>
        %dma_start3A_374 = tpu.memref_slice %arg18[%run_scoped3A_336, %mul3A_323] : memref<16x10240xf32, #tpu.memory_space<vmem_shared>> -> memref<1x640xf32, #tpu.memory_space<vmem_shared>>
        %dma_start3A_375 = tpu.memref_squeeze %dma_start3A_374 : memref<1x640xf32, #tpu.memory_space<vmem_shared>> -> memref<640xf32, #tpu.memory_space<vmem_shared>>
        %dma_start3A_376 = arith.constant 0 : i32
        %dma_start3A_377 = tpu.memref_slice %arg15[%run_scoped3A_337, %dma_start3A_376] : memref<16x640xf32, #tpu.memory_space<vmem>> -> memref<1x640xf32, #tpu.memory_space<vmem>>
        %dma_start3A_378 = tpu.memref_squeeze %dma_start3A_377 : memref<1x640xf32, #tpu.memory_space<vmem>> -> memref<640xf32, #tpu.memory_space<vmem>>
        %dma_start3A_379 = tpu.memref_slice %arg18[%run_scoped3A_336, %mul3A_323] : memref<16x10240xf32, #tpu.memory_space<vmem_shared>> -> memref<1x640xf32, #tpu.memory_space<vmem_shared>>
        %dma_start3A_380 = tpu.memref_squeeze %dma_start3A_379 : memref<1x640xf32, #tpu.memory_space<vmem_shared>> -> memref<640xf32, #tpu.memory_space<vmem_shared>>
        tpu.enqueue_dma source(%dma_start3A_380 : memref<640xf32, #tpu.memory_space<vmem_shared>>) target(%dma_start3A_378 : memref<640xf32, #tpu.memory_space<vmem>>) target_semaphore(%run_scoped3A_370 : memref<!tpu.dma_semaphore, #tpu.memory_space<semaphore_mem>>)
        %dma_wait3A_381 = arith.constant 0 : i32
        %dma_wait3A_382 = tpu.memref_slice %arg15[%run_scoped3A_337, %dma_wait3A_381] : memref<16x640xf32, #tpu.memory_space<vmem>> -> memref<1x640xf32, #tpu.memory_space<vmem>>
        %dma_wait3A_383 = tpu.memref_squeeze %dma_wait3A_382 : memref<1x640xf32, #tpu.memory_space<vmem>> -> memref<640xf32, #tpu.memory_space<vmem>>
        %dma_wait3A_384 = tpu.memref_slice %arg18[%run_scoped3A_336, %mul3A_323] : memref<16x10240xf32, #tpu.memory_space<vmem_shared>> -> memref<1x640xf32, #tpu.memory_space<vmem_shared>>
        %dma_wait3A_385 = tpu.memref_squeeze %dma_wait3A_384 : memref<1x640xf32, #tpu.memory_space<vmem_shared>> -> memref<640xf32, #tpu.memory_space<vmem_shared>>
        %dma_wait3A_386 = arith.constant 0 : i32
        %dma_wait3A_387 = tpu.memref_slice %arg15[%run_scoped3A_337, %dma_wait3A_386] : memref<16x640xf32, #tpu.memory_space<vmem>> -> memref<1x640xf32, #tpu.memory_space<vmem>>
        %dma_wait3A_388 = tpu.memref_squeeze %dma_wait3A_387 : memref<1x640xf32, #tpu.memory_space<vmem>> -> memref<640xf32, #tpu.memory_space<vmem>>
        %dma_wait3A_389 = tpu.memref_slice %arg18[%run_scoped3A_336, %mul3A_323] : memref<16x10240xf32, #tpu.memory_space<vmem_shared>> -> memref<1x640xf32, #tpu.memory_space<vmem_shared>>
        %dma_wait3A_390 = tpu.memref_squeeze %dma_wait3A_389 : memref<1x640xf32, #tpu.memory_space<vmem_shared>> -> memref<640xf32, #tpu.memory_space<vmem_shared>>
        tpu.wait_dma2 semaphore(%run_scoped3A_370 : memref<!tpu.dma_semaphore, #tpu.memory_space<semaphore_mem>>) src(%dma_wait3A_390 : memref<640xf32, #tpu.memory_space<vmem_shared>>) dst(%dma_wait3A_388 : memref<640xf32, #tpu.memory_space<vmem>>)
        tpu.yield
      }) : () -> ()
      %run_scoped3A_338 = arith.constant 3 : i32
      %run_scoped3A_339 = arith.constant 3 : i32
      "tpu.region"() ({
        %run_scoped3A_370 = tpu.sem_alloc : memref<!tpu.dma_semaphore, #tpu.memory_space<semaphore_mem>>
        %dma_start3A_371 = arith.constant 0 : i32
        %dma_start3A_372 = tpu.memref_slice %arg15[%run_scoped3A_339, %dma_start3A_371] : memref<16x640xf32, #tpu.memory_space<vmem>> -> memref<1x640xf32, #tpu.memory_space<vmem>>
        %dma_start3A_373 = tpu.memref_squeeze %dma_start3A_372 : memref<1x640xf32, #tpu.memory_space<vmem>> -> memref<640xf32, #tpu.memory_space<vmem>>
        %dma_start3A_374 = tpu.memref_slice %arg18[%run_scoped3A_338, %mul3A_323] : memref<16x10240xf32, #tpu.memory_space<vmem_shared>> -> memref<1x640xf32, #tpu.memory_space<vmem_shared>>
        %dma_start3A_375 = tpu.memref_squeeze %dma_start3A_374 : memref<1x640xf32, #tpu.memory_space<vmem_shared>> -> memref<640xf32, #tpu.memory_space<vmem_shared>>
        %dma_start3A_376 = arith.constant 0 : i32
        %dma_start3A_377 = tpu.memref_slice %arg15[%run_scoped3A_339, %dma_start3A_376] : memref<16x640xf32, #tpu.memory_space<vmem>> -> memref<1x640xf32, #tpu.memory_space<vmem>>
        %dma_start3A_378 = tpu.memref_squeeze %dma_start3A_377 : memref<1x640xf32, #tpu.memory_space<vmem>> -> memref<640xf32, #tpu.memory_space<vmem>>
        %dma_start3A_379 = tpu.memref_slice %arg18[%run_scoped3A_338, %mul3A_323] : memref<16x10240xf32, #tpu.memory_space<vmem_shared>> -> memref<1x640xf32, #tpu.memory_space<vmem_shared>>
        %dma_start3A_380 = tpu.memref_squeeze %dma_start3A_379 : memref<1x640xf32, #tpu.memory_space<vmem_shared>> -> memref<640xf32, #tpu.memory_space<vmem_shared>>
        tpu.enqueue_dma source(%dma_start3A_380 : memref<640xf32, #tpu.memory_space<vmem_shared>>) target(%dma_start3A_378 : memref<640xf32, #tpu.memory_space<vmem>>) target_semaphore(%run_scoped3A_370 : memref<!tpu.dma_semaphore, #tpu.memory_space<semaphore_mem>>)
        %dma_wait3A_381 = arith.constant 0 : i32
        %dma_wait3A_382 = tpu.memref_slice %arg15[%run_scoped3A_339, %dma_wait3A_381] : memref<16x640xf32, #tpu.memory_space<vmem>> -> memref<1x640xf32, #tpu.memory_space<vmem>>
        %dma_wait3A_383 = tpu.memref_squeeze %dma_wait3A_382 : memref<1x640xf32, #tpu.memory_space<vmem>> -> memref<640xf32, #tpu.memory_space<vmem>>
        %dma_wait3A_384 = tpu.memref_slice %arg18[%run_scoped3A_338, %mul3A_323] : memref<16x10240xf32, #tpu.memory_space<vmem_shared>> -> memref<1x640xf32, #tpu.memory_space<vmem_shared>>
        %dma_wait3A_385 = tpu.memref_squeeze %dma_wait3A_384 : memref<1x640xf32, #tpu.memory_space<vmem_shared>> -> memref<640xf32, #tpu.memory_space<vmem_shared>>
        %dma_wait3A_386 = arith.constant 0 : i32
        %dma_wait3A_387 = tpu.memref_slice %arg15[%run_scoped3A_339, %dma_wait3A_386] : memref<16x640xf32, #tpu.memory_space<vmem>> -> memref<1x640xf32, #tpu.memory_space<vmem>>
        %dma_wait3A_388 = tpu.memref_squeeze %dma_wait3A_387 : memref<1x640xf32, #tpu.memory_space<vmem>> -> memref<640xf32, #tpu.memory_space<vmem>>
        %dma_wait3A_389 = tpu.memref_slice %arg18[%run_scoped3A_338, %mul3A_323] : memref<16x10240xf32, #tpu.memory_space<vmem_shared>> -> memref<1x640xf32, #tpu.memory_space<vmem_shared>>
        %dma_wait3A_390 = tpu.memref_squeeze %dma_wait3A_389 : memref<1x640xf32, #tpu.memory_space<vmem_shared>> -> memref<640xf32, #tpu.memory_space<vmem_shared>>
        tpu.wait_dma2 semaphore(%run_scoped3A_370 : memref<!tpu.dma_semaphore, #tpu.memory_space<semaphore_mem>>) src(%dma_wait3A_390 : memref<640xf32, #tpu.memory_space<vmem_shared>>) dst(%dma_wait3A_388 : memref<640xf32, #tpu.memory_space<vmem>>)
        tpu.yield
      }) : () -> ()
      %run_scoped3A_340 = arith.constant 4 : i32
      %run_scoped3A_341 = arith.constant 4 : i32
      "tpu.region"() ({
        %run_scoped3A_370 = tpu.sem_alloc : memref<!tpu.dma_semaphore, #tpu.memory_space<semaphore_mem>>
        %dma_start3A_371 = arith.constant 0 : i32
        %dma_start3A_372 = tpu.memref_slice %arg15[%run_scoped3A_341, %dma_start3A_371] : memref<16x640xf32, #tpu.memory_space<vmem>> -> memref<1x640xf32, #tpu.memory_space<vmem>>
        %dma_start3A_373 = tpu.memref_squeeze %dma_start3A_372 : memref<1x640xf32, #tpu.memory_space<vmem>> -> memref<640xf32, #tpu.memory_space<vmem>>
        %dma_start3A_374 = tpu.memref_slice %arg18[%run_scoped3A_340, %mul3A_323] : memref<16x10240xf32, #tpu.memory_space<vmem_shared>> -> memref<1x640xf32, #tpu.memory_space<vmem_shared>>
        %dma_start3A_375 = tpu.memref_squeeze %dma_start3A_374 : memref<1x640xf32, #tpu.memory_space<vmem_shared>> -> memref<640xf32, #tpu.memory_space<vmem_shared>>
        %dma_start3A_376 = arith.constant 0 : i32
        %dma_start3A_377 = tpu.memref_slice %arg15[%run_scoped3A_341, %dma_start3A_376] : memref<16x640xf32, #tpu.memory_space<vmem>> -> memref<1x640xf32, #tpu.memory_space<vmem>>
        %dma_start3A_378 = tpu.memref_squeeze %dma_start3A_377 : memref<1x640xf32, #tpu.memory_space<vmem>> -> memref<640xf32, #tpu.memory_space<vmem>>
        %dma_start3A_379 = tpu.memref_slice %arg18[%run_scoped3A_340, %mul3A_323] : memref<16x10240xf32, #tpu.memory_space<vmem_shared>> -> memref<1x640xf32, #tpu.memory_space<vmem_shared>>
        %dma_start3A_380 = tpu.memref_squeeze %dma_start3A_379 : memref<1x640xf32, #tpu.memory_space<vmem_shared>> -> memref<640xf32, #tpu.memory_space<vmem_shared>>
        tpu.enqueue_dma source(%dma_start3A_380 : memref<640xf32, #tpu.memory_space<vmem_shared>>) target(%dma_start3A_378 : memref<640xf32, #tpu.memory_space<vmem>>) target_semaphore(%run_scoped3A_370 : memref<!tpu.dma_semaphore, #tpu.memory_space<semaphore_mem>>)
        %dma_wait3A_381 = arith.constant 0 : i32
        %dma_wait3A_382 = tpu.memref_slice %arg15[%run_scoped3A_341, %dma_wait3A_381] : memref<16x640xf32, #tpu.memory_space<vmem>> -> memref<1x640xf32, #tpu.memory_space<vmem>>
        %dma_wait3A_383 = tpu.memref_squeeze %dma_wait3A_382 : memref<1x640xf32, #tpu.memory_space<vmem>> -> memref<640xf32, #tpu.memory_space<vmem>>
        %dma_wait3A_384 = tpu.memref_slice %arg18[%run_scoped3A_340, %mul3A_323] : memref<16x10240xf32, #tpu.memory_space<vmem_shared>> -> memref<1x640xf32, #tpu.memory_space<vmem_shared>>
        %dma_wait3A_385 = tpu.memref_squeeze %dma_wait3A_384 : memref<1x640xf32, #tpu.memory_space<vmem_shared>> -> memref<640xf32, #tpu.memory_space<vmem_shared>>
        %dma_wait3A_386 = arith.constant 0 : i32
        %dma_wait3A_387 = tpu.memref_slice %arg15[%run_scoped3A_341, %dma_wait3A_386] : memref<16x640xf32, #tpu.memory_space<vmem>> -> memref<1x640xf32, #tpu.memory_space<vmem>>
        %dma_wait3A_388 = tpu.memref_squeeze %dma_wait3A_387 : memref<1x640xf32, #tpu.memory_space<vmem>> -> memref<640xf32, #tpu.memory_space<vmem>>
        %dma_wait3A_389 = tpu.memref_slice %arg18[%run_scoped3A_340, %mul3A_323] : memref<16x10240xf32, #tpu.memory_space<vmem_shared>> -> memref<1x640xf32, #tpu.memory_space<vmem_shared>>
        %dma_wait3A_390 = tpu.memref_squeeze %dma_wait3A_389 : memref<1x640xf32, #tpu.memory_space<vmem_shared>> -> memref<640xf32, #tpu.memory_space<vmem_shared>>
        tpu.wait_dma2 semaphore(%run_scoped3A_370 : memref<!tpu.dma_semaphore, #tpu.memory_space<semaphore_mem>>) src(%dma_wait3A_390 : memref<640xf32, #tpu.memory_space<vmem_shared>>) dst(%dma_wait3A_388 : memref<640xf32, #tpu.memory_space<vmem>>)
        tpu.yield
      }) : () -> ()
      %run_scoped3A_342 = arith.constant 5 : i32
      %run_scoped3A_343 = arith.constant 5 : i32
      "tpu.region"() ({
        %run_scoped3A_370 = tpu.sem_alloc : memref<!tpu.dma_semaphore, #tpu.memory_space<semaphore_mem>>
        %dma_start3A_371 = arith.constant 0 : i32
        %dma_start3A_372 = tpu.memref_slice %arg15[%run_scoped3A_343, %dma_start3A_371] : memref<16x640xf32, #tpu.memory_space<vmem>> -> memref<1x640xf32, #tpu.memory_space<vmem>>
        %dma_start3A_373 = tpu.memref_squeeze %dma_start3A_372 : memref<1x640xf32, #tpu.memory_space<vmem>> -> memref<640xf32, #tpu.memory_space<vmem>>
        %dma_start3A_374 = tpu.memref_slice %arg18[%run_scoped3A_342, %mul3A_323] : memref<16x10240xf32, #tpu.memory_space<vmem_shared>> -> memref<1x640xf32, #tpu.memory_space<vmem_shared>>
        %dma_start3A_375 = tpu.memref_squeeze %dma_start3A_374 : memref<1x640xf32, #tpu.memory_space<vmem_shared>> -> memref<640xf32, #tpu.memory_space<vmem_shared>>
        %dma_start3A_376 = arith.constant 0 : i32
        %dma_start3A_377 = tpu.memref_slice %arg15[%run_scoped3A_343, %dma_start3A_376] : memref<16x640xf32, #tpu.memory_space<vmem>> -> memref<1x640xf32, #tpu.memory_space<vmem>>
        %dma_start3A_378 = tpu.memref_squeeze %dma_start3A_377 : memref<1x640xf32, #tpu.memory_space<vmem>> -> memref<640xf32, #tpu.memory_space<vmem>>
        %dma_start3A_379 = tpu.memref_slice %arg18[%run_scoped3A_342, %mul3A_323] : memref<16x10240xf32, #tpu.memory_space<vmem_shared>> -> memref<1x640xf32, #tpu.memory_space<vmem_shared>>
        %dma_start3A_380 = tpu.memref_squeeze %dma_start3A_379 : memref<1x640xf32, #tpu.memory_space<vmem_shared>> -> memref<640xf32, #tpu.memory_space<vmem_shared>>
        tpu.enqueue_dma source(%dma_start3A_380 : memref<640xf32, #tpu.memory_space<vmem_shared>>) target(%dma_start3A_378 : memref<640xf32, #tpu.memory_space<vmem>>) target_semaphore(%run_scoped3A_370 : memref<!tpu.dma_semaphore, #tpu.memory_space<semaphore_mem>>)
        %dma_wait3A_381 = arith.constant 0 : i32
        %dma_wait3A_382 = tpu.memref_slice %arg15[%run_scoped3A_343, %dma_wait3A_381] : memref<16x640xf32, #tpu.memory_space<vmem>> -> memref<1x640xf32, #tpu.memory_space<vmem>>
        %dma_wait3A_383 = tpu.memref_squeeze %dma_wait3A_382 : memref<1x640xf32, #tpu.memory_space<vmem>> -> memref<640xf32, #tpu.memory_space<vmem>>
        %dma_wait3A_384 = tpu.memref_slice %arg18[%run_scoped3A_342, %mul3A_323] : memref<16x10240xf32, #tpu.memory_space<vmem_shared>> -> memref<1x640xf32, #tpu.memory_space<vmem_shared>>
        %dma_wait3A_385 = tpu.memref_squeeze %dma_wait3A_384 : memref<1x640xf32, #tpu.memory_space<vmem_shared>> -> memref<640xf32, #tpu.memory_space<vmem_shared>>
        %dma_wait3A_386 = arith.constant 0 : i32
        %dma_wait3A_387 = tpu.memref_slice %arg15[%run_scoped3A_343, %dma_wait3A_386] : memref<16x640xf32, #tpu.memory_space<vmem>> -> memref<1x640xf32, #tpu.memory_space<vmem>>
        %dma_wait3A_388 = tpu.memref_squeeze %dma_wait3A_387 : memref<1x640xf32, #tpu.memory_space<vmem>> -> memref<640xf32, #tpu.memory_space<vmem>>
        %dma_wait3A_389 = tpu.memref_slice %arg18[%run_scoped3A_342, %mul3A_323] : memref<16x10240xf32, #tpu.memory_space<vmem_shared>> -> memref<1x640xf32, #tpu.memory_space<vmem_shared>>
        %dma_wait3A_390 = tpu.memref_squeeze %dma_wait3A_389 : memref<1x640xf32, #tpu.memory_space<vmem_shared>> -> memref<640xf32, #tpu.memory_space<vmem_shared>>
        tpu.wait_dma2 semaphore(%run_scoped3A_370 : memref<!tpu.dma_semaphore, #tpu.memory_space<semaphore_mem>>) src(%dma_wait3A_390 : memref<640xf32, #tpu.memory_space<vmem_shared>>) dst(%dma_wait3A_388 : memref<640xf32, #tpu.memory_space<vmem>>)
        tpu.yield
      }) : () -> ()
      %run_scoped3A_344 = arith.constant 6 : i32
      %run_scoped3A_345 = arith.constant 6 : i32
      "tpu.region"() ({
        %run_scoped3A_370 = tpu.sem_alloc : memref<!tpu.dma_semaphore, #tpu.memory_space<semaphore_mem>>
        %dma_start3A_371 = arith.constant 0 : i32
        %dma_start3A_372 = tpu.memref_slice %arg15[%run_scoped3A_345, %dma_start3A_371] : memref<16x640xf32, #tpu.memory_space<vmem>> -> memref<1x640xf32, #tpu.memory_space<vmem>>
        %dma_start3A_373 = tpu.memref_squeeze %dma_start3A_372 : memref<1x640xf32, #tpu.memory_space<vmem>> -> memref<640xf32, #tpu.memory_space<vmem>>
        %dma_start3A_374 = tpu.memref_slice %arg18[%run_scoped3A_344, %mul3A_323] : memref<16x10240xf32, #tpu.memory_space<vmem_shared>> -> memref<1x640xf32, #tpu.memory_space<vmem_shared>>
        %dma_start3A_375 = tpu.memref_squeeze %dma_start3A_374 : memref<1x640xf32, #tpu.memory_space<vmem_shared>> -> memref<640xf32, #tpu.memory_space<vmem_shared>>
        %dma_start3A_376 = arith.constant 0 : i32
        %dma_start3A_377 = tpu.memref_slice %arg15[%run_scoped3A_345, %dma_start3A_376] : memref<16x640xf32, #tpu.memory_space<vmem>> -> memref<1x640xf32, #tpu.memory_space<vmem>>
        %dma_start3A_378 = tpu.memref_squeeze %dma_start3A_377 : memref<1x640xf32, #tpu.memory_space<vmem>> -> memref<640xf32, #tpu.memory_space<vmem>>
        %dma_start3A_379 = tpu.memref_slice %arg18[%run_scoped3A_344, %mul3A_323] : memref<16x10240xf32, #tpu.memory_space<vmem_shared>> -> memref<1x640xf32, #tpu.memory_space<vmem_shared>>
        %dma_start3A_380 = tpu.memref_squeeze %dma_start3A_379 : memref<1x640xf32, #tpu.memory_space<vmem_shared>> -> memref<640xf32, #tpu.memory_space<vmem_shared>>
        tpu.enqueue_dma source(%dma_start3A_380 : memref<640xf32, #tpu.memory_space<vmem_shared>>) target(%dma_start3A_378 : memref<640xf32, #tpu.memory_space<vmem>>) target_semaphore(%run_scoped3A_370 : memref<!tpu.dma_semaphore, #tpu.memory_space<semaphore_mem>>)
        %dma_wait3A_381 = arith.constant 0 : i32
        %dma_wait3A_382 = tpu.memref_slice %arg15[%run_scoped3A_345, %dma_wait3A_381] : memref<16x640xf32, #tpu.memory_space<vmem>> -> memref<1x640xf32, #tpu.memory_space<vmem>>
        %dma_wait3A_383 = tpu.memref_squeeze %dma_wait3A_382 : memref<1x640xf32, #tpu.memory_space<vmem>> -> memref<640xf32, #tpu.memory_space<vmem>>
        %dma_wait3A_384 = tpu.memref_slice %arg18[%run_scoped3A_344, %mul3A_323] : memref<16x10240xf32, #tpu.memory_space<vmem_shared>> -> memref<1x640xf32, #tpu.memory_space<vmem_shared>>
        %dma_wait3A_385 = tpu.memref_squeeze %dma_wait3A_384 : memref<1x640xf32, #tpu.memory_space<vmem_shared>> -> memref<640xf32, #tpu.memory_space<vmem_shared>>
        %dma_wait3A_386 = arith.constant 0 : i32
        %dma_wait3A_387 = tpu.memref_slice %arg15[%run_scoped3A_345, %dma_wait3A_386] : memref<16x640xf32, #tpu.memory_space<vmem>> -> memref<1x640xf32, #tpu.memory_space<vmem>>
        %dma_wait3A_388 = tpu.memref_squeeze %dma_wait3A_387 : memref<1x640xf32, #tpu.memory_space<vmem>> -> memref<640xf32, #tpu.memory_space<vmem>>
        %dma_wait3A_389 = tpu.memref_slice %arg18[%run_scoped3A_344, %mul3A_323] : memref<16x10240xf32, #tpu.memory_space<vmem_shared>> -> memref<1x640xf32, #tpu.memory_space<vmem_shared>>
        %dma_wait3A_390 = tpu.memref_squeeze %dma_wait3A_389 : memref<1x640xf32, #tpu.memory_space<vmem_shared>> -> memref<640xf32, #tpu.memory_space<vmem_shared>>
        tpu.wait_dma2 semaphore(%run_scoped3A_370 : memref<!tpu.dma_semaphore, #tpu.memory_space<semaphore_mem>>) src(%dma_wait3A_390 : memref<640xf32, #tpu.memory_space<vmem_shared>>) dst(%dma_wait3A_388 : memref<640xf32, #tpu.memory_space<vmem>>)
        tpu.yield
      }) : () -> ()
      %run_scoped3A_346 = arith.constant 7 : i32
      %run_scoped3A_347 = arith.constant 7 : i32
      "tpu.region"() ({
        %run_scoped3A_370 = tpu.sem_alloc : memref<!tpu.dma_semaphore, #tpu.memory_space<semaphore_mem>>
        %dma_start3A_371 = arith.constant 0 : i32
        %dma_start3A_372 = tpu.memref_slice %arg15[%run_scoped3A_347, %dma_start3A_371] : memref<16x640xf32, #tpu.memory_space<vmem>> -> memref<1x640xf32, #tpu.memory_space<vmem>>
        %dma_start3A_373 = tpu.memref_squeeze %dma_start3A_372 : memref<1x640xf32, #tpu.memory_space<vmem>> -> memref<640xf32, #tpu.memory_space<vmem>>
        %dma_start3A_374 = tpu.memref_slice %arg18[%run_scoped3A_346, %mul3A_323] : memref<16x10240xf32, #tpu.memory_space<vmem_shared>> -> memref<1x640xf32, #tpu.memory_space<vmem_shared>>
        %dma_start3A_375 = tpu.memref_squeeze %dma_start3A_374 : memref<1x640xf32, #tpu.memory_space<vmem_shared>> -> memref<640xf32, #tpu.memory_space<vmem_shared>>
        %dma_start3A_376 = arith.constant 0 : i32
        %dma_start3A_377 = tpu.memref_slice %arg15[%run_scoped3A_347, %dma_start3A_376] : memref<16x640xf32, #tpu.memory_space<vmem>> -> memref<1x640xf32, #tpu.memory_space<vmem>>
        %dma_start3A_378 = tpu.memref_squeeze %dma_start3A_377 : memref<1x640xf32, #tpu.memory_space<vmem>> -> memref<640xf32, #tpu.memory_space<vmem>>
        %dma_start3A_379 = tpu.memref_slice %arg18[%run_scoped3A_346, %mul3A_323] : memref<16x10240xf32, #tpu.memory_space<vmem_shared>> -> memref<1x640xf32, #tpu.memory_space<vmem_shared>>
        %dma_start3A_380 = tpu.memref_squeeze %dma_start3A_379 : memref<1x640xf32, #tpu.memory_space<vmem_shared>> -> memref<640xf32, #tpu.memory_space<vmem_shared>>
        tpu.enqueue_dma source(%dma_start3A_380 : memref<640xf32, #tpu.memory_space<vmem_shared>>) target(%dma_start3A_378 : memref<640xf32, #tpu.memory_space<vmem>>) target_semaphore(%run_scoped3A_370 : memref<!tpu.dma_semaphore, #tpu.memory_space<semaphore_mem>>)
        %dma_wait3A_381 = arith.constant 0 : i32
        %dma_wait3A_382 = tpu.memref_slice %arg15[%run_scoped3A_347, %dma_wait3A_381] : memref<16x640xf32, #tpu.memory_space<vmem>> -> memref<1x640xf32, #tpu.memory_space<vmem>>
        %dma_wait3A_383 = tpu.memref_squeeze %dma_wait3A_382 : memref<1x640xf32, #tpu.memory_space<vmem>> -> memref<640xf32, #tpu.memory_space<vmem>>
        %dma_wait3A_384 = tpu.memref_slice %arg18[%run_scoped3A_346, %mul3A_323] : memref<16x10240xf32, #tpu.memory_space<vmem_shared>> -> memref<1x640xf32, #tpu.memory_space<vmem_shared>>
        %dma_wait3A_385 = tpu.memref_squeeze %dma_wait3A_384 : memref<1x640xf32, #tpu.memory_space<vmem_shared>> -> memref<640xf32, #tpu.memory_space<vmem_shared>>
        %dma_wait3A_386 = arith.constant 0 : i32
        %dma_wait3A_387 = tpu.memref_slice %arg15[%run_scoped3A_347, %dma_wait3A_386] : memref<16x640xf32, #tpu.memory_space<vmem>> -> memref<1x640xf32, #tpu.memory_space<vmem>>
        %dma_wait3A_388 = tpu.memref_squeeze %dma_wait3A_387 : memref<1x640xf32, #tpu.memory_space<vmem>> -> memref<640xf32, #tpu.memory_space<vmem>>
        %dma_wait3A_389 = tpu.memref_slice %arg18[%run_scoped3A_346, %mul3A_323] : memref<16x10240xf32, #tpu.memory_space<vmem_shared>> -> memref<1x640xf32, #tpu.memory_space<vmem_shared>>
        %dma_wait3A_390 = tpu.memref_squeeze %dma_wait3A_389 : memref<1x640xf32, #tpu.memory_space<vmem_shared>> -> memref<640xf32, #tpu.memory_space<vmem_shared>>
        tpu.wait_dma2 semaphore(%run_scoped3A_370 : memref<!tpu.dma_semaphore, #tpu.memory_space<semaphore_mem>>) src(%dma_wait3A_390 : memref<640xf32, #tpu.memory_space<vmem_shared>>) dst(%dma_wait3A_388 : memref<640xf32, #tpu.memory_space<vmem>>)
        tpu.yield
      }) : () -> ()
      %run_scoped3A_348 = arith.constant 8 : i32
      %run_scoped3A_349 = arith.constant 8 : i32
      "tpu.region"() ({
        %run_scoped3A_370 = tpu.sem_alloc : memref<!tpu.dma_semaphore, #tpu.memory_space<semaphore_mem>>
        %dma_start3A_371 = arith.constant 0 : i32
        %dma_start3A_372 = tpu.memref_slice %arg15[%run_scoped3A_349, %dma_start3A_371] : memref<16x640xf32, #tpu.memory_space<vmem>> -> memref<1x640xf32, #tpu.memory_space<vmem>>
        %dma_start3A_373 = tpu.memref_squeeze %dma_start3A_372 : memref<1x640xf32, #tpu.memory_space<vmem>> -> memref<640xf32, #tpu.memory_space<vmem>>
        %dma_start3A_374 = tpu.memref_slice %arg18[%run_scoped3A_348, %mul3A_323] : memref<16x10240xf32, #tpu.memory_space<vmem_shared>> -> memref<1x640xf32, #tpu.memory_space<vmem_shared>>
        %dma_start3A_375 = tpu.memref_squeeze %dma_start3A_374 : memref<1x640xf32, #tpu.memory_space<vmem_shared>> -> memref<640xf32, #tpu.memory_space<vmem_shared>>
        %dma_start3A_376 = arith.constant 0 : i32
        %dma_start3A_377 = tpu.memref_slice %arg15[%run_scoped3A_349, %dma_start3A_376] : memref<16x640xf32, #tpu.memory_space<vmem>> -> memref<1x640xf32, #tpu.memory_space<vmem>>
        %dma_start3A_378 = tpu.memref_squeeze %dma_start3A_377 : memref<1x640xf32, #tpu.memory_space<vmem>> -> memref<640xf32, #tpu.memory_space<vmem>>
        %dma_start3A_379 = tpu.memref_slice %arg18[%run_scoped3A_348, %mul3A_323] : memref<16x10240xf32, #tpu.memory_space<vmem_shared>> -> memref<1x640xf32, #tpu.memory_space<vmem_shared>>
        %dma_start3A_380 = tpu.memref_squeeze %dma_start3A_379 : memref<1x640xf32, #tpu.memory_space<vmem_shared>> -> memref<640xf32, #tpu.memory_space<vmem_shared>>
        tpu.enqueue_dma source(%dma_start3A_380 : memref<640xf32, #tpu.memory_space<vmem_shared>>) target(%dma_start3A_378 : memref<640xf32, #tpu.memory_space<vmem>>) target_semaphore(%run_scoped3A_370 : memref<!tpu.dma_semaphore, #tpu.memory_space<semaphore_mem>>)
        %dma_wait3A_381 = arith.constant 0 : i32
        %dma_wait3A_382 = tpu.memref_slice %arg15[%run_scoped3A_349, %dma_wait3A_381] : memref<16x640xf32, #tpu.memory_space<vmem>> -> memref<1x640xf32, #tpu.memory_space<vmem>>
        %dma_wait3A_383 = tpu.memref_squeeze %dma_wait3A_382 : memref<1x640xf32, #tpu.memory_space<vmem>> -> memref<640xf32, #tpu.memory_space<vmem>>
        %dma_wait3A_384 = tpu.memref_slice %arg18[%run_scoped3A_348, %mul3A_323] : memref<16x10240xf32, #tpu.memory_space<vmem_shared>> -> memref<1x640xf32, #tpu.memory_space<vmem_shared>>
        %dma_wait3A_385 = tpu.memref_squeeze %dma_wait3A_384 : memref<1x640xf32, #tpu.memory_space<vmem_shared>> -> memref<640xf32, #tpu.memory_space<vmem_shared>>
        %dma_wait3A_386 = arith.constant 0 : i32
        %dma_wait3A_387 = tpu.memref_slice %arg15[%run_scoped3A_349, %dma_wait3A_386] : memref<16x640xf32, #tpu.memory_space<vmem>> -> memref<1x640xf32, #tpu.memory_space<vmem>>
        %dma_wait3A_388 = tpu.memref_squeeze %dma_wait3A_387 : memref<1x640xf32, #tpu.memory_space<vmem>> -> memref<640xf32, #tpu.memory_space<vmem>>
        %dma_wait3A_389 = tpu.memref_slice %arg18[%run_scoped3A_348, %mul3A_323] : memref<16x10240xf32, #tpu.memory_space<vmem_shared>> -> memref<1x640xf32, #tpu.memory_space<vmem_shared>>
        %dma_wait3A_390 = tpu.memref_squeeze %dma_wait3A_389 : memref<1x640xf32, #tpu.memory_space<vmem_shared>> -> memref<640xf32, #tpu.memory_space<vmem_shared>>
        tpu.wait_dma2 semaphore(%run_scoped3A_370 : memref<!tpu.dma_semaphore, #tpu.memory_space<semaphore_mem>>) src(%dma_wait3A_390 : memref<640xf32, #tpu.memory_space<vmem_shared>>) dst(%dma_wait3A_388 : memref<640xf32, #tpu.memory_space<vmem>>)
        tpu.yield
      }) : () -> ()
      %run_scoped3A_350 = arith.constant 9 : i32
      %run_scoped3A_351 = arith.constant 9 : i32
      "tpu.region"() ({
        %run_scoped3A_370 = tpu.sem_alloc : memref<!tpu.dma_semaphore, #tpu.memory_space<semaphore_mem>>
        %dma_start3A_371 = arith.constant 0 : i32
        %dma_start3A_372 = tpu.memref_slice %arg15[%run_scoped3A_351, %dma_start3A_371] : memref<16x640xf32, #tpu.memory_space<vmem>> -> memref<1x640xf32, #tpu.memory_space<vmem>>
        %dma_start3A_373 = tpu.memref_squeeze %dma_start3A_372 : memref<1x640xf32, #tpu.memory_space<vmem>> -> memref<640xf32, #tpu.memory_space<vmem>>
        %dma_start3A_374 = tpu.memref_slice %arg18[%run_scoped3A_350, %mul3A_323] : memref<16x10240xf32, #tpu.memory_space<vmem_shared>> -> memref<1x640xf32, #tpu.memory_space<vmem_shared>>
        %dma_start3A_375 = tpu.memref_squeeze %dma_start3A_374 : memref<1x640xf32, #tpu.memory_space<vmem_shared>> -> memref<640xf32, #tpu.memory_space<vmem_shared>>
        %dma_start3A_376 = arith.constant 0 : i32
        %dma_start3A_377 = tpu.memref_slice %arg15[%run_scoped3A_351, %dma_start3A_376] : memref<16x640xf32, #tpu.memory_space<vmem>> -> memref<1x640xf32, #tpu.memory_space<vmem>>
        %dma_start3A_378 = tpu.memref_squeeze %dma_start3A_377 : memref<1x640xf32, #tpu.memory_space<vmem>> -> memref<640xf32, #tpu.memory_space<vmem>>
        %dma_start3A_379 = tpu.memref_slice %arg18[%run_scoped3A_350, %mul3A_323] : memref<16x10240xf32, #tpu.memory_space<vmem_shared>> -> memref<1x640xf32, #tpu.memory_space<vmem_shared>>
        %dma_start3A_380 = tpu.memref_squeeze %dma_start3A_379 : memref<1x640xf32, #tpu.memory_space<vmem_shared>> -> memref<640xf32, #tpu.memory_space<vmem_shared>>
        tpu.enqueue_dma source(%dma_start3A_380 : memref<640xf32, #tpu.memory_space<vmem_shared>>) target(%dma_start3A_378 : memref<640xf32, #tpu.memory_space<vmem>>) target_semaphore(%run_scoped3A_370 : memref<!tpu.dma_semaphore, #tpu.memory_space<semaphore_mem>>)
        %dma_wait3A_381 = arith.constant 0 : i32
        %dma_wait3A_382 = tpu.memref_slice %arg15[%run_scoped3A_351, %dma_wait3A_381] : memref<16x640xf32, #tpu.memory_space<vmem>> -> memref<1x640xf32, #tpu.memory_space<vmem>>
        %dma_wait3A_383 = tpu.memref_squeeze %dma_wait3A_382 : memref<1x640xf32, #tpu.memory_space<vmem>> -> memref<640xf32, #tpu.memory_space<vmem>>
        %dma_wait3A_384 = tpu.memref_slice %arg18[%run_scoped3A_350, %mul3A_323] : memref<16x10240xf32, #tpu.memory_space<vmem_shared>> -> memref<1x640xf32, #tpu.memory_space<vmem_shared>>
        %dma_wait3A_385 = tpu.memref_squeeze %dma_wait3A_384 : memref<1x640xf32, #tpu.memory_space<vmem_shared>> -> memref<640xf32, #tpu.memory_space<vmem_shared>>
        %dma_wait3A_386 = arith.constant 0 : i32
        %dma_wait3A_387 = tpu.memref_slice %arg15[%run_scoped3A_351, %dma_wait3A_386] : memref<16x640xf32, #tpu.memory_space<vmem>> -> memref<1x640xf32, #tpu.memory_space<vmem>>
        %dma_wait3A_388 = tpu.memref_squeeze %dma_wait3A_387 : memref<1x640xf32, #tpu.memory_space<vmem>> -> memref<640xf32, #tpu.memory_space<vmem>>
        %dma_wait3A_389 = tpu.memref_slice %arg18[%run_scoped3A_350, %mul3A_323] : memref<16x10240xf32, #tpu.memory_space<vmem_shared>> -> memref<1x640xf32, #tpu.memory_space<vmem_shared>>
        %dma_wait3A_390 = tpu.memref_squeeze %dma_wait3A_389 : memref<1x640xf32, #tpu.memory_space<vmem_shared>> -> memref<640xf32, #tpu.memory_space<vmem_shared>>
        tpu.wait_dma2 semaphore(%run_scoped3A_370 : memref<!tpu.dma_semaphore, #tpu.memory_space<semaphore_mem>>) src(%dma_wait3A_390 : memref<640xf32, #tpu.memory_space<vmem_shared>>) dst(%dma_wait3A_388 : memref<640xf32, #tpu.memory_space<vmem>>)
        tpu.yield
      }) : () -> ()
      %run_scoped3A_352 = arith.constant 10 : i32
      %run_scoped3A_353 = arith.constant 10 : i32
      "tpu.region"() ({
        %run_scoped3A_370 = tpu.sem_alloc : memref<!tpu.dma_semaphore, #tpu.memory_space<semaphore_mem>>
        %dma_start3A_371 = arith.constant 0 : i32
        %dma_start3A_372 = tpu.memref_slice %arg15[%run_scoped3A_353, %dma_start3A_371] : memref<16x640xf32, #tpu.memory_space<vmem>> -> memref<1x640xf32, #tpu.memory_space<vmem>>
        %dma_start3A_373 = tpu.memref_squeeze %dma_start3A_372 : memref<1x640xf32, #tpu.memory_space<vmem>> -> memref<640xf32, #tpu.memory_space<vmem>>
        %dma_start3A_374 = tpu.memref_slice %arg18[%run_scoped3A_352, %mul3A_323] : memref<16x10240xf32, #tpu.memory_space<vmem_shared>> -> memref<1x640xf32, #tpu.memory_space<vmem_shared>>
        %dma_start3A_375 = tpu.memref_squeeze %dma_start3A_374 : memref<1x640xf32, #tpu.memory_space<vmem_shared>> -> memref<640xf32, #tpu.memory_space<vmem_shared>>
        %dma_start3A_376 = arith.constant 0 : i32
        %dma_start3A_377 = tpu.memref_slice %arg15[%run_scoped3A_353, %dma_start3A_376] : memref<16x640xf32, #tpu.memory_space<vmem>> -> memref<1x640xf32, #tpu.memory_space<vmem>>
        %dma_start3A_378 = tpu.memref_squeeze %dma_start3A_377 : memref<1x640xf32, #tpu.memory_space<vmem>> -> memref<640xf32, #tpu.memory_space<vmem>>
        %dma_start3A_379 = tpu.memref_slice %arg18[%run_scoped3A_352, %mul3A_323] : memref<16x10240xf32, #tpu.memory_space<vmem_shared>> -> memref<1x640xf32, #tpu.memory_space<vmem_shared>>
        %dma_start3A_380 = tpu.memref_squeeze %dma_start3A_379 : memref<1x640xf32, #tpu.memory_space<vmem_shared>> -> memref<640xf32, #tpu.memory_space<vmem_shared>>
        tpu.enqueue_dma source(%dma_start3A_380 : memref<640xf32, #tpu.memory_space<vmem_shared>>) target(%dma_start3A_378 : memref<640xf32, #tpu.memory_space<vmem>>) target_semaphore(%run_scoped3A_370 : memref<!tpu.dma_semaphore, #tpu.memory_space<semaphore_mem>>)
        %dma_wait3A_381 = arith.constant 0 : i32
        %dma_wait3A_382 = tpu.memref_slice %arg15[%run_scoped3A_353, %dma_wait3A_381] : memref<16x640xf32, #tpu.memory_space<vmem>> -> memref<1x640xf32, #tpu.memory_space<vmem>>
        %dma_wait3A_383 = tpu.memref_squeeze %dma_wait3A_382 : memref<1x640xf32, #tpu.memory_space<vmem>> -> memref<640xf32, #tpu.memory_space<vmem>>
        %dma_wait3A_384 = tpu.memref_slice %arg18[%run_scoped3A_352, %mul3A_323] : memref<16x10240xf32, #tpu.memory_space<vmem_shared>> -> memref<1x640xf32, #tpu.memory_space<vmem_shared>>
        %dma_wait3A_385 = tpu.memref_squeeze %dma_wait3A_384 : memref<1x640xf32, #tpu.memory_space<vmem_shared>> -> memref<640xf32, #tpu.memory_space<vmem_shared>>
        %dma_wait3A_386 = arith.constant 0 : i32
        %dma_wait3A_387 = tpu.memref_slice %arg15[%run_scoped3A_353, %dma_wait3A_386] : memref<16x640xf32, #tpu.memory_space<vmem>> -> memref<1x640xf32, #tpu.memory_space<vmem>>
        %dma_wait3A_388 = tpu.memref_squeeze %dma_wait3A_387 : memref<1x640xf32, #tpu.memory_space<vmem>> -> memref<640xf32, #tpu.memory_space<vmem>>
        %dma_wait3A_389 = tpu.memref_slice %arg18[%run_scoped3A_352, %mul3A_323] : memref<16x10240xf32, #tpu.memory_space<vmem_shared>> -> memref<1x640xf32, #tpu.memory_space<vmem_shared>>
        %dma_wait3A_390 = tpu.memref_squeeze %dma_wait3A_389 : memref<1x640xf32, #tpu.memory_space<vmem_shared>> -> memref<640xf32, #tpu.memory_space<vmem_shared>>
        tpu.wait_dma2 semaphore(%run_scoped3A_370 : memref<!tpu.dma_semaphore, #tpu.memory_space<semaphore_mem>>) src(%dma_wait3A_390 : memref<640xf32, #tpu.memory_space<vmem_shared>>) dst(%dma_wait3A_388 : memref<640xf32, #tpu.memory_space<vmem>>)
        tpu.yield
      }) : () -> ()
      %run_scoped3A_354 = arith.constant 11 : i32
      %run_scoped3A_355 = arith.constant 11 : i32
      "tpu.region"() ({
        %run_scoped3A_370 = tpu.sem_alloc : memref<!tpu.dma_semaphore, #tpu.memory_space<semaphore_mem>>
        %dma_start3A_371 = arith.constant 0 : i32
        %dma_start3A_372 = tpu.memref_slice %arg15[%run_scoped3A_355, %dma_start3A_371] : memref<16x640xf32, #tpu.memory_space<vmem>> -> memref<1x640xf32, #tpu.memory_space<vmem>>
        %dma_start3A_373 = tpu.memref_squeeze %dma_start3A_372 : memref<1x640xf32, #tpu.memory_space<vmem>> -> memref<640xf32, #tpu.memory_space<vmem>>
        %dma_start3A_374 = tpu.memref_slice %arg18[%run_scoped3A_354, %mul3A_323] : memref<16x10240xf32, #tpu.memory_space<vmem_shared>> -> memref<1x640xf32, #tpu.memory_space<vmem_shared>>
        %dma_start3A_375 = tpu.memref_squeeze %dma_start3A_374 : memref<1x640xf32, #tpu.memory_space<vmem_shared>> -> memref<640xf32, #tpu.memory_space<vmem_shared>>
        %dma_start3A_376 = arith.constant 0 : i32
        %dma_start3A_377 = tpu.memref_slice %arg15[%run_scoped3A_355, %dma_start3A_376] : memref<16x640xf32, #tpu.memory_space<vmem>> -> memref<1x640xf32, #tpu.memory_space<vmem>>
        %dma_start3A_378 = tpu.memref_squeeze %dma_start3A_377 : memref<1x640xf32, #tpu.memory_space<vmem>> -> memref<640xf32, #tpu.memory_space<vmem>>
        %dma_start3A_379 = tpu.memref_slice %arg18[%run_scoped3A_354, %mul3A_323] : memref<16x10240xf32, #tpu.memory_space<vmem_shared>> -> memref<1x640xf32, #tpu.memory_space<vmem_shared>>
        %dma_start3A_380 = tpu.memref_squeeze %dma_start3A_379 : memref<1x640xf32, #tpu.memory_space<vmem_shared>> -> memref<640xf32, #tpu.memory_space<vmem_shared>>
        tpu.enqueue_dma source(%dma_start3A_380 : memref<640xf32, #tpu.memory_space<vmem_shared>>) target(%dma_start3A_378 : memref<640xf32, #tpu.memory_space<vmem>>) target_semaphore(%run_scoped3A_370 : memref<!tpu.dma_semaphore, #tpu.memory_space<semaphore_mem>>)
        %dma_wait3A_381 = arith.constant 0 : i32
        %dma_wait3A_382 = tpu.memref_slice %arg15[%run_scoped3A_355, %dma_wait3A_381] : memref<16x640xf32, #tpu.memory_space<vmem>> -> memref<1x640xf32, #tpu.memory_space<vmem>>
        %dma_wait3A_383 = tpu.memref_squeeze %dma_wait3A_382 : memref<1x640xf32, #tpu.memory_space<vmem>> -> memref<640xf32, #tpu.memory_space<vmem>>
        %dma_wait3A_384 = tpu.memref_slice %arg18[%run_scoped3A_354, %mul3A_323] : memref<16x10240xf32, #tpu.memory_space<vmem_shared>> -> memref<1x640xf32, #tpu.memory_space<vmem_shared>>
        %dma_wait3A_385 = tpu.memref_squeeze %dma_wait3A_384 : memref<1x640xf32, #tpu.memory_space<vmem_shared>> -> memref<640xf32, #tpu.memory_space<vmem_shared>>
        %dma_wait3A_386 = arith.constant 0 : i32
        %dma_wait3A_387 = tpu.memref_slice %arg15[%run_scoped3A_355, %dma_wait3A_386] : memref<16x640xf32, #tpu.memory_space<vmem>> -> memref<1x640xf32, #tpu.memory_space<vmem>>
        %dma_wait3A_388 = tpu.memref_squeeze %dma_wait3A_387 : memref<1x640xf32, #tpu.memory_space<vmem>> -> memref<640xf32, #tpu.memory_space<vmem>>
        %dma_wait3A_389 = tpu.memref_slice %arg18[%run_scoped3A_354, %mul3A_323] : memref<16x10240xf32, #tpu.memory_space<vmem_shared>> -> memref<1x640xf32, #tpu.memory_space<vmem_shared>>
        %dma_wait3A_390 = tpu.memref_squeeze %dma_wait3A_389 : memref<1x640xf32, #tpu.memory_space<vmem_shared>> -> memref<640xf32, #tpu.memory_space<vmem_shared>>
        tpu.wait_dma2 semaphore(%run_scoped3A_370 : memref<!tpu.dma_semaphore, #tpu.memory_space<semaphore_mem>>) src(%dma_wait3A_390 : memref<640xf32, #tpu.memory_space<vmem_shared>>) dst(%dma_wait3A_388 : memref<640xf32, #tpu.memory_space<vmem>>)
        tpu.yield
      }) : () -> ()
      %run_scoped3A_356 = arith.constant 12 : i32
      %run_scoped3A_357 = arith.constant 12 : i32
      "tpu.region"() ({
        %run_scoped3A_370 = tpu.sem_alloc : memref<!tpu.dma_semaphore, #tpu.memory_space<semaphore_mem>>
        %dma_start3A_371 = arith.constant 0 : i32
        %dma_start3A_372 = tpu.memref_slice %arg15[%run_scoped3A_357, %dma_start3A_371] : memref<16x640xf32, #tpu.memory_space<vmem>> -> memref<1x640xf32, #tpu.memory_space<vmem>>
        %dma_start3A_373 = tpu.memref_squeeze %dma_start3A_372 : memref<1x640xf32, #tpu.memory_space<vmem>> -> memref<640xf32, #tpu.memory_space<vmem>>
        %dma_start3A_374 = tpu.memref_slice %arg18[%run_scoped3A_356, %mul3A_323] : memref<16x10240xf32, #tpu.memory_space<vmem_shared>> -> memref<1x640xf32, #tpu.memory_space<vmem_shared>>
        %dma_start3A_375 = tpu.memref_squeeze %dma_start3A_374 : memref<1x640xf32, #tpu.memory_space<vmem_shared>> -> memref<640xf32, #tpu.memory_space<vmem_shared>>
        %dma_start3A_376 = arith.constant 0 : i32
        %dma_start3A_377 = tpu.memref_slice %arg15[%run_scoped3A_357, %dma_start3A_376] : memref<16x640xf32, #tpu.memory_space<vmem>> -> memref<1x640xf32, #tpu.memory_space<vmem>>
        %dma_start3A_378 = tpu.memref_squeeze %dma_start3A_377 : memref<1x640xf32, #tpu.memory_space<vmem>> -> memref<640xf32, #tpu.memory_space<vmem>>
        %dma_start3A_379 = tpu.memref_slice %arg18[%run_scoped3A_356, %mul3A_323] : memref<16x10240xf32, #tpu.memory_space<vmem_shared>> -> memref<1x640xf32, #tpu.memory_space<vmem_shared>>
        %dma_start3A_380 = tpu.memref_squeeze %dma_start3A_379 : memref<1x640xf32, #tpu.memory_space<vmem_shared>> -> memref<640xf32, #tpu.memory_space<vmem_shared>>
        tpu.enqueue_dma source(%dma_start3A_380 : memref<640xf32, #tpu.memory_space<vmem_shared>>) target(%dma_start3A_378 : memref<640xf32, #tpu.memory_space<vmem>>) target_semaphore(%run_scoped3A_370 : memref<!tpu.dma_semaphore, #tpu.memory_space<semaphore_mem>>)
        %dma_wait3A_381 = arith.constant 0 : i32
        %dma_wait3A_382 = tpu.memref_slice %arg15[%run_scoped3A_357, %dma_wait3A_381] : memref<16x640xf32, #tpu.memory_space<vmem>> -> memref<1x640xf32, #tpu.memory_space<vmem>>
        %dma_wait3A_383 = tpu.memref_squeeze %dma_wait3A_382 : memref<1x640xf32, #tpu.memory_space<vmem>> -> memref<640xf32, #tpu.memory_space<vmem>>
        %dma_wait3A_384 = tpu.memref_slice %arg18[%run_scoped3A_356, %mul3A_323] : memref<16x10240xf32, #tpu.memory_space<vmem_shared>> -> memref<1x640xf32, #tpu.memory_space<vmem_shared>>
        %dma_wait3A_385 = tpu.memref_squeeze %dma_wait3A_384 : memref<1x640xf32, #tpu.memory_space<vmem_shared>> -> memref<640xf32, #tpu.memory_space<vmem_shared>>
        %dma_wait3A_386 = arith.constant 0 : i32
        %dma_wait3A_387 = tpu.memref_slice %arg15[%run_scoped3A_357, %dma_wait3A_386] : memref<16x640xf32, #tpu.memory_space<vmem>> -> memref<1x640xf32, #tpu.memory_space<vmem>>
        %dma_wait3A_388 = tpu.memref_squeeze %dma_wait3A_387 : memref<1x640xf32, #tpu.memory_space<vmem>> -> memref<640xf32, #tpu.memory_space<vmem>>
        %dma_wait3A_389 = tpu.memref_slice %arg18[%run_scoped3A_356, %mul3A_323] : memref<16x10240xf32, #tpu.memory_space<vmem_shared>> -> memref<1x640xf32, #tpu.memory_space<vmem_shared>>
        %dma_wait3A_390 = tpu.memref_squeeze %dma_wait3A_389 : memref<1x640xf32, #tpu.memory_space<vmem_shared>> -> memref<640xf32, #tpu.memory_space<vmem_shared>>
        tpu.wait_dma2 semaphore(%run_scoped3A_370 : memref<!tpu.dma_semaphore, #tpu.memory_space<semaphore_mem>>) src(%dma_wait3A_390 : memref<640xf32, #tpu.memory_space<vmem_shared>>) dst(%dma_wait3A_388 : memref<640xf32, #tpu.memory_space<vmem>>)
        tpu.yield
      }) : () -> ()
      %run_scoped3A_358 = arith.constant 13 : i32
      %run_scoped3A_359 = arith.constant 13 : i32
      "tpu.region"() ({
        %run_scoped3A_370 = tpu.sem_alloc : memref<!tpu.dma_semaphore, #tpu.memory_space<semaphore_mem>>
        %dma_start3A_371 = arith.constant 0 : i32
        %dma_start3A_372 = tpu.memref_slice %arg15[%run_scoped3A_359, %dma_start3A_371] : memref<16x640xf32, #tpu.memory_space<vmem>> -> memref<1x640xf32, #tpu.memory_space<vmem>>
        %dma_start3A_373 = tpu.memref_squeeze %dma_start3A_372 : memref<1x640xf32, #tpu.memory_space<vmem>> -> memref<640xf32, #tpu.memory_space<vmem>>
        %dma_start3A_374 = tpu.memref_slice %arg18[%run_scoped3A_358, %mul3A_323] : memref<16x10240xf32, #tpu.memory_space<vmem_shared>> -> memref<1x640xf32, #tpu.memory_space<vmem_shared>>
        %dma_start3A_375 = tpu.memref_squeeze %dma_start3A_374 : memref<1x640xf32, #tpu.memory_space<vmem_shared>> -> memref<640xf32, #tpu.memory_space<vmem_shared>>
        %dma_start3A_376 = arith.constant 0 : i32
        %dma_start3A_377 = tpu.memref_slice %arg15[%run_scoped3A_359, %dma_start3A_376] : memref<16x640xf32, #tpu.memory_space<vmem>> -> memref<1x640xf32, #tpu.memory_space<vmem>>
        %dma_start3A_378 = tpu.memref_squeeze %dma_start3A_377 : memref<1x640xf32, #tpu.memory_space<vmem>> -> memref<640xf32, #tpu.memory_space<vmem>>
        %dma_start3A_379 = tpu.memref_slice %arg18[%run_scoped3A_358, %mul3A_323] : memref<16x10240xf32, #tpu.memory_space<vmem_shared>> -> memref<1x640xf32, #tpu.memory_space<vmem_shared>>
        %dma_start3A_380 = tpu.memref_squeeze %dma_start3A_379 : memref<1x640xf32, #tpu.memory_space<vmem_shared>> -> memref<640xf32, #tpu.memory_space<vmem_shared>>
        tpu.enqueue_dma source(%dma_start3A_380 : memref<640xf32, #tpu.memory_space<vmem_shared>>) target(%dma_start3A_378 : memref<640xf32, #tpu.memory_space<vmem>>) target_semaphore(%run_scoped3A_370 : memref<!tpu.dma_semaphore, #tpu.memory_space<semaphore_mem>>)
        %dma_wait3A_381 = arith.constant 0 : i32
        %dma_wait3A_382 = tpu.memref_slice %arg15[%run_scoped3A_359, %dma_wait3A_381] : memref<16x640xf32, #tpu.memory_space<vmem>> -> memref<1x640xf32, #tpu.memory_space<vmem>>
        %dma_wait3A_383 = tpu.memref_squeeze %dma_wait3A_382 : memref<1x640xf32, #tpu.memory_space<vmem>> -> memref<640xf32, #tpu.memory_space<vmem>>
        %dma_wait3A_384 = tpu.memref_slice %arg18[%run_scoped3A_358, %mul3A_323] : memref<16x10240xf32, #tpu.memory_space<vmem_shared>> -> memref<1x640xf32, #tpu.memory_space<vmem_shared>>
        %dma_wait3A_385 = tpu.memref_squeeze %dma_wait3A_384 : memref<1x640xf32, #tpu.memory_space<vmem_shared>> -> memref<640xf32, #tpu.memory_space<vmem_shared>>
        %dma_wait3A_386 = arith.constant 0 : i32
        %dma_wait3A_387 = tpu.memref_slice %arg15[%run_scoped3A_359, %dma_wait3A_386] : memref<16x640xf32, #tpu.memory_space<vmem>> -> memref<1x640xf32, #tpu.memory_space<vmem>>
        %dma_wait3A_388 = tpu.memref_squeeze %dma_wait3A_387 : memref<1x640xf32, #tpu.memory_space<vmem>> -> memref<640xf32, #tpu.memory_space<vmem>>
        %dma_wait3A_389 = tpu.memref_slice %arg18[%run_scoped3A_358, %mul3A_323] : memref<16x10240xf32, #tpu.memory_space<vmem_shared>> -> memref<1x640xf32, #tpu.memory_space<vmem_shared>>
        %dma_wait3A_390 = tpu.memref_squeeze %dma_wait3A_389 : memref<1x640xf32, #tpu.memory_space<vmem_shared>> -> memref<640xf32, #tpu.memory_space<vmem_shared>>
        tpu.wait_dma2 semaphore(%run_scoped3A_370 : memref<!tpu.dma_semaphore, #tpu.memory_space<semaphore_mem>>) src(%dma_wait3A_390 : memref<640xf32, #tpu.memory_space<vmem_shared>>) dst(%dma_wait3A_388 : memref<640xf32, #tpu.memory_space<vmem>>)
        tpu.yield
      }) : () -> ()
      %run_scoped3A_360 = arith.constant 14 : i32
      %run_scoped3A_361 = arith.constant 14 : i32
      "tpu.region"() ({
        %run_scoped3A_370 = tpu.sem_alloc : memref<!tpu.dma_semaphore, #tpu.memory_space<semaphore_mem>>
        %dma_start3A_371 = arith.constant 0 : i32
        %dma_start3A_372 = tpu.memref_slice %arg15[%run_scoped3A_361, %dma_start3A_371] : memref<16x640xf32, #tpu.memory_space<vmem>> -> memref<1x640xf32, #tpu.memory_space<vmem>>
        %dma_start3A_373 = tpu.memref_squeeze %dma_start3A_372 : memref<1x640xf32, #tpu.memory_space<vmem>> -> memref<640xf32, #tpu.memory_space<vmem>>
        %dma_start3A_374 = tpu.memref_slice %arg18[%run_scoped3A_360, %mul3A_323] : memref<16x10240xf32, #tpu.memory_space<vmem_shared>> -> memref<1x640xf32, #tpu.memory_space<vmem_shared>>
        %dma_start3A_375 = tpu.memref_squeeze %dma_start3A_374 : memref<1x640xf32, #tpu.memory_space<vmem_shared>> -> memref<640xf32, #tpu.memory_space<vmem_shared>>
        %dma_start3A_376 = arith.constant 0 : i32
        %dma_start3A_377 = tpu.memref_slice %arg15[%run_scoped3A_361, %dma_start3A_376] : memref<16x640xf32, #tpu.memory_space<vmem>> -> memref<1x640xf32, #tpu.memory_space<vmem>>
        %dma_start3A_378 = tpu.memref_squeeze %dma_start3A_377 : memref<1x640xf32, #tpu.memory_space<vmem>> -> memref<640xf32, #tpu.memory_space<vmem>>
        %dma_start3A_379 = tpu.memref_slice %arg18[%run_scoped3A_360, %mul3A_323] : memref<16x10240xf32, #tpu.memory_space<vmem_shared>> -> memref<1x640xf32, #tpu.memory_space<vmem_shared>>
        %dma_start3A_380 = tpu.memref_squeeze %dma_start3A_379 : memref<1x640xf32, #tpu.memory_space<vmem_shared>> -> memref<640xf32, #tpu.memory_space<vmem_shared>>
        tpu.enqueue_dma source(%dma_start3A_380 : memref<640xf32, #tpu.memory_space<vmem_shared>>) target(%dma_start3A_378 : memref<640xf32, #tpu.memory_space<vmem>>) target_semaphore(%run_scoped3A_370 : memref<!tpu.dma_semaphore, #tpu.memory_space<semaphore_mem>>)
        %dma_wait3A_381 = arith.constant 0 : i32
        %dma_wait3A_382 = tpu.memref_slice %arg15[%run_scoped3A_361, %dma_wait3A_381] : memref<16x640xf32, #tpu.memory_space<vmem>> -> memref<1x640xf32, #tpu.memory_space<vmem>>
        %dma_wait3A_383 = tpu.memref_squeeze %dma_wait3A_382 : memref<1x640xf32, #tpu.memory_space<vmem>> -> memref<640xf32, #tpu.memory_space<vmem>>
        %dma_wait3A_384 = tpu.memref_slice %arg18[%run_scoped3A_360, %mul3A_323] : memref<16x10240xf32, #tpu.memory_space<vmem_shared>> -> memref<1x640xf32, #tpu.memory_space<vmem_shared>>
        %dma_wait3A_385 = tpu.memref_squeeze %dma_wait3A_384 : memref<1x640xf32, #tpu.memory_space<vmem_shared>> -> memref<640xf32, #tpu.memory_space<vmem_shared>>
        %dma_wait3A_386 = arith.constant 0 : i32
        %dma_wait3A_387 = tpu.memref_slice %arg15[%run_scoped3A_361, %dma_wait3A_386] : memref<16x640xf32, #tpu.memory_space<vmem>> -> memref<1x640xf32, #tpu.memory_space<vmem>>
        %dma_wait3A_388 = tpu.memref_squeeze %dma_wait3A_387 : memref<1x640xf32, #tpu.memory_space<vmem>> -> memref<640xf32, #tpu.memory_space<vmem>>
        %dma_wait3A_389 = tpu.memref_slice %arg18[%run_scoped3A_360, %mul3A_323] : memref<16x10240xf32, #tpu.memory_space<vmem_shared>> -> memref<1x640xf32, #tpu.memory_space<vmem_shared>>
        %dma_wait3A_390 = tpu.memref_squeeze %dma_wait3A_389 : memref<1x640xf32, #tpu.memory_space<vmem_shared>> -> memref<640xf32, #tpu.memory_space<vmem_shared>>
        tpu.wait_dma2 semaphore(%run_scoped3A_370 : memref<!tpu.dma_semaphore, #tpu.memory_space<semaphore_mem>>) src(%dma_wait3A_390 : memref<640xf32, #tpu.memory_space<vmem_shared>>) dst(%dma_wait3A_388 : memref<640xf32, #tpu.memory_space<vmem>>)
        tpu.yield
      }) : () -> ()
      %run_scoped3A_362 = arith.constant 15 : i32
      %run_scoped3A_363 = arith.constant 15 : i32
      "tpu.region"() ({
        %run_scoped3A_370 = tpu.sem_alloc : memref<!tpu.dma_semaphore, #tpu.memory_space<semaphore_mem>>
        %dma_start3A_371 = arith.constant 0 : i32
        %dma_start3A_372 = tpu.memref_slice %arg15[%run_scoped3A_363, %dma_start3A_371] : memref<16x640xf32, #tpu.memory_space<vmem>> -> memref<1x640xf32, #tpu.memory_space<vmem>>
        %dma_start3A_373 = tpu.memref_squeeze %dma_start3A_372 : memref<1x640xf32, #tpu.memory_space<vmem>> -> memref<640xf32, #tpu.memory_space<vmem>>
        %dma_start3A_374 = tpu.memref_slice %arg18[%run_scoped3A_362, %mul3A_323] : memref<16x10240xf32, #tpu.memory_space<vmem_shared>> -> memref<1x640xf32, #tpu.memory_space<vmem_shared>>
        %dma_start3A_375 = tpu.memref_squeeze %dma_start3A_374 : memref<1x640xf32, #tpu.memory_space<vmem_shared>> -> memref<640xf32, #tpu.memory_space<vmem_shared>>
        %dma_start3A_376 = arith.constant 0 : i32
        %dma_start3A_377 = tpu.memref_slice %arg15[%run_scoped3A_363, %dma_start3A_376] : memref<16x640xf32, #tpu.memory_space<vmem>> -> memref<1x640xf32, #tpu.memory_space<vmem>>
        %dma_start3A_378 = tpu.memref_squeeze %dma_start3A_377 : memref<1x640xf32, #tpu.memory_space<vmem>> -> memref<640xf32, #tpu.memory_space<vmem>>
        %dma_start3A_379 = tpu.memref_slice %arg18[%run_scoped3A_362, %mul3A_323] : memref<16x10240xf32, #tpu.memory_space<vmem_shared>> -> memref<1x640xf32, #tpu.memory_space<vmem_shared>>
        %dma_start3A_380 = tpu.memref_squeeze %dma_start3A_379 : memref<1x640xf32, #tpu.memory_space<vmem_shared>> -> memref<640xf32, #tpu.memory_space<vmem_shared>>
        tpu.enqueue_dma source(%dma_start3A_380 : memref<640xf32, #tpu.memory_space<vmem_shared>>) target(%dma_start3A_378 : memref<640xf32, #tpu.memory_space<vmem>>) target_semaphore(%run_scoped3A_370 : memref<!tpu.dma_semaphore, #tpu.memory_space<semaphore_mem>>)
        %dma_wait3A_381 = arith.constant 0 : i32
        %dma_wait3A_382 = tpu.memref_slice %arg15[%run_scoped3A_363, %dma_wait3A_381] : memref<16x640xf32, #tpu.memory_space<vmem>> -> memref<1x640xf32, #tpu.memory_space<vmem>>
        %dma_wait3A_383 = tpu.memref_squeeze %dma_wait3A_382 : memref<1x640xf32, #tpu.memory_space<vmem>> -> memref<640xf32, #tpu.memory_space<vmem>>
        %dma_wait3A_384 = tpu.memref_slice %arg18[%run_scoped3A_362, %mul3A_323] : memref<16x10240xf32, #tpu.memory_space<vmem_shared>> -> memref<1x640xf32, #tpu.memory_space<vmem_shared>>
        %dma_wait3A_385 = tpu.memref_squeeze %dma_wait3A_384 : memref<1x640xf32, #tpu.memory_space<vmem_shared>> -> memref<640xf32, #tpu.memory_space<vmem_shared>>
        %dma_wait3A_386 = arith.constant 0 : i32
        %dma_wait3A_387 = tpu.memref_slice %arg15[%run_scoped3A_363, %dma_wait3A_386] : memref<16x640xf32, #tpu.memory_space<vmem>> -> memref<1x640xf32, #tpu.memory_space<vmem>>
        %dma_wait3A_388 = tpu.memref_squeeze %dma_wait3A_387 : memref<1x640xf32, #tpu.memory_space<vmem>> -> memref<640xf32, #tpu.memory_space<vmem>>
        %dma_wait3A_389 = tpu.memref_slice %arg18[%run_scoped3A_362, %mul3A_323] : memref<16x10240xf32, #tpu.memory_space<vmem_shared>> -> memref<1x640xf32, #tpu.memory_space<vmem_shared>>
        %dma_wait3A_390 = tpu.memref_squeeze %dma_wait3A_389 : memref<1x640xf32, #tpu.memory_space<vmem_shared>> -> memref<640xf32, #tpu.memory_space<vmem_shared>>
        tpu.wait_dma2 semaphore(%run_scoped3A_370 : memref<!tpu.dma_semaphore, #tpu.memory_space<semaphore_mem>>) src(%dma_wait3A_390 : memref<640xf32, #tpu.memory_space<vmem_shared>>) dst(%dma_wait3A_388 : memref<640xf32, #tpu.memory_space<vmem>>)
        tpu.yield
      }) : () -> ()
      %scan3A_364 = arith.constant 0 : i32
      %scan3A_365 = arith.constant 0 : i32
      %scan3A_366 = arith.constant 40 : i32
      %scan3A_367 = arith.addi %scan3A_365, %scan3A_366 : i32
      %scan3A_368 = arith.constant 1 : i32
      scf.for %scan3A_370 = %scan3A_365 to %scan3A_367 step %scan3A_368  : i32 {
        %mul3A_371 = arith.constant 16 : i32
        %mul3A_372 = arith.muli %scan3A_370, %mul3A_371 : i32
        %get3A = arith.constant 0 : i32
        %get3A_373 = arith.index_cast %get3A : i32 to index
        %get3A_374 = arith.index_cast %mul3A_372 : i32 to index
        %get3A_375 = tpu.vector_load %arg15[%get3A_373, %get3A_374] {strides = array<i32>} : memref<16x640xf32, #tpu.memory_space<vmem>>, vector<16xf32>,
        %get3A_376 = arith.constant 1 : i32
        %get3A_377 = arith.index_cast %get3A_376 : i32 to index
        %get3A_378 = arith.index_cast %mul3A_372 : i32 to index
        %get3A_379 = tpu.vector_load %arg15[%get3A_377, %get3A_378] {strides = array<i32>} : memref<16x640xf32, #tpu.memory_space<vmem>>, vector<16xf32>,
        %add3A_380 = arith.addf %get3A_375, %get3A_379 : vector<16xf32>
        %get3A_381 = arith.constant 2 : i32
        %get3A_382 = arith.index_cast %get3A_381 : i32 to index
        %get3A_383 = arith.index_cast %mul3A_372 : i32 to index
        %get3A_384 = tpu.vector_load %arg15[%get3A_382, %get3A_383] {strides = array<i32>} : memref<16x640xf32, #tpu.memory_space<vmem>>, vector<16xf32>,
        %add3A_385 = arith.addf %add3A_380, %get3A_384 : vector<16xf32>
        %get3A_386 = arith.constant 3 : i32
        %get3A_387 = arith.index_cast %get3A_386 : i32 to index
        %get3A_388 = arith.index_cast %mul3A_372 : i32 to index
        %get3A_389 = tpu.vector_load %arg15[%get3A_387, %get3A_388] {strides = array<i32>} : memref<16x640xf32, #tpu.memory_space<vmem>>, vector<16xf32>,
        %add3A_390 = arith.addf %add3A_385, %get3A_389 : vector<16xf32>
        %get3A_391 = arith.constant 4 : i32
        %get3A_392 = arith.index_cast %get3A_391 : i32 to index
        %get3A_393 = arith.index_cast %mul3A_372 : i32 to index
        %get3A_394 = tpu.vector_load %arg15[%get3A_392, %get3A_393] {strides = array<i32>} : memref<16x640xf32, #tpu.memory_space<vmem>>, vector<16xf32>,
        %add3A_395 = arith.addf %add3A_390, %get3A_394 : vector<16xf32>
        %get3A_396 = arith.constant 5 : i32
        %get3A_397 = arith.index_cast %get3A_396 : i32 to index
        %get3A_398 = arith.index_cast %mul3A_372 : i32 to index
        %get3A_399 = tpu.vector_load %arg15[%get3A_397, %get3A_398] {strides = array<i32>} : memref<16x640xf32, #tpu.memory_space<vmem>>, vector<16xf32>,
        %add3A_400 = arith.addf %add3A_395, %get3A_399 : vector<16xf32>
        %get3A_401 = arith.constant 6 : i32
        %get3A_402 = arith.index_cast %get3A_401 : i32 to index
        %get3A_403 = arith.index_cast %mul3A_372 : i32 to index
        %get3A_404 = tpu.vector_load %arg15[%get3A_402, %get3A_403] {strides = array<i32>} : memref<16x640xf32, #tpu.memory_space<vmem>>, vector<16xf32>,
        %add3A_405 = arith.addf %add3A_400, %get3A_404 : vector<16xf32>
        %get3A_406 = arith.constant 7 : i32
        %get3A_407 = arith.index_cast %get3A_406 : i32 to index
        %get3A_408 = arith.index_cast %mul3A_372 : i32 to index
        %get3A_409 = tpu.vector_load %arg15[%get3A_407, %get3A_408] {strides = array<i32>} : memref<16x640xf32, #tpu.memory_space<vmem>>, vector<16xf32>,
        %add3A_410 = arith.addf %add3A_405, %get3A_409 : vector<16xf32>
        %get3A_411 = arith.constant 8 : i32
        %get3A_412 = arith.index_cast %get3A_411 : i32 to index
        %get3A_413 = arith.index_cast %mul3A_372 : i32 to index
        %get3A_414 = tpu.vector_load %arg15[%get3A_412, %get3A_413] {strides = array<i32>} : memref<16x640xf32, #tpu.memory_space<vmem>>, vector<16xf32>,
        %add3A_415 = arith.addf %add3A_410, %get3A_414 : vector<16xf32>
        %get3A_416 = arith.constant 9 : i32
        %get3A_417 = arith.index_cast %get3A_416 : i32 to index
        %get3A_418 = arith.index_cast %mul3A_372 : i32 to index
        %get3A_419 = tpu.vector_load %arg15[%get3A_417, %get3A_418] {strides = array<i32>} : memref<16x640xf32, #tpu.memory_space<vmem>>, vector<16xf32>,
        %add3A_420 = arith.addf %add3A_415, %get3A_419 : vector<16xf32>
        %get3A_421 = arith.constant 10 : i32
        %get3A_422 = arith.index_cast %get3A_421 : i32 to index
        %get3A_423 = arith.index_cast %mul3A_372 : i32 to index
        %get3A_424 = tpu.vector_load %arg15[%get3A_422, %get3A_423] {strides = array<i32>} : memref<16x640xf32, #tpu.memory_space<vmem>>, vector<16xf32>,
        %add3A_425 = arith.addf %add3A_420, %get3A_424 : vector<16xf32>
        %get3A_426 = arith.constant 11 : i32
        %get3A_427 = arith.index_cast %get3A_426 : i32 to index
        %get3A_428 = arith.index_cast %mul3A_372 : i32 to index
        %get3A_429 = tpu.vector_load %arg15[%get3A_427, %get3A_428] {strides = array<i32>} : memref<16x640xf32, #tpu.memory_space<vmem>>, vector<16xf32>,
        %add3A_430 = arith.addf %add3A_425, %get3A_429 : vector<16xf32>
        %get3A_431 = arith.constant 12 : i32
        %get3A_432 = arith.index_cast %get3A_431 : i32 to index
        %get3A_433 = arith.index_cast %mul3A_372 : i32 to index
        %get3A_434 = tpu.vector_load %arg15[%get3A_432, %get3A_433] {strides = array<i32>} : memref<16x640xf32, #tpu.memory_space<vmem>>, vector<16xf32>,
        %add3A_435 = arith.addf %add3A_430, %get3A_434 : vector<16xf32>
        %get3A_436 = arith.constant 13 : i32
        %get3A_437 = arith.index_cast %get3A_436 : i32 to index
        %get3A_438 = arith.index_cast %mul3A_372 : i32 to index
        %get3A_439 = tpu.vector_load %arg15[%get3A_437, %get3A_438] {strides = array<i32>} : memref<16x640xf32, #tpu.memory_space<vmem>>, vector<16xf32>,
        %add3A_440 = arith.addf %add3A_435, %get3A_439 : vector<16xf32>
        %get3A_441 = arith.constant 14 : i32
        %get3A_442 = arith.index_cast %get3A_441 : i32 to index
        %get3A_443 = arith.index_cast %mul3A_372 : i32 to index
        %get3A_444 = tpu.vector_load %arg15[%get3A_442, %get3A_443] {strides = array<i32>} : memref<16x640xf32, #tpu.memory_space<vmem>>, vector<16xf32>,
        %add3A_445 = arith.addf %add3A_440, %get3A_444 : vector<16xf32>
        %get3A_446 = arith.constant 15 : i32
        %get3A_447 = arith.index_cast %get3A_446 : i32 to index
        %get3A_448 = arith.index_cast %mul3A_372 : i32 to index
        %get3A_449 = tpu.vector_load %arg15[%get3A_447, %get3A_448] {strides = array<i32>} : memref<16x640xf32, #tpu.memory_space<vmem>>, vector<16xf32>,
        %add3A_450 = arith.addf %add3A_445, %get3A_449 : vector<16xf32>
        %swap3A = arith.index_cast %mul3A_372 : i32 to index
        %swap3A_451 = tpu.vector_load %arg16[%swap3A] {strides = array<i32>} : memref<640xf32, #tpu.memory_space<vmem>>, vector<16xf32>,
        tpu.vector_store %arg16[%swap3A], %add3A_450 {strides = array<i32>} : memref<640xf32, #tpu.memory_space<vmem>>, vector<16xf32>,
      }
      %scan3A_369 = arith.constant 40 : i32
      "tpu.region"() ({
        %run_scoped3A_370 = tpu.sem_alloc : memref<!tpu.dma_semaphore, #tpu.memory_space<semaphore_mem>>
        %dma_start3A_371 = tpu.memref_slice %arg6[%mul3A_323] : memref<10240xf32, #tpu.memory_space<hbm>> -> memref<640xf32, #tpu.memory_space<hbm>>
        %dma_start3A_372 = tpu.memref_slice %arg6[%mul3A_323] : memref<10240xf32, #tpu.memory_space<hbm>> -> memref<640xf32, #tpu.memory_space<hbm>>
        tpu.enqueue_dma source(%arg16 : memref<640xf32, #tpu.memory_space<vmem>>) target(%dma_start3A_372 : memref<640xf32, #tpu.memory_space<hbm>>) target_semaphore(%run_scoped3A_370 : memref<!tpu.dma_semaphore, #tpu.memory_space<semaphore_mem>>)
        %dma_wait3A_373 = tpu.memref_slice %arg6[%mul3A_323] : memref<10240xf32, #tpu.memory_space<hbm>> -> memref<640xf32, #tpu.memory_space<hbm>>
        %dma_wait3A_374 = tpu.memref_slice %arg6[%mul3A_323] : memref<10240xf32, #tpu.memory_space<hbm>> -> memref<640xf32, #tpu.memory_space<hbm>>
        tpu.wait_dma2 semaphore(%run_scoped3A_370 : memref<!tpu.dma_semaphore, #tpu.memory_space<semaphore_mem>>) src(%arg16 : memref<640xf32, #tpu.memory_space<vmem>>) dst(%dma_wait3A_374 : memref<640xf32, #tpu.memory_space<hbm>>)
        tpu.yield
      }) : () -> ()
    } else {
    }
    return
  }
}

module attributes {stable_mosaic.version = 14 : i64} {
  func.func @_tc_prep(%arg0: i32, %arg1: memref<2x65536xi32, #tpu.memory_space<vmem>>, %arg2: memref<2x512x128xi32, #tpu.memory_space<vmem>>, %arg3: memref<512x128xi32, #tpu.memory_space<vmem>>) attributes {dimension_semantics = [#tpu.dimension_semantics<arbitrary>], iteration_bounds = array<i64: 5>, scalar_prefetch = 0 : i64, scratch_operands = 0 : i64, tpu.core_type = #tpu.core_type<tc>, window_params = [{transform_indices = @transform_0, window_bounds = array<i64: 2, 65536>}, {transform_indices = @transform_1, window_bounds = array<i64: 2, 512, 128>}, {transform_indices = @transform_2, window_bounds = array<i64: 512, 128>}]} {
    %get3A = arith.constant 0 : index
    %get3A_0 = arith.constant 0 : index
    %get3A_1 = vector.load %arg1[%get3A, %get3A_0] : memref<2x65536xi32, #tpu.memory_space<vmem>>, vector<1x65536xi32>
    %get3A_2 = vector.shape_cast %get3A_1 : vector<1x65536xi32> to vector<65536xi32>
    %reshape3A = vector.shape_cast %get3A_2 : vector<65536xi32> to vector<512x128xi32>
    %get3A_3 = arith.constant 1 : index
    %get3A_4 = arith.constant 0 : index
    %get3A_5 = vector.load %arg1[%get3A_3, %get3A_4] : memref<2x65536xi32, #tpu.memory_space<vmem>>, vector<1x65536xi32>
    %get3A_6 = vector.shape_cast %get3A_5 : vector<1x65536xi32> to vector<65536xi32>
    %reshape3A_7 = vector.shape_cast %get3A_6 : vector<65536xi32> to vector<512x128xi32>
    %iota3A = tpu.iota {dimensions = array<i32: 0>} : vector<512x128xi32>
    %mul3A = arith.constant 128 : i32
    %mul3A_8 = vector.broadcast %mul3A : i32 to vector<512x128xi32>
    %mul3A_9 = arith.muli %iota3A, %mul3A_8 : vector<512x128xi32>
    %iota3A_10 = tpu.iota {dimensions = array<i32: 1>} : vector<512x128xi32>
    %add3A = arith.addi %mul3A_9, %iota3A_10 : vector<512x128xi32>
    %mul3A_11 = arith.constant 65536 : i32
    %mul3A_12 = arith.muli %arg0, %mul3A_11 : i32
    %add3A_13 = vector.broadcast %mul3A_12 : i32 to vector<512x128xi32>
    %add3A_14 = arith.addi %add3A_13, %add3A : vector<512x128xi32>
    %lt3A = arith.constant 320000 : i32
    %lt3A_15 = vector.broadcast %lt3A : i32 to vector<512x128xi32>
    %lt3A_16 = arith.cmpi slt, %add3A_14, %lt3A_15 : vector<512x128xi32>
    %jit3A = arith.constant 10000 : i32
    %eq3A = arith.constant 0 : i32
    %eq3A_17 = arith.cmpi eq, %jit3A, %eq3A : i32
    %jit3A_18 = arith.constant 1 : i32
    %select_n3A = arith.select %eq3A_17, %jit3A_18, %jit3A : i32
    %rem3A = vector.broadcast %select_n3A : i32 to vector<512x128xi32>
    %rem3A_19 = arith.remsi %add3A_14, %rem3A : vector<512x128xi32>
    %ne3A = arith.constant 0 : i32
    %ne3A_20 = vector.broadcast %ne3A : i32 to vector<512x128xi32>
    %ne3A_21 = arith.cmpi ne, %rem3A_19, %ne3A_20 : vector<512x128xi32>
    %lt3A_22 = arith.constant 0 : i32
    %lt3A_23 = vector.broadcast %lt3A_22 : i32 to vector<512x128xi32>
    %lt3A_24 = arith.cmpi slt, %rem3A_19, %lt3A_23 : vector<512x128xi32>
    %lt3A_25 = arith.constant 0 : i32
    %lt3A_26 = arith.cmpi slt, %select_n3A, %lt3A_25 : i32
    %ne3A_27 = vector.broadcast %lt3A_26 : i1 to vector<512x128xi1>
    %ne3A_28 = vector.broadcast %ne3A_27 : vector<512x128xi1> to vector<512x128xi1>
    %ne3A_29 = arith.xori %lt3A_24, %ne3A_28 : vector<512x128xi1>
    %and3A = arith.andi %ne3A_29, %ne3A_21 : vector<512x128xi1>
    %add3A_30 = vector.broadcast %select_n3A : i32 to vector<512x128xi32>
    %add3A_31 = arith.addi %rem3A_19, %add3A_30 : vector<512x128xi32>
    %select_n3A_32 = arith.select %and3A, %add3A_31, %rem3A_19 : vector<512x128xi1>, vector<512x128xi32>
    %select_n3A_33 = arith.select %lt3A_16, %reshape3A, %select_n3A_32 : vector<512x128xi1>, vector<512x128xi32>
    %jit3A_34 = arith.constant 240 : i32
    %eq3A_35 = arith.constant 0 : i32
    %eq3A_36 = arith.cmpi eq, %jit3A_34, %eq3A_35 : i32
    %jit3A_37 = arith.constant 1 : i32
    %select_n3A_38 = arith.select %eq3A_36, %jit3A_37, %jit3A_34 : i32
    %rem3A_39 = vector.broadcast %select_n3A_38 : i32 to vector<512x128xi32>
    %rem3A_40 = arith.remsi %add3A_14, %rem3A_39 : vector<512x128xi32>
    %ne3A_41 = arith.constant 0 : i32
    %ne3A_42 = vector.broadcast %ne3A_41 : i32 to vector<512x128xi32>
    %ne3A_43 = arith.cmpi ne, %rem3A_40, %ne3A_42 : vector<512x128xi32>
    %lt3A_44 = arith.constant 0 : i32
    %lt3A_45 = vector.broadcast %lt3A_44 : i32 to vector<512x128xi32>
    %lt3A_46 = arith.cmpi slt, %rem3A_40, %lt3A_45 : vector<512x128xi32>
    %lt3A_47 = arith.constant 0 : i32
    %lt3A_48 = arith.cmpi slt, %select_n3A_38, %lt3A_47 : i32
    %ne3A_49 = vector.broadcast %lt3A_48 : i1 to vector<512x128xi1>
    %ne3A_50 = vector.broadcast %ne3A_49 : vector<512x128xi1> to vector<512x128xi1>
    %ne3A_51 = arith.xori %lt3A_46, %ne3A_50 : vector<512x128xi1>
    %and3A_52 = arith.andi %ne3A_51, %ne3A_43 : vector<512x128xi1>
    %add3A_53 = vector.broadcast %select_n3A_38 : i32 to vector<512x128xi32>
    %add3A_54 = arith.addi %rem3A_40, %add3A_53 : vector<512x128xi32>
    %select_n3A_55 = arith.select %and3A_52, %add3A_54, %rem3A_40 : vector<512x128xi1>, vector<512x128xi32>
    %add3A_56 = arith.constant 10000 : i32
    %add3A_57 = vector.broadcast %add3A_56 : i32 to vector<512x128xi32>
    %add3A_58 = arith.addi %add3A_57, %select_n3A_55 : vector<512x128xi32>
    %select_n3A_59 = arith.select %lt3A_16, %reshape3A_7, %add3A_58 : vector<512x128xi1>, vector<512x128xi32>
    %mul3A_60 = arith.constant 2 : i32
    %mul3A_61 = vector.broadcast %mul3A_60 : i32 to vector<512x128xi32>
    %mul3A_62 = arith.muli %select_n3A_33, %mul3A_61 : vector<512x128xi32>
    %swap3A = arith.constant 0 : index
    %swap3A_63 = arith.constant 0 : index
    %swap3A_64 = arith.constant 0 : index
    %swap3A_65 = vector.load %arg2[%swap3A, %swap3A_63, %swap3A_64] : memref<2x512x128xi32, #tpu.memory_space<vmem>>, vector<1x512x128xi32>
    %swap3A_66 = vector.shape_cast %swap3A_65 : vector<1x512x128xi32> to vector<512x128xi32>
    %swap3A_67 = vector.shape_cast %mul3A_62 : vector<512x128xi32> to vector<1x512x128xi32>
    tpu.vector_store %arg2[%swap3A, %swap3A_63, %swap3A_64], %swap3A_67 {strides = array<i32>} : memref<2x512x128xi32, #tpu.memory_space<vmem>>, vector<1x512x128xi32>,
    %mul3A_68 = arith.constant 2 : i32
    %mul3A_69 = vector.broadcast %mul3A_68 : i32 to vector<512x128xi32>
    %mul3A_70 = arith.muli %select_n3A_33, %mul3A_69 : vector<512x128xi32>
    %add3A_71 = arith.constant 1 : i32
    %add3A_72 = vector.broadcast %add3A_71 : i32 to vector<512x128xi32>
    %add3A_73 = arith.addi %mul3A_70, %add3A_72 : vector<512x128xi32>
    %swap3A_74 = arith.constant 1 : index
    %swap3A_75 = arith.constant 0 : index
    %swap3A_76 = arith.constant 0 : index
    %swap3A_77 = vector.load %arg2[%swap3A_74, %swap3A_75, %swap3A_76] : memref<2x512x128xi32, #tpu.memory_space<vmem>>, vector<1x512x128xi32>
    %swap3A_78 = vector.shape_cast %swap3A_77 : vector<1x512x128xi32> to vector<512x128xi32>
    %swap3A_79 = vector.shape_cast %add3A_73 : vector<512x128xi32> to vector<1x512x128xi32>
    tpu.vector_store %arg2[%swap3A_74, %swap3A_75, %swap3A_76], %swap3A_79 {strides = array<i32>} : memref<2x512x128xi32, #tpu.memory_space<vmem>>, vector<1x512x128xi32>,
    %swap3A_80 = arith.constant 0 : index
    %swap3A_81 = arith.constant 0 : index
    %swap3A_82 = vector.load %arg3[%swap3A_80, %swap3A_81] : memref<512x128xi32, #tpu.memory_space<vmem>>, vector<512x128xi32>
    tpu.vector_store %arg3[%swap3A_80, %swap3A_81], %select_n3A_59 {strides = array<i32>} : memref<512x128xi32, #tpu.memory_space<vmem>>, vector<512x128xi32>,
    return
  }
  func.func @transform_0(%arg0: i32) -> (i32, i32) {
    %c0_i32 = arith.constant 0 : i32
    %c0_i32_0 = arith.constant 0 : i32
    return %c0_i32, %arg0 : i32, i32
  }
  func.func @transform_1(%arg0: i32) -> (i32, i32, i32) {
    %c0_i32 = arith.constant 0 : i32
    %c0_i32_0 = arith.constant 0 : i32
    %c0_i32_1 = arith.constant 0 : i32
    return %c0_i32, %arg0, %c0_i32_0 : i32, i32, i32
  }
  func.func @transform_2(%arg0: i32) -> (i32, i32) {
    %c0_i32 = arith.constant 0 : i32
    %c0_i32_0 = arith.constant 0 : i32
    return %arg0, %c0_i32 : i32, i32
  }
}

module attributes {stable_mosaic.version = 14 : i64} {
  func.func @_tc_layer2(%arg0: i32, %arg1: memref<2000x128xf32, #tpu.memory_space<vmem>>, %arg2: memref<2000x128xf32, #tpu.memory_space<vmem>>, %arg3: memref<2000x1xf32, #tpu.memory_space<vmem>>, %arg4: memref<128x128xf32, #tpu.memory_space<vmem>>, %arg5: memref<1x128xf32, #tpu.memory_space<vmem>>, %arg6: memref<128x10xf32, #tpu.memory_space<vmem>>, %arg7: memref<1x10xf32, #tpu.memory_space<vmem>>, %arg8: memref<1x10xf32, #tpu.memory_space<vmem>>, %arg9: memref<8x128xf32, #tpu.memory_space<vmem>>) attributes {dimension_semantics = [#tpu.dimension_semantics<arbitrary>], iteration_bounds = array<i64: 5>, scalar_prefetch = 0 : i64, scratch_operands = 1 : i64, tpu.core_type = #tpu.core_type<tc>, window_params = [{transform_indices = @transform_0, window_bounds = array<i64: 2000, 128>}, {transform_indices = @transform_1, window_bounds = array<i64: 2000, 128>}, {transform_indices = @transform_2, window_bounds = array<i64: 2000, 1>}, {pipeline_mode = #tpu.pipeline_mode<synchronous>, transform_indices = @transform_3, window_bounds = array<i64: 128, 128>}, {pipeline_mode = #tpu.pipeline_mode<synchronous>, transform_indices = @transform_4, window_bounds = array<i64: 1, 128>}, {pipeline_mode = #tpu.pipeline_mode<synchronous>, transform_indices = @transform_5, window_bounds = array<i64: 128, 10>}, {pipeline_mode = #tpu.pipeline_mode<synchronous>, transform_indices = @transform_6, window_bounds = array<i64: 1, 10>}, {pipeline_mode = #tpu.pipeline_mode<synchronous>, transform_indices = @transform_7, window_bounds = array<i64: 1, 10>}]} {
    %get3A = arith.constant 0 : index
    %get3A_0 = arith.constant 0 : index
    %get3A_1 = vector.load %arg1[%get3A, %get3A_0] : memref<2000x128xf32, #tpu.memory_space<vmem>>, vector<2000x128xf32>
    %get3A_2 = arith.constant 0 : index
    %get3A_3 = arith.constant 0 : index
    %get3A_4 = vector.load %arg2[%get3A_2, %get3A_3] : memref<2000x128xf32, #tpu.memory_space<vmem>>, vector<2000x128xf32>
    %add3A = arith.addf %get3A_1, %get3A_4 : vector<2000x128xf32>
    %get3A_5 = arith.constant 0 : index
    %get3A_6 = arith.constant 0 : index
    %get3A_7 = vector.load %arg3[%get3A_5, %get3A_6] : memref<2000x1xf32, #tpu.memory_space<vmem>>, vector<2000x1xf32>
    %add3A_8 = arith.constant 1.000000e+00 : f32
    %add3A_9 = vector.broadcast %add3A_8 : f32 to vector<2000x1xf32>
    %add3A_10 = arith.addf %get3A_7, %add3A_9 : vector<2000x1xf32>
    %div3A = vector.broadcast %add3A_10 : vector<2000x1xf32> to vector<2000x128xf32>
    %div3A_11 = arith.divf %add3A, %div3A : vector<2000x128xf32>
    %get3A_12 = arith.constant 0 : index
    %get3A_13 = arith.constant 0 : index
    %get3A_14 = vector.load %arg4[%get3A_12, %get3A_13] : memref<128x128xf32, #tpu.memory_space<vmem>>, vector<128x128xf32>
    %dot_general3A = arith.constant dense<0.000000e+00> : vector<2000x128xf32>
    %dot_general3A_15 = tpu.matmul %div3A_11, %get3A_14, %dot_general3A {dimension_numbers = #tpu.dot_dimension_numbers<[1], [0], [0], [1], [0, 0, 1, 1], [], []>, transpose_lhs_hint = false} : vector<2000x128xf32>, vector<128x128xf32>, vector<2000x128xf32> -> vector<2000x128xf32>
    %get3A_16 = arith.constant 0 : index
    %get3A_17 = arith.constant 0 : index
    %get3A_18 = vector.load %arg5[%get3A_16, %get3A_17] : memref<1x128xf32, #tpu.memory_space<vmem>>, vector<1x128xf32>
    %add3A_19 = vector.broadcast %get3A_18 : vector<1x128xf32> to vector<2000x128xf32>
    %add3A_20 = arith.addf %dot_general3A_15, %add3A_19 : vector<2000x128xf32>
    %max3A = arith.constant 0.000000e+00 : f32
    %max3A_21 = vector.broadcast %max3A : f32 to vector<2000x128xf32>
    %max3A_22 = arith.maximumf %add3A_20, %max3A_21 : vector<2000x128xf32>
    %reduce_sum3A = arith.constant dense<0.000000e+00> : vector<128xf32>
    %reduce_sum3A_23 = vector.multi_reduction <add>, %max3A_22, %reduce_sum3A [0] : vector<2000x128xf32> to vector<128xf32>
    %broadcast_in_dim3A = vector.shape_cast %reduce_sum3A_23 : vector<128xf32> to vector<1x128xf32>
    %eq3A = arith.constant 0 : i32
    %eq3A_24 = arith.cmpi eq, %arg0, %eq3A : i32
    %convert_element_type3A = arith.extui %eq3A_24 : i1 to i32
    %cond3A = arith.constant 0 : i32
    %cond3A_25 = arith.cmpi ne, %convert_element_type3A, %cond3A : i32
    scf.if %cond3A_25 {
      %swap3A = arith.constant 0 : index
      %swap3A_35 = arith.constant 0 : index
      %swap3A_36 = vector.load %arg9[%swap3A, %swap3A_35] : memref<8x128xf32, #tpu.memory_space<vmem>>, vector<1x128xf32>
      tpu.vector_store %arg9[%swap3A, %swap3A_35], %broadcast_in_dim3A {strides = array<i32>} : memref<8x128xf32, #tpu.memory_space<vmem>>, vector<1x128xf32>,
    } else {
    }
    %gt3A = arith.constant 0 : i32
    %gt3A_26 = arith.cmpi sgt, %arg0, %gt3A : i32
    %convert_element_type3A_27 = arith.extui %gt3A_26 : i1 to i32
    %cond3A_28 = arith.constant 0 : i32
    %cond3A_29 = arith.cmpi ne, %convert_element_type3A_27, %cond3A_28 : i32
    scf.if %cond3A_29 {
      %get3A_35 = arith.constant 0 : index
      %get3A_36 = arith.constant 0 : index
      %get3A_37 = vector.load %arg9[%get3A_35, %get3A_36] : memref<8x128xf32, #tpu.memory_space<vmem>>, vector<1x128xf32>
      %add3A_38 = arith.addf %get3A_37, %broadcast_in_dim3A : vector<1x128xf32>
      %swap3A = arith.constant 0 : index
      %swap3A_39 = arith.constant 0 : index
      %swap3A_40 = vector.load %arg9[%swap3A, %swap3A_39] : memref<8x128xf32, #tpu.memory_space<vmem>>, vector<1x128xf32>
      tpu.vector_store %arg9[%swap3A, %swap3A_39], %add3A_38 {strides = array<i32>} : memref<8x128xf32, #tpu.memory_space<vmem>>, vector<1x128xf32>,
    } else {
    }
    %eq3A_30 = arith.constant 4 : i32
    %eq3A_31 = arith.cmpi eq, %arg0, %eq3A_30 : i32
    %convert_element_type3A_32 = arith.extui %eq3A_31 : i1 to i32
    %cond3A_33 = arith.constant 0 : i32
    %cond3A_34 = arith.cmpi ne, %convert_element_type3A_32, %cond3A_33 : i32
    scf.if %cond3A_34 {
      %get3A_35 = arith.constant 0 : index
      %get3A_36 = arith.constant 0 : index
      %get3A_37 = vector.load %arg9[%get3A_35, %get3A_36] : memref<8x128xf32, #tpu.memory_space<vmem>>, vector<1x128xf32>
      %mul3A = arith.constant 9.99999974E-5 : f32
      %mul3A_38 = vector.broadcast %mul3A : f32 to vector<1x128xf32>
      %mul3A_39 = arith.mulf %get3A_37, %mul3A_38 : vector<1x128xf32>
      %max3A_40 = arith.constant 0.000000e+00 : f32
      %max3A_41 = vector.broadcast %max3A_40 : f32 to vector<1x128xf32>
      %max3A_42 = arith.maximumf %mul3A_39, %max3A_41 : vector<1x128xf32>
      %get3A_43 = arith.constant 0 : index
      %get3A_44 = arith.constant 0 : index
      %get3A_45 = vector.load %arg6[%get3A_43, %get3A_44] : memref<128x10xf32, #tpu.memory_space<vmem>>, vector<128x10xf32>
      %dot_general3A_46 = arith.constant dense<0.000000e+00> : vector<1x10xf32>
      %dot_general3A_47 = tpu.matmul %max3A_42, %get3A_45, %dot_general3A_46 {dimension_numbers = #tpu.dot_dimension_numbers<[1], [0], [0], [1], [0, 0, 1, 1], [], []>, transpose_lhs_hint = false} : vector<1x128xf32>, vector<128x10xf32>, vector<1x10xf32> -> vector<1x10xf32>
      %get3A_48 = arith.constant 0 : index
      %get3A_49 = arith.constant 0 : index
      %get3A_50 = vector.load %arg7[%get3A_48, %get3A_49] : memref<1x10xf32, #tpu.memory_space<vmem>>, vector<1x10xf32>
      %add3A_51 = arith.addf %dot_general3A_47, %get3A_50 : vector<1x10xf32>
      %swap3A = arith.constant 0 : index
      %swap3A_52 = arith.constant 0 : index
      %swap3A_53 = vector.load %arg8[%swap3A, %swap3A_52] : memref<1x10xf32, #tpu.memory_space<vmem>>, vector<1x10xf32>
      tpu.vector_store %arg8[%swap3A, %swap3A_52], %add3A_51 {strides = array<i32>} : memref<1x10xf32, #tpu.memory_space<vmem>>, vector<1x10xf32>,
    } else {
    }
    return
  }
  func.func @transform_0(%arg0: i32) -> (i32, i32) {
    %c0_i32 = arith.constant 0 : i32
    %c0_i32_0 = arith.constant 0 : i32
    return %arg0, %c0_i32 : i32, i32
  }
  func.func @transform_1(%arg0: i32) -> (i32, i32) {
    %c0_i32 = arith.constant 0 : i32
    %c0_i32_0 = arith.constant 0 : i32
    return %arg0, %c0_i32 : i32, i32
  }
  func.func @transform_2(%arg0: i32) -> (i32, i32) {
    %c0_i32 = arith.constant 0 : i32
    %c0_i32_0 = arith.constant 0 : i32
    return %arg0, %c0_i32 : i32, i32
  }
  func.func @transform_3(%arg0: i32) -> (i32, i32) {
    %c0_i32 = arith.constant 0 : i32
    %c0_i32_0 = arith.constant 0 : i32
    %c0_i32_1 = arith.constant 0 : i32
    return %c0_i32, %c0_i32_0 : i32, i32
  }
  func.func @transform_4(%arg0: i32) -> (i32, i32) {
    %c0_i32 = arith.constant 0 : i32
    %c0_i32_0 = arith.constant 0 : i32
    %c0_i32_1 = arith.constant 0 : i32
    return %c0_i32, %c0_i32_0 : i32, i32
  }
  func.func @transform_5(%arg0: i32) -> (i32, i32) {
    %c0_i32 = arith.constant 0 : i32
    %c0_i32_0 = arith.constant 0 : i32
    %c0_i32_1 = arith.constant 0 : i32
    return %c0_i32, %c0_i32_0 : i32, i32
  }
  func.func @transform_6(%arg0: i32) -> (i32, i32) {
    %c0_i32 = arith.constant 0 : i32
    %c0_i32_0 = arith.constant 0 : i32
    %c0_i32_1 = arith.constant 0 : i32
    return %c0_i32, %c0_i32_0 : i32, i32
  }
  func.func @transform_7(%arg0: i32) -> (i32, i32) {
    %c0_i32 = arith.constant 0 : i32
    %c0_i32_0 = arith.constant 0 : i32
    %c0_i32_1 = arith.constant 0 : i32
    return %c0_i32, %c0_i32_0 : i32, i32
  }
}

module attributes {stable_mosaic.version = 14 : i64} {
  func.func @_tc_layer1(%arg0: i32, %arg1: memref<2000x128xf32, #tpu.memory_space<vmem>>, %arg2: memref<2000x128xf32, #tpu.memory_space<vmem>>, %arg3: memref<2000x1xf32, #tpu.memory_space<vmem>>, %arg4: memref<128x128xf32, #tpu.memory_space<vmem>>, %arg5: memref<1x128xf32, #tpu.memory_space<vmem>>, %arg6: memref<2000x128xf32, #tpu.memory_space<vmem>>) attributes {dimension_semantics = [#tpu.dimension_semantics<arbitrary>], iteration_bounds = array<i64: 5>, scalar_prefetch = 0 : i64, scratch_operands = 0 : i64, tpu.core_type = #tpu.core_type<tc>, window_params = [{transform_indices = @transform_0, window_bounds = array<i64: 2000, 128>}, {transform_indices = @transform_1, window_bounds = array<i64: 2000, 128>}, {transform_indices = @transform_2, window_bounds = array<i64: 2000, 1>}, {pipeline_mode = #tpu.pipeline_mode<synchronous>, transform_indices = @transform_3, window_bounds = array<i64: 128, 128>}, {pipeline_mode = #tpu.pipeline_mode<synchronous>, transform_indices = @transform_4, window_bounds = array<i64: 1, 128>}, {transform_indices = @transform_5, window_bounds = array<i64: 2000, 128>}]} {
    %get3A = arith.constant 0 : index
    %get3A_0 = arith.constant 0 : index
    %get3A_1 = vector.load %arg1[%get3A, %get3A_0] : memref<2000x128xf32, #tpu.memory_space<vmem>>, vector<2000x128xf32>
    %get3A_2 = arith.constant 0 : index
    %get3A_3 = arith.constant 0 : index
    %get3A_4 = vector.load %arg2[%get3A_2, %get3A_3] : memref<2000x128xf32, #tpu.memory_space<vmem>>, vector<2000x128xf32>
    %add3A = arith.addf %get3A_1, %get3A_4 : vector<2000x128xf32>
    %get3A_5 = arith.constant 0 : index
    %get3A_6 = arith.constant 0 : index
    %get3A_7 = vector.load %arg3[%get3A_5, %get3A_6] : memref<2000x1xf32, #tpu.memory_space<vmem>>, vector<2000x1xf32>
    %add3A_8 = arith.constant 1.000000e+00 : f32
    %add3A_9 = vector.broadcast %add3A_8 : f32 to vector<2000x1xf32>
    %add3A_10 = arith.addf %get3A_7, %add3A_9 : vector<2000x1xf32>
    %div3A = vector.broadcast %add3A_10 : vector<2000x1xf32> to vector<2000x128xf32>
    %div3A_11 = arith.divf %add3A, %div3A : vector<2000x128xf32>
    %get3A_12 = arith.constant 0 : index
    %get3A_13 = arith.constant 0 : index
    %get3A_14 = vector.load %arg4[%get3A_12, %get3A_13] : memref<128x128xf32, #tpu.memory_space<vmem>>, vector<128x128xf32>
    %dot_general3A = arith.constant dense<0.000000e+00> : vector<2000x128xf32>
    %dot_general3A_15 = tpu.matmul %div3A_11, %get3A_14, %dot_general3A {dimension_numbers = #tpu.dot_dimension_numbers<[1], [0], [0], [1], [0, 0, 1, 1], [], []>, transpose_lhs_hint = false} : vector<2000x128xf32>, vector<128x128xf32>, vector<2000x128xf32> -> vector<2000x128xf32>
    %get3A_16 = arith.constant 0 : index
    %get3A_17 = arith.constant 0 : index
    %get3A_18 = vector.load %arg5[%get3A_16, %get3A_17] : memref<1x128xf32, #tpu.memory_space<vmem>>, vector<1x128xf32>
    %add3A_19 = vector.broadcast %get3A_18 : vector<1x128xf32> to vector<2000x128xf32>
    %add3A_20 = arith.addf %dot_general3A_15, %add3A_19 : vector<2000x128xf32>
    %max3A = arith.constant 0.000000e+00 : f32
    %max3A_21 = vector.broadcast %max3A : f32 to vector<2000x128xf32>
    %max3A_22 = arith.maximumf %add3A_20, %max3A_21 : vector<2000x128xf32>
    %swap3A = arith.constant 0 : index
    %swap3A_23 = arith.constant 0 : index
    %swap3A_24 = vector.load %arg6[%swap3A, %swap3A_23] : memref<2000x128xf32, #tpu.memory_space<vmem>>, vector<2000x128xf32>
    tpu.vector_store %arg6[%swap3A, %swap3A_23], %max3A_22 {strides = array<i32>} : memref<2000x128xf32, #tpu.memory_space<vmem>>, vector<2000x128xf32>,
    return
  }
  func.func @transform_0(%arg0: i32) -> (i32, i32) {
    %c0_i32 = arith.constant 0 : i32
    %c0_i32_0 = arith.constant 0 : i32
    return %arg0, %c0_i32 : i32, i32
  }
  func.func @transform_1(%arg0: i32) -> (i32, i32) {
    %c0_i32 = arith.constant 0 : i32
    %c0_i32_0 = arith.constant 0 : i32
    return %arg0, %c0_i32 : i32, i32
  }
  func.func @transform_2(%arg0: i32) -> (i32, i32) {
    %c0_i32 = arith.constant 0 : i32
    %c0_i32_0 = arith.constant 0 : i32
    return %arg0, %c0_i32 : i32, i32
  }
  func.func @transform_3(%arg0: i32) -> (i32, i32) {
    %c0_i32 = arith.constant 0 : i32
    %c0_i32_0 = arith.constant 0 : i32
    %c0_i32_1 = arith.constant 0 : i32
    return %c0_i32, %c0_i32_0 : i32, i32
  }
  func.func @transform_4(%arg0: i32) -> (i32, i32) {
    %c0_i32 = arith.constant 0 : i32
    %c0_i32_0 = arith.constant 0 : i32
    %c0_i32_1 = arith.constant 0 : i32
    return %c0_i32, %c0_i32_0 : i32, i32
  }
  func.func @transform_5(%arg0: i32) -> (i32, i32) {
    %c0_i32 = arith.constant 0 : i32
    %c0_i32_0 = arith.constant 0 : i32
    return %arg0, %c0_i32 : i32, i32
  }
}

</mosaic_0001>

<sc_bundles>
// kernel: kernel.10.cloned.1.call-start
scs
__scs_entry_jumppad:
0x0: {  	(pc) =	sbr.rel $0x88, $3  }
0x1: {  	(tag) =	ssettag $0x0;
	lr =	simm.s32 $0x1  }
0x2: {  	[smem:$0x3F99] =	sst lr;
	_ =	strace $0xD0000000  }
0x3: {  	_ = 	snop  }
0x4: {  	_ = 	snop  }
0x5: {  	_ = 	snop  }
0x6: {  	_ = 	snop  }
0x7: {  	_ = 	snop  }
__scs_overlays_trampoline_lowered:
0x8: {  	[smem:$0x3FA8] =	sst s0  }
0x9: {  	[smem:$0x3FA9] =	sst s1  }
0xa: {  	[smem:$0x3FAA] =	sst s2  }
0xb: {  	[smem:$0x3FAB] =	sst s3  }
0xc: {  	[smem:$0x3FAC] =	sst s4  }
0xd: {  	[smem:$0x3FAD] =	sst s5  }
0xe: {  	[smem:$0x3FAE] =	sst s6  }
0xf: {  	[smem:$0x3FAF] =	sst s7  }
0x10: {  	[smem:$0x3FB0] =	sst s8  }
0x11: {  	[smem:$0x3FB1] =	sst s9;
	s0 =	simm.s32 @!p0 $0x0  }
0x12: {  	s1 =	sld [smem:$0x3F97];
	s0 =	simm.s32 @p0 $0x1  }
0x13: {  	[smem:$0x3FB2] =	sst s0;
	s0 =	simm.s32 @!p1 $0x0  }
0x14: {  	s2 =	sld [smem:$0x3F96];
	s0 =	simm.s32 @p1 $0x1  }
0x15: {  	[smem:$0x3FB3] =	sst s0;
	s0 =	simm.s32 @!p2 $0x0  }
0x16: {  	s3 =	sld [smem:$0x3FDB];
	s0 =	simm.s32 @p2 $0x1  }
0x17: {  	s4 =	simm.s32 $0x1BF5;
	[smem:$0x3FB5] =	sst s0  }
0x18: {  	s0 =	sld [smem:$0x3F98];
	_ =	swait.ge [sflag:s4], $0x0  }
0x19: {  	s7 =	sld [smem:$0x3F99]  }
0x1a: {  	s8 =	sadd.s32 $0xFFFFE003, lr  }
0x1b: {  	s9 =	sadd.s32 $0xFFFFFEF7, lr;
	s5 =	simm.s32 $0xFFFFFFFF;
	p2 =	slt.u32 s8, $0xFFFFF086  }
0x1c: {  	p1 =	slt.u32 s9, $0xF7A;
	s5 =	simm.s32 @!p2 $0x0  }
0x1d: {  	s5 =	simm.s32 @p1 $0x1;
	p0 =	seq.s32 s7, s2  }
0x1e: {  	s7 =	smul.u32 @!p0 $0xF7A, s2;
	p2 =	seq.s32 @!p0 s5, $0x0  }
0x1f: {  	s9 =	smul.u32 $0xF7A, s1;
	s8 =	simm.s32 @!p0 $0x1BF5;
	p2 =	por !p2, p0  }
0x20: {  	[sflag:s8] =	ssyncset.s32 @!p0 $0xFFFFF086;
	s6 =	sadd.s32 @!p0 s3, s7;
	s7 =	simm.s32 @!p0 $0x108  }
0x21: {  	s3 =	sadd.s32 s3, s9;
	s6 =	sadd.s32 @!p0 $0x88, s6;
	s7 =	simm.s32 @p2 $0x1082  }
0x22: {  	[simem:s7], [sflag:s8] =	dma.local @!p0 [hbm:s6], $0xF7A  }
0x23: {  	s9 =	sor.u32 $0xD0000000, s2;
	s6 =	simm.s32 $0x108;
	_ =	swait.ge @!p0 [sflag:s8], $0x0  }
0x24: {  	s3 =	sadd.s32 $0x88, s3;
	s6 =	simm.s32 @!p1 $0x1082;
	[sflag:s4] =	ssyncset.s32 $0xFFFFF086  }
0x25: {  	[simem:s6], [sflag:s4] =	dma.local [hbm:s3], $0xF7A  }
0x26: {  	[smem:$0x3F99] =	sst s1;
	(tag) =	ssettag s2;
	_ =	strace s9  }
0x27: {  	s1 =	sld [smem:$0x3FA9]  }
0x28: {  	s2 =	sld [smem:$0x3FAA]  }
0x29: {  	s4 =	sld [smem:$0x3FAC]  }
0x2a: {  	p0 =	seq.s32 s5, $0x0;
	s5 =	sld [smem:$0x3FAD]  }
0x2b: {  	s6 =	sld [smem:$0x3FAE]  }
0x2c: {  	s7 =	sld [smem:$0x3FAF]  }
0x2d: {  	s3 =	simm.s32 $0x108;
	s8 =	sld [smem:$0x3FB0]  }
0x2e: {  	s3 =	simm.s32 @!p0 $0x1082;
	s9 =	sld [smem:$0x3FB1]  }
0x2f: {  	lr =	sadd.s32 s0, s3;
	s0 =	sld [smem:$0x3FA8]  }
0x30: {  	s3 =	sld [smem:$0x3FAB]  }
0x31: {  	[smem:$0x3FB4] =	sst s10  }
0x32: {  	s10 =	sld [smem:$0x3FB2];
	_ =	sdelay $0x3  }
0x33: {  	p0 =	seq.s32 s10, $0x1;
	s10 =	sld [smem:$0x3FB4];
	_ =	sdelay $0x3  }
0x34: {  	[smem:$0x3FB4] =	sst s10  }
0x35: {  	s10 =	sld [smem:$0x3FB3];
	_ =	sdelay $0x3  }
0x36: {  	p1 =	seq.s32 s10, $0x1;
	s10 =	sld [smem:$0x3FB4];
	_ =	sdelay $0x3  }
0x37: {  	[smem:$0x3FB4] =	sst s10  }
0x38: {  	s10 =	sld [smem:$0x3FB5]  }
0x39: {  	_ = 	snop;
	(pc) =	sbr.ind lr, $3  }
0x3a: {  	_ = 	snop  }
0x3b: {  	_ = 	snop  }
0x3c: {  	p2 =	seq.s32 s10, $0x1;
	s10 =	sld [smem:$0x3FB4]  }
0x3d: {  	_ =	shalt  }
0x3e: {  	_ =	shalt  }
0x3f: {  	_ =	shalt  }
0x40: {  	_ =	shalt  }
0x41: {  	_ =	shalt  }
0x42: {  	_ =	shalt  }
0x43: {  	_ =	shalt  }
0x44: {  	_ =	shalt  }
0x45: {  	_ =	shalt  }
0x46: {  	_ =	shalt  }
0x47: {  	_ =	shalt  }
0x48: {  	_ =	shalt  }
0x49: {  	_ =	shalt  }
0x4a: {  	_ =	shalt  }
0x4b: {  	_ =	shalt  }
0x4c: {  	_ =	shalt  }
0x4d: {  	_ =	shalt  }
0x4e: {  	_ =	shalt  }
0x4f: {  	_ =	shalt  }
0x50: {  	_ =	shalt  }
0x51: {  	_ =	shalt  }
0x52: {  	_ =	shalt  }
0x53: {  	_ =	shalt  }
0x54: {  	_ =	shalt  }
0x55: {  	_ =	shalt  }
0x56: {  	_ =	shalt  }
0x57: {  	_ =	shalt  }
0x58: {  	_ =	shalt  }
0x59: {  	_ =	shalt  }
0x5a: {  	_ =	shalt  }
0x5b: {  	_ =	shalt  }
0x5c: {  	_ =	shalt  }
0x5d: {  	_ =	shalt  }
0x5e: {  	_ =	shalt  }
0x5f: {  	_ =	shalt  }
0x60: {  	_ =	shalt  }
0x61: {  	_ =	shalt  }
0x62: {  	_ =	shalt  }
0x63: {  	_ =	shalt  }
0x64: {  	_ =	shalt  }
0x65: {  	_ =	shalt  }
0x66: {  	_ =	shalt  }
0x67: {  	_ =	shalt  }
0x68: {  	_ =	shalt  }
0x69: {  	_ =	shalt  }
0x6a: {  	_ =	shalt  }
0x6b: {  	_ =	shalt  }
0x6c: {  	_ =	shalt  }
0x6d: {  	_ =	shalt  }
0x6e: {  	_ =	shalt  }
0x6f: {  	_ =	shalt  }
0x70: {  	_ =	shalt  }
0x71: {  	_ =	shalt  }
0x72: {  	_ =	shalt  }
0x73: {  	_ =	shalt  }
0x74: {  	_ =	shalt  }
0x75: {  	_ =	shalt  }
0x76: {  	_ =	shalt  }
0x77: {  	_ =	shalt  }
0x78: {  	_ =	shalt  }
0x79: {  	_ =	shalt  }
0x7a: {  	_ =	shalt  }
0x7b: {  	_ =	shalt  }
0x7c: {  	_ =	shalt  }
0x7d: {  	_ =	shalt  }
0x7e: {  	_ =	shalt  }
0x7f: {  	_ =	shalt  }
0x80: {  	_ =	shalt  }
0x81: {  	_ =	shalt  }
0x82: {  	_ =	shalt  }
0x83: {  	_ =	shalt  }
0x84: {  	_ =	shalt  }
0x85: {  	_ =	shalt  }
0x86: {  	_ =	shalt  }
0x87: {  	_ =	shalt  }
.Lfunc_end0:
.L_simem_size_0:
called_computation.1_lowered:
.L_overlay_start_0:
0x88: {  	s2 =	sld [smem:$0x3FD9]  }
0x89: {  	s3 =	sld [smem:$0x3FFE];
	_ =	sdelay $0x1  }
0x8a: {  	s1 =	srdreg.scid  }
0x8b: {  	s0 =	sand.u32 $0x1, s1  }
0x8c: {  	s16 =	sshll.u32 s0, $0xA;
	s2 =	sadd.s32 s3, s2  }
0x8d: {  	s2 =	sadd.s32 s2, s16  }
0x8e: {  	[smem:$0x3FC0] =	sst s2  }
0x8f: {  	_ = 	snop  }
0x90: {  	(tm) =	ssettm $0x1  }
0x91: {  	s17 =	sld [smem:$0x3FFB];
	_ =	sdelay $0x3  }
0x92: {  	_ =	strace s17  }
0x93: {  	s2 =	sld [smem:$0x3FFC];
	_ =	sdelay $0x3  }
0x94: {  	_ =	strace s2  }
0x95: {  	s2 =	sld [smem:$0x3FFD];
	_ =	sdelay $0x3  }
0x96: {  	_ =	strace s2  }
0x97: {  	_ =	strace $0x8FFFFFFF  }
0x98: {  	s18 =	sld [smem:$0x3FDB];
	_ =	sdelay $0x1  }
0x99: {  	s19 =	simm.s32 $_scs_section_size  }
0x9a: {  	s4 =	simm.s32 $_size__tile_overlayer_lowered;
	s5 =	simm.s32 $_tile_overlayer_lowered  }
0x9b: {  	s22 =	simm.s32 $0x1BFF;
	s21 =	sshll.u32 s5, $0x1;
	s2 =	sadd.s32 s19, s18  }
0x9c: {  	s6 =	simm.s32 $0x0;
	s20 =	sshll.u32 s4, $0x1;
	s4 =	sadd.s32 s21, s2  }
0x9d: {  	[timem:s6], [sflag:s22] =	dma.local [hbm:s4], s20  }
0x9e: {  	_ =	swait.ge [sflag:s22], s20  }
0x9f: {  	s3 =	ssub.s32 $0x0, s20;
	[sflag:s22] =	ssyncset.done $0x0  }
0xa0: {  	[sflag:s22] =	ssyncadd.s32 s3;
	_ =	sdelay $0x1  }
0xa1: {  	s23 =	simm.s32 $0x1B8B  }
0xa2: {  	_ =	swait.ge [sflag:s23], $0x1  }
0xa3: {  	[sflag:s23] =	ssyncset.done $0x0  }
0xa4: {  	s25 =	simm.s32 $0x1B8E;
	s24 =	sld [smem:$0x3FFE];
	[sflag:s23] =	ssyncadd.s32 $0xFFFFFFFF  }
0xa5: {  	s26 =	simm.s32 $execute0_lowered;
	[smem:$0x3FD2] =	sst s25  }
0xa6: {  	s4 =	sshll.u32 s26, $0x1;
	_ =	strace $0x80000049;
	[dreg:$0x1] =	wrdreg $0xFFFFFFFF  }
0xa7: {  	s28 =	simm.s32 $_size_execute0_lowered;
	s2 =	sadd.s32 s2, s4;
	[dreg:$0x0] =	wrdreg $0x0  }
0xa8: {  	s4 =	sshll.u32 s28, $0x1;
	[dreg:$0x2] =	wrdreg s2  }
0xa9: {  	[dreg:$0x3] =	wrdreg s4  }
0xaa: {  	[dreg:$0x4] =	wrdreg $0xC0  }
0xab: {  	_ =	task [dreg:s6], $0x5FFFF  }
0xac: {  	[dreg:$0x1] =	wrdreg $0xFFFFFFFF  }
0xad: {  	[dreg:$0x0] =	wrdreg $0x60  }
0xae: {  	[dreg:$0x2] =	wrdreg s24  }
0xaf: {  	[dreg:$0x3] =	wrdreg $0xB0000  }
0xb0: {  	[dreg:$0x4] =	wrdreg $0x9  }
0xb1: {  	_ =	task.clear_ibuf [dreg:s6], $0x5FFFF;
	_ =	strace $0x90000049  }
0xb2: {  	s29 =	simm.s32 $0x9;
	_ =	strace $0x8000004B  }
0xb3: {  	_ =	swait.ge [sflag:s29], $0x1  }
0xb4: {  	[sflag:s29] =	ssyncadd.s32 $0xFFFFFFFF  }
0xb5: {  	_ =	strace $0x9000004B  }
0xb6: {  	_ =	sfence  }
0xb7: {  	s30 =	sld [smem:$0x0];
	_ =	sdelay $0x2  }
0xb8: {  	s31 =	sshll.u32 s1, $0xD;
	s1 =	sshrl.u32 s1, $0x2  }
0xb9: {  	s3 =	sand.u32 $0x4000, s31;
	s1 =	sadd.s32 s1, s30  }
0xba: {  	s0 =	sor.u32 s3, s0;
	s1 =	sshll.u32 s1, $0x11  }
0xbb: {  	s0 =	sor.u32 s1, s0  }
0xbc: {  	s0 =	sadd.s32 $0x8F2B, s0  }
0xbd: {  	[sflag:s0] =	ssyncadd.remote.s32 $0x1  }
0xbe: {  	_ =	sfence.sel $0xFFFF  }
0xbf: {  	[dreg:$0x0] =	wrdreg $0xFFFFFFFF;
	(pc) =	sbr.abs _section_cstart, $3  }
0xc0: {  	[dreg:$0x1] =	wrdreg $0xFFFFFFFF  }
0xc1: {  	_ =	task.clear_ibuf [dreg:s6], $0x2FFFF;
	_ =	strace $0x9FFFFFFF  }
0xc2: {  	(tm) =	ssettm $0x7FFFFFFF  }
0xc3: {  	_ =	shalt  }
tec
execute0_lowered:
.L_overlay_start_1:
0x0: {  	(tag) =	ssettag $0x1  }
0x1: {  	s0 =	rddreg [dreg:$0x0]  }
0x2: {  	s2 =	rddreg [dreg:$0x1];
	s1 =	srdreg.scid  }
0x3: {  	s13 =	stileid.u32;
	s3 =	simm.s32 $0x0;
	s28 =	simm.s32 $0x1  }
0x4: {  	s30 =	simm.s32 $0x7000;
	s31 =	simm.s32 $0x2;
	s4 =	smul.u32 $0x14000, s13  }
0x5: {  	s29 =	simm.s32 $0x4;
	s1 =	sand.u32 $0x1, s1;
	s6 =	smul.u32 $0x28000, s13  }
0x6: {  	[smem:$0x7FF] =	sst s3;
	s7 =	sadd.s32 $0x3000, s0;
	s10 =	smul.u32 $0x5000, s13  }
0x7: {  	s8 =	sadd.s32 $0x17000, s0;
	s23 =	smul.u32 $0xA00, s13;
	s5 =	sshll.u32 s1, $0x6  }
0x8: {  	_ =	strace $0x8000004A;
	s9 =	ssub.s32 $0x2, s1;
	s1 =	smul.u32 $0x50000, s1  }
0x9: {  	s5 =	sor.u32 s5, s4;
	s4 =	sadd.s32 $0x21000, s0;
	s15 =	sshrl.u32 s6, $0x2  }
0xa: {  	s16 =	sshrl.u32 s9, $0x1;
	s12 =	sshrl.u32 s10, $0x3;
	s26 =	sadd.s32 s23, s8  }
0xb: {  	s23 =	simm.s32 $0x1000;
	s5 =	sshrl.u32 s5, $0x3;
	s6 =	ssub.s32 s9, s16  }
0xc: {  	s21 =	sadd.s32 s10, s1;
	s10 =	sor.u32 $0x400, s10;
	s22 =	sadd.s32 s8, s12  }
0xd: {  	s0 =	sadd.s32 s5, s0;
	s5 =	sadd.s32 s15, s2;
	s11 =	sshrl.u32 s21, $0x3  }
0xe: {  	[dreg:$0x8] =	wrdreg s22;
	s1 =	sadd.s32 s1, s10;
	s6 =	smax.u32 s6, $0x1  }
0xf: {  	s10 =	sshrl.u32 s10, $0x3;
	s17 =	sadd.s32 $0x2000, s5;
	[dreg:$0xc] =	wrdreg s6  }
0x10: {  	s25 =	sor.u32 $0x800, s21;
	s18 =	sadd.s32 $0x4000, s5;
	[dreg:$0x3] =	wrdreg s17  }
0x11: {  	s22 =	simm.s32 $0x80;
	s19 =	sadd.s32 $0x6000, s5;
	[dreg:$0x4] =	wrdreg s18  }
0x12: {  	s21 =	simm.s32 $0x8;
	s20 =	sadd.s32 $0x8000, s5;
	[dreg:$0x5] =	wrdreg s19  }
0x13: {  	s11 =	sadd.s32 s7, s11;
	s1 =	sshrl.u32 s1, $0x3;
	[dreg:$0x6] =	wrdreg s20  }
0x14: {  	s24 =	sadd.s32 s8, s10;
	s0 =	sadd.s32 $0x48200, s0;
	[dreg:$0x7] =	wrdreg s11  }
0x15: {  	s6 =	simm.s32 $0x9;
	s1 =	sadd.s32 s7, s1;
	[dreg:$0xa] =	wrdreg s24  }
0x16: {  	[dreg:$0xb] =	wrdreg s0;
	s0 =	sadd.s32 $0x100, s26;
	s18 =	simm.s32 $0x9000  }
0x17: {  	s19 =	simm.s32 $0xA;
	s24 =	simm.s32 $0x3000;
	s26 =	simm.s32 $0x5000  }
0x18: {  	s20 =	simm.s32 $0x5;
	[dreg:$0x9] =	wrdreg s1;
	s1 =	sshrl.u32 s25, $0x3  }
0x19: {  	[dreg:$0xd] =	wrdreg s0;
	s25 =	simm.s32 $0x3;
	s0 =	simm.s32 $0x6  }
0x1a: {  	v0 =	vimm.f32 $0.0e+00;
	s17 =	sadd.s32 s1, s7;
	s1 =	simm.s32 $0x7;
	s7 =	simm.s32 $0x0  }
.LBB2_1:
0x1b: {  	s9 =	simm.s32 $0x100;
	s8 =	simm.s32 $0x0  }
.LBB2_2:
0x1c: {  	p0 =	sne.s32 s9, $0x7F00;
	[tilespmem:s8+$0x9030] =	vst v0;
	s10 =	smov.u32 s9;
	s9 =	sadd.s32 $0x100, s9  }
.Ltmp0:
0x1d: {  	[tilespmem:s8+$0x9020] =	vst v0;
	(pc) =	sbr.rel @p0 .LBB2_2-.Ltmp0, $3  }
0x1e: {  	[tilespmem:s8+$0x9000] =	vst v0  }
0x1f: {  	[tilespmem:s8+$0x9010] =	vst v0;
	_ =	sdelay $0x1  }
0x20: {  	s8 =	sshra.s32 s10, $0x2  }
0x21: {  	[tilespmem:s8+$0x9030] =	vst v0  }
0x22: {  	[tilespmem:s8+$0x9020] =	vst v0  }
0x23: {  	[tilespmem:s8+$0x9000] =	vst v0  }
0x24: {  	[tilespmem:s8+$0x9010] =	vst v0  }
0x25: {  	[spmem:s5] =	stream.linear.scatter [tilespmem:s18], [sflag:$0xA], $0x2000, $0x38;
	[tilespmem:$0x15000] =	vst v63  }
0x26: {  	_ =	swait.ge [sflag:s19], $0x2000  }
0x27: {  	[sflag:s19] =	ssyncset.done $0x0  }
0x28: {  	s15 =	rddreg [dreg:$0x3];
	[sflag:s19] =	ssyncadd.s32 $0xFFFFE000  }
0x29: {  	[spmem:s15] =	stream.linear.scatter [tilespmem:s18], [sflag:$0xA], $0x2000, $0x38;
	[tilespmem:$0x15000] =	vst v63  }
0x2a: {  	_ =	swait.ge [sflag:s19], $0x2000  }
0x2b: {  	[sflag:s19] =	ssyncset.done $0x0  }
0x2c: {  	s16 =	rddreg [dreg:$0x4];
	[sflag:s19] =	ssyncadd.s32 $0xFFFFE000  }
0x2d: {  	[spmem:s16] =	stream.linear.scatter [tilespmem:s18], [sflag:$0xA], $0x2000, $0x38;
	[tilespmem:$0x15000] =	vst v63  }
0x2e: {  	_ =	swait.ge [sflag:s19], $0x2000  }
0x2f: {  	[sflag:s19] =	ssyncset.done $0x0  }
0x30: {  	s9 =	rddreg [dreg:$0x5];
	[sflag:s19] =	ssyncadd.s32 $0xFFFFE000  }
0x31: {  	[spmem:s9] =	stream.linear.scatter [tilespmem:s18], [sflag:$0xA], $0x2000, $0x38;
	[tilespmem:$0x15000] =	vst v63  }
0x32: {  	_ =	swait.ge [sflag:s19], $0x2000  }
0x33: {  	[sflag:s19] =	ssyncset.done $0x0  }
0x34: {  	s10 =	rddreg [dreg:$0x6];
	[sflag:s19] =	ssyncadd.s32 $0xFFFFE000  }
0x35: {  	[spmem:s10] =	stream.linear.scatter [tilespmem:s18], [sflag:$0xA], $0x2000, $0x38;
	[tilespmem:$0x15000] =	vst v63  }
0x36: {  	_ =	swait.ge [sflag:s19], $0x2000  }
0x37: {  	[sflag:s19] =	ssyncset.done $0x0  }
0x38: {  	[sflag:s19] =	ssyncadd.s32 $0xFFFFE000  }
0x39: {  	[bflag:$0x0] =	sbarrier.arrive $0xFFFF  }
0x3a: {  	s11 =	rddreg [dreg:$0x7]  }
0x3b: {  	[tilespmem:s3], [sflag:$0xA] =	stream.linear.gather [hbm4b:s11+s3], $0x400, $0x38;
	[tilespmem:$0x15000] =	vst v63  }
0x3c: {  	_ =	swait.ge [sflag:s19], $0x400  }
0x3d: {  	[sflag:s19] =	ssyncset.done $0x0  }
0x3e: {  	s8 =	simm.s32 $0x800;
	s9 =	rddreg [dreg:$0x8];
	[sflag:s19] =	ssyncadd.s32 $0xFFFFFC00  }
0x3f: {  	[tilespmem:s8], [sflag:$0xA] =	stream.linear.gather [hbm4b:s9+s3], $0x400, $0x38;
	[tilespmem:$0x15000] =	vst v63  }
0x40: {  	_ =	swait.ge [sflag:s19], $0x400  }
0x41: {  	[sflag:s19] =	ssyncset.done $0x0  }
0x42: {  	s10 =	simm.s32 $0x400;
	s12 =	rddreg [dreg:$0x9];
	[sflag:s19] =	ssyncadd.s32 $0xFFFFFC00  }
0x43: {  	[tilespmem:s10], [sflag:$0x9] =	stream.linear.gather [hbm4b:s12+s3], $0x400, $0x38;
	[tilespmem:$0x15000] =	vst v63  }
0x44: {  	s14 =	simm.s32 $0xC00;
	s13 =	rddreg [dreg:$0xa]  }
0x45: {  	[tilespmem:s14], [sflag:$0x9] =	stream.linear.gather [hbm4b:s13+s3], $0x400, $0x38;
	[tilespmem:$0x15000] =	vst v63  }
0x46: {  	_ = 	snop  }
0x47: {  	[tilespmem:s23], [sflag:$0x1] =	stream.indirect.gather [hbm4b:s4+s22], $0x40, s3, s22, $0xb8;
	[tilespmem:$0x15000] =	vst v63  }
0x48: {  	_ = 	snop  }
0x49: {  	[tilespmem:s24], [sflag:$0x2] =	stream.indirect.gather [hbm4b:s4+s22], $0x40, s22, s22, $0xb8;
	[tilespmem:$0x15000] =	vst v63  }
0x4a: {  	s15 =	simm.s32 $0x100  }
0x4b: {  	[tilespmem:s26], [sflag:$0x3] =	stream.indirect.gather [hbm4b:s4+s22], $0x40, s15, s22, $0xb8;
	[tilespmem:$0x15000] =	vst v63  }
0x4c: {  	_ =	swait.ge [sflag:s28], $0x2000  }
0x4d: {  	[sflag:s28] =	ssyncset.done $0x0  }
0x4e: {  	[sflag:s28] =	ssyncadd.s32 $0xFFFFE000  }
0x4f: {  	[spmem:s2] =	stream.indirect.scatter.add.f32 [tilespmem:s23], [sflag:$0x5], $0x40, s8, s22, $0xb8;
	[tilespmem:$0x15000] =	vst v63  }
0x50: {  	s16 =	simm.s32 $0x180  }
0x51: {  	[tilespmem:s30], [sflag:$0x4] =	stream.indirect.gather [hbm4b:s4+s22], $0x40, s16, s22, $0xb8;
	[tilespmem:$0x15000] =	vst v63  }
0x52: {  	_ =	swait.ge [sflag:s31], $0x2000  }
0x53: {  	[sflag:s31] =	ssyncset.done $0x0  }
0x54: {  	s10 =	simm.s32 $0x880;
	[sflag:s31] =	ssyncadd.s32 $0xFFFFE000  }
0x55: {  	[spmem:s2] =	stream.indirect.scatter.add.f32 [tilespmem:s24], [sflag:$0x6], $0x40, s10, s22, $0xb8;
	[tilespmem:$0x15000] =	vst v63  }
0x56: {  	_ =	swait.ge [sflag:s20], $0x2000  }
0x57: {  	[sflag:s20] =	ssyncset.done $0x0  }
0x58: {  	s11 =	simm.s32 $0x200;
	[sflag:s20] =	ssyncadd.s32 $0xFFFFE000  }
0x59: {  	[tilespmem:s23], [sflag:$0x1] =	stream.indirect.gather [hbm4b:s4+s22], $0x40, s11, s22, $0xb8;
	[tilespmem:$0x15000] =	vst v63  }
0x5a: {  	_ =	swait.ge [sflag:s25], $0x2000  }
0x5b: {  	[sflag:s25] =	ssyncset.done $0x0  }
0x5c: {  	s12 =	simm.s32 $0x900;
	[sflag:s25] =	ssyncadd.s32 $0xFFFFE000  }
0x5d: {  	[spmem:s2] =	stream.indirect.scatter.add.f32 [tilespmem:s26], [sflag:$0x7], $0x40, s12, s22, $0xb8;
	[tilespmem:$0x15000] =	vst v63  }
0x5e: {  	_ =	swait.ge [sflag:s0], $0x2000  }
0x5f: {  	[sflag:s0] =	ssyncset.done $0x0  }
0x60: {  	s13 =	simm.s32 $0x280;
	[sflag:s0] =	ssyncadd.s32 $0xFFFFE000  }
0x61: {  	[tilespmem:s24], [sflag:$0x2] =	stream.indirect.gather [hbm4b:s4+s22], $0x40, s13, s22, $0xb8;
	[tilespmem:$0x15000] =	vst v63  }
0x62: {  	_ =	swait.ge [sflag:s29], $0x2000  }
0x63: {  	[sflag:s29] =	ssyncset.done $0x0  }
0x64: {  	s14 =	simm.s32 $0x980;
	[sflag:s29] =	ssyncadd.s32 $0xFFFFE000  }
0x65: {  	[spmem:s2] =	stream.indirect.scatter.add.f32 [tilespmem:s30], [sflag:$0x8], $0x40, s14, s22, $0xb8;
	[tilespmem:$0x15000] =	vst v63  }
0x66: {  	_ =	swait.ge [sflag:s1], $0x2000  }
0x67: {  	[sflag:s1] =	ssyncset.done $0x0  }
0x68: {  	s15 =	simm.s32 $0x300;
	[sflag:s1] =	ssyncadd.s32 $0xFFFFE000  }
0x69: {  	[tilespmem:s26], [sflag:$0x3] =	stream.indirect.gather [hbm4b:s4+s22], $0x40, s15, s22, $0xb8;
	[tilespmem:$0x15000] =	vst v63  }
0x6a: {  	_ =	swait.ge [sflag:s28], $0x2000  }
0x6b: {  	[sflag:s28] =	ssyncset.done $0x0  }
0x6c: {  	s16 =	simm.s32 $0xA00;
	[sflag:s28] =	ssyncadd.s32 $0xFFFFE000  }
0x6d: {  	[spmem:s2] =	stream.indirect.scatter.add.f32 [tilespmem:s23], [sflag:$0x5], $0x40, s16, s22, $0xb8;
	[tilespmem:$0x15000] =	vst v63  }
0x6e: {  	_ =	swait.ge [sflag:s21], $0x2000  }
0x6f: {  	[sflag:s21] =	ssyncset.done $0x0  }
0x70: {  	s10 =	simm.s32 $0x380;
	[sflag:s21] =	ssyncadd.s32 $0xFFFFE000  }
0x71: {  	[tilespmem:s30], [sflag:$0x4] =	stream.indirect.gather [hbm4b:s4+s22], $0x40, s10, s22, $0xb8;
	[tilespmem:$0x15000] =	vst v63  }
0x72: {  	_ =	swait.ge [sflag:s31], $0x2000  }
0x73: {  	[sflag:s31] =	ssyncset.done $0x0  }
0x74: {  	s11 =	simm.s32 $0xA80;
	[sflag:s31] =	ssyncadd.s32 $0xFFFFE000  }
0x75: {  	[spmem:s2] =	stream.indirect.scatter.add.f32 [tilespmem:s24], [sflag:$0x6], $0x40, s11, s22, $0xb8;
	[tilespmem:$0x15000] =	vst v63  }
0x76: {  	_ =	swait.ge [sflag:s6], $0x400  }
0x77: {  	[sflag:s6] =	ssyncset.done $0x0  }
0x78: {  	[sflag:s6] =	ssyncadd.s32 $0xFFFFFC00  }
0x79: {  	_ =	swait.ge [sflag:s6], $0x400  }
0x7a: {  	[sflag:s6] =	ssyncset.done $0x0  }
0x7b: {  	[sflag:s6] =	ssyncadd.s32 $0xFFFFFC00  }
0x7c: {  	_ =	swait.ge [sflag:s20], $0x2000  }
0x7d: {  	s12 =	simm.s32 $0x400;
	[sflag:s20] =	ssyncset.done $0x0  }
0x7e: {  	s10 =	sand.u32 $0x400, s12;
	[sflag:s20] =	ssyncadd.s32 $0xFFFFE000  }
0x7f: {  	[tilespmem:s23], [sflag:$0x1] =	stream.indirect.gather [hbm4b:s4+s22], $0x40, s10, s22, $0xb8;
	[tilespmem:$0x15000] =	vst v63  }
0x80: {  	_ =	swait.ge [sflag:s25], $0x2000  }
0x81: {  	s8 =	sand.u32 $0x400, s8;
	[sflag:s25] =	ssyncset.done $0x0  }
0x82: {  	s13 =	sor.u32 $0xB00, s8;
	[sflag:s25] =	ssyncadd.s32 $0xFFFFE000  }
0x83: {  	[spmem:s2] =	stream.indirect.scatter.add.f32 [tilespmem:s26], [sflag:$0x7], $0x40, s13, s22, $0xb8;
	[tilespmem:$0x15000] =	vst v63  }
0x84: {  	_ =	swait.ge [sflag:s0], $0x2000  }
0x85: {  	[sflag:s0] =	ssyncset.done $0x0  }
0x86: {  	s14 =	sor.u32 $0x80, s10;
	[sflag:s0] =	ssyncadd.s32 $0xFFFFE000  }
0x87: {  	[tilespmem:s24], [sflag:$0x2] =	stream.indirect.gather [hbm4b:s4+s22], $0x40, s14, s22, $0xb8;
	[tilespmem:$0x15000] =	vst v63  }
0x88: {  	_ =	swait.ge [sflag:s29], $0x2000  }
0x89: {  	[sflag:s29] =	ssyncset.done $0x0  }
0x8a: {  	s15 =	sor.u32 $0xB80, s8;
	[sflag:s29] =	ssyncadd.s32 $0xFFFFE000  }
0x8b: {  	[spmem:s2] =	stream.indirect.scatter.add.f32 [tilespmem:s30], [sflag:$0x8], $0x40, s15, s22, $0xb8;
	[tilespmem:$0x15000] =	vst v63  }
0x8c: {  	_ =	swait.ge [sflag:s1], $0x2000  }
0x8d: {  	[sflag:s1] =	ssyncset.done $0x0  }
0x8e: {  	s16 =	sor.u32 $0x100, s10;
	[sflag:s1] =	ssyncadd.s32 $0xFFFFE000  }
0x8f: {  	[tilespmem:s26], [sflag:$0x3] =	stream.indirect.gather [hbm4b:s4+s22], $0x40, s16, s22, $0xb8;
	[tilespmem:$0x15000] =	vst v63  }
0x90: {  	_ =	swait.ge [sflag:s28], $0x2000  }
0x91: {  	[sflag:s28] =	ssyncset.done $0x0  }
0x92: {  	s11 =	sor.u32 $0x800, s10;
	[sflag:s28] =	ssyncadd.s32 $0xFFFFE000  }
0x93: {  	[spmem:s2] =	stream.indirect.scatter.add.f32 [tilespmem:s23], [sflag:$0x5], $0x40, s11, s22, $0xb8;
	[tilespmem:$0x15000] =	vst v63  }
0x94: {  	_ =	swait.ge [sflag:s21], $0x2000  }
0x95: {  	[sflag:s21] =	ssyncset.done $0x0  }
0x96: {  	s14 =	sor.u32 $0x180, s10;
	[sflag:s21] =	ssyncadd.s32 $0xFFFFE000  }
0x97: {  	[tilespmem:s30], [sflag:$0x4] =	stream.indirect.gather [hbm4b:s4+s22], $0x40, s14, s22, $0xb8;
	[tilespmem:$0x15000] =	vst v63  }
0x98: {  	_ =	swait.ge [sflag:s31], $0x2000  }
0x99: {  	[sflag:s31] =	ssyncset.done $0x0  }
0x9a: {  	p0 =	por $0x0, $0x0;
	s12 =	sor.u32 $0x880, s10;
	[sflag:s31] =	ssyncadd.s32 $0xFFFFE000  }
0x9b: {  	[spmem:s2] =	stream.indirect.scatter.add.f32 [tilespmem:s24], [sflag:$0x6], $0x40, s12, s22, $0xb8;
	[tilespmem:$0x15000] =	vst v63  }
0x9c: {  	s12 =	simm.s32 @!p0 $0x0  }
0x9d: {  	[tilespmem:s8], [sflag:$0x9] =	stream.linear.gather @!p0 [hbm4b:s17+s12], $0x400, $0x38;
	[tilespmem:$0x15000] =	vst v63  }
0x9e: {  	s13 =	rddreg [dreg:$0xd];
	s8 =	sor.u32 $0x800, s8  }
0x9f: {  	[tilespmem:s8], [sflag:$0x9] =	stream.linear.gather @!p0 [hbm4b:s13+s12], $0x400, $0x38;
	[tilespmem:$0x15000] =	vst v63  }
0xa0: {  	_ =	swait.ge [sflag:s20], $0x2000  }
0xa1: {  	[sflag:s20] =	ssyncset.done $0x0  }
0xa2: {  	s15 =	sor.u32 $0x200, s10;
	[sflag:s20] =	ssyncadd.s32 $0xFFFFE000  }
0xa3: {  	[tilespmem:s23], [sflag:$0x1] =	stream.indirect.gather [hbm4b:s4+s22], $0x40, s15, s22, $0xb8;
	[tilespmem:$0x15000] =	vst v63  }
0xa4: {  	_ =	swait.ge [sflag:s25], $0x2000  }
0xa5: {  	[sflag:s25] =	ssyncset.done $0x0  }
0xa6: {  	s16 =	sor.u32 $0x800, s16;
	[sflag:s25] =	ssyncadd.s32 $0xFFFFE000  }
0xa7: {  	[spmem:s2] =	stream.indirect.scatter.add.f32 [tilespmem:s26], [sflag:$0x7], $0x40, s16, s22, $0xb8;
	[tilespmem:$0x15000] =	vst v63  }
0xa8: {  	_ =	swait.ge [sflag:s0], $0x2000  }
0xa9: {  	[sflag:s0] =	ssyncset.done $0x0  }
0xaa: {  	s9 =	sor.u32 $0x280, s10;
	[sflag:s0] =	ssyncadd.s32 $0xFFFFE000  }
0xab: {  	[tilespmem:s24], [sflag:$0x2] =	stream.indirect.gather [hbm4b:s4+s22], $0x40, s9, s22, $0xb8;
	[tilespmem:$0x15000] =	vst v63  }
0xac: {  	_ =	swait.ge [sflag:s29], $0x2000  }
0xad: {  	[sflag:s29] =	ssyncset.done $0x0  }
0xae: {  	s12 =	sor.u32 $0x800, s14;
	[sflag:s29] =	ssyncadd.s32 $0xFFFFE000  }
0xaf: {  	[spmem:s2] =	stream.indirect.scatter.add.f32 [tilespmem:s30], [sflag:$0x8], $0x40, s12, s22, $0xb8;
	[tilespmem:$0x15000] =	vst v63  }
0xb0: {  	_ =	swait.ge [sflag:s1], $0x2000  }
0xb1: {  	[sflag:s1] =	ssyncset.done $0x0  }
0xb2: {  	s14 =	sadd.s32 $0x300, s10;
	[sflag:s1] =	ssyncadd.s32 $0xFFFFE000  }
0xb3: {  	[tilespmem:s26], [sflag:$0x3] =	stream.indirect.gather [hbm4b:s4+s22], $0x40, s14, s22, $0xb8;
	[tilespmem:$0x15000] =	vst v63  }
0xb4: {  	_ =	swait.ge [sflag:s28], $0x2000  }
0xb5: {  	[sflag:s28] =	ssyncset.done $0x0  }
0xb6: {  	s15 =	sor.u32 $0xA00, s10;
	[sflag:s28] =	ssyncadd.s32 $0xFFFFE000  }
0xb7: {  	[spmem:s2] =	stream.indirect.scatter.add.f32 [tilespmem:s23], [sflag:$0x5], $0x40, s15, s22, $0xb8;
	[tilespmem:$0x15000] =	vst v63  }
0xb8: {  	_ =	swait.ge [sflag:s21], $0x2000  }
0xb9: {  	[sflag:s21] =	ssyncset.done $0x0  }
0xba: {  	s16 =	sadd.s32 $0x380, s10;
	[sflag:s21] =	ssyncadd.s32 $0xFFFFE000  }
0xbb: {  	[tilespmem:s30], [sflag:$0x4] =	stream.indirect.gather [hbm4b:s4+s22], $0x40, s16, s22, $0xb8;
	[tilespmem:$0x15000] =	vst v63  }
0xbc: {  	_ =	swait.ge [sflag:s31], $0x2000  }
0xbd: {  	s11 =	sor.u32 $0xA80, s10;
	s8 =	simm.s32 $0xC00;
	[sflag:s31] =	ssyncset.done $0x0  }
0xbe: {  	s10 =	sadd.s32 $0x80, s13;
	s9 =	sadd.s32 $0x80, s17;
	[sflag:s31] =	ssyncadd.s32 $0xFFFFE000  }
.LBB2_4:
0xbf: {  	[spmem:s2] =	stream.indirect.scatter.add.f32 [tilespmem:s24], [sflag:$0x6], $0x40, s11, s22, $0xb8;
	[tilespmem:$0x15000] =	vst v63  }
0xc0: {  	s12 =	smov.u32 s8;
	s8 =	sadd.s32 $0x400, s8;
	_ =	swait.ge [sflag:s6], $0x400  }
0xc1: {  	p0 =	sne.s32 s8, $0x5400;
	[sflag:s6] =	ssyncset.done $0x0  }
0xc2: {  	[sflag:s6] =	ssyncadd.s32 $0xFFFFFC00  }
0xc3: {  	_ =	swait.ge [sflag:s6], $0x400  }
0xc4: {  	[sflag:s6] =	ssyncset.done $0x0  }
0xc5: {  	[sflag:s6] =	ssyncadd.s32 $0xFFFFFC00  }
0xc6: {  	_ =	swait.ge [sflag:s20], $0x2000  }
0xc7: {  	s11 =	sadd.s32 $0xFFFFFC00, s12;
	[sflag:s20] =	ssyncset.done $0x0  }
0xc8: {  	s11 =	sand.u32 $0x400, s11;
	[sflag:s20] =	ssyncadd.s32 $0xFFFFE000  }
0xc9: {  	[tilespmem:s23], [sflag:$0x1] =	stream.indirect.gather [hbm4b:s4+s22], $0x40, s11, s22, $0xb8;
	[tilespmem:$0x15000] =	vst v63  }
0xca: {  	_ =	swait.ge [sflag:s25], $0x2000  }
0xcb: {  	s13 =	sand.u32 $0x400, s12;
	[sflag:s25] =	ssyncset.done $0x0  }
0xcc: {  	s14 =	sor.u32 $0xB00, s13;
	[sflag:s25] =	ssyncadd.s32 $0xFFFFE000  }
0xcd: {  	[spmem:s2] =	stream.indirect.scatter.add.f32 [tilespmem:s26], [sflag:$0x7], $0x40, s14, s22, $0xb8;
	[tilespmem:$0x15000] =	vst v63  }
0xce: {  	_ =	swait.ge [sflag:s0], $0x2000  }
0xcf: {  	[sflag:s0] =	ssyncset.done $0x0  }
0xd0: {  	s14 =	sor.u32 $0x80, s11;
	[sflag:s0] =	ssyncadd.s32 $0xFFFFE000  }
0xd1: {  	[tilespmem:s24], [sflag:$0x2] =	stream.indirect.gather [hbm4b:s4+s22], $0x40, s14, s22, $0xb8;
	[tilespmem:$0x15000] =	vst v63  }
0xd2: {  	_ =	swait.ge [sflag:s29], $0x2000  }
0xd3: {  	[sflag:s29] =	ssyncset.done $0x0  }
0xd4: {  	s14 =	sor.u32 $0xB80, s13;
	[sflag:s29] =	ssyncadd.s32 $0xFFFFE000  }
0xd5: {  	[spmem:s2] =	stream.indirect.scatter.add.f32 [tilespmem:s30], [sflag:$0x8], $0x40, s14, s22, $0xb8;
	[tilespmem:$0x15000] =	vst v63  }
0xd6: {  	_ =	swait.ge [sflag:s1], $0x2000  }
0xd7: {  	[sflag:s1] =	ssyncset.done $0x0  }
0xd8: {  	s14 =	sor.u32 $0x100, s11;
	[sflag:s1] =	ssyncadd.s32 $0xFFFFE000  }
0xd9: {  	[tilespmem:s26], [sflag:$0x3] =	stream.indirect.gather [hbm4b:s4+s22], $0x40, s14, s22, $0xb8;
	[tilespmem:$0x15000] =	vst v63  }
0xda: {  	_ =	swait.ge [sflag:s28], $0x2000  }
0xdb: {  	[sflag:s28] =	ssyncset.done $0x0  }
0xdc: {  	s15 =	sor.u32 $0x800, s11;
	[sflag:s28] =	ssyncadd.s32 $0xFFFFE000  }
0xdd: {  	[spmem:s2] =	stream.indirect.scatter.add.f32 [tilespmem:s23], [sflag:$0x5], $0x40, s15, s22, $0xb8;
	[tilespmem:$0x15000] =	vst v63  }
0xde: {  	_ =	swait.ge [sflag:s21], $0x2000  }
0xdf: {  	[sflag:s21] =	ssyncset.done $0x0  }
0xe0: {  	s15 =	sor.u32 $0x180, s11;
	[sflag:s21] =	ssyncadd.s32 $0xFFFFE000  }
0xe1: {  	[tilespmem:s30], [sflag:$0x4] =	stream.indirect.gather [hbm4b:s4+s22], $0x40, s15, s22, $0xb8;
	[tilespmem:$0x15000] =	vst v63  }
0xe2: {  	_ =	swait.ge [sflag:s31], $0x2000  }
0xe3: {  	[sflag:s31] =	ssyncset.done $0x0  }
0xe4: {  	p1 =	seq.s32 s12, $0x5000;
	s16 =	sor.u32 $0x880, s11;
	[sflag:s31] =	ssyncadd.s32 $0xFFFFE000  }
0xe5: {  	[spmem:s2] =	stream.indirect.scatter.add.f32 [tilespmem:s24], [sflag:$0x6], $0x40, s16, s22, $0xb8;
	[tilespmem:$0x15000] =	vst v63  }
0xe6: {  	s12 =	simm.s32 @!p1 $0x0  }
0xe7: {  	[tilespmem:s13], [sflag:$0x9] =	stream.linear.gather @!p1 [hbm4b:s9+s12], $0x400, $0x38;
	[tilespmem:$0x15000] =	vst v63  }
0xe8: {  	s13 =	sor.u32 $0x800, s13  }
0xe9: {  	[tilespmem:s13], [sflag:$0x9] =	stream.linear.gather @!p1 [hbm4b:s10+s12], $0x400, $0x38;
	[tilespmem:$0x15000] =	vst v63  }
0xea: {  	_ =	swait.ge [sflag:s20], $0x2000  }
0xeb: {  	[sflag:s20] =	ssyncset.done $0x0  }
0xec: {  	s12 =	sor.u32 $0x200, s11;
	[sflag:s20] =	ssyncadd.s32 $0xFFFFE000  }
0xed: {  	[tilespmem:s23], [sflag:$0x1] =	stream.indirect.gather [hbm4b:s4+s22], $0x40, s12, s22, $0xb8;
	[tilespmem:$0x15000] =	vst v63  }
0xee: {  	_ =	swait.ge [sflag:s25], $0x2000  }
0xef: {  	[sflag:s25] =	ssyncset.done $0x0  }
0xf0: {  	s12 =	sor.u32 $0x800, s14;
	[sflag:s25] =	ssyncadd.s32 $0xFFFFE000  }
0xf1: {  	[spmem:s2] =	stream.indirect.scatter.add.f32 [tilespmem:s26], [sflag:$0x7], $0x40, s12, s22, $0xb8;
	[tilespmem:$0x15000] =	vst v63  }
0xf2: {  	_ =	swait.ge [sflag:s0], $0x2000  }
0xf3: {  	[sflag:s0] =	ssyncset.done $0x0  }
0xf4: {  	s12 =	sor.u32 $0x280, s11;
	[sflag:s0] =	ssyncadd.s32 $0xFFFFE000  }
0xf5: {  	[tilespmem:s24], [sflag:$0x2] =	stream.indirect.gather [hbm4b:s4+s22], $0x40, s12, s22, $0xb8;
	[tilespmem:$0x15000] =	vst v63  }
0xf6: {  	_ =	swait.ge [sflag:s29], $0x2000  }
0xf7: {  	[sflag:s29] =	ssyncset.done $0x0  }
0xf8: {  	s12 =	sor.u32 $0x800, s15;
	[sflag:s29] =	ssyncadd.s32 $0xFFFFE000  }
0xf9: {  	[spmem:s2] =	stream.indirect.scatter.add.f32 [tilespmem:s30], [sflag:$0x8], $0x40, s12, s22, $0xb8;
	[tilespmem:$0x15000] =	vst v63  }
0xfa: {  	_ =	swait.ge [sflag:s1], $0x2000  }
0xfb: {  	[sflag:s1] =	ssyncset.done $0x0  }
0xfc: {  	s12 =	sadd.s32 $0x300, s11;
	[sflag:s1] =	ssyncadd.s32 $0xFFFFE000  }
0xfd: {  	[tilespmem:s26], [sflag:$0x3] =	stream.indirect.gather [hbm4b:s4+s22], $0x40, s12, s22, $0xb8;
	[tilespmem:$0x15000] =	vst v63  }
0xfe: {  	_ =	swait.ge [sflag:s28], $0x2000  }
0xff: {  	[sflag:s28] =	ssyncset.done $0x0  }
0x100: {  	s12 =	sor.u32 $0xA00, s11;
	[sflag:s28] =	ssyncadd.s32 $0xFFFFE000  }
0x101: {  	[spmem:s2] =	stream.indirect.scatter.add.f32 [tilespmem:s23], [sflag:$0x5], $0x40, s12, s22, $0xb8;
	[tilespmem:$0x15000] =	vst v63  }
0x102: {  	_ =	swait.ge [sflag:s21], $0x2000  }
0x103: {  	[sflag:s21] =	ssyncset.done $0x0  }
.Ltmp1:
0x104: {  	s12 =	sadd.s32 $0x380, s11;
	[sflag:s21] =	ssyncadd.s32 $0xFFFFE000;
	(pc) =	sbr.rel @p0 .LBB2_4-.Ltmp1, $4  }
0x105: {  	[tilespmem:s30], [sflag:$0x4] =	stream.indirect.gather [hbm4b:s4+s22], $0x40, s12, s22, $0xb8;
	[tilespmem:$0x15000] =	vst v63  }
0x106: {  	_ =	swait.ge [sflag:s31], $0x2000  }
0x107: {  	s9 =	sadd.s32 $0x80, s9;
	[sflag:s31] =	ssyncset.done $0x0  }
0x108: {  	s10 =	sadd.s32 $0x80, s10;
	s11 =	sor.u32 $0xA80, s11;
	[sflag:s31] =	ssyncadd.s32 $0xFFFFE000  }
0x109: {  	[spmem:s2] =	stream.indirect.scatter.add.f32 [tilespmem:s24], [sflag:$0x6], $0x40, s11, s22, $0xb8;
	[tilespmem:$0x15000] =	vst v63  }
0x10a: {  	_ =	swait.ge [sflag:s25], $0x2000  }
0x10b: {  	[sflag:s25] =	ssyncset.done $0x0  }
0x10c: {  	s8 =	simm.s32 $0xF00;
	[sflag:s25] =	ssyncadd.s32 $0xFFFFE000  }
0x10d: {  	[spmem:s2] =	stream.indirect.scatter.add.f32 [tilespmem:s26], [sflag:$0x7], $0x40, s8, s22, $0xb8;
	[tilespmem:$0x15000] =	vst v63  }
0x10e: {  	_ =	swait.ge [sflag:s29], $0x2000  }
0x10f: {  	[sflag:s29] =	ssyncset.done $0x0  }
0x110: {  	s13 =	simm.s32 $0xF80;
	[sflag:s29] =	ssyncadd.s32 $0xFFFFE000  }
0x111: {  	[spmem:s2] =	stream.indirect.scatter.add.f32 [tilespmem:s30], [sflag:$0x8], $0x40, s13, s22, $0xb8;
	[tilespmem:$0x15000] =	vst v63  }
0x112: {  	_ =	swait.ge [sflag:s20], $0x2000  }
0x113: {  	[sflag:s20] =	ssyncset.done $0x0  }
0x114: {  	[sflag:s20] =	ssyncadd.s32 $0xFFFFE000  }
0x115: {  	_ =	swait.ge [sflag:s0], $0x2000  }
0x116: {  	[sflag:s0] =	ssyncset.done $0x0  }
0x117: {  	[sflag:s0] =	ssyncadd.s32 $0xFFFFE000  }
0x118: {  	_ =	swait.ge [sflag:s1], $0x2000  }
0x119: {  	[sflag:s1] =	ssyncset.done $0x0  }
0x11a: {  	[sflag:s1] =	ssyncadd.s32 $0xFFFFE000  }
0x11b: {  	_ =	swait.ge [sflag:s21], $0x2000  }
0x11c: {  	[sflag:s21] =	ssyncset.done $0x0  }
0x11d: {  	s14 =	stileid.u32;
	[sflag:s21] =	ssyncadd.s32 $0xFFFFE000  }
0x11e: {  	s9 =	sshrl.u32 s5, $0x3;
	s8 =	sshll.u32 s14, $0x6;
	[bflag:$0x0] =	sbarrier.arrive $0xFFFF  }
0x11f: {  	s15 =	simm.s32 $0x10;
	s8 =	sor.u32 $0x1C0A, s8;
	s10 =	rddreg [dreg:$0xb]  }
0x120: {  	[hbm:s10@s15], [sflag:s8] =	dma.strided [spmem:s9@s21], $0x1400, s28, $0x8   }
0x121: {  	_ =	swait.ge [sflag:s19], $0x1400  }
0x122: {  	s7 =	sadd.s32 $0x1, s7;
	s16 =	rddreg [dreg:$0xc]  }
0x123: {  	p0 =	sne.s32 s7, s16  }
.Ltmp2:
0x124: {  	_ = 	snop;
	(pc) =	sbr.rel @p0 .LBB2_1-.Ltmp2, $3  }
0x125: {  	_ =	sdelay $0x1  }
0x126: {  	[sflag:s19] =	ssyncset.done $0x0  }
0x127: {  	[sflag:s19] =	ssyncadd.s32 $0xFFFFEC00  }
0x128: {  	_ =	sfence.sel $0x180000  }
0x129: {  	[bflag:$0x0] =	sbarrier.arrive $0xFFFF  }
0x12a: {  	_ =	strace $0x9000004A  }
0x12b: {  	s0 =	stileid.u32;
	[bflag:$0x2] =	sbarrier.arrive $0xFFFF  }
0x12c: {  	p0 =	sne.s32 s0, $0x0;
	s0 =	rddreg [dreg:$0x2]  }
0x12d: {  	s0 =	sadd.s32 @!p0 $0x100000, s0  }
0x12e: {  	[sflag:s0] =	ssyncadd.tile.s32 @!p0 $0x1;
	_ =	shalt  }
.Lfunc_end2:
_tile_overlayer_lowered:
.L_overlay_start_2:
0x12f: {  	(tag) =	ssettag $0x2  }
0x130: {  	s0 =	rddreg [dreg:$0x0];
	s2 =	stileid.u32  }
0x131: {  	s1 =	rddreg [dreg:$0x1];
	p0 =	sne.s32 s2, $0x0  }
0x132: {  	s3 =	rddreg [dreg:$0x2];
	[bflag:$0x3] =	sbarrier.arrive $0xFFFF;
	s2 =	simm.s32 @!p0 $0x1C0A  }
0x133: {  	[timem:s3], [sflag:s2] =	dma.local @!p0 [hbm:s0], s1  }
0x134: {  	s0 =	simm.s32 @!p0 $0xA  }
0x135: {  	_ =	swait.ge @!p0 [sflag:s0], s1  }
0x136: {  	s1 =	ssub.s32 @!p0 $0x0, s1;
	[sflag:s0] =	ssyncset.done @!p0 $0x0  }
0x137: {  	[sflag:s0] =	ssyncadd.s32 @!p0 s1  }
0x138: {  	[bflag:$0x3] =	sbarrier.arrive $0xFFFF  }
0x139: {  	_ =	shalt  }

// kernel: kernel.7.cloned.1.call-start
scs
__scs_entry_jumppad:
0x0: {  	(pc) =	sbr.rel $0x88, $3  }
0x1: {  	(tag) =	ssettag $0x0;
	lr =	simm.s32 $0x1  }
0x2: {  	[smem:$0x3F99] =	sst lr;
	_ =	strace $0xD0000000  }
0x3: {  	_ = 	snop  }
0x4: {  	_ = 	snop  }
0x5: {  	_ = 	snop  }
0x6: {  	_ = 	snop  }
0x7: {  	_ = 	snop  }
__scs_overlays_trampoline_lowered:
0x8: {  	[smem:$0x3FA8] =	sst s0  }
0x9: {  	[smem:$0x3FA9] =	sst s1  }
0xa: {  	[smem:$0x3FAA] =	sst s2  }
0xb: {  	[smem:$0x3FAB] =	sst s3  }
0xc: {  	[smem:$0x3FAC] =	sst s4  }
0xd: {  	[smem:$0x3FAD] =	sst s5  }
0xe: {  	[smem:$0x3FAE] =	sst s6  }
0xf: {  	[smem:$0x3FAF] =	sst s7  }
0x10: {  	[smem:$0x3FB0] =	sst s8  }
0x11: {  	[smem:$0x3FB1] =	sst s9;
	s0 =	simm.s32 @!p0 $0x0  }
0x12: {  	s1 =	sld [smem:$0x3F97];
	s0 =	simm.s32 @p0 $0x1  }
0x13: {  	[smem:$0x3FB2] =	sst s0;
	s0 =	simm.s32 @!p1 $0x0  }
0x14: {  	s2 =	sld [smem:$0x3F96];
	s0 =	simm.s32 @p1 $0x1  }
0x15: {  	[smem:$0x3FB3] =	sst s0;
	s0 =	simm.s32 @!p2 $0x0  }
0x16: {  	s3 =	sld [smem:$0x3FDB];
	s0 =	simm.s32 @p2 $0x1  }
0x17: {  	s4 =	simm.s32 $0x1BF5;
	[smem:$0x3FB5] =	sst s0  }
0x18: {  	s0 =	sld [smem:$0x3F98];
	_ =	swait.ge [sflag:s4], $0x0  }
0x19: {  	s7 =	sld [smem:$0x3F99]  }
0x1a: {  	s8 =	sadd.s32 $0xFFFFE003, lr  }
0x1b: {  	s9 =	sadd.s32 $0xFFFFFEF7, lr;
	s5 =	simm.s32 $0xFFFFFFFF;
	p2 =	slt.u32 s8, $0xFFFFF086  }
0x1c: {  	p1 =	slt.u32 s9, $0xF7A;
	s5 =	simm.s32 @!p2 $0x0  }
0x1d: {  	s5 =	simm.s32 @p1 $0x1;
	p0 =	seq.s32 s7, s2  }
0x1e: {  	s7 =	smul.u32 @!p0 $0xF7A, s2;
	p2 =	seq.s32 @!p0 s5, $0x0  }
0x1f: {  	s9 =	smul.u32 $0xF7A, s1;
	s8 =	simm.s32 @!p0 $0x1BF5;
	p2 =	por !p2, p0  }
0x20: {  	[sflag:s8] =	ssyncset.s32 @!p0 $0xFFFFF086;
	s6 =	sadd.s32 @!p0 s3, s7;
	s7 =	simm.s32 @!p0 $0x108  }
0x21: {  	s3 =	sadd.s32 s3, s9;
	s6 =	sadd.s32 @!p0 $0x88, s6;
	s7 =	simm.s32 @p2 $0x1082  }
0x22: {  	[simem:s7], [sflag:s8] =	dma.local @!p0 [hbm:s6], $0xF7A  }
0x23: {  	s9 =	sor.u32 $0xD0000000, s2;
	s6 =	simm.s32 $0x108;
	_ =	swait.ge @!p0 [sflag:s8], $0x0  }
0x24: {  	s3 =	sadd.s32 $0x88, s3;
	s6 =	simm.s32 @!p1 $0x1082;
	[sflag:s4] =	ssyncset.s32 $0xFFFFF086  }
0x25: {  	[simem:s6], [sflag:s4] =	dma.local [hbm:s3], $0xF7A  }
0x26: {  	[smem:$0x3F99] =	sst s1;
	(tag) =	ssettag s2;
	_ =	strace s9  }
0x27: {  	s1 =	sld [smem:$0x3FA9]  }
0x28: {  	s2 =	sld [smem:$0x3FAA]  }
0x29: {  	s4 =	sld [smem:$0x3FAC]  }
0x2a: {  	p0 =	seq.s32 s5, $0x0;
	s5 =	sld [smem:$0x3FAD]  }
0x2b: {  	s6 =	sld [smem:$0x3FAE]  }
0x2c: {  	s7 =	sld [smem:$0x3FAF]  }
0x2d: {  	s3 =	simm.s32 $0x108;
	s8 =	sld [smem:$0x3FB0]  }
0x2e: {  	s3 =	simm.s32 @!p0 $0x1082;
	s9 =	sld [smem:$0x3FB1]  }
0x2f: {  	lr =	sadd.s32 s0, s3;
	s0 =	sld [smem:$0x3FA8]  }
0x30: {  	s3 =	sld [smem:$0x3FAB]  }
0x31: {  	[smem:$0x3FB4] =	sst s10  }
0x32: {  	s10 =	sld [smem:$0x3FB2];
	_ =	sdelay $0x3  }
0x33: {  	p0 =	seq.s32 s10, $0x1;
	s10 =	sld [smem:$0x3FB4];
	_ =	sdelay $0x3  }
0x34: {  	[smem:$0x3FB4] =	sst s10  }
0x35: {  	s10 =	sld [smem:$0x3FB3];
	_ =	sdelay $0x3  }
0x36: {  	p1 =	seq.s32 s10, $0x1;
	s10 =	sld [smem:$0x3FB4];
	_ =	sdelay $0x3  }
0x37: {  	[smem:$0x3FB4] =	sst s10  }
0x38: {  	s10 =	sld [smem:$0x3FB5]  }
0x39: {  	_ = 	snop;
	(pc) =	sbr.ind lr, $3  }
0x3a: {  	_ = 	snop  }
0x3b: {  	_ = 	snop  }
0x3c: {  	p2 =	seq.s32 s10, $0x1;
	s10 =	sld [smem:$0x3FB4]  }
0x3d: {  	_ =	shalt  }
0x3e: {  	_ =	shalt  }
0x3f: {  	_ =	shalt  }
0x40: {  	_ =	shalt  }
0x41: {  	_ =	shalt  }
0x42: {  	_ =	shalt  }
0x43: {  	_ =	shalt  }
0x44: {  	_ =	shalt  }
0x45: {  	_ =	shalt  }
0x46: {  	_ =	shalt  }
0x47: {  	_ =	shalt  }
0x48: {  	_ =	shalt  }
0x49: {  	_ =	shalt  }
0x4a: {  	_ =	shalt  }
0x4b: {  	_ =	shalt  }
0x4c: {  	_ =	shalt  }
0x4d: {  	_ =	shalt  }
0x4e: {  	_ =	shalt  }
0x4f: {  	_ =	shalt  }
0x50: {  	_ =	shalt  }
0x51: {  	_ =	shalt  }
0x52: {  	_ =	shalt  }
0x53: {  	_ =	shalt  }
0x54: {  	_ =	shalt  }
0x55: {  	_ =	shalt  }
0x56: {  	_ =	shalt  }
0x57: {  	_ =	shalt  }
0x58: {  	_ =	shalt  }
0x59: {  	_ =	shalt  }
0x5a: {  	_ =	shalt  }
0x5b: {  	_ =	shalt  }
0x5c: {  	_ =	shalt  }
0x5d: {  	_ =	shalt  }
0x5e: {  	_ =	shalt  }
0x5f: {  	_ =	shalt  }
0x60: {  	_ =	shalt  }
0x61: {  	_ =	shalt  }
0x62: {  	_ =	shalt  }
0x63: {  	_ =	shalt  }
0x64: {  	_ =	shalt  }
0x65: {  	_ =	shalt  }
0x66: {  	_ =	shalt  }
0x67: {  	_ =	shalt  }
0x68: {  	_ =	shalt  }
0x69: {  	_ =	shalt  }
0x6a: {  	_ =	shalt  }
0x6b: {  	_ =	shalt  }
0x6c: {  	_ =	shalt  }
0x6d: {  	_ =	shalt  }
0x6e: {  	_ =	shalt  }
0x6f: {  	_ =	shalt  }
0x70: {  	_ =	shalt  }
0x71: {  	_ =	shalt  }
0x72: {  	_ =	shalt  }
0x73: {  	_ =	shalt  }
0x74: {  	_ =	shalt  }
0x75: {  	_ =	shalt  }
0x76: {  	_ =	shalt  }
0x77: {  	_ =	shalt  }
0x78: {  	_ =	shalt  }
0x79: {  	_ =	shalt  }
0x7a: {  	_ =	shalt  }
0x7b: {  	_ =	shalt  }
0x7c: {  	_ =	shalt  }
0x7d: {  	_ =	shalt  }
0x7e: {  	_ =	shalt  }
0x7f: {  	_ =	shalt  }
0x80: {  	_ =	shalt  }
0x81: {  	_ =	shalt  }
0x82: {  	_ =	shalt  }
0x83: {  	_ =	shalt  }
0x84: {  	_ =	shalt  }
0x85: {  	_ =	shalt  }
0x86: {  	_ =	shalt  }
0x87: {  	_ =	shalt  }
.Lfunc_end0:
.L_simem_size_0:
called_computation_lowered:
.L_overlay_start_0:
0x88: {  	s2 =	sld [smem:$0x3FD9]  }
0x89: {  	s3 =	sld [smem:$0x3FFE];
	_ =	sdelay $0x1  }
0x8a: {  	s1 =	srdreg.scid  }
0x8b: {  	s0 =	sand.u32 $0x1, s1  }
0x8c: {  	s17 =	sshll.u32 s0, $0xA;
	s2 =	sadd.s32 s3, s2  }
0x8d: {  	s2 =	sadd.s32 s2, s17  }
0x8e: {  	[smem:$0x3FC0] =	sst s2  }
0x8f: {  	_ = 	snop  }
0x90: {  	s2 =	sld [smem:$0x3FC9];
	(tm) =	ssettm $0x1  }
0x91: {  	s18 =	sld [smem:$0x3FFB];
	_ =	sdelay $0x3  }
0x92: {  	_ =	strace s18  }
0x93: {  	s3 =	sld [smem:$0x3FFC];
	_ =	sdelay $0x3  }
0x94: {  	_ =	strace s3  }
0x95: {  	s3 =	sld [smem:$0x3FFD];
	_ =	sdelay $0x3  }
0x96: {  	_ =	strace s3  }
0x97: {  	_ =	strace $0x8FFFFFFF  }
0x98: {  	s19 =	sld [smem:$0x3FDB];
	_ =	sdelay $0x1  }
0x99: {  	s4 =	simm.s32 $_scs_section_size  }
0x9a: {  	s5 =	simm.s32 $_size__tile_overlayer_lowered;
	s6 =	simm.s32 $_tile_overlayer_lowered  }
0x9b: {  	s22 =	simm.s32 $0x1BFF;
	s21 =	sshll.u32 s6, $0x1;
	s3 =	sadd.s32 s4, s19  }
0x9c: {  	s7 =	simm.s32 $0x0;
	s20 =	sshll.u32 s5, $0x1;
	s5 =	sadd.s32 s21, s3  }
0x9d: {  	[timem:s7], [sflag:s22] =	dma.local [hbm:s5], s20  }
0x9e: {  	_ =	swait.ge [sflag:s22], s20  }
0x9f: {  	s4 =	ssub.s32 $0x0, s20;
	[sflag:s22] =	ssyncset.done $0x0  }
0xa0: {  	[sflag:s22] =	ssyncadd.s32 s4;
	_ =	sdelay $0x1  }
0xa1: {  	s23 =	simm.s32 $0x1B8B  }
0xa2: {  	_ =	swait.ge [sflag:s23], $0x1  }
0xa3: {  	[sflag:s23] =	ssyncset.done $0x0  }
0xa4: {  	s25 =	simm.s32 $0x1B8E;
	s24 =	sld [smem:$0x3FFE];
	[sflag:s23] =	ssyncadd.s32 $0xFFFFFFFF  }
0xa5: {  	s26 =	simm.s32 $execute0_lowered;
	[smem:$0x3FD2] =	sst s25  }
0xa6: {  	s5 =	sshll.u32 s26, $0x1;
	_ =	strace $0x80000046;
	[dreg:$0x1] =	wrdreg $0xFFFFFFFF  }
0xa7: {  	s28 =	simm.s32 $_size_execute0_lowered;
	s3 =	sadd.s32 s3, s5;
	[dreg:$0x0] =	wrdreg $0x0  }
0xa8: {  	s5 =	sshll.u32 s28, $0x1;
	[dreg:$0x2] =	wrdreg s3  }
0xa9: {  	[dreg:$0x3] =	wrdreg s5  }
0xaa: {  	[dreg:$0x4] =	wrdreg $0xC0  }
0xab: {  	_ =	task [dreg:s7], $0x5FFFF  }
0xac: {  	[dreg:$0x1] =	wrdreg $0xFFFFFFFF  }
0xad: {  	[dreg:$0x0] =	wrdreg $0x60  }
0xae: {  	[dreg:$0x2] =	wrdreg s2  }
0xaf: {  	[dreg:$0x3] =	wrdreg s24  }
0xb0: {  	[dreg:$0x4] =	wrdreg $0x102800  }
0xb1: {  	[dreg:$0x5] =	wrdreg $0x1A2800  }
0xb2: {  	[dreg:$0x6] =	wrdreg $0x9  }
0xb3: {  	_ =	task.clear_ibuf [dreg:s7], $0x7FFFF;
	_ =	strace $0x90000046  }
0xb4: {  	s29 =	simm.s32 $0x9;
	_ =	strace $0x80000048  }
0xb5: {  	_ =	swait.ge [sflag:s29], $0x1  }
0xb6: {  	[sflag:s29] =	ssyncadd.s32 $0xFFFFFFFF  }
0xb7: {  	_ =	strace $0x90000048  }
0xb8: {  	_ =	sfence  }
0xb9: {  	s30 =	sld [smem:$0x0];
	_ =	sdelay $0x2  }
0xba: {  	s31 =	sshll.u32 s1, $0xD;
	s1 =	sshrl.u32 s1, $0x2  }
0xbb: {  	s3 =	sand.u32 $0x4000, s31;
	s1 =	sadd.s32 s1, s30  }
0xbc: {  	s0 =	sor.u32 s3, s0;
	s1 =	sshll.u32 s1, $0x11  }
0xbd: {  	s0 =	sor.u32 s1, s0  }
0xbe: {  	s0 =	sadd.s32 $0x8F2B, s0  }
0xbf: {  	[sflag:s0] =	ssyncadd.remote.s32 $0x1  }
0xc0: {  	_ =	sfence.sel $0xFFFF  }
0xc1: {  	[dreg:$0x0] =	wrdreg $0xFFFFFFFF;
	(pc) =	sbr.abs _section_cstart, $3  }
0xc2: {  	[dreg:$0x1] =	wrdreg $0xFFFFFFFF  }
0xc3: {  	_ =	task.clear_ibuf [dreg:s7], $0x2FFFF;
	_ =	strace $0x9FFFFFFF  }
0xc4: {  	(tm) =	ssettm $0x7FFFFFFF  }
0xc5: {  	_ =	shalt  }
tec
execute0_lowered:
.L_overlay_start_1:
0x0: {  	(tag) =	ssettag $0x1  }
0x1: {  	s1 =	rddreg [dreg:$0x0]  }
0x2: {  	s0 =	rddreg [dreg:$0x1]  }
0x3: {  	s3 =	rddreg [dreg:$0x2]  }
0x4: {  	s2 =	rddreg [dreg:$0x3];
	s5 =	srdreg.scid  }
0x5: {  	s17 =	stileid.u32;
	s4 =	simm.s32 $0x0;
	s28 =	simm.s32 $0x1000  }
0x6: {  	s29 =	simm.s32 $0x3000;
	s30 =	simm.s32 $0x5000;
	s16 =	smul.u32 $0x14000, s17  }
0x7: {  	s31 =	simm.s32 $0x1;
	s6 =	sand.u32 $0x1, s5;
	s8 =	smul.u32 $0x280, s17  }
0x8: {  	[smem:$0x7FF] =	sst s4;
	s9 =	sadd.s32 $0x3000, s0;
	s10 =	smul.u32 $0x28000, s17  }
0x9: {  	s11 =	sadd.s32 $0x17000, s0;
	s14 =	smul.u32 $0x5000, s17;
	s7 =	sshll.u32 s6, $0x6  }
0xa: {  	_ =	strace $0x80000047;
	s19 =	ssub.s32 $0x2, s6;
	s22 =	smul.u32 $0x50000, s6  }
0xb: {  	p0 =	sne.s32 s6, $0x0;
	s5 =	sor.u32 s7, s16;
	s21 =	sshrl.u32 s10, $0x2  }
0xc: {  	s13 =	sshrl.u32 s19, $0x1;
	s16 =	sshrl.u32 s14, $0x3;
	s4 =	sadd.s32 s8, s2  }
0xd: {  	s20 =	sadd.s32 s21, s3;
	s16 =	sadd.s32 s11, s16;
	[dreg:$0xe] =	wrdreg s4  }
0xe: {  	s7 =	ssub.s32 s19, s13;
	s13 =	sadd.s32 $0xC800, s4;
	[dreg:$0xa] =	wrdreg s16  }
0xf: {  	s18 =	sshrl.u32 s8, $0x3;
	s23 =	sadd.s32 $0x2000, s20;
	[dreg:$0x15] =	wrdreg s13  }
0x10: {  	s5 =	sshrl.u32 s5, $0x3;
	s24 =	sadd.s32 $0x4000, s20;
	[dreg:$0x5] =	wrdreg s23  }
0x11: {  	s12 =	sadd.s32 s5, s0;
	s25 =	sadd.s32 $0x6000, s20;
	[dreg:$0x6] =	wrdreg s24  }
0x12: {  	s26 =	sadd.s32 $0x8000, s20;
	s5 =	sadd.s32 s14, s22;
	[dreg:$0x7] =	wrdreg s25  }
0x13: {  	s14 =	sor.u32 $0x400, s14;
	s16 =	sadd.s32 $0xF000, s4;
	[dreg:$0x8] =	wrdreg s26  }
0x14: {  	s10 =	sadd.s32 s22, s14;
	s22 =	sadd.s32 $0x21600, s12;
	[dreg:$0x19] =	wrdreg s16  }
0x15: {  	s0 =	sadd.s32 s18, s0;
	s25 =	sadd.s32 $0x2800, s4;
	[dreg:$0xd] =	wrdreg s22  }
0x16: {  	s18 =	smul.u32 $0xA000, s17;
	s12 =	sadd.s32 $0xA000, s4;
	[dreg:$0x10] =	wrdreg s25  }
0x17: {  	s15 =	sshrl.u32 s5, $0x3;
	s0 =	sadd.s32 $0x21000, s0;
	[dreg:$0x14] =	wrdreg s12  }
0x18: {  	s24 =	smul.u32 $0xA00, s17;
	s17 =	sadd.s32 $0x11800, s4;
	[dreg:$0x16] =	wrdreg s0  }
0x19: {  	s14 =	sshrl.u32 s14, $0x3;
	s15 =	sadd.s32 s9, s15;
	[dreg:$0x1a] =	wrdreg s17  }
0x1a: {  	s6 =	simm.s32 $0x8;
	s21 =	sadd.s32 s11, s14;
	[dreg:$0x9] =	wrdreg s15  }
0x1b: {  	s26 =	sor.u32 $0x800, s5;
	s14 =	smax.u32 s7, $0x1;
	[dreg:$0xc] =	wrdreg s21  }
0x1c: {  	s23 =	sshrl.u32 s18, $0x2;
	s18 =	sadd.s32 $0x14000, s4;
	[dreg:$0x17] =	wrdreg s14  }
0x1d: {  	s16 =	simm.s32 $0x3;
	s22 =	sadd.s32 $0x1B800, s4;
	[dreg:$0x1b] =	wrdreg s18  }
0x1e: {  	s10 =	sshrl.u32 s10, $0x3;
	s25 =	sadd.s32 $0x23000, s4;
	[dreg:$0x1e] =	wrdreg s22  }
0x1f: {  	s0 =	simm.s32 $0x5;
	s19 =	sadd.s32 s9, s10;
	[smem:$0x7FC] =	sst s25  }
0x20: {  	s17 =	simm.s32 $0x7;
	s2 =	sadd.s32 s23, s2;
	[dreg:$0xb] =	wrdreg s19  }
0x21: {  	s7 =	simm.s32 $0x2;
	s10 =	sadd.s32 $0x5000, s4;
	[dreg:$0xf] =	wrdreg s2  }
0x22: {  	s8 =	sadd.s32 s24, s11;
	s11 =	sadd.s32 $0x7800, s4;
	[dreg:$0x11] =	wrdreg s10  }
0x23: {  	s21 =	sadd.s32 $0x19000, s4;
	s23 =	sadd.s32 $0x1E000, s4;
	[dreg:$0x12] =	wrdreg s11  }
0x24: {  	s24 =	sadd.s32 $0x20800, s4;
	s22 =	simm.s32 $0xA;
	[dreg:$0x1d] =	wrdreg s21  }
0x25: {  	s18 =	simm.s32 $0x9;
	s2 =	sshrl.u32 s26, $0x3;
	[dreg:$0x1f] =	wrdreg s23  }
.Ltmp0:
0x26: {  	s15 =	sadd.s32 $0x100, s8;
	[smem:$0x7FB] =	sst s24;
	(pc) =	sbr.rel .LBB2_1-.Ltmp0, $4  }
0x27: {  	s19 =	sadd.s32 $0x16800, s4;
	s26 =	sadd.s32 $0x25800, s4;
	[dreg:$0x18] =	wrdreg s15  }
0x28: {  	s8 =	simm.s32 $0x0;
	s2 =	sadd.s32 s2, s9;
	[dreg:$0x1c] =	wrdreg s19  }
0x29: {  	[smem:$0x7FD] =	sst s26;
	s26 =	simm.s32 $0x80;
	s19 =	simm.s32 $0x6  }
0x2a: {  	v0 =	vimm.f32 $0.0e+00;
	s15 =	simm.s32 $0x7000;
	[dreg:$0x13] =	wrdreg s2;
	s2 =	simm.s32 $0x4  }
.LBB2_10:
0x2b: {  	v8 =	vld [tilespmem:s11+$0xDA80]  }
0x2c: {  	v9 =	vld [tilespmem:s9+$0xF100];
	v3 =	vadd.f32 v3, v7  }
0x2d: {  	v52 =	vld [tilespmem:s11+$0xDD00]  }
0x2e: {  	v10 =	vld [tilespmem:s9+$0xF380];
	v4 =	vadd.f32 v4, v6;
	[tilespmem:s10+$0x10000] =	vst v3  }
0x2f: {  	v3 =	vld [tilespmem:s11+$0xDF80]  }
0x30: {  	v4 =	vadd.f32 v5, v4;
	v2 =	vadd.f32 v8, v2  }
0x31: {  	v53 =	vld [tilespmem:s11+$0xE200]  }
0x32: {  	v54 =	vld [tilespmem:s9+$0xF600];
	v1 =	vadd.f32 v1, v4;
	v2 =	vadd.f32 v52, v2  }
0x33: {  	v55 =	vld [tilespmem:s11+$0xE480]  }
0x34: {  	v56 =	vld [tilespmem:s9+$0xF880];
	v1 =	vadd.f32 v9, v1;
	v2 =	vadd.f32 v3, v2  }
0x35: {  	v3 =	vld [tilespmem:s11+$0xE700]  }
0x36: {  	v57 =	vld [tilespmem:s9+$0xFB00];
	v1 =	vadd.f32 v10, v1;
	v2 =	vadd.f32 v53, v2  }
0x37: {  	v58 =	vld [tilespmem:s11+$0xE980]  }
0x38: {  	v59 =	vld [tilespmem:s9+$0xFD80];
	v1 =	vadd.f32 v54, v1;
	v2 =	vadd.f32 v55, v2  }
0x39: {  	v60 =	vld [tilespmem:s11+$0xEC00]  }
0x3a: {  	v1 =	vadd.f32 v56, v1;
	v2 =	vadd.f32 v3, v2  }
0x3b: {  	v3 =	vld [tilespmem:s11+$0xEE80]  }
0x3c: {  	v1 =	vadd.f32 v57, v1;
	v2 =	vadd.f32 v58, v2  }
0x3d: {  	v61 =	vld [tilespmem:s11+$0xF100]  }
0x3e: {  	v1 =	vadd.f32 v59, v1;
	v2 =	vadd.f32 v60, v2  }
0x3f: {  	v62 =	vld [tilespmem:s11+$0xF380]  }
0x40: {  	[tilespmem:s9+$0x10000] =	vst v1;
	v1 =	vadd.f32 v3, v2  }
0x41: {  	v2 =	vld [tilespmem:s11+$0xF600]  }
0x42: {  	v1 =	vadd.f32 v61, v1  }
0x43: {  	v3 =	vld [tilespmem:s11+$0xF880]  }
0x44: {  	v1 =	vadd.f32 v62, v1  }
0x45: {  	v63 =	vld [tilespmem:s11+$0xFB00]  }
0x46: {  	v1 =	vadd.f32 v2, v1  }
0x47: {  	v2 =	vld [tilespmem:s11+$0xFD80]  }
0x48: {  	v1 =	vadd.f32 v3, v1;
	_ =	sdelay $0x1  }
0x49: {  	v1 =	vadd.f32 v63, v1;
	_ =	sdelay $0x1  }
0x4a: {  	v1 =	vadd.f32 v2, v1;
	_ =	sdelay $0x1  }
0x4b: {  	s4 =	simm.s32 $0x0;
	s5 =	rddreg [dreg:$0x16];
	s25 =	simm.s32 $0x10000;
	[tilespmem:s11+$0x10000] =	vst v1  }
0x4c: {  	[hbm4b:s5+s4] =	stream.linear.scatter [tilespmem:s25], [sflag:$0xA], $0x280, $0x38;
	[tilespmem:$0x1CA80] =	vst v63  }
0x4d: {  	_ =	swait.ge [sflag:s22], $0x280  }
0x4e: {  	[sflag:s22] =	ssyncset.done $0x0  }
0x4f: {  	[sflag:s22] =	ssyncadd.s32 $0xFFFFFD80  }
.LBB2_11:
0x50: {  	s8 =	sadd.s32 $0x1, s8;
	s4 =	rddreg [dreg:$0x17]  }
0x51: {  	p1 =	sne.s32 s8, s4  }
.Ltmp1:
0x52: {  	_ = 	snop;
	(pc) =	sbr.rel @!p1 .LBB2_12-.Ltmp1, $1  }
0x53: {  	_ =	sdelay $0x3  }
.LBB2_1:
0x54: {  	s9 =	simm.s32 $0x0  }
.LBB2_2:
0x55: {  	p1 =	sne.s32 s9, $0x7F00  }
.Ltmp2:
0x56: {  	s10 =	sshra.s32 s9, $0x2;
	(pc) =	sbr.rel @p1 .LBB2_2-.Ltmp2, $4  }
0x57: {  	[tilespmem:s10+$0x9000] =	vst v0  }
0x58: {  	[tilespmem:s10+$0x9010] =	vst v0  }
0x59: {  	[tilespmem:s10+$0x9020] =	vst v0  }
0x5a: {  	s9 =	sadd.s32 $0x100, s9;
	[tilespmem:s10+$0x9030] =	vst v0  }
0x5b: {  	s9 =	simm.s32 $0x40;
	s10 =	simm.s32 $0x0  }
.LBB2_4:
0x5c: {  	p1 =	sne.s32 s9, $0x9FC0;
	[tilespmem:s10+$0xB000] =	vst v0;
	s10 =	smov.u32 s9;
	s9 =	sadd.s32 $0x40, s9  }
.Ltmp3:
0x5d: {  	(pc) =	sbr.rel @p1 .LBB2_4-.Ltmp3, $2  }
0x5e: {  	_ =	sdelay $0x2  }
0x5f: {  	s10 =	sshra.s32 s10, $0x2  }
0x60: {  	[tilespmem:s10+$0xB000] =	vst v0;
	s9 =	simm.s32 $0x9000  }
0x61: {  	[spmem:s20] =	stream.linear.scatter [tilespmem:s9], [sflag:$0xA], $0x2000, $0x38;
	[tilespmem:$0x1CA80] =	vst v63  }
0x62: {  	_ =	swait.ge [sflag:s22], $0x2000  }
0x63: {  	[sflag:s22] =	ssyncset.done $0x0  }
0x64: {  	s5 =	rddreg [dreg:$0x5];
	[sflag:s22] =	ssyncadd.s32 $0xFFFFE000  }
0x65: {  	[spmem:s5] =	stream.linear.scatter [tilespmem:s9], [sflag:$0xA], $0x2000, $0x38;
	[tilespmem:$0x1CA80] =	vst v63  }
0x66: {  	_ =	swait.ge [sflag:s22], $0x2000  }
0x67: {  	[sflag:s22] =	ssyncset.done $0x0  }
0x68: {  	s12 =	rddreg [dreg:$0x6];
	[sflag:s22] =	ssyncadd.s32 $0xFFFFE000  }
0x69: {  	[spmem:s12] =	stream.linear.scatter [tilespmem:s9], [sflag:$0xA], $0x2000, $0x38;
	[tilespmem:$0x1CA80] =	vst v63  }
0x6a: {  	_ =	swait.ge [sflag:s22], $0x2000  }
0x6b: {  	[sflag:s22] =	ssyncset.done $0x0  }
0x6c: {  	s13 =	rddreg [dreg:$0x7];
	[sflag:s22] =	ssyncadd.s32 $0xFFFFE000  }
0x6d: {  	[spmem:s13] =	stream.linear.scatter [tilespmem:s9], [sflag:$0xA], $0x2000, $0x38;
	[tilespmem:$0x1CA80] =	vst v63  }
0x6e: {  	_ =	swait.ge [sflag:s22], $0x2000  }
0x6f: {  	[sflag:s22] =	ssyncset.done $0x0  }
0x70: {  	s14 =	rddreg [dreg:$0x8];
	[sflag:s22] =	ssyncadd.s32 $0xFFFFE000  }
0x71: {  	[spmem:s14] =	stream.linear.scatter [tilespmem:s9], [sflag:$0xA], $0x2000, $0x38;
	[tilespmem:$0x1CA80] =	vst v63  }
0x72: {  	_ =	swait.ge [sflag:s22], $0x2000  }
0x73: {  	[sflag:s22] =	ssyncset.done $0x0  }
0x74: {  	[sflag:s22] =	ssyncadd.s32 $0xFFFFE000  }
0x75: {  	[bflag:$0x0] =	sbarrier.arrive $0xFFFF  }
0x76: {  	s4 =	smov.u32 s20;
	s20 =	simm.s32 $0x0;
	s21 =	rddreg [dreg:$0x9]  }
0x77: {  	[tilespmem:s20], [sflag:$0xA] =	stream.linear.gather [hbm4b:s21+s20], $0x400, $0x38;
	[tilespmem:$0x1CA80] =	vst v63  }
0x78: {  	_ =	swait.ge [sflag:s22], $0x400  }
0x79: {  	[sflag:s22] =	ssyncset.done $0x0  }
0x7a: {  	s24 =	simm.s32 $0x800;
	s23 =	rddreg [dreg:$0xa];
	[sflag:s22] =	ssyncadd.s32 $0xFFFFFC00  }
0x7b: {  	[tilespmem:s24], [sflag:$0xA] =	stream.linear.gather [hbm4b:s23+s20], $0x400, $0x38;
	[tilespmem:$0x1CA80] =	vst v63  }
0x7c: {  	_ =	swait.ge [sflag:s22], $0x400  }
0x7d: {  	[sflag:s22] =	ssyncset.done $0x0  }
0x7e: {  	s11 =	simm.s32 $0x400;
	s25 =	rddreg [dreg:$0xb];
	[sflag:s22] =	ssyncadd.s32 $0xFFFFFC00  }
0x7f: {  	[tilespmem:s11], [sflag:$0x9] =	stream.linear.gather [hbm4b:s25+s20], $0x400, $0x38;
	[tilespmem:$0x1CA80] =	vst v63  }
0x80: {  	s12 =	simm.s32 $0xC00;
	s11 =	rddreg [dreg:$0xc]  }
0x81: {  	[tilespmem:s12], [sflag:$0x9] =	stream.linear.gather [hbm4b:s11+s20], $0x400, $0x38;
	[tilespmem:$0x1CA80] =	vst v63  }
0x82: {  	_ = 	snop  }
0x83: {  	[tilespmem:s28], [sflag:$0x1] =	stream.indirect.gather [hbm4b:s1+s26], $0x40, s20, s26, $0xb8;
	[tilespmem:$0x1CA80] =	vst v63  }
0x84: {  	_ = 	snop  }
0x85: {  	[tilespmem:s29], [sflag:$0x2] =	stream.indirect.gather [hbm4b:s1+s26], $0x40, s26, s26, $0xb8;
	[tilespmem:$0x1CA80] =	vst v63  }
0x86: {  	s13 =	simm.s32 $0x100  }
0x87: {  	[tilespmem:s30], [sflag:$0x3] =	stream.indirect.gather [hbm4b:s1+s26], $0x40, s13, s26, $0xb8;
	[tilespmem:$0x1CA80] =	vst v63  }
0x88: {  	_ =	swait.ge [sflag:s31], $0x2000  }
0x89: {  	[sflag:s31] =	ssyncset.done $0x0  }
0x8a: {  	s10 =	simm.s32 @p0 $0x180;
	[sflag:s31] =	ssyncadd.s32 $0xFFFFE000  }
0x8b: {  	[spmem:s3] =	stream.indirect.scatter.add.f32 [tilespmem:s28], [sflag:$0x5], $0x40, s24, s26, $0xb8;
	[tilespmem:$0x1CA80] =	vst v63  }
0x8c: {  	s9 =	simm.s32 @p0 $0x80;
	s12 =	simm.s32 @p0 $0x2;
	s20 =	simm.s32 @p0 $0x7000  }
0x8d: {  	[tilespmem:s20], [sflag:$0x4] =	stream.indirect.gather @p0 [hbm4b:s1+s9], $0x40, s10, s9, $0xb8;
	[tilespmem:$0x1CA80] =	vst v63  }
0x8e: {  	_ =	swait.ge @p0 [sflag:s12], $0x2000  }
0x8f: {  	[sflag:s12] =	ssyncset.done @p0 $0x0  }
0x90: {  	s25 =	simm.s32 @p0 $0x3000;
	s10 =	simm.s32 @p0 $0x880;
	[sflag:s12] =	ssyncadd.s32 @p0 $0xFFFFE000  }
0x91: {  	[spmem:s3] =	stream.indirect.scatter.add.f32 @p0 [tilespmem:s25], [sflag:$0x6], $0x40, s10, s9, $0xb8;
	[tilespmem:$0x1CA80] =	vst v63  }
0x92: {  	v2 =	vld @!p0 [tilespmem:$0x800];
	_ =	sdelay $0x6  }
0x93: {  	v1 =	vimm.f32 @!p0 $1.000000000e+00;
	s10 =	simm.s32 @!p0 $0xB000  }
0x94: {  	[tilespmem:v2+s10+$0x0] =	vst.idx.add.f32.msk @!p0 $0xffff, v1  }
0x95: {  	v2 =	vld @!p0 [tilespmem:$0x810];
	_ =	sdelay $0x7  }
0x96: {  	[tilespmem:v2+s10+$0x0] =	vst.idx.add.f32.msk @!p0 $0xffff, v1  }
0x97: {  	v2 =	vld @!p0 [tilespmem:$0x820];
	_ =	sdelay $0x7  }
0x98: {  	[tilespmem:v2+s10+$0x0] =	vst.idx.add.f32.msk @!p0 $0xffff, v1  }
0x99: {  	v2 =	vld @!p0 [tilespmem:$0x830];
	_ =	sdelay $0x7  }
0x9a: {  	[tilespmem:v2+s10+$0x0] =	vst.idx.add.f32.msk @!p0 $0xffff, v1  }
0x9b: {  	v2 =	vld @!p0 [tilespmem:$0x840];
	_ =	sdelay $0x7  }
0x9c: {  	[tilespmem:v2+s10+$0x0] =	vst.idx.add.f32.msk @!p0 $0xffff, v1  }
0x9d: {  	v2 =	vld @!p0 [tilespmem:$0x850];
	_ =	sdelay $0x7  }
0x9e: {  	[tilespmem:v2+s10+$0x0] =	vst.idx.add.f32.msk @!p0 $0xffff, v1  }
0x9f: {  	v2 =	vld @!p0 [tilespmem:$0x860];
	_ =	sdelay $0x7  }
0xa0: {  	[tilespmem:v2+s10+$0x0] =	vst.idx.add.f32.msk @!p0 $0xffff, v1  }
0xa1: {  	v2 =	vld @!p0 [tilespmem:$0x870];
	_ =	sdelay $0x6  }
0xa2: {  	s23 =	simm.s32 @!p0 $0x7000  }
0xa3: {  	s11 =	simm.s32 @!p0 $0x80;
	s13 =	simm.s32 @!p0 $0x180;
	s24 =	simm.s32 @!p0 $0x2;
	[tilespmem:v2+s10+$0x0] =	vst.idx.add.f32.msk @!p0 $0xffff, v1  }
0xa4: {  	[tilespmem:s23], [sflag:$0x4] =	stream.indirect.gather @!p0 [hbm4b:s1+s11], $0x40, s13, s11, $0xb8;
	[tilespmem:$0x1CA80] =	vst v63  }
0xa5: {  	_ =	swait.ge @!p0 [sflag:s24], $0x2000  }
0xa6: {  	[sflag:s24] =	ssyncset.done @!p0 $0x0  }
0xa7: {  	s14 =	simm.s32 @!p0 $0x880;
	s13 =	simm.s32 @!p0 $0x3000;
	[sflag:s24] =	ssyncadd.s32 @!p0 $0xFFFFE000  }
0xa8: {  	[spmem:s3] =	stream.indirect.scatter.add.f32 @!p0 [tilespmem:s13], [sflag:$0x6], $0x40, s14, s11, $0xb8;
	[tilespmem:$0x1CA80] =	vst v63  }
0xa9: {  	v2 =	vld @!p0 [tilespmem:$0x880];
	_ =	sdelay $0x7  }
0xaa: {  	[tilespmem:v2+s10+$0x0] =	vst.idx.add.f32.msk @!p0 $0xffff, v1  }
0xab: {  	v2 =	vld @!p0 [tilespmem:$0x890];
	_ =	sdelay $0x7  }
0xac: {  	[tilespmem:v2+s10+$0x0] =	vst.idx.add.f32.msk @!p0 $0xffff, v1  }
0xad: {  	v2 =	vld @!p0 [tilespmem:$0x8A0];
	_ =	sdelay $0x7  }
0xae: {  	[tilespmem:v2+s10+$0x0] =	vst.idx.add.f32.msk @!p0 $0xffff, v1  }
0xaf: {  	v2 =	vld @!p0 [tilespmem:$0x8B0];
	_ =	sdelay $0x7  }
0xb0: {  	[tilespmem:v2+s10+$0x0] =	vst.idx.add.f32.msk @!p0 $0xffff, v1  }
0xb1: {  	v2 =	vld @!p0 [tilespmem:$0x8C0];
	_ =	sdelay $0x7  }
0xb2: {  	[tilespmem:v2+s10+$0x0] =	vst.idx.add.f32.msk @!p0 $0xffff, v1  }
0xb3: {  	v2 =	vld @!p0 [tilespmem:$0x8D0];
	_ =	sdelay $0x7  }
0xb4: {  	[tilespmem:v2+s10+$0x0] =	vst.idx.add.f32.msk @!p0 $0xffff, v1  }
0xb5: {  	v2 =	vld @!p0 [tilespmem:$0x8E0];
	_ =	sdelay $0x7  }
0xb6: {  	[tilespmem:v2+s10+$0x0] =	vst.idx.add.f32.msk @!p0 $0xffff, v1  }
0xb7: {  	v2 =	vld @!p0 [tilespmem:$0x8F0];
	_ =	sdelay $0x7  }
0xb8: {  	[tilespmem:v2+s10+$0x0] =	vst.idx.add.f32.msk @!p0 $0xffff, v1  }
0xb9: {  	_ =	swait.ge [sflag:s0], $0x2000  }
0xba: {  	[sflag:s0] =	ssyncset.done $0x0  }
0xbb: {  	s14 =	simm.s32 $0x200;
	[sflag:s0] =	ssyncadd.s32 $0xFFFFE000  }
0xbc: {  	[tilespmem:s28], [sflag:$0x1] =	stream.indirect.gather [hbm4b:s1+s26], $0x40, s14, s26, $0xb8;
	[tilespmem:$0x1CA80] =	vst v63  }
0xbd: {  	_ =	swait.ge [sflag:s16], $0x2000  }
0xbe: {  	[sflag:s16] =	ssyncset.done $0x0  }
0xbf: {  	s21 =	simm.s32 $0x900;
	s14 =	simm.s32 @p0 $0x6;
	[sflag:s16] =	ssyncadd.s32 $0xFFFFE000  }
0xc0: {  	[spmem:s3] =	stream.indirect.scatter.add.f32 [tilespmem:s30], [sflag:$0x7], $0x40, s21, s26, $0xb8;
	[tilespmem:$0x1CA80] =	vst v63  }
0xc1: {  	_ =	swait.ge @p0 [sflag:s14], $0x2000  }
0xc2: {  	[sflag:s14] =	ssyncset.done @p0 $0x0  }
0xc3: {  	[sflag:s14] =	ssyncadd.s32 @p0 $0xFFFFE000;
	s14 =	simm.s32 @p0 $0x280  }
0xc4: {  	[tilespmem:s25], [sflag:$0x2] =	stream.indirect.gather @p0 [hbm4b:s1+s9], $0x40, s14, s9, $0xb8;
	[tilespmem:$0x1CA80] =	vst v63  }
0xc5: {  	s14 =	simm.s32 @p0 $0x4  }
0xc6: {  	_ =	swait.ge @p0 [sflag:s14], $0x2000  }
0xc7: {  	[sflag:s14] =	ssyncset.done @p0 $0x0  }
0xc8: {  	[sflag:s14] =	ssyncadd.s32 @p0 $0xFFFFE000;
	s14 =	simm.s32 @p0 $0x980  }
0xc9: {  	[spmem:s3] =	stream.indirect.scatter.add.f32 @p0 [tilespmem:s20], [sflag:$0x8], $0x40, s14, s9, $0xb8;
	[tilespmem:$0x1CA80] =	vst v63  }
0xca: {  	v2 =	vld @!p0 [tilespmem:$0x900];
	_ =	sdelay $0x7  }
0xcb: {  	[tilespmem:v2+s10+$0x0] =	vst.idx.add.f32.msk @!p0 $0xffff, v1  }
0xcc: {  	v2 =	vld @!p0 [tilespmem:$0x910];
	_ =	sdelay $0x7  }
0xcd: {  	[tilespmem:v2+s10+$0x0] =	vst.idx.add.f32.msk @!p0 $0xffff, v1  }
0xce: {  	v2 =	vld @!p0 [tilespmem:$0x920];
	_ =	sdelay $0x7  }
0xcf: {  	[tilespmem:v2+s10+$0x0] =	vst.idx.add.f32.msk @!p0 $0xffff, v1  }
0xd0: {  	v2 =	vld @!p0 [tilespmem:$0x930];
	_ =	sdelay $0x7  }
0xd1: {  	[tilespmem:v2+s10+$0x0] =	vst.idx.add.f32.msk @!p0 $0xffff, v1  }
0xd2: {  	v2 =	vld @!p0 [tilespmem:$0x940];
	_ =	sdelay $0x7  }
0xd3: {  	[tilespmem:v2+s10+$0x0] =	vst.idx.add.f32.msk @!p0 $0xffff, v1  }
0xd4: {  	v2 =	vld @!p0 [tilespmem:$0x950];
	_ =	sdelay $0x7  }
0xd5: {  	[tilespmem:v2+s10+$0x0] =	vst.idx.add.f32.msk @!p0 $0xffff, v1  }
0xd6: {  	v2 =	vld @!p0 [tilespmem:$0x960];
	_ =	sdelay $0x7  }
0xd7: {  	[tilespmem:v2+s10+$0x0] =	vst.idx.add.f32.msk @!p0 $0xffff, v1  }
0xd8: {  	v2 =	vld @!p0 [tilespmem:$0x970];
	_ =	sdelay $0x7  }
0xd9: {  	s14 =	simm.s32 @!p0 $0x6;
	[tilespmem:v2+s10+$0x0] =	vst.idx.add.f32.msk @!p0 $0xffff, v1  }
0xda: {  	_ =	swait.ge @!p0 [sflag:s14], $0x2000  }
0xdb: {  	[sflag:s14] =	ssyncset.done @!p0 $0x0  }
0xdc: {  	[sflag:s14] =	ssyncadd.s32 @!p0 $0xFFFFE000;
	s14 =	simm.s32 @!p0 $0x280  }
0xdd: {  	[tilespmem:s13], [sflag:$0x2] =	stream.indirect.gather @!p0 [hbm4b:s1+s11], $0x40, s14, s11, $0xb8;
	[tilespmem:$0x1CA80] =	vst v63  }
0xde: {  	s14 =	simm.s32 @!p0 $0x4  }
0xdf: {  	_ =	swait.ge @!p0 [sflag:s14], $0x2000  }
0xe0: {  	[sflag:s14] =	ssyncset.done @!p0 $0x0  }
0xe1: {  	[sflag:s14] =	ssyncadd.s32 @!p0 $0xFFFFE000;
	s14 =	simm.s32 @!p0 $0x980  }
0xe2: {  	[spmem:s3] =	stream.indirect.scatter.add.f32 @!p0 [tilespmem:s23], [sflag:$0x8], $0x40, s14, s11, $0xb8;
	[tilespmem:$0x1CA80] =	vst v63  }
0xe3: {  	v2 =	vld @!p0 [tilespmem:$0x980];
	_ =	sdelay $0x7  }
0xe4: {  	[tilespmem:v2+s10+$0x0] =	vst.idx.add.f32.msk @!p0 $0xffff, v1  }
0xe5: {  	v2 =	vld @!p0 [tilespmem:$0x990];
	_ =	sdelay $0x7  }
0xe6: {  	[tilespmem:v2+s10+$0x0] =	vst.idx.add.f32.msk @!p0 $0xffff, v1  }
0xe7: {  	v2 =	vld @!p0 [tilespmem:$0x9A0];
	_ =	sdelay $0x7  }
0xe8: {  	[tilespmem:v2+s10+$0x0] =	vst.idx.add.f32.msk @!p0 $0xffff, v1  }
0xe9: {  	v2 =	vld @!p0 [tilespmem:$0x9B0];
	_ =	sdelay $0x7  }
0xea: {  	[tilespmem:v2+s10+$0x0] =	vst.idx.add.f32.msk @!p0 $0xffff, v1  }
0xeb: {  	v2 =	vld @!p0 [tilespmem:$0x9C0];
	_ =	sdelay $0x7  }
0xec: {  	[tilespmem:v2+s10+$0x0] =	vst.idx.add.f32.msk @!p0 $0xffff, v1  }
0xed: {  	v2 =	vld @!p0 [tilespmem:$0x9D0];
	_ =	sdelay $0x7  }
0xee: {  	[tilespmem:v2+s10+$0x0] =	vst.idx.add.f32.msk @!p0 $0xffff, v1  }
0xef: {  	v2 =	vld @!p0 [tilespmem:$0x9E0];
	_ =	sdelay $0x7  }
0xf0: {  	[tilespmem:v2+s10+$0x0] =	vst.idx.add.f32.msk @!p0 $0xffff, v1  }
0xf1: {  	v2 =	vld @!p0 [tilespmem:$0x9F0];
	_ =	sdelay $0x7  }
0xf2: {  	[tilespmem:v2+s10+$0x0] =	vst.idx.add.f32.msk @!p0 $0xffff, v1  }
0xf3: {  	_ =	swait.ge [sflag:s17], $0x2000  }
0xf4: {  	[sflag:s17] =	ssyncset.done $0x0  }
0xf5: {  	s14 =	simm.s32 $0x300;
	[sflag:s17] =	ssyncadd.s32 $0xFFFFE000  }
0xf6: {  	[tilespmem:s30], [sflag:$0x3] =	stream.indirect.gather [hbm4b:s1+s26], $0x40, s14, s26, $0xb8;
	[tilespmem:$0x1CA80] =	vst v63  }
0xf7: {  	_ =	swait.ge [sflag:s31], $0x2000  }
0xf8: {  	[sflag:s31] =	ssyncset.done $0x0  }
0xf9: {  	s21 =	simm.s32 $0xA00;
	s14 =	simm.s32 @p0 $0x8;
	[sflag:s31] =	ssyncadd.s32 $0xFFFFE000  }
0xfa: {  	[spmem:s3] =	stream.indirect.scatter.add.f32 [tilespmem:s28], [sflag:$0x5], $0x40, s21, s26, $0xb8;
	[tilespmem:$0x1CA80] =	vst v63  }
0xfb: {  	_ =	swait.ge @p0 [sflag:s14], $0x2000  }
0xfc: {  	[sflag:s14] =	ssyncset.done @p0 $0x0  }
0xfd: {  	[sflag:s14] =	ssyncadd.s32 @p0 $0xFFFFE000;
	s14 =	simm.s32 @p0 $0x380  }
0xfe: {  	[tilespmem:s20], [sflag:$0x4] =	stream.indirect.gather @p0 [hbm4b:s1+s9], $0x40, s14, s9, $0xb8;
	[tilespmem:$0x1CA80] =	vst v63  }
0xff: {  	_ =	swait.ge @p0 [sflag:s12], $0x2000  }
0x100: {  	[sflag:s12] =	ssyncset.done @p0 $0x0  }
0x101: {  	[sflag:s12] =	ssyncadd.s32 @p0 $0xFFFFE000;
	s12 =	simm.s32 @p0 $0xA80  }
0x102: {  	[spmem:s3] =	stream.indirect.scatter.add.f32 @p0 [tilespmem:s25], [sflag:$0x6], $0x40, s12, s9, $0xb8;
	[tilespmem:$0x1CA80] =	vst v63  }
0x103: {  	v2 =	vld @!p0 [tilespmem:$0xA00];
	_ =	sdelay $0x7  }
0x104: {  	[tilespmem:v2+s10+$0x0] =	vst.idx.add.f32.msk @!p0 $0xffff, v1  }
0x105: {  	v2 =	vld @!p0 [tilespmem:$0xA10];
	_ =	sdelay $0x7  }
0x106: {  	[tilespmem:v2+s10+$0x0] =	vst.idx.add.f32.msk @!p0 $0xffff, v1  }
0x107: {  	v2 =	vld @!p0 [tilespmem:$0xA20];
	_ =	sdelay $0x7  }
0x108: {  	[tilespmem:v2+s10+$0x0] =	vst.idx.add.f32.msk @!p0 $0xffff, v1  }
0x109: {  	v2 =	vld @!p0 [tilespmem:$0xA30];
	_ =	sdelay $0x7  }
0x10a: {  	[tilespmem:v2+s10+$0x0] =	vst.idx.add.f32.msk @!p0 $0xffff, v1  }
0x10b: {  	v2 =	vld @!p0 [tilespmem:$0xA40];
	_ =	sdelay $0x7  }
0x10c: {  	[tilespmem:v2+s10+$0x0] =	vst.idx.add.f32.msk @!p0 $0xffff, v1  }
0x10d: {  	v2 =	vld @!p0 [tilespmem:$0xA50];
	_ =	sdelay $0x7  }
0x10e: {  	[tilespmem:v2+s10+$0x0] =	vst.idx.add.f32.msk @!p0 $0xffff, v1  }
0x10f: {  	v2 =	vld @!p0 [tilespmem:$0xA60];
	_ =	sdelay $0x7  }
0x110: {  	[tilespmem:v2+s10+$0x0] =	vst.idx.add.f32.msk @!p0 $0xffff, v1  }
0x111: {  	v2 =	vld @!p0 [tilespmem:$0xA70];
	_ =	sdelay $0x7  }
0x112: {  	s12 =	simm.s32 @!p0 $0x8;
	[tilespmem:v2+s10+$0x0] =	vst.idx.add.f32.msk @!p0 $0xffff, v1  }
0x113: {  	_ =	swait.ge @!p0 [sflag:s12], $0x2000  }
0x114: {  	[sflag:s12] =	ssyncset.done @!p0 $0x0  }
0x115: {  	[sflag:s12] =	ssyncadd.s32 @!p0 $0xFFFFE000;
	s12 =	simm.s32 @!p0 $0x380  }
0x116: {  	[tilespmem:s23], [sflag:$0x4] =	stream.indirect.gather @!p0 [hbm4b:s1+s11], $0x40, s12, s11, $0xb8;
	[tilespmem:$0x1CA80] =	vst v63  }
0x117: {  	_ =	swait.ge @!p0 [sflag:s24], $0x2000  }
0x118: {  	[sflag:s24] =	ssyncset.done @!p0 $0x0  }
0x119: {  	s12 =	simm.s32 @!p0 $0xA80;
	[sflag:s24] =	ssyncadd.s32 @!p0 $0xFFFFE000  }
0x11a: {  	[spmem:s3] =	stream.indirect.scatter.add.f32 @!p0 [tilespmem:s13], [sflag:$0x6], $0x40, s12, s11, $0xb8;
	[tilespmem:$0x1CA80] =	vst v63  }
0x11b: {  	v2 =	vld @!p0 [tilespmem:$0xA80];
	_ =	sdelay $0x7  }
0x11c: {  	[tilespmem:v2+s10+$0x0] =	vst.idx.add.f32.msk @!p0 $0xffff, v1  }
0x11d: {  	v2 =	vld @!p0 [tilespmem:$0xA90];
	_ =	sdelay $0x7  }
0x11e: {  	[tilespmem:v2+s10+$0x0] =	vst.idx.add.f32.msk @!p0 $0xffff, v1  }
0x11f: {  	v2 =	vld @!p0 [tilespmem:$0xAA0];
	_ =	sdelay $0x7  }
0x120: {  	[tilespmem:v2+s10+$0x0] =	vst.idx.add.f32.msk @!p0 $0xffff, v1  }
0x121: {  	v2 =	vld @!p0 [tilespmem:$0xAB0];
	_ =	sdelay $0x7  }
0x122: {  	[tilespmem:v2+s10+$0x0] =	vst.idx.add.f32.msk @!p0 $0xffff, v1  }
0x123: {  	v2 =	vld @!p0 [tilespmem:$0xAC0];
	_ =	sdelay $0x7  }
0x124: {  	[tilespmem:v2+s10+$0x0] =	vst.idx.add.f32.msk @!p0 $0xffff, v1  }
0x125: {  	v2 =	vld @!p0 [tilespmem:$0xAD0];
	_ =	sdelay $0x7  }
0x126: {  	[tilespmem:v2+s10+$0x0] =	vst.idx.add.f32.msk @!p0 $0xffff, v1  }
0x127: {  	v2 =	vld @!p0 [tilespmem:$0xAE0];
	_ =	sdelay $0x7  }
0x128: {  	[tilespmem:v2+s10+$0x0] =	vst.idx.add.f32.msk @!p0 $0xffff, v1  }
0x129: {  	v2 =	vld @!p0 [tilespmem:$0xAF0];
	_ =	sdelay $0x6  }
0x12a: {  	s20 =	rddreg [dreg:$0x13]  }
0x12b: {  	s25 =	rddreg [dreg:$0x18];
	s12 =	simm.s32 $0x800;
	[tilespmem:v2+s10+$0x0] =	vst.idx.add.f32.msk @!p0 $0xffff, v1  }
.LBB2_6:
0x12c: {  	_ =	swait.ge [sflag:s18], $0x400  }
0x12d: {  	[sflag:s18] =	ssyncset.done $0x0  }
0x12e: {  	[sflag:s18] =	ssyncadd.s32 $0xFFFFFC00  }
0x12f: {  	_ =	swait.ge [sflag:s18], $0x400  }
0x130: {  	[sflag:s18] =	ssyncset.done $0x0  }
0x131: {  	[sflag:s18] =	ssyncadd.s32 $0xFFFFFC00  }
0x132: {  	_ =	swait.ge [sflag:s0], $0x2000  }
0x133: {  	s13 =	sadd.s32 $0xFFFFFC00, s12;
	[sflag:s0] =	ssyncset.done $0x0  }
0x134: {  	s24 =	sand.u32 $0x400, s13;
	[sflag:s0] =	ssyncadd.s32 $0xFFFFE000  }
0x135: {  	[tilespmem:s28], [sflag:$0x1] =	stream.indirect.gather [hbm4b:s1+s26], $0x40, s24, s26, $0xb8;
	[tilespmem:$0x1CA80] =	vst v63  }
0x136: {  	_ =	swait.ge [sflag:s16], $0x2000  }
0x137: {  	s13 =	sand.u32 $0x400, s12;
	[sflag:s16] =	ssyncset.done $0x0  }
0x138: {  	s14 =	sor.u32 $0xB00, s13;
	[sflag:s16] =	ssyncadd.s32 $0xFFFFE000  }
0x139: {  	[spmem:s3] =	stream.indirect.scatter.add.f32 [tilespmem:s30], [sflag:$0x7], $0x40, s14, s26, $0xb8;
	[tilespmem:$0x1CA80] =	vst v63  }
0x13a: {  	v2 =	vld @!p0 [tilespmem:s13+$0xB00];
	_ =	sdelay $0x7  }
0x13b: {  	[tilespmem:v2+s10+$0x0] =	vst.idx.add.f32.msk @!p0 $0xffff, v1  }
0x13c: {  	v2 =	vld @!p0 [tilespmem:s13+$0xB10];
	_ =	sdelay $0x7  }
0x13d: {  	[tilespmem:v2+s10+$0x0] =	vst.idx.add.f32.msk @!p0 $0xffff, v1  }
0x13e: {  	v2 =	vld @!p0 [tilespmem:s13+$0xB20];
	_ =	sdelay $0x7  }
0x13f: {  	[tilespmem:v2+s10+$0x0] =	vst.idx.add.f32.msk @!p0 $0xffff, v1  }
0x140: {  	v2 =	vld @!p0 [tilespmem:s13+$0xB30];
	_ =	sdelay $0x7  }
0x141: {  	[tilespmem:v2+s10+$0x0] =	vst.idx.add.f32.msk @!p0 $0xffff, v1  }
0x142: {  	v2 =	vld @!p0 [tilespmem:s13+$0xB40];
	_ =	sdelay $0x7  }
0x143: {  	[tilespmem:v2+s10+$0x0] =	vst.idx.add.f32.msk @!p0 $0xffff, v1  }
0x144: {  	v2 =	vld @!p0 [tilespmem:s13+$0xB50];
	_ =	sdelay $0x7  }
0x145: {  	[tilespmem:v2+s10+$0x0] =	vst.idx.add.f32.msk @!p0 $0xffff, v1  }
0x146: {  	v2 =	vld @!p0 [tilespmem:s13+$0xB60];
	_ =	sdelay $0x7  }
0x147: {  	[tilespmem:v2+s10+$0x0] =	vst.idx.add.f32.msk @!p0 $0xffff, v1  }
0x148: {  	v2 =	vld @!p0 [tilespmem:s13+$0xB70];
	_ =	sdelay $0x7  }
0x149: {  	[tilespmem:v2+s10+$0x0] =	vst.idx.add.f32.msk @!p0 $0xffff, v1  }
0x14a: {  	_ =	swait.ge [sflag:s19], $0x2000  }
0x14b: {  	[sflag:s19] =	ssyncset.done $0x0  }
0x14c: {  	s5 =	sor.u32 $0x80, s24;
	[sflag:s19] =	ssyncadd.s32 $0xFFFFE000  }
0x14d: {  	[tilespmem:s29], [sflag:$0x2] =	stream.indirect.gather [hbm4b:s1+s26], $0x40, s5, s26, $0xb8;
	[tilespmem:$0x1CA80] =	vst v63  }
0x14e: {  	_ =	swait.ge [sflag:s2], $0x2000  }
0x14f: {  	[sflag:s2] =	ssyncset.done $0x0  }
0x150: {  	s23 =	sadd.s32 $0xB80, s13;
	[sflag:s2] =	ssyncadd.s32 $0xFFFFE000  }
0x151: {  	[spmem:s3] =	stream.indirect.scatter.add.f32 [tilespmem:s15], [sflag:$0x8], $0x40, s23, s26, $0xb8;
	[tilespmem:$0x1CA80] =	vst v63  }
0x152: {  	v2 =	vld @!p0 [tilespmem:s13+$0xB80];
	_ =	sdelay $0x7  }
0x153: {  	[tilespmem:v2+s10+$0x0] =	vst.idx.add.f32.msk @!p0 $0xffff, v1  }
0x154: {  	v2 =	vld @!p0 [tilespmem:s13+$0xB90];
	_ =	sdelay $0x7  }
0x155: {  	[tilespmem:v2+s10+$0x0] =	vst.idx.add.f32.msk @!p0 $0xffff, v1  }
0x156: {  	v2 =	vld @!p0 [tilespmem:s13+$0xBA0];
	_ =	sdelay $0x7  }
0x157: {  	[tilespmem:v2+s10+$0x0] =	vst.idx.add.f32.msk @!p0 $0xffff, v1  }
0x158: {  	v2 =	vld @!p0 [tilespmem:s13+$0xBB0];
	_ =	sdelay $0x7  }
0x159: {  	[tilespmem:v2+s10+$0x0] =	vst.idx.add.f32.msk @!p0 $0xffff, v1  }
0x15a: {  	v2 =	vld @!p0 [tilespmem:s13+$0xBC0];
	_ =	sdelay $0x7  }
0x15b: {  	[tilespmem:v2+s10+$0x0] =	vst.idx.add.f32.msk @!p0 $0xffff, v1  }
0x15c: {  	v2 =	vld @!p0 [tilespmem:s13+$0xBD0];
	_ =	sdelay $0x7  }
0x15d: {  	[tilespmem:v2+s10+$0x0] =	vst.idx.add.f32.msk @!p0 $0xffff, v1  }
0x15e: {  	v2 =	vld @!p0 [tilespmem:s13+$0xBE0];
	_ =	sdelay $0x7  }
0x15f: {  	[tilespmem:v2+s10+$0x0] =	vst.idx.add.f32.msk @!p0 $0xffff, v1  }
0x160: {  	v2 =	vld @!p0 [tilespmem:s13+$0xBF0];
	_ =	sdelay $0x7  }
0x161: {  	[tilespmem:v2+s10+$0x0] =	vst.idx.add.f32.msk @!p0 $0xffff, v1  }
0x162: {  	_ =	swait.ge [sflag:s17], $0x2000  }
0x163: {  	[sflag:s17] =	ssyncset.done $0x0  }
0x164: {  	s14 =	sor.u32 $0x100, s24;
	[sflag:s17] =	ssyncadd.s32 $0xFFFFE000  }
0x165: {  	[tilespmem:s30], [sflag:$0x3] =	stream.indirect.gather [hbm4b:s1+s26], $0x40, s14, s26, $0xb8;
	[tilespmem:$0x1CA80] =	vst v63  }
0x166: {  	_ =	swait.ge [sflag:s31], $0x2000  }
0x167: {  	[sflag:s31] =	ssyncset.done $0x0  }
0x168: {  	s23 =	sor.u32 $0x800, s24;
	[sflag:s31] =	ssyncadd.s32 $0xFFFFE000  }
0x169: {  	[spmem:s3] =	stream.indirect.scatter.add.f32 [tilespmem:s28], [sflag:$0x5], $0x40, s23, s26, $0xb8;
	[tilespmem:$0x1CA80] =	vst v63  }
0x16a: {  	v2 =	vld @!p0 [tilespmem:s24+$0x800];
	_ =	sdelay $0x7  }
0x16b: {  	[tilespmem:v2+s10+$0x0] =	vst.idx.add.f32.msk @!p0 $0xffff, v1  }
0x16c: {  	v2 =	vld @!p0 [tilespmem:s24+$0x810];
	_ =	sdelay $0x7  }
0x16d: {  	[tilespmem:v2+s10+$0x0] =	vst.idx.add.f32.msk @!p0 $0xffff, v1  }
0x16e: {  	v2 =	vld @!p0 [tilespmem:s24+$0x820];
	_ =	sdelay $0x7  }
0x16f: {  	[tilespmem:v2+s10+$0x0] =	vst.idx.add.f32.msk @!p0 $0xffff, v1  }
0x170: {  	v2 =	vld @!p0 [tilespmem:s24+$0x830];
	_ =	sdelay $0x7  }
0x171: {  	[tilespmem:v2+s10+$0x0] =	vst.idx.add.f32.msk @!p0 $0xffff, v1  }
0x172: {  	v2 =	vld @!p0 [tilespmem:s24+$0x840];
	_ =	sdelay $0x7  }
0x173: {  	[tilespmem:v2+s10+$0x0] =	vst.idx.add.f32.msk @!p0 $0xffff, v1  }
0x174: {  	v2 =	vld @!p0 [tilespmem:s24+$0x850];
	_ =	sdelay $0x7  }
0x175: {  	[tilespmem:v2+s10+$0x0] =	vst.idx.add.f32.msk @!p0 $0xffff, v1  }
0x176: {  	v2 =	vld @!p0 [tilespmem:s24+$0x860];
	_ =	sdelay $0x7  }
0x177: {  	[tilespmem:v2+s10+$0x0] =	vst.idx.add.f32.msk @!p0 $0xffff, v1  }
0x178: {  	v2 =	vld @!p0 [tilespmem:s24+$0x870];
	_ =	sdelay $0x7  }
0x179: {  	[tilespmem:v2+s10+$0x0] =	vst.idx.add.f32.msk @!p0 $0xffff, v1  }
0x17a: {  	_ =	swait.ge [sflag:s6], $0x2000  }
0x17b: {  	[sflag:s6] =	ssyncset.done $0x0  }
0x17c: {  	s23 =	sor.u32 $0x180, s24;
	[sflag:s6] =	ssyncadd.s32 $0xFFFFE000  }
0x17d: {  	[tilespmem:s15], [sflag:$0x4] =	stream.indirect.gather [hbm4b:s1+s26], $0x40, s23, s26, $0xb8;
	[tilespmem:$0x1CA80] =	vst v63  }
0x17e: {  	_ =	swait.ge [sflag:s7], $0x2000  }
0x17f: {  	[sflag:s7] =	ssyncset.done $0x0  }
0x180: {  	s21 =	sor.u32 $0x800, s5;
	[sflag:s7] =	ssyncadd.s32 $0xFFFFE000  }
0x181: {  	[spmem:s3] =	stream.indirect.scatter.add.f32 [tilespmem:s29], [sflag:$0x6], $0x40, s21, s26, $0xb8;
	[tilespmem:$0x1CA80] =	vst v63  }
0x182: {  	v2 =	vld @!p0 [tilespmem:s5+$0x800];
	_ =	sdelay $0x7  }
0x183: {  	[tilespmem:v2+s10+$0x0] =	vst.idx.add.f32.msk @!p0 $0xffff, v1  }
0x184: {  	v2 =	vld @!p0 [tilespmem:s24+$0x890];
	_ =	sdelay $0x7  }
0x185: {  	[tilespmem:v2+s10+$0x0] =	vst.idx.add.f32.msk @!p0 $0xffff, v1  }
0x186: {  	v2 =	vld @!p0 [tilespmem:s24+$0x8A0];
	_ =	sdelay $0x7  }
0x187: {  	[tilespmem:v2+s10+$0x0] =	vst.idx.add.f32.msk @!p0 $0xffff, v1  }
0x188: {  	v2 =	vld @!p0 [tilespmem:s24+$0x8B0];
	_ =	sdelay $0x7  }
0x189: {  	[tilespmem:v2+s10+$0x0] =	vst.idx.add.f32.msk @!p0 $0xffff, v1  }
0x18a: {  	v2 =	vld @!p0 [tilespmem:s24+$0x8C0];
	_ =	sdelay $0x7  }
0x18b: {  	[tilespmem:v2+s10+$0x0] =	vst.idx.add.f32.msk @!p0 $0xffff, v1  }
0x18c: {  	v2 =	vld @!p0 [tilespmem:s24+$0x8D0];
	_ =	sdelay $0x7  }
0x18d: {  	[tilespmem:v2+s10+$0x0] =	vst.idx.add.f32.msk @!p0 $0xffff, v1  }
0x18e: {  	v2 =	vld @!p0 [tilespmem:s24+$0x8E0];
	_ =	sdelay $0x7  }
0x18f: {  	[tilespmem:v2+s10+$0x0] =	vst.idx.add.f32.msk @!p0 $0xffff, v1  }
0x190: {  	v2 =	vld @!p0 [tilespmem:s24+$0x8F0];
	_ =	sdelay $0x6  }
0x191: {  	p1 =	seq.s32 s12, $0x5000  }
0x192: {  	s5 =	simm.s32 @!p1 $0x0;
	[tilespmem:v2+s10+$0x0] =	vst.idx.add.f32.msk @!p0 $0xffff, v1  }
0x193: {  	[tilespmem:s13], [sflag:$0x9] =	stream.linear.gather @!p1 [hbm4b:s20+s5], $0x400, $0x38;
	[tilespmem:$0x1CA80] =	vst v63  }
0x194: {  	s13 =	sor.u32 $0x800, s13  }
0x195: {  	[tilespmem:s13], [sflag:$0x9] =	stream.linear.gather @!p1 [hbm4b:s25+s5], $0x400, $0x38;
	[tilespmem:$0x1CA80] =	vst v63  }
0x196: {  	_ =	swait.ge [sflag:s0], $0x2000  }
0x197: {  	[sflag:s0] =	ssyncset.done $0x0  }
0x198: {  	s13 =	sor.u32 $0x200, s24;
	[sflag:s0] =	ssyncadd.s32 $0xFFFFE000  }
0x199: {  	[tilespmem:s28], [sflag:$0x1] =	stream.indirect.gather [hbm4b:s1+s26], $0x40, s13, s26, $0xb8;
	[tilespmem:$0x1CA80] =	vst v63  }
0x19a: {  	_ =	swait.ge [sflag:s16], $0x2000  }
0x19b: {  	[sflag:s16] =	ssyncset.done $0x0  }
0x19c: {  	s21 =	sor.u32 $0x800, s14;
	[sflag:s16] =	ssyncadd.s32 $0xFFFFE000  }
0x19d: {  	[spmem:s3] =	stream.indirect.scatter.add.f32 [tilespmem:s30], [sflag:$0x7], $0x40, s21, s26, $0xb8;
	[tilespmem:$0x1CA80] =	vst v63  }
0x19e: {  	v2 =	vld @!p0 [tilespmem:s14+$0x800];
	_ =	sdelay $0x7  }
0x19f: {  	[tilespmem:v2+s10+$0x0] =	vst.idx.add.f32.msk @!p0 $0xffff, v1  }
0x1a0: {  	v2 =	vld @!p0 [tilespmem:s24+$0x910];
	_ =	sdelay $0x7  }
0x1a1: {  	[tilespmem:v2+s10+$0x0] =	vst.idx.add.f32.msk @!p0 $0xffff, v1  }
0x1a2: {  	v2 =	vld @!p0 [tilespmem:s24+$0x920];
	_ =	sdelay $0x7  }
0x1a3: {  	[tilespmem:v2+s10+$0x0] =	vst.idx.add.f32.msk @!p0 $0xffff, v1  }
0x1a4: {  	v2 =	vld @!p0 [tilespmem:s24+$0x930];
	_ =	sdelay $0x7  }
0x1a5: {  	[tilespmem:v2+s10+$0x0] =	vst.idx.add.f32.msk @!p0 $0xffff, v1  }
0x1a6: {  	v2 =	vld @!p0 [tilespmem:s24+$0x940];
	_ =	sdelay $0x7  }
0x1a7: {  	[tilespmem:v2+s10+$0x0] =	vst.idx.add.f32.msk @!p0 $0xffff, v1  }
0x1a8: {  	v2 =	vld @!p0 [tilespmem:s24+$0x950];
	_ =	sdelay $0x7  }
0x1a9: {  	[tilespmem:v2+s10+$0x0] =	vst.idx.add.f32.msk @!p0 $0xffff, v1  }
0x1aa: {  	v2 =	vld @!p0 [tilespmem:s24+$0x960];
	_ =	sdelay $0x7  }
0x1ab: {  	[tilespmem:v2+s10+$0x0] =	vst.idx.add.f32.msk @!p0 $0xffff, v1  }
0x1ac: {  	v2 =	vld @!p0 [tilespmem:s24+$0x970];
	_ =	sdelay $0x7  }
0x1ad: {  	[tilespmem:v2+s10+$0x0] =	vst.idx.add.f32.msk @!p0 $0xffff, v1  }
0x1ae: {  	_ =	swait.ge [sflag:s19], $0x2000  }
0x1af: {  	[sflag:s19] =	ssyncset.done $0x0  }
0x1b0: {  	s14 =	sor.u32 $0x280, s24;
	[sflag:s19] =	ssyncadd.s32 $0xFFFFE000  }
0x1b1: {  	[tilespmem:s29], [sflag:$0x2] =	stream.indirect.gather [hbm4b:s1+s26], $0x40, s14, s26, $0xb8;
	[tilespmem:$0x1CA80] =	vst v63  }
0x1b2: {  	_ =	swait.ge [sflag:s2], $0x2000  }
0x1b3: {  	[sflag:s2] =	ssyncset.done $0x0  }
0x1b4: {  	s5 =	simm.s32 @p0 $0x7;
	s21 =	sor.u32 $0x800, s23;
	[sflag:s2] =	ssyncadd.s32 $0xFFFFE000  }
0x1b5: {  	[spmem:s3] =	stream.indirect.scatter.add.f32 [tilespmem:s15], [sflag:$0x8], $0x40, s21, s26, $0xb8;
	[tilespmem:$0x1CA80] =	vst v63  }
0x1b6: {  	_ =	swait.ge @p0 [sflag:s5], $0x2000  }
0x1b7: {  	[sflag:s5] =	ssyncset.done @p0 $0x0  }
0x1b8: {  	s21 =	simm.s32 @p0 $0x5000;
	[sflag:s5] =	ssyncadd.s32 @p0 $0xFFFFE000;
	s5 =	sadd.s32 @p0 $0x300, s24  }
0x1b9: {  	[tilespmem:s21], [sflag:$0x3] =	stream.indirect.gather @p0 [hbm4b:s1+s9], $0x40, s5, s9, $0xb8;
	[tilespmem:$0x1CA80] =	vst v63  }
0x1ba: {  	s5 =	simm.s32 @p0 $0x1  }
0x1bb: {  	_ =	swait.ge @p0 [sflag:s5], $0x2000  }
0x1bc: {  	[sflag:s5] =	ssyncset.done @p0 $0x0  }
0x1bd: {  	s21 =	simm.s32 @p0 $0x1000;
	[sflag:s5] =	ssyncadd.s32 @p0 $0xFFFFE000;
	s5 =	sor.u32 @p0 $0x800, s13  }
0x1be: {  	[spmem:s3] =	stream.indirect.scatter.add.f32 @p0 [tilespmem:s21], [sflag:$0x5], $0x40, s5, s9, $0xb8;
	[tilespmem:$0x1CA80] =	vst v63  }
0x1bf: {  	v2 =	vld @!p0 [tilespmem:s23+$0x800];
	_ =	sdelay $0x7  }
0x1c0: {  	[tilespmem:v2+s10+$0x0] =	vst.idx.add.f32.msk @!p0 $0xffff, v1  }
0x1c1: {  	v2 =	vld @!p0 [tilespmem:s24+$0x990];
	_ =	sdelay $0x7  }
0x1c2: {  	[tilespmem:v2+s10+$0x0] =	vst.idx.add.f32.msk @!p0 $0xffff, v1  }
0x1c3: {  	v2 =	vld @!p0 [tilespmem:s24+$0x9A0];
	_ =	sdelay $0x7  }
0x1c4: {  	[tilespmem:v2+s10+$0x0] =	vst.idx.add.f32.msk @!p0 $0xffff, v1  }
0x1c5: {  	v2 =	vld @!p0 [tilespmem:s24+$0x9B0];
	_ =	sdelay $0x7  }
0x1c6: {  	[tilespmem:v2+s10+$0x0] =	vst.idx.add.f32.msk @!p0 $0xffff, v1  }
0x1c7: {  	v2 =	vld @!p0 [tilespmem:s24+$0x9C0];
	_ =	sdelay $0x7  }
0x1c8: {  	[tilespmem:v2+s10+$0x0] =	vst.idx.add.f32.msk @!p0 $0xffff, v1  }
0x1c9: {  	v2 =	vld @!p0 [tilespmem:s24+$0x9D0];
	_ =	sdelay $0x7  }
0x1ca: {  	[tilespmem:v2+s10+$0x0] =	vst.idx.add.f32.msk @!p0 $0xffff, v1  }
0x1cb: {  	v2 =	vld @!p0 [tilespmem:s24+$0x9E0];
	_ =	sdelay $0x7  }
0x1cc: {  	[tilespmem:v2+s10+$0x0] =	vst.idx.add.f32.msk @!p0 $0xffff, v1  }
0x1cd: {  	v2 =	vld @!p0 [tilespmem:s24+$0x9F0];
	_ =	sdelay $0x7  }
0x1ce: {  	s5 =	simm.s32 @!p0 $0x7;
	[tilespmem:v2+s10+$0x0] =	vst.idx.add.f32.msk @!p0 $0xffff, v1  }
0x1cf: {  	_ =	swait.ge @!p0 [sflag:s5], $0x2000  }
0x1d0: {  	[sflag:s5] =	ssyncset.done @!p0 $0x0  }
0x1d1: {  	s21 =	simm.s32 @!p0 $0x5000;
	[sflag:s5] =	ssyncadd.s32 @!p0 $0xFFFFE000;
	s5 =	sadd.s32 @!p0 $0x300, s24  }
0x1d2: {  	[tilespmem:s21], [sflag:$0x3] =	stream.indirect.gather @!p0 [hbm4b:s1+s11], $0x40, s5, s11, $0xb8;
	[tilespmem:$0x1CA80] =	vst v63  }
0x1d3: {  	s5 =	simm.s32 @!p0 $0x1  }
0x1d4: {  	_ =	swait.ge @!p0 [sflag:s5], $0x2000  }
0x1d5: {  	[sflag:s5] =	ssyncset.done @!p0 $0x0  }
0x1d6: {  	s21 =	simm.s32 @!p0 $0x1000;
	[sflag:s5] =	ssyncadd.s32 @!p0 $0xFFFFE000;
	s5 =	sor.u32 @!p0 $0x800, s13  }
0x1d7: {  	[spmem:s3] =	stream.indirect.scatter.add.f32 @!p0 [tilespmem:s21], [sflag:$0x5], $0x40, s5, s11, $0xb8;
	[tilespmem:$0x1CA80] =	vst v63  }
0x1d8: {  	v2 =	vld @!p0 [tilespmem:s13+$0x800];
	_ =	sdelay $0x7  }
0x1d9: {  	[tilespmem:v2+s10+$0x0] =	vst.idx.add.f32.msk @!p0 $0xffff, v1  }
0x1da: {  	v2 =	vld @!p0 [tilespmem:s24+$0xA10];
	_ =	sdelay $0x7  }
0x1db: {  	[tilespmem:v2+s10+$0x0] =	vst.idx.add.f32.msk @!p0 $0xffff, v1  }
0x1dc: {  	v2 =	vld @!p0 [tilespmem:s24+$0xA20];
	_ =	sdelay $0x7  }
0x1dd: {  	[tilespmem:v2+s10+$0x0] =	vst.idx.add.f32.msk @!p0 $0xffff, v1  }
0x1de: {  	v2 =	vld @!p0 [tilespmem:s24+$0xA30];
	_ =	sdelay $0x7  }
0x1df: {  	[tilespmem:v2+s10+$0x0] =	vst.idx.add.f32.msk @!p0 $0xffff, v1  }
0x1e0: {  	v2 =	vld @!p0 [tilespmem:s24+$0xA40];
	_ =	sdelay $0x7  }
0x1e1: {  	[tilespmem:v2+s10+$0x0] =	vst.idx.add.f32.msk @!p0 $0xffff, v1  }
0x1e2: {  	v2 =	vld @!p0 [tilespmem:s24+$0xA50];
	_ =	sdelay $0x7  }
0x1e3: {  	[tilespmem:v2+s10+$0x0] =	vst.idx.add.f32.msk @!p0 $0xffff, v1  }
0x1e4: {  	v2 =	vld @!p0 [tilespmem:s24+$0xA60];
	_ =	sdelay $0x7  }
0x1e5: {  	[tilespmem:v2+s10+$0x0] =	vst.idx.add.f32.msk @!p0 $0xffff, v1  }
0x1e6: {  	v2 =	vld @!p0 [tilespmem:s24+$0xA70];
	_ =	sdelay $0x7  }
0x1e7: {  	[tilespmem:v2+s10+$0x0] =	vst.idx.add.f32.msk @!p0 $0xffff, v1  }
0x1e8: {  	_ =	swait.ge [sflag:s6], $0x2000  }
0x1e9: {  	[sflag:s6] =	ssyncset.done $0x0  }
0x1ea: {  	s21 =	sadd.s32 $0x380, s24;
	[sflag:s6] =	ssyncadd.s32 $0xFFFFE000  }
0x1eb: {  	[tilespmem:s15], [sflag:$0x4] =	stream.indirect.gather [hbm4b:s1+s26], $0x40, s21, s26, $0xb8;
	[tilespmem:$0x1CA80] =	vst v63  }
0x1ec: {  	_ =	swait.ge [sflag:s7], $0x2000  }
0x1ed: {  	[sflag:s7] =	ssyncset.done $0x0  }
0x1ee: {  	s23 =	sor.u32 $0x800, s14;
	[sflag:s7] =	ssyncadd.s32 $0xFFFFE000  }
0x1ef: {  	[spmem:s3] =	stream.indirect.scatter.add.f32 [tilespmem:s29], [sflag:$0x6], $0x40, s23, s26, $0xb8;
	[tilespmem:$0x1CA80] =	vst v63  }
0x1f0: {  	v2 =	vld @!p0 [tilespmem:s14+$0x800];
	_ =	sdelay $0x7  }
0x1f1: {  	[tilespmem:v2+s10+$0x0] =	vst.idx.add.f32.msk @!p0 $0xffff, v1  }
0x1f2: {  	v2 =	vld @!p0 [tilespmem:s24+$0xA90];
	_ =	sdelay $0x7  }
0x1f3: {  	[tilespmem:v2+s10+$0x0] =	vst.idx.add.f32.msk @!p0 $0xffff, v1  }
0x1f4: {  	v2 =	vld @!p0 [tilespmem:s24+$0xAA0];
	_ =	sdelay $0x7  }
0x1f5: {  	[tilespmem:v2+s10+$0x0] =	vst.idx.add.f32.msk @!p0 $0xffff, v1  }
0x1f6: {  	v2 =	vld @!p0 [tilespmem:s24+$0xAB0];
	_ =	sdelay $0x7  }
0x1f7: {  	[tilespmem:v2+s10+$0x0] =	vst.idx.add.f32.msk @!p0 $0xffff, v1  }
0x1f8: {  	v2 =	vld @!p0 [tilespmem:s24+$0xAC0];
	_ =	sdelay $0x7  }
0x1f9: {  	[tilespmem:v2+s10+$0x0] =	vst.idx.add.f32.msk @!p0 $0xffff, v1  }
0x1fa: {  	v2 =	vld @!p0 [tilespmem:s24+$0xAD0];
	_ =	sdelay $0x7  }
0x1fb: {  	[tilespmem:v2+s10+$0x0] =	vst.idx.add.f32.msk @!p0 $0xffff, v1  }
0x1fc: {  	v2 =	vld @!p0 [tilespmem:s24+$0xAE0];
	_ =	sdelay $0x7  }
0x1fd: {  	[tilespmem:v2+s10+$0x0] =	vst.idx.add.f32.msk @!p0 $0xffff, v1  }
0x1fe: {  	v2 =	vld @!p0 [tilespmem:s24+$0xAF0];
	_ =	sdelay $0x1  }
0x1ff: {  	s12 =	sadd.s32 $0x400, s12  }
0x200: {  	p1 =	sne.s32 s12, $0x5400  }
.Ltmp4:
0x201: {  	_ = 	snop;
	(pc) =	sbr.rel @p1 .LBB2_6-.Ltmp4, $2  }
0x202: {  	_ =	sdelay $0x2  }
0x203: {  	s20 =	sadd.s32 $0x80, s20;
	s25 =	sadd.s32 $0x80, s25;
	[tilespmem:v2+s10+$0x0] =	vst.idx.add.f32.msk @!p0 $0xffff, v1  }
0x204: {  	_ =	swait.ge [sflag:s16], $0x2000  }
0x205: {  	[sflag:s16] =	ssyncset.done $0x0  }
0x206: {  	s5 =	simm.s32 $0xF00;
	[sflag:s16] =	ssyncadd.s32 $0xFFFFE000  }
0x207: {  	[spmem:s3] =	stream.indirect.scatter.add.f32 [tilespmem:s30], [sflag:$0x7], $0x40, s5, s26, $0xb8;
	[tilespmem:$0x1CA80] =	vst v63  }
0x208: {  	s5 =	simm.s32 @p0 $0x4  }
0x209: {  	_ =	swait.ge @p0 [sflag:s5], $0x2000  }
0x20a: {  	s9 =	simm.s32 @p0 $0xF80;
	[sflag:s5] =	ssyncset.done @p0 $0x0  }
0x20b: {  	s10 =	simm.s32 @p0 $0x7000;
	[sflag:s5] =	ssyncadd.s32 @p0 $0xFFFFE000;
	s5 =	simm.s32 @p0 $0x80  }
0x20c: {  	[spmem:s3] =	stream.indirect.scatter.add.f32 @p0 [tilespmem:s10], [sflag:$0x8], $0x40, s9, s5, $0xb8;
	[tilespmem:$0x1CA80] =	vst v63  }
0x20d: {  	v1 =	vld @!p0 [tilespmem:$0xF00];
	_ =	sdelay $0x6  }
0x20e: {  	v2 =	vimm.f32 @!p0 $1.000000000e+00;
	s5 =	simm.s32 @!p0 $0xB000  }
0x20f: {  	[tilespmem:v1+s5+$0x0] =	vst.idx.add.f32.msk @!p0 $0xffff, v2  }
0x210: {  	v1 =	vld @!p0 [tilespmem:$0xF10];
	_ =	sdelay $0x7  }
0x211: {  	[tilespmem:v1+s5+$0x0] =	vst.idx.add.f32.msk @!p0 $0xffff, v2  }
0x212: {  	v1 =	vld @!p0 [tilespmem:$0xF20];
	_ =	sdelay $0x7  }
0x213: {  	[tilespmem:v1+s5+$0x0] =	vst.idx.add.f32.msk @!p0 $0xffff, v2  }
0x214: {  	v1 =	vld @!p0 [tilespmem:$0xF30];
	_ =	sdelay $0x7  }
0x215: {  	[tilespmem:v1+s5+$0x0] =	vst.idx.add.f32.msk @!p0 $0xffff, v2  }
0x216: {  	v1 =	vld @!p0 [tilespmem:$0xF40];
	_ =	sdelay $0x7  }
0x217: {  	[tilespmem:v1+s5+$0x0] =	vst.idx.add.f32.msk @!p0 $0xffff, v2  }
0x218: {  	v1 =	vld @!p0 [tilespmem:$0xF50];
	_ =	sdelay $0x7  }
0x219: {  	[tilespmem:v1+s5+$0x0] =	vst.idx.add.f32.msk @!p0 $0xffff, v2  }
0x21a: {  	v1 =	vld @!p0 [tilespmem:$0xF60];
	_ =	sdelay $0x7  }
0x21b: {  	[tilespmem:v1+s5+$0x0] =	vst.idx.add.f32.msk @!p0 $0xffff, v2  }
0x21c: {  	v1 =	vld @!p0 [tilespmem:$0xF70];
	_ =	sdelay $0x7  }
0x21d: {  	s9 =	simm.s32 @!p0 $0x4;
	[tilespmem:v1+s5+$0x0] =	vst.idx.add.f32.msk @!p0 $0xffff, v2  }
0x21e: {  	_ =	swait.ge @!p0 [sflag:s9], $0x2000  }
0x21f: {  	s11 =	simm.s32 @!p0 $0x7000;
	[sflag:s9] =	ssyncset.done @!p0 $0x0  }
0x220: {  	s10 =	simm.s32 @!p0 $0xF80;
	[sflag:s9] =	ssyncadd.s32 @!p0 $0xFFFFE000;
	s9 =	simm.s32 @!p0 $0x80  }
0x221: {  	[spmem:s3] =	stream.indirect.scatter.add.f32 @!p0 [tilespmem:s11], [sflag:$0x8], $0x40, s10, s9, $0xb8;
	[tilespmem:$0x1CA80] =	vst v63  }
0x222: {  	v1 =	vld @!p0 [tilespmem:$0xF80];
	_ =	sdelay $0x7  }
0x223: {  	[tilespmem:v1+s5+$0x0] =	vst.idx.add.f32.msk @!p0 $0xffff, v2  }
0x224: {  	v1 =	vld @!p0 [tilespmem:$0xF90];
	_ =	sdelay $0x7  }
0x225: {  	[tilespmem:v1+s5+$0x0] =	vst.idx.add.f32.msk @!p0 $0xffff, v2  }
0x226: {  	v1 =	vld @!p0 [tilespmem:$0xFA0];
	_ =	sdelay $0x7  }
0x227: {  	[tilespmem:v1+s5+$0x0] =	vst.idx.add.f32.msk @!p0 $0xffff, v2  }
0x228: {  	v1 =	vld @!p0 [tilespmem:$0xFB0];
	_ =	sdelay $0x7  }
0x229: {  	[tilespmem:v1+s5+$0x0] =	vst.idx.add.f32.msk @!p0 $0xffff, v2  }
0x22a: {  	v1 =	vld @!p0 [tilespmem:$0xFC0];
	_ =	sdelay $0x7  }
0x22b: {  	[tilespmem:v1+s5+$0x0] =	vst.idx.add.f32.msk @!p0 $0xffff, v2  }
0x22c: {  	v1 =	vld @!p0 [tilespmem:$0xFD0];
	_ =	sdelay $0x7  }
0x22d: {  	[tilespmem:v1+s5+$0x0] =	vst.idx.add.f32.msk @!p0 $0xffff, v2  }
0x22e: {  	v1 =	vld @!p0 [tilespmem:$0xFE0];
	_ =	sdelay $0x7  }
0x22f: {  	[tilespmem:v1+s5+$0x0] =	vst.idx.add.f32.msk @!p0 $0xffff, v2  }
0x230: {  	v1 =	vld @!p0 [tilespmem:$0xFF0];
	_ =	sdelay $0x7  }
0x231: {  	[tilespmem:v1+s5+$0x0] =	vst.idx.add.f32.msk @!p0 $0xffff, v2  }
0x232: {  	_ =	swait.ge [sflag:s0], $0x2000  }
0x233: {  	[sflag:s0] =	ssyncset.done $0x0  }
0x234: {  	[sflag:s0] =	ssyncadd.s32 $0xFFFFE000  }
0x235: {  	_ =	swait.ge [sflag:s19], $0x2000  }
0x236: {  	[sflag:s19] =	ssyncset.done $0x0  }
0x237: {  	[sflag:s19] =	ssyncadd.s32 $0xFFFFE000  }
0x238: {  	_ =	swait.ge [sflag:s17], $0x2000  }
0x239: {  	[sflag:s17] =	ssyncset.done $0x0  }
0x23a: {  	[sflag:s17] =	ssyncadd.s32 $0xFFFFE000  }
0x23b: {  	_ =	swait.ge [sflag:s6], $0x2000  }
0x23c: {  	[sflag:s6] =	ssyncset.done $0x0  }
0x23d: {  	s21 =	stileid.u32;
	s23 =	sshrl.u32 s4, $0x3;
	[sflag:s6] =	ssyncadd.s32 $0xFFFFE000  }
0x23e: {  	s25 =	simm.s32 $0x10;
	s5 =	sshll.u32 s21, $0x6;
	[bflag:$0x0] =	sbarrier.arrive $0xFFFF  }
.Ltmp5:
0x23f: {  	s5 =	sor.u32 $0x1C0A, s5;
	s24 =	rddreg [dreg:$0xd];
	(pc) =	sbr.rel @p0 .LBB2_11-.Ltmp5, $4  }
0x240: {  	[hbm:s24@s25], [sflag:s5] =	dma.strided [spmem:s23@s6], $0x1400, s31, $0x8   }
0x241: {  	_ =	swait.ge [sflag:s22], $0x1400  }
0x242: {  	[sflag:s22] =	ssyncset.done $0x0  }
0x243: {  	s20 =	smov.u32 s4;
	[sflag:s22] =	ssyncadd.s32 $0xFFFFEC00  }
0x244: {  	s4 =	rddreg [dreg:$0xf];
	s5 =	simm.s32 $0xB000  }
0x245: {  	[spmem:s4] =	stream.linear.scatter [tilespmem:s5], [sflag:$0xA], $0x2800, $0x38;
	[tilespmem:$0x1CA80] =	vst v63  }
0x246: {  	_ =	swait.ge [sflag:s22], $0x2800  }
0x247: {  	[sflag:s22] =	ssyncset.done $0x0  }
0x248: {  	[sflag:s22] =	ssyncadd.s32 $0xFFFFD800  }
0x249: {  	[bflag:$0x0] =	sbarrier.arrive $0xFFFF  }
0x24a: {  	s25 =	simm.s32 $0xD800;
	s24 =	rddreg [dreg:$0xe]  }
0x24b: {  	[tilespmem:s25], [sflag:$0xA] =	stream.linear.gather [spmem:s24], $0x280, $0x38;
	[tilespmem:$0x1CA80] =	vst v63  }
0x24c: {  	_ =	swait.ge [sflag:s22], $0x280  }
0x24d: {  	[sflag:s22] =	ssyncset.done $0x0  }
0x24e: {  	s10 =	simm.s32 $0xDA80;
	s9 =	rddreg [dreg:$0x10];
	[sflag:s22] =	ssyncadd.s32 $0xFFFFFD80  }
0x24f: {  	[tilespmem:s10], [sflag:$0xA] =	stream.linear.gather [spmem:s9], $0x280, $0x38;
	[tilespmem:$0x1CA80] =	vst v63  }
0x250: {  	_ =	swait.ge [sflag:s22], $0x280  }
0x251: {  	[sflag:s22] =	ssyncset.done $0x0  }
0x252: {  	s12 =	simm.s32 $0xDD00;
	s11 =	rddreg [dreg:$0x11];
	[sflag:s22] =	ssyncadd.s32 $0xFFFFFD80  }
0x253: {  	[tilespmem:s12], [sflag:$0xA] =	stream.linear.gather [spmem:s11], $0x280, $0x38;
	[tilespmem:$0x1CA80] =	vst v63  }
0x254: {  	_ =	swait.ge [sflag:s22], $0x280  }
0x255: {  	[sflag:s22] =	ssyncset.done $0x0  }
0x256: {  	s14 =	simm.s32 $0xDF80;
	s13 =	rddreg [dreg:$0x12];
	[sflag:s22] =	ssyncadd.s32 $0xFFFFFD80  }
0x257: {  	[tilespmem:s14], [sflag:$0xA] =	stream.linear.gather [spmem:s13], $0x280, $0x38;
	[tilespmem:$0x1CA80] =	vst v63  }
0x258: {  	_ =	swait.ge [sflag:s22], $0x280  }
0x259: {  	[sflag:s22] =	ssyncset.done $0x0  }
0x25a: {  	s23 =	simm.s32 $0xE200;
	s21 =	rddreg [dreg:$0x14];
	[sflag:s22] =	ssyncadd.s32 $0xFFFFFD80  }
0x25b: {  	[tilespmem:s23], [sflag:$0xA] =	stream.linear.gather [spmem:s21], $0x280, $0x38;
	[tilespmem:$0x1CA80] =	vst v63  }
0x25c: {  	_ =	swait.ge [sflag:s22], $0x280  }
0x25d: {  	[sflag:s22] =	ssyncset.done $0x0  }
0x25e: {  	s25 =	simm.s32 $0xE480;
	s24 =	rddreg [dreg:$0x15];
	[sflag:s22] =	ssyncadd.s32 $0xFFFFFD80  }
0x25f: {  	[tilespmem:s25], [sflag:$0xA] =	stream.linear.gather [spmem:s24], $0x280, $0x38;
	[tilespmem:$0x1CA80] =	vst v63  }
0x260: {  	_ =	swait.ge [sflag:s22], $0x280  }
0x261: {  	[sflag:s22] =	ssyncset.done $0x0  }
0x262: {  	s10 =	simm.s32 $0xE700;
	s9 =	rddreg [dreg:$0x19];
	[sflag:s22] =	ssyncadd.s32 $0xFFFFFD80  }
0x263: {  	[tilespmem:s10], [sflag:$0xA] =	stream.linear.gather [spmem:s9], $0x280, $0x38;
	[tilespmem:$0x1CA80] =	vst v63  }
0x264: {  	_ =	swait.ge [sflag:s22], $0x280  }
0x265: {  	[sflag:s22] =	ssyncset.done $0x0  }
0x266: {  	s12 =	simm.s32 $0xE980;
	s11 =	rddreg [dreg:$0x1a];
	[sflag:s22] =	ssyncadd.s32 $0xFFFFFD80  }
0x267: {  	[tilespmem:s12], [sflag:$0xA] =	stream.linear.gather [spmem:s11], $0x280, $0x38;
	[tilespmem:$0x1CA80] =	vst v63  }
0x268: {  	_ =	swait.ge [sflag:s22], $0x280  }
0x269: {  	[sflag:s22] =	ssyncset.done $0x0  }
0x26a: {  	s14 =	simm.s32 $0xEC00;
	s13 =	rddreg [dreg:$0x1b];
	[sflag:s22] =	ssyncadd.s32 $0xFFFFFD80  }
0x26b: {  	[tilespmem:s14], [sflag:$0xA] =	stream.linear.gather [spmem:s13], $0x280, $0x38;
	[tilespmem:$0x1CA80] =	vst v63  }
0x26c: {  	_ =	swait.ge [sflag:s22], $0x280  }
0x26d: {  	[sflag:s22] =	ssyncset.done $0x0  }
0x26e: {  	s23 =	simm.s32 $0xEE80;
	s21 =	rddreg [dreg:$0x1c];
	[sflag:s22] =	ssyncadd.s32 $0xFFFFFD80  }
0x26f: {  	[tilespmem:s23], [sflag:$0xA] =	stream.linear.gather [spmem:s21], $0x280, $0x38;
	[tilespmem:$0x1CA80] =	vst v63  }
0x270: {  	_ =	swait.ge [sflag:s22], $0x280  }
0x271: {  	[sflag:s22] =	ssyncset.done $0x0  }
0x272: {  	s25 =	simm.s32 $0xF100;
	s24 =	rddreg [dreg:$0x1d];
	[sflag:s22] =	ssyncadd.s32 $0xFFFFFD80  }
0x273: {  	[tilespmem:s25], [sflag:$0xA] =	stream.linear.gather [spmem:s24], $0x280, $0x38;
	[tilespmem:$0x1CA80] =	vst v63  }
0x274: {  	_ =	swait.ge [sflag:s22], $0x280  }
0x275: {  	[sflag:s22] =	ssyncset.done $0x0  }
0x276: {  	s10 =	simm.s32 $0xF380;
	s9 =	rddreg [dreg:$0x1e];
	[sflag:s22] =	ssyncadd.s32 $0xFFFFFD80  }
0x277: {  	[tilespmem:s10], [sflag:$0xA] =	stream.linear.gather [spmem:s9], $0x280, $0x38;
	[tilespmem:$0x1CA80] =	vst v63  }
0x278: {  	_ =	swait.ge [sflag:s22], $0x280  }
0x279: {  	[sflag:s22] =	ssyncset.done $0x0  }
0x27a: {  	s12 =	simm.s32 $0xF600;
	s11 =	rddreg [dreg:$0x1f];
	[sflag:s22] =	ssyncadd.s32 $0xFFFFFD80  }
0x27b: {  	[tilespmem:s12], [sflag:$0xA] =	stream.linear.gather [spmem:s11], $0x280, $0x38;
	[tilespmem:$0x1CA80] =	vst v63  }
0x27c: {  	_ =	swait.ge [sflag:s22], $0x280  }
0x27d: {  	s13 =	sld [smem:$0x7FB]  }
0x27e: {  	[sflag:s22] =	ssyncset.done $0x0  }
0x27f: {  	s14 =	simm.s32 $0xF880;
	[sflag:s22] =	ssyncadd.s32 $0xFFFFFD80  }
0x280: {  	[tilespmem:s14], [sflag:$0xA] =	stream.linear.gather [spmem:s13], $0x280, $0x38;
	[tilespmem:$0x1CA80] =	vst v63  }
0x281: {  	_ =	swait.ge [sflag:s22], $0x280  }
0x282: {  	s21 =	sld [smem:$0x7FC]  }
0x283: {  	[sflag:s22] =	ssyncset.done $0x0  }
0x284: {  	s23 =	simm.s32 $0xFB00;
	[sflag:s22] =	ssyncadd.s32 $0xFFFFFD80  }
0x285: {  	[tilespmem:s23], [sflag:$0xA] =	stream.linear.gather [spmem:s21], $0x280, $0x38;
	[tilespmem:$0x1CA80] =	vst v63  }
0x286: {  	_ =	swait.ge [sflag:s22], $0x280  }
0x287: {  	s24 =	sld [smem:$0x7FD]  }
0x288: {  	[sflag:s22] =	ssyncset.done $0x0  }
0x289: {  	s25 =	simm.s32 $0xFD80;
	[sflag:s22] =	ssyncadd.s32 $0xFFFFFD80  }
0x28a: {  	[tilespmem:s25], [sflag:$0xA] =	stream.linear.gather [spmem:s24], $0x280, $0x38;
	[tilespmem:$0x1CA80] =	vst v63  }
0x28b: {  	_ =	swait.ge [sflag:s22], $0x280  }
0x28c: {  	[sflag:s22] =	ssyncset.done $0x0  }
0x28d: {  	s10 =	simm.s32 $0x0;
	[sflag:s22] =	ssyncadd.s32 $0xFFFFFD80  }
0x28e: {  	v1 =	vld [tilespmem:s10+$0xD800]  }
0x28f: {  	v2 =	vld [tilespmem:s10+$0xDA80];
	_ =	sdelay $0x1  }
0x290: {  	v3 =	vld [tilespmem:s10+$0xDD00];
	_ =	sdelay $0x1  }
0x291: {  	v4 =	vld [tilespmem:s10+$0xDF80]  }
0x292: {  	v1 =	vadd.f32 v2, v1  }
0x293: {  	v2 =	vld [tilespmem:s10+$0xE200]  }
0x294: {  	v1 =	vadd.f32 v3, v1  }
0x295: {  	v3 =	vld [tilespmem:s10+$0xE480]  }
0x296: {  	v1 =	vadd.f32 v4, v1  }
0x297: {  	v4 =	vld [tilespmem:s10+$0xE700]  }
0x298: {  	v1 =	vadd.f32 v2, v1  }
0x299: {  	v2 =	vld [tilespmem:s10+$0xE980]  }
0x29a: {  	s9 =	simm.s32 $0x10;
	v5 =	vld [tilespmem:s10+$0xEC00];
	v1 =	vadd.f32 v3, v1  }
0x29b: {  	v6 =	vld [tilespmem:s9+$0xD800]  }
0x29c: {  	v3 =	vld [tilespmem:s10+$0xEE80];
	v1 =	vadd.f32 v4, v1  }
0x29d: {  	v4 =	vld [tilespmem:s9+$0xDA80]  }
0x29e: {  	v7 =	vld [tilespmem:s9+$0xDD00];
	v1 =	vadd.f32 v2, v1  }
0x29f: {  	v2 =	vld [tilespmem:s10+$0xF100]  }
0x2a0: {  	v8 =	vld [tilespmem:s9+$0xDF80];
	v1 =	vadd.f32 v5, v1  }
0x2a1: {  	v5 =	vld [tilespmem:s10+$0xF380]  }
0x2a2: {  	v4 =	vadd.f32 v4, v6;
	v6 =	vld [tilespmem:s9+$0xE200];
	v1 =	vadd.f32 v3, v1  }
0x2a3: {  	v3 =	vld [tilespmem:s10+$0xF600]  }
0x2a4: {  	v4 =	vadd.f32 v7, v4;
	v7 =	vld [tilespmem:s9+$0xE480];
	v1 =	vadd.f32 v2, v1  }
0x2a5: {  	v2 =	vld [tilespmem:s10+$0xF880]  }
0x2a6: {  	v9 =	vld [tilespmem:s9+$0xE700];
	v4 =	vadd.f32 v8, v4;
	v1 =	vadd.f32 v5, v1  }
0x2a7: {  	v8 =	vld [tilespmem:s10+$0xFB00]  }
0x2a8: {  	v5 =	vadd.f32 v6, v4;
	v4 =	vld [tilespmem:s9+$0xE980];
	v6 =	vadd.f32 v3, v1  }
0x2a9: {  	v3 =	vld [tilespmem:s10+$0xFD80]  }
0x2aa: {  	v1 =	vld [tilespmem:s9+$0xEE80];
	v7 =	vadd.f32 v7, v5;
	v10 =	vadd.f32 v2, v6  }
0x2ab: {  	s11 =	simm.s32 $0x20;
	v5 =	vld [tilespmem:s9+$0xEC00]  }
0x2ac: {  	s12 =	simm.s32 $0xC0;
	v2 =	vld [tilespmem:s11+$0xD800];
	v6 =	vadd.f32 v9, v7;
	v7 =	vadd.f32 v8, v10  }
.LBB2_9:
0x2ad: {  	p1 =	sne.s32 s12, $0x9C0;
	v8 =	vld [tilespmem:s11+$0xDA80]  }
0x2ae: {  	v4 =	vadd.f32 v4, v6;
	v3 =	vadd.f32 v3, v7;
	v6 =	vld [tilespmem:s9+$0xF100]  }
0x2af: {  	v7 =	vld [tilespmem:s11+$0xDD00]  }
0x2b0: {  	v4 =	vadd.f32 v5, v4;
	v5 =	vld [tilespmem:s9+$0xF380];
	[tilespmem:s10+$0x10000] =	vst v3;
	s10 =	smov.u32 s9;
	s9 =	smov.u32 s11  }
0x2b1: {  	v3 =	vld [tilespmem:s9+$0xDF80]  }
0x2b2: {  	v1 =	vadd.f32 v1, v4;
	v2 =	vadd.f32 v8, v2;
	v4 =	vld [tilespmem:s10+$0xF600]  }
0x2b3: {  	v8 =	vld [tilespmem:s9+$0xE200]  }
0x2b4: {  	v1 =	vadd.f32 v6, v1;
	v2 =	vadd.f32 v7, v2;
	v6 =	vld [tilespmem:s10+$0xF880]  }
0x2b5: {  	v7 =	vld [tilespmem:s9+$0xE480]  }
0x2b6: {  	v1 =	vadd.f32 v5, v1;
	v2 =	vadd.f32 v3, v2;
	v9 =	vld [tilespmem:s10+$0xFB00]  }
0x2b7: {  	v10 =	vld [tilespmem:s9+$0xE700]  }
.Ltmp6:
0x2b8: {  	v5 =	vadd.f32 v4, v1;
	v2 =	vadd.f32 v8, v2;
	v3 =	vld [tilespmem:s10+$0xFD80];
	(pc) =	sbr.rel @p1 .LBB2_9-.Ltmp6, $4  }
0x2b9: {  	v4 =	vld [tilespmem:s9+$0xE980]  }
0x2ba: {  	v8 =	vadd.f32 v6, v5;
	v7 =	vadd.f32 v7, v2;
	v1 =	vld [tilespmem:s9+$0xEE80]  }
0x2bb: {  	s11 =	sshra.s32 s12, $0x2;
	v5 =	vld [tilespmem:s9+$0xEC00]  }
0x2bc: {  	s12 =	sadd.s32 $0x40, s12;
	v2 =	vld [tilespmem:s11+$0xD800];
	v6 =	vadd.f32 v10, v7;
	v7 =	vadd.f32 v9, v8  }
.Ltmp7:
0x2bd: {  	_ = 	snop;
	(pc) =	sbr.rel .LBB2_10-.Ltmp7, $1  }
0x2be: {  	_ =	sdelay $0x3  }
.LBB2_12:
0x2bf: {  	_ =	sfence.sel $0x180000  }
0x2c0: {  	[bflag:$0x0] =	sbarrier.arrive $0xFFFF  }
0x2c1: {  	_ =	strace $0x90000047  }
0x2c2: {  	s0 =	stileid.u32;
	[bflag:$0x2] =	sbarrier.arrive $0xFFFF  }
0x2c3: {  	p0 =	sne.s32 s0, $0x0;
	s0 =	rddreg [dreg:$0x4]  }
0x2c4: {  	s0 =	sadd.s32 @!p0 $0x100000, s0  }
0x2c5: {  	[sflag:s0] =	ssyncadd.tile.s32 @!p0 $0x1;
	_ =	shalt  }
.Lfunc_end2:
_tile_overlayer_lowered:
.L_overlay_start_2:
0x2c6: {  	(tag) =	ssettag $0x2  }
0x2c7: {  	s0 =	rddreg [dreg:$0x0];
	s2 =	stileid.u32  }
0x2c8: {  	s1 =	rddreg [dreg:$0x1];
	p0 =	sne.s32 s2, $0x0  }
0x2c9: {  	s3 =	rddreg [dreg:$0x2];
	[bflag:$0x3] =	sbarrier.arrive $0xFFFF;
	s2 =	simm.s32 @!p0 $0x1C0A  }
0x2ca: {  	[timem:s3], [sflag:s2] =	dma.local @!p0 [hbm:s0], s1  }
0x2cb: {  	s0 =	simm.s32 @!p0 $0xA  }
0x2cc: {  	_ =	swait.ge @!p0 [sflag:s0], s1  }
0x2cd: {  	s1 =	ssub.s32 @!p0 $0x0, s1;
	[sflag:s0] =	ssyncset.done @!p0 $0x0  }
0x2ce: {  	[sflag:s0] =	ssyncadd.s32 @!p0 s1  }
0x2cf: {  	[bflag:$0x3] =	sbarrier.arrive $0xFFFF  }
0x2d0: {  	_ =	shalt  }

</sc_bundles>
